<compile_context>
chip_gen: v7x
topology: tpu7x:2x2x1
jax: 0.10.2.dev20260603
libtpu: 0.0.44.dev20260713+nightly
codegen_flags: <defaults>
</compile_context>

<pallas_src>
import functools

import jax
import jax.numpy as jnp
from jax import lax
from jax.experimental import pallas as pl
from jax.experimental.pallas import tpu as pltpu
from jax.experimental.pallas import tpu_sc as plsc

N = 100000
H = 128

NC = 2
NS = 16
NW = NC * NS
CHUNK = 112
N_CHUNKS = 7
B_PER_W = CHUNK * N_CHUNKS
SEG = 4
SEG_ROWS = N // SEG
SEG_PAD = B_PER_W * NW


DEPTH = 2


@functools.cache
def _sc_gather_build():
    mesh = plsc.VectorSubcoreMesh(core_axis_name="c", subcore_axis_name="s")
    row = jax.ShapeDtypeStruct((SEG_PAD, H), jnp.int32)
    D = DEPTH

    @functools.partial(
        pl.kernel,
        mesh=mesh,
        out_type=(row, row),
        scratch_types=[
            pltpu.VMEM((N_CHUNKS, CHUNK), jnp.int32),
            pltpu.VMEM((N_CHUNKS, CHUNK), jnp.int32),
            [[pltpu.VMEM((CHUNK, H), jnp.int32) for _ in range(2)]
             for _ in range(D)],
            [pltpu.SemaphoreType.DMA for _ in range(D)],
            [pltpu.SemaphoreType.DMA for _ in range(D)],
        ],
    )
    def sc_gather(hc_hbm, idx0_hbm, idx1_hbm,
                  g0, g1,
                  idx0_v, idx1_v, bufs, gsem, wsem):
        outs = (g0, g1)
        wid = lax.axis_index("s") * NC + lax.axis_index("c")
        base = wid * B_PER_W

        pltpu.sync_copy(idx0_hbm.at[wid], idx0_v)
        pltpu.sync_copy(idx1_hbm.at[wid], idx1_v)

        def issue(k, s):
            b = bufs[s]
            pltpu.async_copy(hc_hbm.at[idx0_v.at[k]], b[0], gsem[s])
            pltpu.async_copy(hc_hbm.at[idx1_v.at[k]], b[1], gsem[s])

        def wait_gathers(s):
            b = bufs[s]
            pltpu.make_async_copy(hc_hbm.at[idx0_v.at[0]], b[0], gsem[s]).wait()
            pltpu.make_async_copy(hc_hbm.at[idx1_v.at[0]], b[1], gsem[s]).wait()

        def start_wb(k, s):
            off = base + k * CHUNK
            b = bufs[s]
            for j in range(2):
                pltpu.async_copy(b[j], outs[j].at[pl.ds(off, CHUNK)], wsem[s])

        def wait_wb(s):
            b = bufs[s]
            for j in range(2):
                pltpu.make_async_copy(b[j], outs[j].at[pl.ds(0, CHUNK)],
                                      wsem[s]).wait()

        for j in range(min(D - 1, N_CHUNKS)):
            issue(j, j % D)
        for k in range(N_CHUNKS):
            s = k % D
            if k + D - 1 < N_CHUNKS:
                if k >= 1:
                    wait_wb((k - 1) % D)
                issue(k + D - 1, (k + D - 1) % D)
            wait_gathers(s)
            start_wb(k, s)
        for t in range(D):
            wait_wb((N_CHUNKS - D + t) % D)

    return sc_gather


BR = 5000
BLOCKS_PER_SEG = SEG_ROWS // BR
BF = jnp.bfloat16


def _sigmoid(x):
    return 0.5 * jnp.tanh(0.5 * x) + 0.5


def _cell_math(x_ref, gh0, gh1, gc0, gc1,
               wx_ref, ui0_ref, ui1_ref, uf0_ref, uf1_ref,
               biou_ref, bf_ref, h_ref, c_ref):
    mm = lambda a, b: jnp.dot(a, b, preferred_element_type=jnp.float32)
    fp = (mm(gh0, uf0_ref[...].astype(BF))
          + mm(gh1, uf1_ref[...].astype(BF))
          + bf_ref[...])
    f = _sigmoid(fp)
    c_red = f[:, :H] * gc0 + f[:, H:] * gc1
    iou = (mm(x_ref[...].astype(BF), wx_ref[...].astype(BF))
           + mm(gh0, ui0_ref[...].astype(BF))
           + mm(gh1, ui1_ref[...].astype(BF))
           + biou_ref[...])
    i = _sigmoid(iou[:, :H])
    o = _sigmoid(iou[:, H:2 * H])
    u = jnp.tanh(iou[:, 2 * H:])
    c = i * u + c_red
    h_ref[...] = o * jnp.tanh(c)
    c_ref[...] = c


def _tc_cell(x_ref, g0_ref, g1_ref, *rest):
    w0 = g0_ref[...]
    w1 = g1_ref[...]
    f32 = jnp.float32
    bc = jax.lax.bitcast_convert_type
    gh0 = bc(w0 << 16, f32).astype(BF)
    gh1 = bc(w1 << 16, f32).astype(BF)
    gc0 = bc(w0 & jnp.int32(-65536), f32)
    gc1 = bc(w1 & jnp.int32(-65536), f32)
    _cell_math(x_ref, gh0, gh1, gc0, gc1, *rest)


def _tc_cell_f32(x_ref, gh0_ref, gh1_ref, gc0_ref, gc1_ref, *rest):
    _cell_math(x_ref, gh0_ref[...].astype(BF), gh1_ref[...].astype(BF),
               gc0_ref[...], gc1_ref[...], *rest)


def _tc_call(s, x, gs, wx, ui0, ui1, uf0, uf1, biou, bf, h_acc, c_acc):
    grid = (BLOCKS_PER_SEG,)
    seg0 = s * BLOCKS_PER_SEG
    xrows = pl.BlockSpec((BR, H), lambda i: (seg0 + i, 0))
    grows = pl.BlockSpec((BR, H), lambda i: (i, 0))
    full = lambda a: pl.BlockSpec(a.shape, lambda i: (0,) * a.ndim)
    anyspec = pl.BlockSpec(memory_space=pl.ANY)
    ng = len(gs)
    cell = _tc_cell if ng == 2 else _tc_cell_f32
    acc = () if h_acc is None else (h_acc, c_acc)
    nin = 1 + ng + 7
    body = cell if h_acc is None else (
        lambda *refs: cell(*refs[:nin], *refs[nin + 2:]))
    return pl.pallas_call(
        body,
        grid=grid,
        in_specs=[xrows] + [grows] * ng +
                 [full(wx), full(ui0), full(ui1), full(uf0), full(uf1),
                  full(biou), full(bf)] + [anyspec] * len(acc),
        out_specs=[xrows, xrows],
        out_shape=[jax.ShapeDtypeStruct((N, H), jnp.float32),
                   jax.ShapeDtypeStruct((N, H), jnp.float32)],
        input_output_aliases={nin: 0, nin + 1: 1} if acc else {},
    )(x, *gs, wx, ui0, ui1, uf0, uf1, biou, bf, *acc)


def kernel(x, h_child, c_child, child_idx, W_iou, U_iou, b_iou, U_f_w, U_f_b):
    h_bits = jax.lax.bitcast_convert_type(h_child.astype(BF), jnp.uint16)
    c_bits = jax.lax.bitcast_convert_type(c_child.astype(BF), jnp.uint16)
    hc = h_bits.astype(jnp.int32) | (c_bits.astype(jnp.int32) << 16)

    idx = child_idx.astype(jnp.int32)

    ui0 = U_iou[:H]
    ui1 = U_iou[H:]
    uf0 = U_f_w[:H]
    uf1 = U_f_w[H:]
    bf = U_f_b.reshape(1, 2 * H)

    sc = _sc_gather_build()
    h_acc = None
    c_acc = None
    for s in range(SEG):
        seg_idx = idx[s * SEG_ROWS:(s + 1) * SEG_ROWS]
        seg_idx = jnp.pad(seg_idx, ((0, SEG_PAD - SEG_ROWS), (0, 0)))
        idx0 = seg_idx[:, 0].reshape(NW, N_CHUNKS, CHUNK)
        idx1 = seg_idx[:, 1].reshape(NW, N_CHUNKS, CHUNK)
        gs = sc(hc, idx0, idx1)
        h_acc, c_acc = _tc_call(s, x, gs, W_iou, ui0, ui1, uf0, uf1,
                                b_iou, bf, h_acc, c_acc)
    return (h_acc, c_acc)

# --- scband reference (transcript-rebuilt; emitter-appended) ---
"""Pipeline reference for scband-binary-tree-lstmcell-34084860461650 (READ-ONLY COPY).

The authoritative reference and input builder live on the scoring server;
editing this copy changes nothing except your own understanding.
"""

import jax, jax.numpy as jnp
import numpy as np

N = 100000
X = 128
H = 128

def setup_inputs(seed: int = 0) -> dict:
    key = jax.random.key(seed)
    ks = jax.random.split(key, 8)
    x = jax.random.normal(ks[0], (N, X), dtype=jnp.float32)
    h_child = jax.random.normal(ks[1], (N, H), dtype=jnp.float32)
    c_child = jax.random.normal(ks[2], (N, H), dtype=jnp.float32)
    child_idx = jax.random.randint(ks[3], (N, 2), 0, N, dtype=jnp.int64)
    # learned parameters (torch Linear y = x @ W.T stored here pre-transposed as [in, out])
    W_iou = jax.random.normal(ks[4], (X, 3 * H), dtype=jnp.float32) * (1.0 / np.sqrt(X))
    U_iou = jax.random.normal(ks[5], (2 * H, 3 * H), dtype=jnp.float32) * (1.0 / np.sqrt(2 * H))
    b_iou = jnp.zeros((1, 3 * H), dtype=jnp.float32)
    U_f_w = jax.random.normal(ks[6], (2 * H, 2 * H), dtype=jnp.float32) * (1.0 / np.sqrt(2 * H))
    U_f_b = jax.random.normal(ks[7], (2 * H,), dtype=jnp.float32) * 0.01
    return {"x": x, "h_child": h_child, "c_child": c_child, "child_idx": child_idx,
            "W_iou": W_iou, "U_iou": U_iou, "b_iou": b_iou, "U_f_w": U_f_w, "U_f_b": U_f_b}

def reference(x, h_child, c_child, child_idx, W_iou, U_iou, b_iou, U_f_w, U_f_b):
    n = x.shape[0]
    h = h_child.shape[1]
    # message_func + mailbox: gather child states per parent -> [N, 2, H]
    mb_h = jnp.take(h_child, child_idx, axis=0)
    mb_c = jnp.take(c_child, child_idx, axis=0)
    # reduce_func
    h_cat = mb_h.reshape(n, 2 * h)
    f = jax.nn.sigmoid(h_cat @ U_f_w + U_f_b).reshape(n, 2, h)
    c_red = jnp.sum(f * mb_c, axis=1)
    iou = x @ W_iou + h_cat @ U_iou  # W_iou(x) is the node-data iou seeded from inputs
    # apply_node_func
    iou = iou + b_iou
    i, o, u = jnp.split(iou, 3, axis=1)
    i = jax.nn.sigmoid(i)
    o = jax.nn.sigmoid(o)
    u = jnp.tanh(u)
    c = i * u + c_red
    h_out = o * jnp.tanh(c)
    return (h_out, c)

if __name__ == "__main__":
    import jax
    _d = setup_inputs()
    print(jax.jit(kernel)(*tuple(_d.values())))

</pallas_src>

<mosaic_0001>
#map = affine_map<(d0, d1) -> (0, 0)>
#map1 = affine_map<(d0, d1) -> (0, 0, 0)>
module attributes {stable_mosaic.version = 14 : i64} {
  func.func @sc_gather(%arg0: i32, %arg1: i32, %arg2: memref<100000x128xi32, #tpu.memory_space<hbm>>, %arg3: memref<32x7x112xi32, #tpu.memory_space<hbm>>, %arg4: memref<32x7x112xi32, #tpu.memory_space<hbm>>, %arg5: memref<25088x128xi32, #tpu.memory_space<hbm>>, %arg6: memref<25088x128xi32, #tpu.memory_space<hbm>>, %arg7: memref<7x112xi32, #tpu.memory_space<vmem>>, %arg8: memref<7x112xi32, #tpu.memory_space<vmem>>, %arg9: memref<112x128xi32, #tpu.memory_space<vmem>>, %arg10: memref<112x128xi32, #tpu.memory_space<vmem>>, %arg11: memref<112x128xi32, #tpu.memory_space<vmem>>, %arg12: memref<112x128xi32, #tpu.memory_space<vmem>>, %arg13: memref<!tpu.dma_semaphore, #tpu.memory_space<semaphore_mem>>, %arg14: memref<!tpu.dma_semaphore, #tpu.memory_space<semaphore_mem>>, %arg15: memref<!tpu.dma_semaphore, #tpu.memory_space<semaphore_mem>>, %arg16: memref<!tpu.dma_semaphore, #tpu.memory_space<semaphore_mem>>) attributes {dimension_semantics = [#tpu.dimension_semantics<core_parallel>, #tpu.dimension_semantics<subcore_parallel>], iteration_bounds = array<i64: 2, 16>, scalar_prefetch = 0 : i64, scratch_operands = 10 : i64, tpu.core_type = #tpu.core_type<sc_vector_subcore>, window_params = [{transform_indices = #map}, {transform_indices = #map1}, {transform_indices = #map1}, {transform_indices = #map}, {transform_indices = #map}]} {
    %mul3A = arith.constant 2 : i32
    %mul3A_0 = arith.muli %arg1, %mul3A : i32
    %add3A = arith.addi %mul3A_0, %arg0 : i32
    %mul3A_1 = arith.constant 784 : i32
    %mul3A_2 = arith.muli %add3A, %mul3A_1 : i32
    "tpu.region"() ({
      %run_scoped3A = tpu.sem_alloc : memref<!tpu.dma_semaphore, #tpu.memory_space<semaphore_mem>>
      %dma_start3A_351 = arith.constant 0 : i32
      %dma_start3A_352 = arith.constant 0 : i32
      %dma_start3A_353 = tpu.memref_slice %arg3[%add3A, %dma_start3A_351, %dma_start3A_352] : memref<32x7x112xi32, #tpu.memory_space<hbm>> -> memref<1x7x112xi32, #tpu.memory_space<hbm>>
      %dma_start3A_354 = tpu.memref_squeeze %dma_start3A_353 : memref<1x7x112xi32, #tpu.memory_space<hbm>> -> memref<7x112xi32, #tpu.memory_space<hbm>>
      %dma_start3A_355 = arith.constant 0 : i32
      %dma_start3A_356 = arith.constant 0 : i32
      %dma_start3A_357 = tpu.memref_slice %arg3[%add3A, %dma_start3A_355, %dma_start3A_356] : memref<32x7x112xi32, #tpu.memory_space<hbm>> -> memref<1x7x112xi32, #tpu.memory_space<hbm>>
      %dma_start3A_358 = tpu.memref_squeeze %dma_start3A_357 : memref<1x7x112xi32, #tpu.memory_space<hbm>> -> memref<7x112xi32, #tpu.memory_space<hbm>>
      tpu.enqueue_dma source(%dma_start3A_358 : memref<7x112xi32, #tpu.memory_space<hbm>>) target(%arg7 : memref<7x112xi32, #tpu.memory_space<vmem>>) target_semaphore(%run_scoped3A : memref<!tpu.dma_semaphore, #tpu.memory_space<semaphore_mem>>)
      %dma_wait3A_359 = arith.constant 0 : i32
      %dma_wait3A_360 = arith.constant 0 : i32
      %dma_wait3A_361 = tpu.memref_slice %arg3[%add3A, %dma_wait3A_359, %dma_wait3A_360] : memref<32x7x112xi32, #tpu.memory_space<hbm>> -> memref<1x7x112xi32, #tpu.memory_space<hbm>>
      %dma_wait3A_362 = tpu.memref_squeeze %dma_wait3A_361 : memref<1x7x112xi32, #tpu.memory_space<hbm>> -> memref<7x112xi32, #tpu.memory_space<hbm>>
      %dma_wait3A_363 = arith.constant 0 : i32
      %dma_wait3A_364 = arith.constant 0 : i32
      %dma_wait3A_365 = tpu.memref_slice %arg3[%add3A, %dma_wait3A_363, %dma_wait3A_364] : memref<32x7x112xi32, #tpu.memory_space<hbm>> -> memref<1x7x112xi32, #tpu.memory_space<hbm>>
      %dma_wait3A_366 = tpu.memref_squeeze %dma_wait3A_365 : memref<1x7x112xi32, #tpu.memory_space<hbm>> -> memref<7x112xi32, #tpu.memory_space<hbm>>
      tpu.wait_dma2 semaphore(%run_scoped3A : memref<!tpu.dma_semaphore, #tpu.memory_space<semaphore_mem>>) src(%dma_wait3A_366 : memref<7x112xi32, #tpu.memory_space<hbm>>) dst(%arg7 : memref<7x112xi32, #tpu.memory_space<vmem>>)
      tpu.yield
    }) : () -> ()
    "tpu.region"() ({
      %run_scoped3A = tpu.sem_alloc : memref<!tpu.dma_semaphore, #tpu.memory_space<semaphore_mem>>
      %dma_start3A_351 = arith.constant 0 : i32
      %dma_start3A_352 = arith.constant 0 : i32
      %dma_start3A_353 = tpu.memref_slice %arg4[%add3A, %dma_start3A_351, %dma_start3A_352] : memref<32x7x112xi32, #tpu.memory_space<hbm>> -> memref<1x7x112xi32, #tpu.memory_space<hbm>>
      %dma_start3A_354 = tpu.memref_squeeze %dma_start3A_353 : memref<1x7x112xi32, #tpu.memory_space<hbm>> -> memref<7x112xi32, #tpu.memory_space<hbm>>
      %dma_start3A_355 = arith.constant 0 : i32
      %dma_start3A_356 = arith.constant 0 : i32
      %dma_start3A_357 = tpu.memref_slice %arg4[%add3A, %dma_start3A_355, %dma_start3A_356] : memref<32x7x112xi32, #tpu.memory_space<hbm>> -> memref<1x7x112xi32, #tpu.memory_space<hbm>>
      %dma_start3A_358 = tpu.memref_squeeze %dma_start3A_357 : memref<1x7x112xi32, #tpu.memory_space<hbm>> -> memref<7x112xi32, #tpu.memory_space<hbm>>
      tpu.enqueue_dma source(%dma_start3A_358 : memref<7x112xi32, #tpu.memory_space<hbm>>) target(%arg8 : memref<7x112xi32, #tpu.memory_space<vmem>>) target_semaphore(%run_scoped3A : memref<!tpu.dma_semaphore, #tpu.memory_space<semaphore_mem>>)
      %dma_wait3A_359 = arith.constant 0 : i32
      %dma_wait3A_360 = arith.constant 0 : i32
      %dma_wait3A_361 = tpu.memref_slice %arg4[%add3A, %dma_wait3A_359, %dma_wait3A_360] : memref<32x7x112xi32, #tpu.memory_space<hbm>> -> memref<1x7x112xi32, #tpu.memory_space<hbm>>
      %dma_wait3A_362 = tpu.memref_squeeze %dma_wait3A_361 : memref<1x7x112xi32, #tpu.memory_space<hbm>> -> memref<7x112xi32, #tpu.memory_space<hbm>>
      %dma_wait3A_363 = arith.constant 0 : i32
      %dma_wait3A_364 = arith.constant 0 : i32
      %dma_wait3A_365 = tpu.memref_slice %arg4[%add3A, %dma_wait3A_363, %dma_wait3A_364] : memref<32x7x112xi32, #tpu.memory_space<hbm>> -> memref<1x7x112xi32, #tpu.memory_space<hbm>>
      %dma_wait3A_366 = tpu.memref_squeeze %dma_wait3A_365 : memref<1x7x112xi32, #tpu.memory_space<hbm>> -> memref<7x112xi32, #tpu.memory_space<hbm>>
      tpu.wait_dma2 semaphore(%run_scoped3A : memref<!tpu.dma_semaphore, #tpu.memory_space<semaphore_mem>>) src(%dma_wait3A_366 : memref<7x112xi32, #tpu.memory_space<hbm>>) dst(%arg8 : memref<7x112xi32, #tpu.memory_space<vmem>>)
      tpu.yield
    }) : () -> ()
    %dma_start3A = arith.constant 0 : i32
    %dma_start3A_3 = arith.constant 0 : i32
    %dma_start3A_4 = tpu.memref_slice %arg7[%dma_start3A, %dma_start3A_3] : memref<7x112xi32, #tpu.memory_space<vmem>> -> memref<1x112xi32, #tpu.memory_space<vmem>>
    %dma_start3A_5 = tpu.memref_squeeze %dma_start3A_4 : memref<1x112xi32, #tpu.memory_space<vmem>> -> memref<112xi32, #tpu.memory_space<vmem>>
    %dma_start3A_6 = arith.constant 0 : i32
    %dma_start3A_7 = arith.constant 0 : i32
    %dma_start3A_8 = tpu.memref_slice %arg2[%dma_start3A_6, %dma_start3A_7] : memref<100000x128xi32, #tpu.memory_space<hbm>> -> memref<100000x128xi32, #tpu.memory_space<hbm>>
    tpu.enqueue_indirect_dma source(%dma_start3A_8 : memref<100000x128xi32, #tpu.memory_space<hbm>>) target(%arg9 : memref<112x128xi32, #tpu.memory_space<vmem>>) offsets(%dma_start3A_5 : memref<112xi32, #tpu.memory_space<vmem>>) semaphore(%arg13 : memref<!tpu.dma_semaphore, #tpu.memory_space<semaphore_mem>>)
    %dma_start3A_9 = arith.constant 0 : i32
    %dma_start3A_10 = arith.constant 0 : i32
    %dma_start3A_11 = tpu.memref_slice %arg8[%dma_start3A_9, %dma_start3A_10] : memref<7x112xi32, #tpu.memory_space<vmem>> -> memref<1x112xi32, #tpu.memory_space<vmem>>
    %dma_start3A_12 = tpu.memref_squeeze %dma_start3A_11 : memref<1x112xi32, #tpu.memory_space<vmem>> -> memref<112xi32, #tpu.memory_space<vmem>>
    %dma_start3A_13 = arith.constant 0 : i32
    %dma_start3A_14 = arith.constant 0 : i32
    %dma_start3A_15 = tpu.memref_slice %arg2[%dma_start3A_13, %dma_start3A_14] : memref<100000x128xi32, #tpu.memory_space<hbm>> -> memref<100000x128xi32, #tpu.memory_space<hbm>>
    tpu.enqueue_indirect_dma source(%dma_start3A_15 : memref<100000x128xi32, #tpu.memory_space<hbm>>) target(%arg10 : memref<112x128xi32, #tpu.memory_space<vmem>>) offsets(%dma_start3A_12 : memref<112xi32, #tpu.memory_space<vmem>>) semaphore(%arg13 : memref<!tpu.dma_semaphore, #tpu.memory_space<semaphore_mem>>)
    %dma_start3A_16 = arith.constant 1 : i32
    %dma_start3A_17 = arith.constant 0 : i32
    %dma_start3A_18 = tpu.memref_slice %arg7[%dma_start3A_16, %dma_start3A_17] : memref<7x112xi32, #tpu.memory_space<vmem>> -> memref<1x112xi32, #tpu.memory_space<vmem>>
    %dma_start3A_19 = tpu.memref_squeeze %dma_start3A_18 : memref<1x112xi32, #tpu.memory_space<vmem>> -> memref<112xi32, #tpu.memory_space<vmem>>
    %dma_start3A_20 = arith.constant 0 : i32
    %dma_start3A_21 = arith.constant 0 : i32
    %dma_start3A_22 = tpu.memref_slice %arg2[%dma_start3A_20, %dma_start3A_21] : memref<100000x128xi32, #tpu.memory_space<hbm>> -> memref<100000x128xi32, #tpu.memory_space<hbm>>
    tpu.enqueue_indirect_dma source(%dma_start3A_22 : memref<100000x128xi32, #tpu.memory_space<hbm>>) target(%arg11 : memref<112x128xi32, #tpu.memory_space<vmem>>) offsets(%dma_start3A_19 : memref<112xi32, #tpu.memory_space<vmem>>) semaphore(%arg14 : memref<!tpu.dma_semaphore, #tpu.memory_space<semaphore_mem>>)
    %dma_start3A_23 = arith.constant 1 : i32
    %dma_start3A_24 = arith.constant 0 : i32
    %dma_start3A_25 = tpu.memref_slice %arg8[%dma_start3A_23, %dma_start3A_24] : memref<7x112xi32, #tpu.memory_space<vmem>> -> memref<1x112xi32, #tpu.memory_space<vmem>>
    %dma_start3A_26 = tpu.memref_squeeze %dma_start3A_25 : memref<1x112xi32, #tpu.memory_space<vmem>> -> memref<112xi32, #tpu.memory_space<vmem>>
    %dma_start3A_27 = arith.constant 0 : i32
    %dma_start3A_28 = arith.constant 0 : i32
    %dma_start3A_29 = tpu.memref_slice %arg2[%dma_start3A_27, %dma_start3A_28] : memref<100000x128xi32, #tpu.memory_space<hbm>> -> memref<100000x128xi32, #tpu.memory_space<hbm>>
    tpu.enqueue_indirect_dma source(%dma_start3A_29 : memref<100000x128xi32, #tpu.memory_space<hbm>>) target(%arg12 : memref<112x128xi32, #tpu.memory_space<vmem>>) offsets(%dma_start3A_26 : memref<112xi32, #tpu.memory_space<vmem>>) semaphore(%arg14 : memref<!tpu.dma_semaphore, #tpu.memory_space<semaphore_mem>>)
    %dma_wait3A = arith.constant 0 : i32
    %dma_wait3A_30 = arith.constant 0 : i32
    %dma_wait3A_31 = tpu.memref_slice %arg7[%dma_wait3A, %dma_wait3A_30] : memref<7x112xi32, #tpu.memory_space<vmem>> -> memref<1x112xi32, #tpu.memory_space<vmem>>
    %dma_wait3A_32 = tpu.memref_squeeze %dma_wait3A_31 : memref<1x112xi32, #tpu.memory_space<vmem>> -> memref<112xi32, #tpu.memory_space<vmem>>
    %dma_wait3A_33 = arith.constant 0 : i32
    %dma_wait3A_34 = arith.constant 0 : i32
    %dma_wait3A_35 = tpu.memref_slice %arg2[%dma_wait3A_33, %dma_wait3A_34] : memref<100000x128xi32, #tpu.memory_space<hbm>> -> memref<100000x128xi32, #tpu.memory_space<hbm>>
    tpu.wait_indirect_dma semaphore(%arg13 : memref<!tpu.dma_semaphore, #tpu.memory_space<semaphore_mem>>) src(%dma_wait3A_35 : memref<100000x128xi32, #tpu.memory_space<hbm>>) dst(%arg9 : memref<112x128xi32, #tpu.memory_space<vmem>>)
    %dma_wait3A_36 = arith.constant 0 : i32
    %dma_wait3A_37 = arith.constant 0 : i32
    %dma_wait3A_38 = tpu.memref_slice %arg8[%dma_wait3A_36, %dma_wait3A_37] : memref<7x112xi32, #tpu.memory_space<vmem>> -> memref<1x112xi32, #tpu.memory_space<vmem>>
    %dma_wait3A_39 = tpu.memref_squeeze %dma_wait3A_38 : memref<1x112xi32, #tpu.memory_space<vmem>> -> memref<112xi32, #tpu.memory_space<vmem>>
    %dma_wait3A_40 = arith.constant 0 : i32
    %dma_wait3A_41 = arith.constant 0 : i32
    %dma_wait3A_42 = tpu.memref_slice %arg2[%dma_wait3A_40, %dma_wait3A_41] : memref<100000x128xi32, #tpu.memory_space<hbm>> -> memref<100000x128xi32, #tpu.memory_space<hbm>>
    tpu.wait_indirect_dma semaphore(%arg13 : memref<!tpu.dma_semaphore, #tpu.memory_space<semaphore_mem>>) src(%dma_wait3A_42 : memref<100000x128xi32, #tpu.memory_space<hbm>>) dst(%arg10 : memref<112x128xi32, #tpu.memory_space<vmem>>)
    %add3A_43 = arith.constant 0 : i32
    %add3A_44 = arith.addi %mul3A_2, %add3A_43 : i32
    %dma_start3A_45 = arith.constant 0 : i32
    %dma_start3A_46 = tpu.memref_slice %arg5[%add3A_44, %dma_start3A_45] : memref<25088x128xi32, #tpu.memory_space<hbm>> -> memref<112x128xi32, #tpu.memory_space<hbm>>
    %dma_start3A_47 = arith.constant 0 : i32
    %dma_start3A_48 = tpu.memref_slice %arg5[%add3A_44, %dma_start3A_47] : memref<25088x128xi32, #tpu.memory_space<hbm>> -> memref<112x128xi32, #tpu.memory_space<hbm>>
    tpu.enqueue_dma source(%arg9 : memref<112x128xi32, #tpu.memory_space<vmem>>) target(%dma_start3A_48 : memref<112x128xi32, #tpu.memory_space<hbm>>) target_semaphore(%arg15 : memref<!tpu.dma_semaphore, #tpu.memory_space<semaphore_mem>>)
    %dma_start3A_49 = arith.constant 0 : i32
    %dma_start3A_50 = tpu.memref_slice %arg6[%add3A_44, %dma_start3A_49] : memref<25088x128xi32, #tpu.memory_space<hbm>> -> memref<112x128xi32, #tpu.memory_space<hbm>>
    %dma_start3A_51 = arith.constant 0 : i32
    %dma_start3A_52 = tpu.memref_slice %arg6[%add3A_44, %dma_start3A_51] : memref<25088x128xi32, #tpu.memory_space<hbm>> -> memref<112x128xi32, #tpu.memory_space<hbm>>
    tpu.enqueue_dma source(%arg10 : memref<112x128xi32, #tpu.memory_space<vmem>>) target(%dma_start3A_52 : memref<112x128xi32, #tpu.memory_space<hbm>>) target_semaphore(%arg15 : memref<!tpu.dma_semaphore, #tpu.memory_space<semaphore_mem>>)
    %dma_wait3A_53 = arith.constant 0 : i32
    %dma_wait3A_54 = arith.constant 0 : i32
    %dma_wait3A_55 = tpu.memref_slice %arg5[%dma_wait3A_53, %dma_wait3A_54] : memref<25088x128xi32, #tpu.memory_space<hbm>> -> memref<112x128xi32, #tpu.memory_space<hbm>>
    %dma_wait3A_56 = arith.constant 0 : i32
    %dma_wait3A_57 = arith.constant 0 : i32
    %dma_wait3A_58 = tpu.memref_slice %arg5[%dma_wait3A_56, %dma_wait3A_57] : memref<25088x128xi32, #tpu.memory_space<hbm>> -> memref<112x128xi32, #tpu.memory_space<hbm>>
    tpu.wait_dma2 semaphore(%arg15 : memref<!tpu.dma_semaphore, #tpu.memory_space<semaphore_mem>>) src(%arg9 : memref<112x128xi32, #tpu.memory_space<vmem>>) dst(%dma_wait3A_58 : memref<112x128xi32, #tpu.memory_space<hbm>>)
    %dma_wait3A_59 = arith.constant 0 : i32
    %dma_wait3A_60 = arith.constant 0 : i32
    %dma_wait3A_61 = tpu.memref_slice %arg6[%dma_wait3A_59, %dma_wait3A_60] : memref<25088x128xi32, #tpu.memory_space<hbm>> -> memref<112x128xi32, #tpu.memory_space<hbm>>
    %dma_wait3A_62 = arith.constant 0 : i32
    %dma_wait3A_63 = arith.constant 0 : i32
    %dma_wait3A_64 = tpu.memref_slice %arg6[%dma_wait3A_62, %dma_wait3A_63] : memref<25088x128xi32, #tpu.memory_space<hbm>> -> memref<112x128xi32, #tpu.memory_space<hbm>>
    tpu.wait_dma2 semaphore(%arg15 : memref<!tpu.dma_semaphore, #tpu.memory_space<semaphore_mem>>) src(%arg10 : memref<112x128xi32, #tpu.memory_space<vmem>>) dst(%dma_wait3A_64 : memref<112x128xi32, #tpu.memory_space<hbm>>)
    %dma_start3A_65 = arith.constant 2 : i32
    %dma_start3A_66 = arith.constant 0 : i32
    %dma_start3A_67 = tpu.memref_slice %arg7[%dma_start3A_65, %dma_start3A_66] : memref<7x112xi32, #tpu.memory_space<vmem>> -> memref<1x112xi32, #tpu.memory_space<vmem>>
    %dma_start3A_68 = tpu.memref_squeeze %dma_start3A_67 : memref<1x112xi32, #tpu.memory_space<vmem>> -> memref<112xi32, #tpu.memory_space<vmem>>
    %dma_start3A_69 = arith.constant 0 : i32
    %dma_start3A_70 = arith.constant 0 : i32
    %dma_start3A_71 = tpu.memref_slice %arg2[%dma_start3A_69, %dma_start3A_70] : memref<100000x128xi32, #tpu.memory_space<hbm>> -> memref<100000x128xi32, #tpu.memory_space<hbm>>
    tpu.enqueue_indirect_dma source(%dma_start3A_71 : memref<100000x128xi32, #tpu.memory_space<hbm>>) target(%arg9 : memref<112x128xi32, #tpu.memory_space<vmem>>) offsets(%dma_start3A_68 : memref<112xi32, #tpu.memory_space<vmem>>) semaphore(%arg13 : memref<!tpu.dma_semaphore, #tpu.memory_space<semaphore_mem>>)
    %dma_start3A_72 = arith.constant 2 : i32
    %dma_start3A_73 = arith.constant 0 : i32
    %dma_start3A_74 = tpu.memref_slice %arg8[%dma_start3A_72, %dma_start3A_73] : memref<7x112xi32, #tpu.memory_space<vmem>> -> memref<1x112xi32, #tpu.memory_space<vmem>>
    %dma_start3A_75 = tpu.memref_squeeze %dma_start3A_74 : memref<1x112xi32, #tpu.memory_space<vmem>> -> memref<112xi32, #tpu.memory_space<vmem>>
    %dma_start3A_76 = arith.constant 0 : i32
    %dma_start3A_77 = arith.constant 0 : i32
    %dma_start3A_78 = tpu.memref_slice %arg2[%dma_start3A_76, %dma_start3A_77] : memref<100000x128xi32, #tpu.memory_space<hbm>> -> memref<100000x128xi32, #tpu.memory_space<hbm>>
    tpu.enqueue_indirect_dma source(%dma_start3A_78 : memref<100000x128xi32, #tpu.memory_space<hbm>>) target(%arg10 : memref<112x128xi32, #tpu.memory_space<vmem>>) offsets(%dma_start3A_75 : memref<112xi32, #tpu.memory_space<vmem>>) semaphore(%arg13 : memref<!tpu.dma_semaphore, #tpu.memory_space<semaphore_mem>>)
    %dma_wait3A_79 = arith.constant 0 : i32
    %dma_wait3A_80 = arith.constant 0 : i32
    %dma_wait3A_81 = tpu.memref_slice %arg7[%dma_wait3A_79, %dma_wait3A_80] : memref<7x112xi32, #tpu.memory_space<vmem>> -> memref<1x112xi32, #tpu.memory_space<vmem>>
    %dma_wait3A_82 = tpu.memref_squeeze %dma_wait3A_81 : memref<1x112xi32, #tpu.memory_space<vmem>> -> memref<112xi32, #tpu.memory_space<vmem>>
    %dma_wait3A_83 = arith.constant 0 : i32
    %dma_wait3A_84 = arith.constant 0 : i32
    %dma_wait3A_85 = tpu.memref_slice %arg2[%dma_wait3A_83, %dma_wait3A_84] : memref<100000x128xi32, #tpu.memory_space<hbm>> -> memref<100000x128xi32, #tpu.memory_space<hbm>>
    tpu.wait_indirect_dma semaphore(%arg14 : memref<!tpu.dma_semaphore, #tpu.memory_space<semaphore_mem>>) src(%dma_wait3A_85 : memref<100000x128xi32, #tpu.memory_space<hbm>>) dst(%arg11 : memref<112x128xi32, #tpu.memory_space<vmem>>)
    %dma_wait3A_86 = arith.constant 0 : i32
    %dma_wait3A_87 = arith.constant 0 : i32
    %dma_wait3A_88 = tpu.memref_slice %arg8[%dma_wait3A_86, %dma_wait3A_87] : memref<7x112xi32, #tpu.memory_space<vmem>> -> memref<1x112xi32, #tpu.memory_space<vmem>>
    %dma_wait3A_89 = tpu.memref_squeeze %dma_wait3A_88 : memref<1x112xi32, #tpu.memory_space<vmem>> -> memref<112xi32, #tpu.memory_space<vmem>>
    %dma_wait3A_90 = arith.constant 0 : i32
    %dma_wait3A_91 = arith.constant 0 : i32
    %dma_wait3A_92 = tpu.memref_slice %arg2[%dma_wait3A_90, %dma_wait3A_91] : memref<100000x128xi32, #tpu.memory_space<hbm>> -> memref<100000x128xi32, #tpu.memory_space<hbm>>
    tpu.wait_indirect_dma semaphore(%arg14 : memref<!tpu.dma_semaphore, #tpu.memory_space<semaphore_mem>>) src(%dma_wait3A_92 : memref<100000x128xi32, #tpu.memory_space<hbm>>) dst(%arg12 : memref<112x128xi32, #tpu.memory_space<vmem>>)
    %add3A_93 = arith.constant 112 : i32
    %add3A_94 = arith.addi %mul3A_2, %add3A_93 : i32
    %dma_start3A_95 = arith.constant 0 : i32
    %dma_start3A_96 = tpu.memref_slice %arg5[%add3A_94, %dma_start3A_95] : memref<25088x128xi32, #tpu.memory_space<hbm>> -> memref<112x128xi32, #tpu.memory_space<hbm>>
    %dma_start3A_97 = arith.constant 0 : i32
    %dma_start3A_98 = tpu.memref_slice %arg5[%add3A_94, %dma_start3A_97] : memref<25088x128xi32, #tpu.memory_space<hbm>> -> memref<112x128xi32, #tpu.memory_space<hbm>>
    tpu.enqueue_dma source(%arg11 : memref<112x128xi32, #tpu.memory_space<vmem>>) target(%dma_start3A_98 : memref<112x128xi32, #tpu.memory_space<hbm>>) target_semaphore(%arg16 : memref<!tpu.dma_semaphore, #tpu.memory_space<semaphore_mem>>)
    %dma_start3A_99 = arith.constant 0 : i32
    %dma_start3A_100 = tpu.memref_slice %arg6[%add3A_94, %dma_start3A_99] : memref<25088x128xi32, #tpu.memory_space<hbm>> -> memref<112x128xi32, #tpu.memory_space<hbm>>
    %dma_start3A_101 = arith.constant 0 : i32
    %dma_start3A_102 = tpu.memref_slice %arg6[%add3A_94, %dma_start3A_101] : memref<25088x128xi32, #tpu.memory_space<hbm>> -> memref<112x128xi32, #tpu.memory_space<hbm>>
    tpu.enqueue_dma source(%arg12 : memref<112x128xi32, #tpu.memory_space<vmem>>) target(%dma_start3A_102 : memref<112x128xi32, #tpu.memory_space<hbm>>) target_semaphore(%arg16 : memref<!tpu.dma_semaphore, #tpu.memory_space<semaphore_mem>>)
    %dma_wait3A_103 = arith.constant 0 : i32
    %dma_wait3A_104 = arith.constant 0 : i32
    %dma_wait3A_105 = tpu.memref_slice %arg5[%dma_wait3A_103, %dma_wait3A_104] : memref<25088x128xi32, #tpu.memory_space<hbm>> -> memref<112x128xi32, #tpu.memory_space<hbm>>
    %dma_wait3A_106 = arith.constant 0 : i32
    %dma_wait3A_107 = arith.constant 0 : i32
    %dma_wait3A_108 = tpu.memref_slice %arg5[%dma_wait3A_106, %dma_wait3A_107] : memref<25088x128xi32, #tpu.memory_space<hbm>> -> memref<112x128xi32, #tpu.memory_space<hbm>>
    tpu.wait_dma2 semaphore(%arg16 : memref<!tpu.dma_semaphore, #tpu.memory_space<semaphore_mem>>) src(%arg11 : memref<112x128xi32, #tpu.memory_space<vmem>>) dst(%dma_wait3A_108 : memref<112x128xi32, #tpu.memory_space<hbm>>)
    %dma_wait3A_109 = arith.constant 0 : i32
    %dma_wait3A_110 = arith.constant 0 : i32
    %dma_wait3A_111 = tpu.memref_slice %arg6[%dma_wait3A_109, %dma_wait3A_110] : memref<25088x128xi32, #tpu.memory_space<hbm>> -> memref<112x128xi32, #tpu.memory_space<hbm>>
    %dma_wait3A_112 = arith.constant 0 : i32
    %dma_wait3A_113 = arith.constant 0 : i32
    %dma_wait3A_114 = tpu.memref_slice %arg6[%dma_wait3A_112, %dma_wait3A_113] : memref<25088x128xi32, #tpu.memory_space<hbm>> -> memref<112x128xi32, #tpu.memory_space<hbm>>
    tpu.wait_dma2 semaphore(%arg16 : memref<!tpu.dma_semaphore, #tpu.memory_space<semaphore_mem>>) src(%arg12 : memref<112x128xi32, #tpu.memory_space<vmem>>) dst(%dma_wait3A_114 : memref<112x128xi32, #tpu.memory_space<hbm>>)
    %dma_start3A_115 = arith.constant 3 : i32
    %dma_start3A_116 = arith.constant 0 : i32
    %dma_start3A_117 = tpu.memref_slice %arg7[%dma_start3A_115, %dma_start3A_116] : memref<7x112xi32, #tpu.memory_space<vmem>> -> memref<1x112xi32, #tpu.memory_space<vmem>>
    %dma_start3A_118 = tpu.memref_squeeze %dma_start3A_117 : memref<1x112xi32, #tpu.memory_space<vmem>> -> memref<112xi32, #tpu.memory_space<vmem>>
    %dma_start3A_119 = arith.constant 0 : i32
    %dma_start3A_120 = arith.constant 0 : i32
    %dma_start3A_121 = tpu.memref_slice %arg2[%dma_start3A_119, %dma_start3A_120] : memref<100000x128xi32, #tpu.memory_space<hbm>> -> memref<100000x128xi32, #tpu.memory_space<hbm>>
    tpu.enqueue_indirect_dma source(%dma_start3A_121 : memref<100000x128xi32, #tpu.memory_space<hbm>>) target(%arg11 : memref<112x128xi32, #tpu.memory_space<vmem>>) offsets(%dma_start3A_118 : memref<112xi32, #tpu.memory_space<vmem>>) semaphore(%arg14 : memref<!tpu.dma_semaphore, #tpu.memory_space<semaphore_mem>>)
    %dma_start3A_122 = arith.constant 3 : i32
    %dma_start3A_123 = arith.constant 0 : i32
    %dma_start3A_124 = tpu.memref_slice %arg8[%dma_start3A_122, %dma_start3A_123] : memref<7x112xi32, #tpu.memory_space<vmem>> -> memref<1x112xi32, #tpu.memory_space<vmem>>
    %dma_start3A_125 = tpu.memref_squeeze %dma_start3A_124 : memref<1x112xi32, #tpu.memory_space<vmem>> -> memref<112xi32, #tpu.memory_space<vmem>>
    %dma_start3A_126 = arith.constant 0 : i32
    %dma_start3A_127 = arith.constant 0 : i32
    %dma_start3A_128 = tpu.memref_slice %arg2[%dma_start3A_126, %dma_start3A_127] : memref<100000x128xi32, #tpu.memory_space<hbm>> -> memref<100000x128xi32, #tpu.memory_space<hbm>>
    tpu.enqueue_indirect_dma source(%dma_start3A_128 : memref<100000x128xi32, #tpu.memory_space<hbm>>) target(%arg12 : memref<112x128xi32, #tpu.memory_space<vmem>>) offsets(%dma_start3A_125 : memref<112xi32, #tpu.memory_space<vmem>>) semaphore(%arg14 : memref<!tpu.dma_semaphore, #tpu.memory_space<semaphore_mem>>)
    %dma_wait3A_129 = arith.constant 0 : i32
    %dma_wait3A_130 = arith.constant 0 : i32
    %dma_wait3A_131 = tpu.memref_slice %arg7[%dma_wait3A_129, %dma_wait3A_130] : memref<7x112xi32, #tpu.memory_space<vmem>> -> memref<1x112xi32, #tpu.memory_space<vmem>>
    %dma_wait3A_132 = tpu.memref_squeeze %dma_wait3A_131 : memref<1x112xi32, #tpu.memory_space<vmem>> -> memref<112xi32, #tpu.memory_space<vmem>>
    %dma_wait3A_133 = arith.constant 0 : i32
    %dma_wait3A_134 = arith.constant 0 : i32
    %dma_wait3A_135 = tpu.memref_slice %arg2[%dma_wait3A_133, %dma_wait3A_134] : memref<100000x128xi32, #tpu.memory_space<hbm>> -> memref<100000x128xi32, #tpu.memory_space<hbm>>
    tpu.wait_indirect_dma semaphore(%arg13 : memref<!tpu.dma_semaphore, #tpu.memory_space<semaphore_mem>>) src(%dma_wait3A_135 : memref<100000x128xi32, #tpu.memory_space<hbm>>) dst(%arg9 : memref<112x128xi32, #tpu.memory_space<vmem>>)
    %dma_wait3A_136 = arith.constant 0 : i32
    %dma_wait3A_137 = arith.constant 0 : i32
    %dma_wait3A_138 = tpu.memref_slice %arg8[%dma_wait3A_136, %dma_wait3A_137] : memref<7x112xi32, #tpu.memory_space<vmem>> -> memref<1x112xi32, #tpu.memory_space<vmem>>
    %dma_wait3A_139 = tpu.memref_squeeze %dma_wait3A_138 : memref<1x112xi32, #tpu.memory_space<vmem>> -> memref<112xi32, #tpu.memory_space<vmem>>
    %dma_wait3A_140 = arith.constant 0 : i32
    %dma_wait3A_141 = arith.constant 0 : i32
    %dma_wait3A_142 = tpu.memref_slice %arg2[%dma_wait3A_140, %dma_wait3A_141] : memref<100000x128xi32, #tpu.memory_space<hbm>> -> memref<100000x128xi32, #tpu.memory_space<hbm>>
    tpu.wait_indirect_dma semaphore(%arg13 : memref<!tpu.dma_semaphore, #tpu.memory_space<semaphore_mem>>) src(%dma_wait3A_142 : memref<100000x128xi32, #tpu.memory_space<hbm>>) dst(%arg10 : memref<112x128xi32, #tpu.memory_space<vmem>>)
    %add3A_143 = arith.constant 224 : i32
    %add3A_144 = arith.addi %mul3A_2, %add3A_143 : i32
    %dma_start3A_145 = arith.constant 0 : i32
    %dma_start3A_146 = tpu.memref_slice %arg5[%add3A_144, %dma_start3A_145] : memref<25088x128xi32, #tpu.memory_space<hbm>> -> memref<112x128xi32, #tpu.memory_space<hbm>>
    %dma_start3A_147 = arith.constant 0 : i32
    %dma_start3A_148 = tpu.memref_slice %arg5[%add3A_144, %dma_start3A_147] : memref<25088x128xi32, #tpu.memory_space<hbm>> -> memref<112x128xi32, #tpu.memory_space<hbm>>
    tpu.enqueue_dma source(%arg9 : memref<112x128xi32, #tpu.memory_space<vmem>>) target(%dma_start3A_148 : memref<112x128xi32, #tpu.memory_space<hbm>>) target_semaphore(%arg15 : memref<!tpu.dma_semaphore, #tpu.memory_space<semaphore_mem>>)
    %dma_start3A_149 = arith.constant 0 : i32
    %dma_start3A_150 = tpu.memref_slice %arg6[%add3A_144, %dma_start3A_149] : memref<25088x128xi32, #tpu.memory_space<hbm>> -> memref<112x128xi32, #tpu.memory_space<hbm>>
    %dma_start3A_151 = arith.constant 0 : i32
    %dma_start3A_152 = tpu.memref_slice %arg6[%add3A_144, %dma_start3A_151] : memref<25088x128xi32, #tpu.memory_space<hbm>> -> memref<112x128xi32, #tpu.memory_space<hbm>>
    tpu.enqueue_dma source(%arg10 : memref<112x128xi32, #tpu.memory_space<vmem>>) target(%dma_start3A_152 : memref<112x128xi32, #tpu.memory_space<hbm>>) target_semaphore(%arg15 : memref<!tpu.dma_semaphore, #tpu.memory_space<semaphore_mem>>)
    %dma_wait3A_153 = arith.constant 0 : i32
    %dma_wait3A_154 = arith.constant 0 : i32
    %dma_wait3A_155 = tpu.memref_slice %arg5[%dma_wait3A_153, %dma_wait3A_154] : memref<25088x128xi32, #tpu.memory_space<hbm>> -> memref<112x128xi32, #tpu.memory_space<hbm>>
    %dma_wait3A_156 = arith.constant 0 : i32
    %dma_wait3A_157 = arith.constant 0 : i32
    %dma_wait3A_158 = tpu.memref_slice %arg5[%dma_wait3A_156, %dma_wait3A_157] : memref<25088x128xi32, #tpu.memory_space<hbm>> -> memref<112x128xi32, #tpu.memory_space<hbm>>
    tpu.wait_dma2 semaphore(%arg15 : memref<!tpu.dma_semaphore, #tpu.memory_space<semaphore_mem>>) src(%arg9 : memref<112x128xi32, #tpu.memory_space<vmem>>) dst(%dma_wait3A_158 : memref<112x128xi32, #tpu.memory_space<hbm>>)
    %dma_wait3A_159 = arith.constant 0 : i32
    %dma_wait3A_160 = arith.constant 0 : i32
    %dma_wait3A_161 = tpu.memref_slice %arg6[%dma_wait3A_159, %dma_wait3A_160] : memref<25088x128xi32, #tpu.memory_space<hbm>> -> memref<112x128xi32, #tpu.memory_space<hbm>>
    %dma_wait3A_162 = arith.constant 0 : i32
    %dma_wait3A_163 = arith.constant 0 : i32
    %dma_wait3A_164 = tpu.memref_slice %arg6[%dma_wait3A_162, %dma_wait3A_163] : memref<25088x128xi32, #tpu.memory_space<hbm>> -> memref<112x128xi32, #tpu.memory_space<hbm>>
    tpu.wait_dma2 semaphore(%arg15 : memref<!tpu.dma_semaphore, #tpu.memory_space<semaphore_mem>>) src(%arg10 : memref<112x128xi32, #tpu.memory_space<vmem>>) dst(%dma_wait3A_164 : memref<112x128xi32, #tpu.memory_space<hbm>>)
    %dma_start3A_165 = arith.constant 4 : i32
    %dma_start3A_166 = arith.constant 0 : i32
    %dma_start3A_167 = tpu.memref_slice %arg7[%dma_start3A_165, %dma_start3A_166] : memref<7x112xi32, #tpu.memory_space<vmem>> -> memref<1x112xi32, #tpu.memory_space<vmem>>
    %dma_start3A_168 = tpu.memref_squeeze %dma_start3A_167 : memref<1x112xi32, #tpu.memory_space<vmem>> -> memref<112xi32, #tpu.memory_space<vmem>>
    %dma_start3A_169 = arith.constant 0 : i32
    %dma_start3A_170 = arith.constant 0 : i32
    %dma_start3A_171 = tpu.memref_slice %arg2[%dma_start3A_169, %dma_start3A_170] : memref<100000x128xi32, #tpu.memory_space<hbm>> -> memref<100000x128xi32, #tpu.memory_space<hbm>>
    tpu.enqueue_indirect_dma source(%dma_start3A_171 : memref<100000x128xi32, #tpu.memory_space<hbm>>) target(%arg9 : memref<112x128xi32, #tpu.memory_space<vmem>>) offsets(%dma_start3A_168 : memref<112xi32, #tpu.memory_space<vmem>>) semaphore(%arg13 : memref<!tpu.dma_semaphore, #tpu.memory_space<semaphore_mem>>)
    %dma_start3A_172 = arith.constant 4 : i32
    %dma_start3A_173 = arith.constant 0 : i32
    %dma_start3A_174 = tpu.memref_slice %arg8[%dma_start3A_172, %dma_start3A_173] : memref<7x112xi32, #tpu.memory_space<vmem>> -> memref<1x112xi32, #tpu.memory_space<vmem>>
    %dma_start3A_175 = tpu.memref_squeeze %dma_start3A_174 : memref<1x112xi32, #tpu.memory_space<vmem>> -> memref<112xi32, #tpu.memory_space<vmem>>
    %dma_start3A_176 = arith.constant 0 : i32
    %dma_start3A_177 = arith.constant 0 : i32
    %dma_start3A_178 = tpu.memref_slice %arg2[%dma_start3A_176, %dma_start3A_177] : memref<100000x128xi32, #tpu.memory_space<hbm>> -> memref<100000x128xi32, #tpu.memory_space<hbm>>
    tpu.enqueue_indirect_dma source(%dma_start3A_178 : memref<100000x128xi32, #tpu.memory_space<hbm>>) target(%arg10 : memref<112x128xi32, #tpu.memory_space<vmem>>) offsets(%dma_start3A_175 : memref<112xi32, #tpu.memory_space<vmem>>) semaphore(%arg13 : memref<!tpu.dma_semaphore, #tpu.memory_space<semaphore_mem>>)
    %dma_wait3A_179 = arith.constant 0 : i32
    %dma_wait3A_180 = arith.constant 0 : i32
    %dma_wait3A_181 = tpu.memref_slice %arg7[%dma_wait3A_179, %dma_wait3A_180] : memref<7x112xi32, #tpu.memory_space<vmem>> -> memref<1x112xi32, #tpu.memory_space<vmem>>
    %dma_wait3A_182 = tpu.memref_squeeze %dma_wait3A_181 : memref<1x112xi32, #tpu.memory_space<vmem>> -> memref<112xi32, #tpu.memory_space<vmem>>
    %dma_wait3A_183 = arith.constant 0 : i32
    %dma_wait3A_184 = arith.constant 0 : i32
    %dma_wait3A_185 = tpu.memref_slice %arg2[%dma_wait3A_183, %dma_wait3A_184] : memref<100000x128xi32, #tpu.memory_space<hbm>> -> memref<100000x128xi32, #tpu.memory_space<hbm>>
    tpu.wait_indirect_dma semaphore(%arg14 : memref<!tpu.dma_semaphore, #tpu.memory_space<semaphore_mem>>) src(%dma_wait3A_185 : memref<100000x128xi32, #tpu.memory_space<hbm>>) dst(%arg11 : memref<112x128xi32, #tpu.memory_space<vmem>>)
    %dma_wait3A_186 = arith.constant 0 : i32
    %dma_wait3A_187 = arith.constant 0 : i32
    %dma_wait3A_188 = tpu.memref_slice %arg8[%dma_wait3A_186, %dma_wait3A_187] : memref<7x112xi32, #tpu.memory_space<vmem>> -> memref<1x112xi32, #tpu.memory_space<vmem>>
    %dma_wait3A_189 = tpu.memref_squeeze %dma_wait3A_188 : memref<1x112xi32, #tpu.memory_space<vmem>> -> memref<112xi32, #tpu.memory_space<vmem>>
    %dma_wait3A_190 = arith.constant 0 : i32
    %dma_wait3A_191 = arith.constant 0 : i32
    %dma_wait3A_192 = tpu.memref_slice %arg2[%dma_wait3A_190, %dma_wait3A_191] : memref<100000x128xi32, #tpu.memory_space<hbm>> -> memref<100000x128xi32, #tpu.memory_space<hbm>>
    tpu.wait_indirect_dma semaphore(%arg14 : memref<!tpu.dma_semaphore, #tpu.memory_space<semaphore_mem>>) src(%dma_wait3A_192 : memref<100000x128xi32, #tpu.memory_space<hbm>>) dst(%arg12 : memref<112x128xi32, #tpu.memory_space<vmem>>)
    %add3A_193 = arith.constant 336 : i32
    %add3A_194 = arith.addi %mul3A_2, %add3A_193 : i32
    %dma_start3A_195 = arith.constant 0 : i32
    %dma_start3A_196 = tpu.memref_slice %arg5[%add3A_194, %dma_start3A_195] : memref<25088x128xi32, #tpu.memory_space<hbm>> -> memref<112x128xi32, #tpu.memory_space<hbm>>
    %dma_start3A_197 = arith.constant 0 : i32
    %dma_start3A_198 = tpu.memref_slice %arg5[%add3A_194, %dma_start3A_197] : memref<25088x128xi32, #tpu.memory_space<hbm>> -> memref<112x128xi32, #tpu.memory_space<hbm>>
    tpu.enqueue_dma source(%arg11 : memref<112x128xi32, #tpu.memory_space<vmem>>) target(%dma_start3A_198 : memref<112x128xi32, #tpu.memory_space<hbm>>) target_semaphore(%arg16 : memref<!tpu.dma_semaphore, #tpu.memory_space<semaphore_mem>>)
    %dma_start3A_199 = arith.constant 0 : i32
    %dma_start3A_200 = tpu.memref_slice %arg6[%add3A_194, %dma_start3A_199] : memref<25088x128xi32, #tpu.memory_space<hbm>> -> memref<112x128xi32, #tpu.memory_space<hbm>>
    %dma_start3A_201 = arith.constant 0 : i32
    %dma_start3A_202 = tpu.memref_slice %arg6[%add3A_194, %dma_start3A_201] : memref<25088x128xi32, #tpu.memory_space<hbm>> -> memref<112x128xi32, #tpu.memory_space<hbm>>
    tpu.enqueue_dma source(%arg12 : memref<112x128xi32, #tpu.memory_space<vmem>>) target(%dma_start3A_202 : memref<112x128xi32, #tpu.memory_space<hbm>>) target_semaphore(%arg16 : memref<!tpu.dma_semaphore, #tpu.memory_space<semaphore_mem>>)
    %dma_wait3A_203 = arith.constant 0 : i32
    %dma_wait3A_204 = arith.constant 0 : i32
    %dma_wait3A_205 = tpu.memref_slice %arg5[%dma_wait3A_203, %dma_wait3A_204] : memref<25088x128xi32, #tpu.memory_space<hbm>> -> memref<112x128xi32, #tpu.memory_space<hbm>>
    %dma_wait3A_206 = arith.constant 0 : i32
    %dma_wait3A_207 = arith.constant 0 : i32
    %dma_wait3A_208 = tpu.memref_slice %arg5[%dma_wait3A_206, %dma_wait3A_207] : memref<25088x128xi32, #tpu.memory_space<hbm>> -> memref<112x128xi32, #tpu.memory_space<hbm>>
    tpu.wait_dma2 semaphore(%arg16 : memref<!tpu.dma_semaphore, #tpu.memory_space<semaphore_mem>>) src(%arg11 : memref<112x128xi32, #tpu.memory_space<vmem>>) dst(%dma_wait3A_208 : memref<112x128xi32, #tpu.memory_space<hbm>>)
    %dma_wait3A_209 = arith.constant 0 : i32
    %dma_wait3A_210 = arith.constant 0 : i32
    %dma_wait3A_211 = tpu.memref_slice %arg6[%dma_wait3A_209, %dma_wait3A_210] : memref<25088x128xi32, #tpu.memory_space<hbm>> -> memref<112x128xi32, #tpu.memory_space<hbm>>
    %dma_wait3A_212 = arith.constant 0 : i32
    %dma_wait3A_213 = arith.constant 0 : i32
    %dma_wait3A_214 = tpu.memref_slice %arg6[%dma_wait3A_212, %dma_wait3A_213] : memref<25088x128xi32, #tpu.memory_space<hbm>> -> memref<112x128xi32, #tpu.memory_space<hbm>>
    tpu.wait_dma2 semaphore(%arg16 : memref<!tpu.dma_semaphore, #tpu.memory_space<semaphore_mem>>) src(%arg12 : memref<112x128xi32, #tpu.memory_space<vmem>>) dst(%dma_wait3A_214 : memref<112x128xi32, #tpu.memory_space<hbm>>)
    %dma_start3A_215 = arith.constant 5 : i32
    %dma_start3A_216 = arith.constant 0 : i32
    %dma_start3A_217 = tpu.memref_slice %arg7[%dma_start3A_215, %dma_start3A_216] : memref<7x112xi32, #tpu.memory_space<vmem>> -> memref<1x112xi32, #tpu.memory_space<vmem>>
    %dma_start3A_218 = tpu.memref_squeeze %dma_start3A_217 : memref<1x112xi32, #tpu.memory_space<vmem>> -> memref<112xi32, #tpu.memory_space<vmem>>
    %dma_start3A_219 = arith.constant 0 : i32
    %dma_start3A_220 = arith.constant 0 : i32
    %dma_start3A_221 = tpu.memref_slice %arg2[%dma_start3A_219, %dma_start3A_220] : memref<100000x128xi32, #tpu.memory_space<hbm>> -> memref<100000x128xi32, #tpu.memory_space<hbm>>
    tpu.enqueue_indirect_dma source(%dma_start3A_221 : memref<100000x128xi32, #tpu.memory_space<hbm>>) target(%arg11 : memref<112x128xi32, #tpu.memory_space<vmem>>) offsets(%dma_start3A_218 : memref<112xi32, #tpu.memory_space<vmem>>) semaphore(%arg14 : memref<!tpu.dma_semaphore, #tpu.memory_space<semaphore_mem>>)
    %dma_start3A_222 = arith.constant 5 : i32
    %dma_start3A_223 = arith.constant 0 : i32
    %dma_start3A_224 = tpu.memref_slice %arg8[%dma_start3A_222, %dma_start3A_223] : memref<7x112xi32, #tpu.memory_space<vmem>> -> memref<1x112xi32, #tpu.memory_space<vmem>>
    %dma_start3A_225 = tpu.memref_squeeze %dma_start3A_224 : memref<1x112xi32, #tpu.memory_space<vmem>> -> memref<112xi32, #tpu.memory_space<vmem>>
    %dma_start3A_226 = arith.constant 0 : i32
    %dma_start3A_227 = arith.constant 0 : i32
    %dma_start3A_228 = tpu.memref_slice %arg2[%dma_start3A_226, %dma_start3A_227] : memref<100000x128xi32, #tpu.memory_space<hbm>> -> memref<100000x128xi32, #tpu.memory_space<hbm>>
    tpu.enqueue_indirect_dma source(%dma_start3A_228 : memref<100000x128xi32, #tpu.memory_space<hbm>>) target(%arg12 : memref<112x128xi32, #tpu.memory_space<vmem>>) offsets(%dma_start3A_225 : memref<112xi32, #tpu.memory_space<vmem>>) semaphore(%arg14 : memref<!tpu.dma_semaphore, #tpu.memory_space<semaphore_mem>>)
    %dma_wait3A_229 = arith.constant 0 : i32
    %dma_wait3A_230 = arith.constant 0 : i32
    %dma_wait3A_231 = tpu.memref_slice %arg7[%dma_wait3A_229, %dma_wait3A_230] : memref<7x112xi32, #tpu.memory_space<vmem>> -> memref<1x112xi32, #tpu.memory_space<vmem>>
    %dma_wait3A_232 = tpu.memref_squeeze %dma_wait3A_231 : memref<1x112xi32, #tpu.memory_space<vmem>> -> memref<112xi32, #tpu.memory_space<vmem>>
    %dma_wait3A_233 = arith.constant 0 : i32
    %dma_wait3A_234 = arith.constant 0 : i32
    %dma_wait3A_235 = tpu.memref_slice %arg2[%dma_wait3A_233, %dma_wait3A_234] : memref<100000x128xi32, #tpu.memory_space<hbm>> -> memref<100000x128xi32, #tpu.memory_space<hbm>>
    tpu.wait_indirect_dma semaphore(%arg13 : memref<!tpu.dma_semaphore, #tpu.memory_space<semaphore_mem>>) src(%dma_wait3A_235 : memref<100000x128xi32, #tpu.memory_space<hbm>>) dst(%arg9 : memref<112x128xi32, #tpu.memory_space<vmem>>)
    %dma_wait3A_236 = arith.constant 0 : i32
    %dma_wait3A_237 = arith.constant 0 : i32
    %dma_wait3A_238 = tpu.memref_slice %arg8[%dma_wait3A_236, %dma_wait3A_237] : memref<7x112xi32, #tpu.memory_space<vmem>> -> memref<1x112xi32, #tpu.memory_space<vmem>>
    %dma_wait3A_239 = tpu.memref_squeeze %dma_wait3A_238 : memref<1x112xi32, #tpu.memory_space<vmem>> -> memref<112xi32, #tpu.memory_space<vmem>>
    %dma_wait3A_240 = arith.constant 0 : i32
    %dma_wait3A_241 = arith.constant 0 : i32
    %dma_wait3A_242 = tpu.memref_slice %arg2[%dma_wait3A_240, %dma_wait3A_241] : memref<100000x128xi32, #tpu.memory_space<hbm>> -> memref<100000x128xi32, #tpu.memory_space<hbm>>
    tpu.wait_indirect_dma semaphore(%arg13 : memref<!tpu.dma_semaphore, #tpu.memory_space<semaphore_mem>>) src(%dma_wait3A_242 : memref<100000x128xi32, #tpu.memory_space<hbm>>) dst(%arg10 : memref<112x128xi32, #tpu.memory_space<vmem>>)
    %add3A_243 = arith.constant 448 : i32
    %add3A_244 = arith.addi %mul3A_2, %add3A_243 : i32
    %dma_start3A_245 = arith.constant 0 : i32
    %dma_start3A_246 = tpu.memref_slice %arg5[%add3A_244, %dma_start3A_245] : memref<25088x128xi32, #tpu.memory_space<hbm>> -> memref<112x128xi32, #tpu.memory_space<hbm>>
    %dma_start3A_247 = arith.constant 0 : i32
    %dma_start3A_248 = tpu.memref_slice %arg5[%add3A_244, %dma_start3A_247] : memref<25088x128xi32, #tpu.memory_space<hbm>> -> memref<112x128xi32, #tpu.memory_space<hbm>>
    tpu.enqueue_dma source(%arg9 : memref<112x128xi32, #tpu.memory_space<vmem>>) target(%dma_start3A_248 : memref<112x128xi32, #tpu.memory_space<hbm>>) target_semaphore(%arg15 : memref<!tpu.dma_semaphore, #tpu.memory_space<semaphore_mem>>)
    %dma_start3A_249 = arith.constant 0 : i32
    %dma_start3A_250 = tpu.memref_slice %arg6[%add3A_244, %dma_start3A_249] : memref<25088x128xi32, #tpu.memory_space<hbm>> -> memref<112x128xi32, #tpu.memory_space<hbm>>
    %dma_start3A_251 = arith.constant 0 : i32
    %dma_start3A_252 = tpu.memref_slice %arg6[%add3A_244, %dma_start3A_251] : memref<25088x128xi32, #tpu.memory_space<hbm>> -> memref<112x128xi32, #tpu.memory_space<hbm>>
    tpu.enqueue_dma source(%arg10 : memref<112x128xi32, #tpu.memory_space<vmem>>) target(%dma_start3A_252 : memref<112x128xi32, #tpu.memory_space<hbm>>) target_semaphore(%arg15 : memref<!tpu.dma_semaphore, #tpu.memory_space<semaphore_mem>>)
    %dma_wait3A_253 = arith.constant 0 : i32
    %dma_wait3A_254 = arith.constant 0 : i32
    %dma_wait3A_255 = tpu.memref_slice %arg5[%dma_wait3A_253, %dma_wait3A_254] : memref<25088x128xi32, #tpu.memory_space<hbm>> -> memref<112x128xi32, #tpu.memory_space<hbm>>
    %dma_wait3A_256 = arith.constant 0 : i32
    %dma_wait3A_257 = arith.constant 0 : i32
    %dma_wait3A_258 = tpu.memref_slice %arg5[%dma_wait3A_256, %dma_wait3A_257] : memref<25088x128xi32, #tpu.memory_space<hbm>> -> memref<112x128xi32, #tpu.memory_space<hbm>>
    tpu.wait_dma2 semaphore(%arg15 : memref<!tpu.dma_semaphore, #tpu.memory_space<semaphore_mem>>) src(%arg9 : memref<112x128xi32, #tpu.memory_space<vmem>>) dst(%dma_wait3A_258 : memref<112x128xi32, #tpu.memory_space<hbm>>)
    %dma_wait3A_259 = arith.constant 0 : i32
    %dma_wait3A_260 = arith.constant 0 : i32
    %dma_wait3A_261 = tpu.memref_slice %arg6[%dma_wait3A_259, %dma_wait3A_260] : memref<25088x128xi32, #tpu.memory_space<hbm>> -> memref<112x128xi32, #tpu.memory_space<hbm>>
    %dma_wait3A_262 = arith.constant 0 : i32
    %dma_wait3A_263 = arith.constant 0 : i32
    %dma_wait3A_264 = tpu.memref_slice %arg6[%dma_wait3A_262, %dma_wait3A_263] : memref<25088x128xi32, #tpu.memory_space<hbm>> -> memref<112x128xi32, #tpu.memory_space<hbm>>
    tpu.wait_dma2 semaphore(%arg15 : memref<!tpu.dma_semaphore, #tpu.memory_space<semaphore_mem>>) src(%arg10 : memref<112x128xi32, #tpu.memory_space<vmem>>) dst(%dma_wait3A_264 : memref<112x128xi32, #tpu.memory_space<hbm>>)
    %dma_start3A_265 = arith.constant 6 : i32
    %dma_start3A_266 = arith.constant 0 : i32
    %dma_start3A_267 = tpu.memref_slice %arg7[%dma_start3A_265, %dma_start3A_266] : memref<7x112xi32, #tpu.memory_space<vmem>> -> memref<1x112xi32, #tpu.memory_space<vmem>>
    %dma_start3A_268 = tpu.memref_squeeze %dma_start3A_267 : memref<1x112xi32, #tpu.memory_space<vmem>> -> memref<112xi32, #tpu.memory_space<vmem>>
    %dma_start3A_269 = arith.constant 0 : i32
    %dma_start3A_270 = arith.constant 0 : i32
    %dma_start3A_271 = tpu.memref_slice %arg2[%dma_start3A_269, %dma_start3A_270] : memref<100000x128xi32, #tpu.memory_space<hbm>> -> memref<100000x128xi32, #tpu.memory_space<hbm>>
    tpu.enqueue_indirect_dma source(%dma_start3A_271 : memref<100000x128xi32, #tpu.memory_space<hbm>>) target(%arg9 : memref<112x128xi32, #tpu.memory_space<vmem>>) offsets(%dma_start3A_268 : memref<112xi32, #tpu.memory_space<vmem>>) semaphore(%arg13 : memref<!tpu.dma_semaphore, #tpu.memory_space<semaphore_mem>>)
    %dma_start3A_272 = arith.constant 6 : i32
    %dma_start3A_273 = arith.constant 0 : i32
    %dma_start3A_274 = tpu.memref_slice %arg8[%dma_start3A_272, %dma_start3A_273] : memref<7x112xi32, #tpu.memory_space<vmem>> -> memref<1x112xi32, #tpu.memory_space<vmem>>
    %dma_start3A_275 = tpu.memref_squeeze %dma_start3A_274 : memref<1x112xi32, #tpu.memory_space<vmem>> -> memref<112xi32, #tpu.memory_space<vmem>>
    %dma_start3A_276 = arith.constant 0 : i32
    %dma_start3A_277 = arith.constant 0 : i32
    %dma_start3A_278 = tpu.memref_slice %arg2[%dma_start3A_276, %dma_start3A_277] : memref<100000x128xi32, #tpu.memory_space<hbm>> -> memref<100000x128xi32, #tpu.memory_space<hbm>>
    tpu.enqueue_indirect_dma source(%dma_start3A_278 : memref<100000x128xi32, #tpu.memory_space<hbm>>) target(%arg10 : memref<112x128xi32, #tpu.memory_space<vmem>>) offsets(%dma_start3A_275 : memref<112xi32, #tpu.memory_space<vmem>>) semaphore(%arg13 : memref<!tpu.dma_semaphore, #tpu.memory_space<semaphore_mem>>)
    %dma_wait3A_279 = arith.constant 0 : i32
    %dma_wait3A_280 = arith.constant 0 : i32
    %dma_wait3A_281 = tpu.memref_slice %arg7[%dma_wait3A_279, %dma_wait3A_280] : memref<7x112xi32, #tpu.memory_space<vmem>> -> memref<1x112xi32, #tpu.memory_space<vmem>>
    %dma_wait3A_282 = tpu.memref_squeeze %dma_wait3A_281 : memref<1x112xi32, #tpu.memory_space<vmem>> -> memref<112xi32, #tpu.memory_space<vmem>>
    %dma_wait3A_283 = arith.constant 0 : i32
    %dma_wait3A_284 = arith.constant 0 : i32
    %dma_wait3A_285 = tpu.memref_slice %arg2[%dma_wait3A_283, %dma_wait3A_284] : memref<100000x128xi32, #tpu.memory_space<hbm>> -> memref<100000x128xi32, #tpu.memory_space<hbm>>
    tpu.wait_indirect_dma semaphore(%arg14 : memref<!tpu.dma_semaphore, #tpu.memory_space<semaphore_mem>>) src(%dma_wait3A_285 : memref<100000x128xi32, #tpu.memory_space<hbm>>) dst(%arg11 : memref<112x128xi32, #tpu.memory_space<vmem>>)
    %dma_wait3A_286 = arith.constant 0 : i32
    %dma_wait3A_287 = arith.constant 0 : i32
    %dma_wait3A_288 = tpu.memref_slice %arg8[%dma_wait3A_286, %dma_wait3A_287] : memref<7x112xi32, #tpu.memory_space<vmem>> -> memref<1x112xi32, #tpu.memory_space<vmem>>
    %dma_wait3A_289 = tpu.memref_squeeze %dma_wait3A_288 : memref<1x112xi32, #tpu.memory_space<vmem>> -> memref<112xi32, #tpu.memory_space<vmem>>
    %dma_wait3A_290 = arith.constant 0 : i32
    %dma_wait3A_291 = arith.constant 0 : i32
    %dma_wait3A_292 = tpu.memref_slice %arg2[%dma_wait3A_290, %dma_wait3A_291] : memref<100000x128xi32, #tpu.memory_space<hbm>> -> memref<100000x128xi32, #tpu.memory_space<hbm>>
    tpu.wait_indirect_dma semaphore(%arg14 : memref<!tpu.dma_semaphore, #tpu.memory_space<semaphore_mem>>) src(%dma_wait3A_292 : memref<100000x128xi32, #tpu.memory_space<hbm>>) dst(%arg12 : memref<112x128xi32, #tpu.memory_space<vmem>>)
    %add3A_293 = arith.constant 560 : i32
    %add3A_294 = arith.addi %mul3A_2, %add3A_293 : i32
    %dma_start3A_295 = arith.constant 0 : i32
    %dma_start3A_296 = tpu.memref_slice %arg5[%add3A_294, %dma_start3A_295] : memref<25088x128xi32, #tpu.memory_space<hbm>> -> memref<112x128xi32, #tpu.memory_space<hbm>>
    %dma_start3A_297 = arith.constant 0 : i32
    %dma_start3A_298 = tpu.memref_slice %arg5[%add3A_294, %dma_start3A_297] : memref<25088x128xi32, #tpu.memory_space<hbm>> -> memref<112x128xi32, #tpu.memory_space<hbm>>
    tpu.enqueue_dma source(%arg11 : memref<112x128xi32, #tpu.memory_space<vmem>>) target(%dma_start3A_298 : memref<112x128xi32, #tpu.memory_space<hbm>>) target_semaphore(%arg16 : memref<!tpu.dma_semaphore, #tpu.memory_space<semaphore_mem>>)
    %dma_start3A_299 = arith.constant 0 : i32
    %dma_start3A_300 = tpu.memref_slice %arg6[%add3A_294, %dma_start3A_299] : memref<25088x128xi32, #tpu.memory_space<hbm>> -> memref<112x128xi32, #tpu.memory_space<hbm>>
    %dma_start3A_301 = arith.constant 0 : i32
    %dma_start3A_302 = tpu.memref_slice %arg6[%add3A_294, %dma_start3A_301] : memref<25088x128xi32, #tpu.memory_space<hbm>> -> memref<112x128xi32, #tpu.memory_space<hbm>>
    tpu.enqueue_dma source(%arg12 : memref<112x128xi32, #tpu.memory_space<vmem>>) target(%dma_start3A_302 : memref<112x128xi32, #tpu.memory_space<hbm>>) target_semaphore(%arg16 : memref<!tpu.dma_semaphore, #tpu.memory_space<semaphore_mem>>)
    %dma_wait3A_303 = arith.constant 0 : i32
    %dma_wait3A_304 = arith.constant 0 : i32
    %dma_wait3A_305 = tpu.memref_slice %arg7[%dma_wait3A_303, %dma_wait3A_304] : memref<7x112xi32, #tpu.memory_space<vmem>> -> memref<1x112xi32, #tpu.memory_space<vmem>>
    %dma_wait3A_306 = tpu.memref_squeeze %dma_wait3A_305 : memref<1x112xi32, #tpu.memory_space<vmem>> -> memref<112xi32, #tpu.memory_space<vmem>>
    %dma_wait3A_307 = arith.constant 0 : i32
    %dma_wait3A_308 = arith.constant 0 : i32
    %dma_wait3A_309 = tpu.memref_slice %arg2[%dma_wait3A_307, %dma_wait3A_308] : memref<100000x128xi32, #tpu.memory_space<hbm>> -> memref<100000x128xi32, #tpu.memory_space<hbm>>
    tpu.wait_indirect_dma semaphore(%arg13 : memref<!tpu.dma_semaphore, #tpu.memory_space<semaphore_mem>>) src(%dma_wait3A_309 : memref<100000x128xi32, #tpu.memory_space<hbm>>) dst(%arg9 : memref<112x128xi32, #tpu.memory_space<vmem>>)
    %dma_wait3A_310 = arith.constant 0 : i32
    %dma_wait3A_311 = arith.constant 0 : i32
    %dma_wait3A_312 = tpu.memref_slice %arg8[%dma_wait3A_310, %dma_wait3A_311] : memref<7x112xi32, #tpu.memory_space<vmem>> -> memref<1x112xi32, #tpu.memory_space<vmem>>
    %dma_wait3A_313 = tpu.memref_squeeze %dma_wait3A_312 : memref<1x112xi32, #tpu.memory_space<vmem>> -> memref<112xi32, #tpu.memory_space<vmem>>
    %dma_wait3A_314 = arith.constant 0 : i32
    %dma_wait3A_315 = arith.constant 0 : i32
    %dma_wait3A_316 = tpu.memref_slice %arg2[%dma_wait3A_314, %dma_wait3A_315] : memref<100000x128xi32, #tpu.memory_space<hbm>> -> memref<100000x128xi32, #tpu.memory_space<hbm>>
    tpu.wait_indirect_dma semaphore(%arg13 : memref<!tpu.dma_semaphore, #tpu.memory_space<semaphore_mem>>) src(%dma_wait3A_316 : memref<100000x128xi32, #tpu.memory_space<hbm>>) dst(%arg10 : memref<112x128xi32, #tpu.memory_space<vmem>>)
    %add3A_317 = arith.constant 672 : i32
    %add3A_318 = arith.addi %mul3A_2, %add3A_317 : i32
    %dma_start3A_319 = arith.constant 0 : i32
    %dma_start3A_320 = tpu.memref_slice %arg5[%add3A_318, %dma_start3A_319] : memref<25088x128xi32, #tpu.memory_space<hbm>> -> memref<112x128xi32, #tpu.memory_space<hbm>>
    %dma_start3A_321 = arith.constant 0 : i32
    %dma_start3A_322 = tpu.memref_slice %arg5[%add3A_318, %dma_start3A_321] : memref<25088x128xi32, #tpu.memory_space<hbm>> -> memref<112x128xi32, #tpu.memory_space<hbm>>
    tpu.enqueue_dma source(%arg9 : memref<112x128xi32, #tpu.memory_space<vmem>>) target(%dma_start3A_322 : memref<112x128xi32, #tpu.memory_space<hbm>>) target_semaphore(%arg15 : memref<!tpu.dma_semaphore, #tpu.memory_space<semaphore_mem>>)
    %dma_start3A_323 = arith.constant 0 : i32
    %dma_start3A_324 = tpu.memref_slice %arg6[%add3A_318, %dma_start3A_323] : memref<25088x128xi32, #tpu.memory_space<hbm>> -> memref<112x128xi32, #tpu.memory_space<hbm>>
    %dma_start3A_325 = arith.constant 0 : i32
    %dma_start3A_326 = tpu.memref_slice %arg6[%add3A_318, %dma_start3A_325] : memref<25088x128xi32, #tpu.memory_space<hbm>> -> memref<112x128xi32, #tpu.memory_space<hbm>>
    tpu.enqueue_dma source(%arg10 : memref<112x128xi32, #tpu.memory_space<vmem>>) target(%dma_start3A_326 : memref<112x128xi32, #tpu.memory_space<hbm>>) target_semaphore(%arg15 : memref<!tpu.dma_semaphore, #tpu.memory_space<semaphore_mem>>)
    %dma_wait3A_327 = arith.constant 0 : i32
    %dma_wait3A_328 = arith.constant 0 : i32
    %dma_wait3A_329 = tpu.memref_slice %arg5[%dma_wait3A_327, %dma_wait3A_328] : memref<25088x128xi32, #tpu.memory_space<hbm>> -> memref<112x128xi32, #tpu.memory_space<hbm>>
    %dma_wait3A_330 = arith.constant 0 : i32
    %dma_wait3A_331 = arith.constant 0 : i32
    %dma_wait3A_332 = tpu.memref_slice %arg5[%dma_wait3A_330, %dma_wait3A_331] : memref<25088x128xi32, #tpu.memory_space<hbm>> -> memref<112x128xi32, #tpu.memory_space<hbm>>
    tpu.wait_dma2 semaphore(%arg16 : memref<!tpu.dma_semaphore, #tpu.memory_space<semaphore_mem>>) src(%arg11 : memref<112x128xi32, #tpu.memory_space<vmem>>) dst(%dma_wait3A_332 : memref<112x128xi32, #tpu.memory_space<hbm>>)
    %dma_wait3A_333 = arith.constant 0 : i32
    %dma_wait3A_334 = arith.constant 0 : i32
    %dma_wait3A_335 = tpu.memref_slice %arg6[%dma_wait3A_333, %dma_wait3A_334] : memref<25088x128xi32, #tpu.memory_space<hbm>> -> memref<112x128xi32, #tpu.memory_space<hbm>>
    %dma_wait3A_336 = arith.constant 0 : i32
    %dma_wait3A_337 = arith.constant 0 : i32
    %dma_wait3A_338 = tpu.memref_slice %arg6[%dma_wait3A_336, %dma_wait3A_337] : memref<25088x128xi32, #tpu.memory_space<hbm>> -> memref<112x128xi32, #tpu.memory_space<hbm>>
    tpu.wait_dma2 semaphore(%arg16 : memref<!tpu.dma_semaphore, #tpu.memory_space<semaphore_mem>>) src(%arg12 : memref<112x128xi32, #tpu.memory_space<vmem>>) dst(%dma_wait3A_338 : memref<112x128xi32, #tpu.memory_space<hbm>>)
    %dma_wait3A_339 = arith.constant 0 : i32
    %dma_wait3A_340 = arith.constant 0 : i32
    %dma_wait3A_341 = tpu.memref_slice %arg5[%dma_wait3A_339, %dma_wait3A_340] : memref<25088x128xi32, #tpu.memory_space<hbm>> -> memref<112x128xi32, #tpu.memory_space<hbm>>
    %dma_wait3A_342 = arith.constant 0 : i32
    %dma_wait3A_343 = arith.constant 0 : i32
    %dma_wait3A_344 = tpu.memref_slice %arg5[%dma_wait3A_342, %dma_wait3A_343] : memref<25088x128xi32, #tpu.memory_space<hbm>> -> memref<112x128xi32, #tpu.memory_space<hbm>>
    tpu.wait_dma2 semaphore(%arg15 : memref<!tpu.dma_semaphore, #tpu.memory_space<semaphore_mem>>) src(%arg9 : memref<112x128xi32, #tpu.memory_space<vmem>>) dst(%dma_wait3A_344 : memref<112x128xi32, #tpu.memory_space<hbm>>)
    %dma_wait3A_345 = arith.constant 0 : i32
    %dma_wait3A_346 = arith.constant 0 : i32
    %dma_wait3A_347 = tpu.memref_slice %arg6[%dma_wait3A_345, %dma_wait3A_346] : memref<25088x128xi32, #tpu.memory_space<hbm>> -> memref<112x128xi32, #tpu.memory_space<hbm>>
    %dma_wait3A_348 = arith.constant 0 : i32
    %dma_wait3A_349 = arith.constant 0 : i32
    %dma_wait3A_350 = tpu.memref_slice %arg6[%dma_wait3A_348, %dma_wait3A_349] : memref<25088x128xi32, #tpu.memory_space<hbm>> -> memref<112x128xi32, #tpu.memory_space<hbm>>
    tpu.wait_dma2 semaphore(%arg15 : memref<!tpu.dma_semaphore, #tpu.memory_space<semaphore_mem>>) src(%arg10 : memref<112x128xi32, #tpu.memory_space<vmem>>) dst(%dma_wait3A_350 : memref<112x128xi32, #tpu.memory_space<hbm>>)
    return
  }
}

#map = affine_map<(d0, d1) -> (0, 0)>
#map1 = affine_map<(d0, d1) -> (0, 0, 0)>
module attributes {stable_mosaic.version = 14 : i64} {
  func.func @sc_gather(%arg0: i32, %arg1: i32, %arg2: memref<100000x128xi32, #tpu.memory_space<hbm>>, %arg3: memref<32x7x112xi32, #tpu.memory_space<hbm>>, %arg4: memref<32x7x112xi32, #tpu.memory_space<hbm>>, %arg5: memref<25088x128xi32, #tpu.memory_space<hbm>>, %arg6: memref<25088x128xi32, #tpu.memory_space<hbm>>, %arg7: memref<7x112xi32, #tpu.memory_space<vmem>>, %arg8: memref<7x112xi32, #tpu.memory_space<vmem>>, %arg9: memref<112x128xi32, #tpu.memory_space<vmem>>, %arg10: memref<112x128xi32, #tpu.memory_space<vmem>>, %arg11: memref<112x128xi32, #tpu.memory_space<vmem>>, %arg12: memref<112x128xi32, #tpu.memory_space<vmem>>, %arg13: memref<!tpu.dma_semaphore, #tpu.memory_space<semaphore_mem>>, %arg14: memref<!tpu.dma_semaphore, #tpu.memory_space<semaphore_mem>>, %arg15: memref<!tpu.dma_semaphore, #tpu.memory_space<semaphore_mem>>, %arg16: memref<!tpu.dma_semaphore, #tpu.memory_space<semaphore_mem>>) attributes {dimension_semantics = [#tpu.dimension_semantics<core_parallel>, #tpu.dimension_semantics<subcore_parallel>], iteration_bounds = array<i64: 2, 16>, scalar_prefetch = 0 : i64, scratch_operands = 10 : i64, tpu.core_type = #tpu.core_type<sc_vector_subcore>, window_params = [{transform_indices = #map}, {transform_indices = #map1}, {transform_indices = #map1}, {transform_indices = #map}, {transform_indices = #map}]} {
    %mul3A = arith.constant 2 : i32
    %mul3A_0 = arith.muli %arg1, %mul3A : i32
    %add3A = arith.addi %mul3A_0, %arg0 : i32
    %mul3A_1 = arith.constant 784 : i32
    %mul3A_2 = arith.muli %add3A, %mul3A_1 : i32
    "tpu.region"() ({
      %run_scoped3A = tpu.sem_alloc : memref<!tpu.dma_semaphore, #tpu.memory_space<semaphore_mem>>
      %dma_start3A_351 = arith.constant 0 : i32
      %dma_start3A_352 = arith.constant 0 : i32
      %dma_start3A_353 = tpu.memref_slice %arg3[%add3A, %dma_start3A_351, %dma_start3A_352] : memref<32x7x112xi32, #tpu.memory_space<hbm>> -> memref<1x7x112xi32, #tpu.memory_space<hbm>>
      %dma_start3A_354 = tpu.memref_squeeze %dma_start3A_353 : memref<1x7x112xi32, #tpu.memory_space<hbm>> -> memref<7x112xi32, #tpu.memory_space<hbm>>
      %dma_start3A_355 = arith.constant 0 : i32
      %dma_start3A_356 = arith.constant 0 : i32
      %dma_start3A_357 = tpu.memref_slice %arg3[%add3A, %dma_start3A_355, %dma_start3A_356] : memref<32x7x112xi32, #tpu.memory_space<hbm>> -> memref<1x7x112xi32, #tpu.memory_space<hbm>>
      %dma_start3A_358 = tpu.memref_squeeze %dma_start3A_357 : memref<1x7x112xi32, #tpu.memory_space<hbm>> -> memref<7x112xi32, #tpu.memory_space<hbm>>
      tpu.enqueue_dma source(%dma_start3A_358 : memref<7x112xi32, #tpu.memory_space<hbm>>) target(%arg7 : memref<7x112xi32, #tpu.memory_space<vmem>>) target_semaphore(%run_scoped3A : memref<!tpu.dma_semaphore, #tpu.memory_space<semaphore_mem>>)
      %dma_wait3A_359 = arith.constant 0 : i32
      %dma_wait3A_360 = arith.constant 0 : i32
      %dma_wait3A_361 = tpu.memref_slice %arg3[%add3A, %dma_wait3A_359, %dma_wait3A_360] : memref<32x7x112xi32, #tpu.memory_space<hbm>> -> memref<1x7x112xi32, #tpu.memory_space<hbm>>
      %dma_wait3A_362 = tpu.memref_squeeze %dma_wait3A_361 : memref<1x7x112xi32, #tpu.memory_space<hbm>> -> memref<7x112xi32, #tpu.memory_space<hbm>>
      %dma_wait3A_363 = arith.constant 0 : i32
      %dma_wait3A_364 = arith.constant 0 : i32
      %dma_wait3A_365 = tpu.memref_slice %arg3[%add3A, %dma_wait3A_363, %dma_wait3A_364] : memref<32x7x112xi32, #tpu.memory_space<hbm>> -> memref<1x7x112xi32, #tpu.memory_space<hbm>>
      %dma_wait3A_366 = tpu.memref_squeeze %dma_wait3A_365 : memref<1x7x112xi32, #tpu.memory_space<hbm>> -> memref<7x112xi32, #tpu.memory_space<hbm>>
      tpu.wait_dma2 semaphore(%run_scoped3A : memref<!tpu.dma_semaphore, #tpu.memory_space<semaphore_mem>>) src(%dma_wait3A_366 : memref<7x112xi32, #tpu.memory_space<hbm>>) dst(%arg7 : memref<7x112xi32, #tpu.memory_space<vmem>>)
      tpu.yield
    }) : () -> ()
    "tpu.region"() ({
      %run_scoped3A = tpu.sem_alloc : memref<!tpu.dma_semaphore, #tpu.memory_space<semaphore_mem>>
      %dma_start3A_351 = arith.constant 0 : i32
      %dma_start3A_352 = arith.constant 0 : i32
      %dma_start3A_353 = tpu.memref_slice %arg4[%add3A, %dma_start3A_351, %dma_start3A_352] : memref<32x7x112xi32, #tpu.memory_space<hbm>> -> memref<1x7x112xi32, #tpu.memory_space<hbm>>
      %dma_start3A_354 = tpu.memref_squeeze %dma_start3A_353 : memref<1x7x112xi32, #tpu.memory_space<hbm>> -> memref<7x112xi32, #tpu.memory_space<hbm>>
      %dma_start3A_355 = arith.constant 0 : i32
      %dma_start3A_356 = arith.constant 0 : i32
      %dma_start3A_357 = tpu.memref_slice %arg4[%add3A, %dma_start3A_355, %dma_start3A_356] : memref<32x7x112xi32, #tpu.memory_space<hbm>> -> memref<1x7x112xi32, #tpu.memory_space<hbm>>
      %dma_start3A_358 = tpu.memref_squeeze %dma_start3A_357 : memref<1x7x112xi32, #tpu.memory_space<hbm>> -> memref<7x112xi32, #tpu.memory_space<hbm>>
      tpu.enqueue_dma source(%dma_start3A_358 : memref<7x112xi32, #tpu.memory_space<hbm>>) target(%arg8 : memref<7x112xi32, #tpu.memory_space<vmem>>) target_semaphore(%run_scoped3A : memref<!tpu.dma_semaphore, #tpu.memory_space<semaphore_mem>>)
      %dma_wait3A_359 = arith.constant 0 : i32
      %dma_wait3A_360 = arith.constant 0 : i32
      %dma_wait3A_361 = tpu.memref_slice %arg4[%add3A, %dma_wait3A_359, %dma_wait3A_360] : memref<32x7x112xi32, #tpu.memory_space<hbm>> -> memref<1x7x112xi32, #tpu.memory_space<hbm>>
      %dma_wait3A_362 = tpu.memref_squeeze %dma_wait3A_361 : memref<1x7x112xi32, #tpu.memory_space<hbm>> -> memref<7x112xi32, #tpu.memory_space<hbm>>
      %dma_wait3A_363 = arith.constant 0 : i32
      %dma_wait3A_364 = arith.constant 0 : i32
      %dma_wait3A_365 = tpu.memref_slice %arg4[%add3A, %dma_wait3A_363, %dma_wait3A_364] : memref<32x7x112xi32, #tpu.memory_space<hbm>> -> memref<1x7x112xi32, #tpu.memory_space<hbm>>
      %dma_wait3A_366 = tpu.memref_squeeze %dma_wait3A_365 : memref<1x7x112xi32, #tpu.memory_space<hbm>> -> memref<7x112xi32, #tpu.memory_space<hbm>>
      tpu.wait_dma2 semaphore(%run_scoped3A : memref<!tpu.dma_semaphore, #tpu.memory_space<semaphore_mem>>) src(%dma_wait3A_366 : memref<7x112xi32, #tpu.memory_space<hbm>>) dst(%arg8 : memref<7x112xi32, #tpu.memory_space<vmem>>)
      tpu.yield
    }) : () -> ()
    %dma_start3A = arith.constant 0 : i32
    %dma_start3A_3 = arith.constant 0 : i32
    %dma_start3A_4 = tpu.memref_slice %arg7[%dma_start3A, %dma_start3A_3] : memref<7x112xi32, #tpu.memory_space<vmem>> -> memref<1x112xi32, #tpu.memory_space<vmem>>
    %dma_start3A_5 = tpu.memref_squeeze %dma_start3A_4 : memref<1x112xi32, #tpu.memory_space<vmem>> -> memref<112xi32, #tpu.memory_space<vmem>>
    %dma_start3A_6 = arith.constant 0 : i32
    %dma_start3A_7 = arith.constant 0 : i32
    %dma_start3A_8 = tpu.memref_slice %arg2[%dma_start3A_6, %dma_start3A_7] : memref<100000x128xi32, #tpu.memory_space<hbm>> -> memref<100000x128xi32, #tpu.memory_space<hbm>>
    tpu.enqueue_indirect_dma source(%dma_start3A_8 : memref<100000x128xi32, #tpu.memory_space<hbm>>) target(%arg9 : memref<112x128xi32, #tpu.memory_space<vmem>>) offsets(%dma_start3A_5 : memref<112xi32, #tpu.memory_space<vmem>>) semaphore(%arg13 : memref<!tpu.dma_semaphore, #tpu.memory_space<semaphore_mem>>)
    %dma_start3A_9 = arith.constant 0 : i32
    %dma_start3A_10 = arith.constant 0 : i32
    %dma_start3A_11 = tpu.memref_slice %arg8[%dma_start3A_9, %dma_start3A_10] : memref<7x112xi32, #tpu.memory_space<vmem>> -> memref<1x112xi32, #tpu.memory_space<vmem>>
    %dma_start3A_12 = tpu.memref_squeeze %dma_start3A_11 : memref<1x112xi32, #tpu.memory_space<vmem>> -> memref<112xi32, #tpu.memory_space<vmem>>
    %dma_start3A_13 = arith.constant 0 : i32
    %dma_start3A_14 = arith.constant 0 : i32
    %dma_start3A_15 = tpu.memref_slice %arg2[%dma_start3A_13, %dma_start3A_14] : memref<100000x128xi32, #tpu.memory_space<hbm>> -> memref<100000x128xi32, #tpu.memory_space<hbm>>
    tpu.enqueue_indirect_dma source(%dma_start3A_15 : memref<100000x128xi32, #tpu.memory_space<hbm>>) target(%arg10 : memref<112x128xi32, #tpu.memory_space<vmem>>) offsets(%dma_start3A_12 : memref<112xi32, #tpu.memory_space<vmem>>) semaphore(%arg13 : memref<!tpu.dma_semaphore, #tpu.memory_space<semaphore_mem>>)
    %dma_start3A_16 = arith.constant 1 : i32
    %dma_start3A_17 = arith.constant 0 : i32
    %dma_start3A_18 = tpu.memref_slice %arg7[%dma_start3A_16, %dma_start3A_17] : memref<7x112xi32, #tpu.memory_space<vmem>> -> memref<1x112xi32, #tpu.memory_space<vmem>>
    %dma_start3A_19 = tpu.memref_squeeze %dma_start3A_18 : memref<1x112xi32, #tpu.memory_space<vmem>> -> memref<112xi32, #tpu.memory_space<vmem>>
    %dma_start3A_20 = arith.constant 0 : i32
    %dma_start3A_21 = arith.constant 0 : i32
    %dma_start3A_22 = tpu.memref_slice %arg2[%dma_start3A_20, %dma_start3A_21] : memref<100000x128xi32, #tpu.memory_space<hbm>> -> memref<100000x128xi32, #tpu.memory_space<hbm>>
    tpu.enqueue_indirect_dma source(%dma_start3A_22 : memref<100000x128xi32, #tpu.memory_space<hbm>>) target(%arg11 : memref<112x128xi32, #tpu.memory_space<vmem>>) offsets(%dma_start3A_19 : memref<112xi32, #tpu.memory_space<vmem>>) semaphore(%arg14 : memref<!tpu.dma_semaphore, #tpu.memory_space<semaphore_mem>>)
    %dma_start3A_23 = arith.constant 1 : i32
    %dma_start3A_24 = arith.constant 0 : i32
    %dma_start3A_25 = tpu.memref_slice %arg8[%dma_start3A_23, %dma_start3A_24] : memref<7x112xi32, #tpu.memory_space<vmem>> -> memref<1x112xi32, #tpu.memory_space<vmem>>
    %dma_start3A_26 = tpu.memref_squeeze %dma_start3A_25 : memref<1x112xi32, #tpu.memory_space<vmem>> -> memref<112xi32, #tpu.memory_space<vmem>>
    %dma_start3A_27 = arith.constant 0 : i32
    %dma_start3A_28 = arith.constant 0 : i32
    %dma_start3A_29 = tpu.memref_slice %arg2[%dma_start3A_27, %dma_start3A_28] : memref<100000x128xi32, #tpu.memory_space<hbm>> -> memref<100000x128xi32, #tpu.memory_space<hbm>>
    tpu.enqueue_indirect_dma source(%dma_start3A_29 : memref<100000x128xi32, #tpu.memory_space<hbm>>) target(%arg12 : memref<112x128xi32, #tpu.memory_space<vmem>>) offsets(%dma_start3A_26 : memref<112xi32, #tpu.memory_space<vmem>>) semaphore(%arg14 : memref<!tpu.dma_semaphore, #tpu.memory_space<semaphore_mem>>)
    %dma_wait3A = arith.constant 0 : i32
    %dma_wait3A_30 = arith.constant 0 : i32
    %dma_wait3A_31 = tpu.memref_slice %arg7[%dma_wait3A, %dma_wait3A_30] : memref<7x112xi32, #tpu.memory_space<vmem>> -> memref<1x112xi32, #tpu.memory_space<vmem>>
    %dma_wait3A_32 = tpu.memref_squeeze %dma_wait3A_31 : memref<1x112xi32, #tpu.memory_space<vmem>> -> memref<112xi32, #tpu.memory_space<vmem>>
    %dma_wait3A_33 = arith.constant 0 : i32
    %dma_wait3A_34 = arith.constant 0 : i32
    %dma_wait3A_35 = tpu.memref_slice %arg2[%dma_wait3A_33, %dma_wait3A_34] : memref<100000x128xi32, #tpu.memory_space<hbm>> -> memref<100000x128xi32, #tpu.memory_space<hbm>>
    tpu.wait_indirect_dma semaphore(%arg13 : memref<!tpu.dma_semaphore, #tpu.memory_space<semaphore_mem>>) src(%dma_wait3A_35 : memref<100000x128xi32, #tpu.memory_space<hbm>>) dst(%arg9 : memref<112x128xi32, #tpu.memory_space<vmem>>)
    %dma_wait3A_36 = arith.constant 0 : i32
    %dma_wait3A_37 = arith.constant 0 : i32
    %dma_wait3A_38 = tpu.memref_slice %arg8[%dma_wait3A_36, %dma_wait3A_37] : memref<7x112xi32, #tpu.memory_space<vmem>> -> memref<1x112xi32, #tpu.memory_space<vmem>>
    %dma_wait3A_39 = tpu.memref_squeeze %dma_wait3A_38 : memref<1x112xi32, #tpu.memory_space<vmem>> -> memref<112xi32, #tpu.memory_space<vmem>>
    %dma_wait3A_40 = arith.constant 0 : i32
    %dma_wait3A_41 = arith.constant 0 : i32
    %dma_wait3A_42 = tpu.memref_slice %arg2[%dma_wait3A_40, %dma_wait3A_41] : memref<100000x128xi32, #tpu.memory_space<hbm>> -> memref<100000x128xi32, #tpu.memory_space<hbm>>
    tpu.wait_indirect_dma semaphore(%arg13 : memref<!tpu.dma_semaphore, #tpu.memory_space<semaphore_mem>>) src(%dma_wait3A_42 : memref<100000x128xi32, #tpu.memory_space<hbm>>) dst(%arg10 : memref<112x128xi32, #tpu.memory_space<vmem>>)
    %add3A_43 = arith.constant 0 : i32
    %add3A_44 = arith.addi %mul3A_2, %add3A_43 : i32
    %dma_start3A_45 = arith.constant 0 : i32
    %dma_start3A_46 = tpu.memref_slice %arg5[%add3A_44, %dma_start3A_45] : memref<25088x128xi32, #tpu.memory_space<hbm>> -> memref<112x128xi32, #tpu.memory_space<hbm>>
    %dma_start3A_47 = arith.constant 0 : i32
    %dma_start3A_48 = tpu.memref_slice %arg5[%add3A_44, %dma_start3A_47] : memref<25088x128xi32, #tpu.memory_space<hbm>> -> memref<112x128xi32, #tpu.memory_space<hbm>>
    tpu.enqueue_dma source(%arg9 : memref<112x128xi32, #tpu.memory_space<vmem>>) target(%dma_start3A_48 : memref<112x128xi32, #tpu.memory_space<hbm>>) target_semaphore(%arg15 : memref<!tpu.dma_semaphore, #tpu.memory_space<semaphore_mem>>)
    %dma_start3A_49 = arith.constant 0 : i32
    %dma_start3A_50 = tpu.memref_slice %arg6[%add3A_44, %dma_start3A_49] : memref<25088x128xi32, #tpu.memory_space<hbm>> -> memref<112x128xi32, #tpu.memory_space<hbm>>
    %dma_start3A_51 = arith.constant 0 : i32
    %dma_start3A_52 = tpu.memref_slice %arg6[%add3A_44, %dma_start3A_51] : memref<25088x128xi32, #tpu.memory_space<hbm>> -> memref<112x128xi32, #tpu.memory_space<hbm>>
    tpu.enqueue_dma source(%arg10 : memref<112x128xi32, #tpu.memory_space<vmem>>) target(%dma_start3A_52 : memref<112x128xi32, #tpu.memory_space<hbm>>) target_semaphore(%arg15 : memref<!tpu.dma_semaphore, #tpu.memory_space<semaphore_mem>>)
    %dma_wait3A_53 = arith.constant 0 : i32
    %dma_wait3A_54 = arith.constant 0 : i32
    %dma_wait3A_55 = tpu.memref_slice %arg5[%dma_wait3A_53, %dma_wait3A_54] : memref<25088x128xi32, #tpu.memory_space<hbm>> -> memref<112x128xi32, #tpu.memory_space<hbm>>
    %dma_wait3A_56 = arith.constant 0 : i32
    %dma_wait3A_57 = arith.constant 0 : i32
    %dma_wait3A_58 = tpu.memref_slice %arg5[%dma_wait3A_56, %dma_wait3A_57] : memref<25088x128xi32, #tpu.memory_space<hbm>> -> memref<112x128xi32, #tpu.memory_space<hbm>>
    tpu.wait_dma2 semaphore(%arg15 : memref<!tpu.dma_semaphore, #tpu.memory_space<semaphore_mem>>) src(%arg9 : memref<112x128xi32, #tpu.memory_space<vmem>>) dst(%dma_wait3A_58 : memref<112x128xi32, #tpu.memory_space<hbm>>)
    %dma_wait3A_59 = arith.constant 0 : i32
    %dma_wait3A_60 = arith.constant 0 : i32
    %dma_wait3A_61 = tpu.memref_slice %arg6[%dma_wait3A_59, %dma_wait3A_60] : memref<25088x128xi32, #tpu.memory_space<hbm>> -> memref<112x128xi32, #tpu.memory_space<hbm>>
    %dma_wait3A_62 = arith.constant 0 : i32
    %dma_wait3A_63 = arith.constant 0 : i32
    %dma_wait3A_64 = tpu.memref_slice %arg6[%dma_wait3A_62, %dma_wait3A_63] : memref<25088x128xi32, #tpu.memory_space<hbm>> -> memref<112x128xi32, #tpu.memory_space<hbm>>
    tpu.wait_dma2 semaphore(%arg15 : memref<!tpu.dma_semaphore, #tpu.memory_space<semaphore_mem>>) src(%arg10 : memref<112x128xi32, #tpu.memory_space<vmem>>) dst(%dma_wait3A_64 : memref<112x128xi32, #tpu.memory_space<hbm>>)
    %dma_start3A_65 = arith.constant 2 : i32
    %dma_start3A_66 = arith.constant 0 : i32
    %dma_start3A_67 = tpu.memref_slice %arg7[%dma_start3A_65, %dma_start3A_66] : memref<7x112xi32, #tpu.memory_space<vmem>> -> memref<1x112xi32, #tpu.memory_space<vmem>>
    %dma_start3A_68 = tpu.memref_squeeze %dma_start3A_67 : memref<1x112xi32, #tpu.memory_space<vmem>> -> memref<112xi32, #tpu.memory_space<vmem>>
    %dma_start3A_69 = arith.constant 0 : i32
    %dma_start3A_70 = arith.constant 0 : i32
    %dma_start3A_71 = tpu.memref_slice %arg2[%dma_start3A_69, %dma_start3A_70] : memref<100000x128xi32, #tpu.memory_space<hbm>> -> memref<100000x128xi32, #tpu.memory_space<hbm>>
    tpu.enqueue_indirect_dma source(%dma_start3A_71 : memref<100000x128xi32, #tpu.memory_space<hbm>>) target(%arg9 : memref<112x128xi32, #tpu.memory_space<vmem>>) offsets(%dma_start3A_68 : memref<112xi32, #tpu.memory_space<vmem>>) semaphore(%arg13 : memref<!tpu.dma_semaphore, #tpu.memory_space<semaphore_mem>>)
    %dma_start3A_72 = arith.constant 2 : i32
    %dma_start3A_73 = arith.constant 0 : i32
    %dma_start3A_74 = tpu.memref_slice %arg8[%dma_start3A_72, %dma_start3A_73] : memref<7x112xi32, #tpu.memory_space<vmem>> -> memref<1x112xi32, #tpu.memory_space<vmem>>
    %dma_start3A_75 = tpu.memref_squeeze %dma_start3A_74 : memref<1x112xi32, #tpu.memory_space<vmem>> -> memref<112xi32, #tpu.memory_space<vmem>>
    %dma_start3A_76 = arith.constant 0 : i32
    %dma_start3A_77 = arith.constant 0 : i32
    %dma_start3A_78 = tpu.memref_slice %arg2[%dma_start3A_76, %dma_start3A_77] : memref<100000x128xi32, #tpu.memory_space<hbm>> -> memref<100000x128xi32, #tpu.memory_space<hbm>>
    tpu.enqueue_indirect_dma source(%dma_start3A_78 : memref<100000x128xi32, #tpu.memory_space<hbm>>) target(%arg10 : memref<112x128xi32, #tpu.memory_space<vmem>>) offsets(%dma_start3A_75 : memref<112xi32, #tpu.memory_space<vmem>>) semaphore(%arg13 : memref<!tpu.dma_semaphore, #tpu.memory_space<semaphore_mem>>)
    %dma_wait3A_79 = arith.constant 0 : i32
    %dma_wait3A_80 = arith.constant 0 : i32
    %dma_wait3A_81 = tpu.memref_slice %arg7[%dma_wait3A_79, %dma_wait3A_80] : memref<7x112xi32, #tpu.memory_space<vmem>> -> memref<1x112xi32, #tpu.memory_space<vmem>>
    %dma_wait3A_82 = tpu.memref_squeeze %dma_wait3A_81 : memref<1x112xi32, #tpu.memory_space<vmem>> -> memref<112xi32, #tpu.memory_space<vmem>>
    %dma_wait3A_83 = arith.constant 0 : i32
    %dma_wait3A_84 = arith.constant 0 : i32
    %dma_wait3A_85 = tpu.memref_slice %arg2[%dma_wait3A_83, %dma_wait3A_84] : memref<100000x128xi32, #tpu.memory_space<hbm>> -> memref<100000x128xi32, #tpu.memory_space<hbm>>
    tpu.wait_indirect_dma semaphore(%arg14 : memref<!tpu.dma_semaphore, #tpu.memory_space<semaphore_mem>>) src(%dma_wait3A_85 : memref<100000x128xi32, #tpu.memory_space<hbm>>) dst(%arg11 : memref<112x128xi32, #tpu.memory_space<vmem>>)
    %dma_wait3A_86 = arith.constant 0 : i32
    %dma_wait3A_87 = arith.constant 0 : i32
    %dma_wait3A_88 = tpu.memref_slice %arg8[%dma_wait3A_86, %dma_wait3A_87] : memref<7x112xi32, #tpu.memory_space<vmem>> -> memref<1x112xi32, #tpu.memory_space<vmem>>
    %dma_wait3A_89 = tpu.memref_squeeze %dma_wait3A_88 : memref<1x112xi32, #tpu.memory_space<vmem>> -> memref<112xi32, #tpu.memory_space<vmem>>
    %dma_wait3A_90 = arith.constant 0 : i32
    %dma_wait3A_91 = arith.constant 0 : i32
    %dma_wait3A_92 = tpu.memref_slice %arg2[%dma_wait3A_90, %dma_wait3A_91] : memref<100000x128xi32, #tpu.memory_space<hbm>> -> memref<100000x128xi32, #tpu.memory_space<hbm>>
    tpu.wait_indirect_dma semaphore(%arg14 : memref<!tpu.dma_semaphore, #tpu.memory_space<semaphore_mem>>) src(%dma_wait3A_92 : memref<100000x128xi32, #tpu.memory_space<hbm>>) dst(%arg12 : memref<112x128xi32, #tpu.memory_space<vmem>>)
    %add3A_93 = arith.constant 112 : i32
    %add3A_94 = arith.addi %mul3A_2, %add3A_93 : i32
    %dma_start3A_95 = arith.constant 0 : i32
    %dma_start3A_96 = tpu.memref_slice %arg5[%add3A_94, %dma_start3A_95] : memref<25088x128xi32, #tpu.memory_space<hbm>> -> memref<112x128xi32, #tpu.memory_space<hbm>>
    %dma_start3A_97 = arith.constant 0 : i32
    %dma_start3A_98 = tpu.memref_slice %arg5[%add3A_94, %dma_start3A_97] : memref<25088x128xi32, #tpu.memory_space<hbm>> -> memref<112x128xi32, #tpu.memory_space<hbm>>
    tpu.enqueue_dma source(%arg11 : memref<112x128xi32, #tpu.memory_space<vmem>>) target(%dma_start3A_98 : memref<112x128xi32, #tpu.memory_space<hbm>>) target_semaphore(%arg16 : memref<!tpu.dma_semaphore, #tpu.memory_space<semaphore_mem>>)
    %dma_start3A_99 = arith.constant 0 : i32
    %dma_start3A_100 = tpu.memref_slice %arg6[%add3A_94, %dma_start3A_99] : memref<25088x128xi32, #tpu.memory_space<hbm>> -> memref<112x128xi32, #tpu.memory_space<hbm>>
    %dma_start3A_101 = arith.constant 0 : i32
    %dma_start3A_102 = tpu.memref_slice %arg6[%add3A_94, %dma_start3A_101] : memref<25088x128xi32, #tpu.memory_space<hbm>> -> memref<112x128xi32, #tpu.memory_space<hbm>>
    tpu.enqueue_dma source(%arg12 : memref<112x128xi32, #tpu.memory_space<vmem>>) target(%dma_start3A_102 : memref<112x128xi32, #tpu.memory_space<hbm>>) target_semaphore(%arg16 : memref<!tpu.dma_semaphore, #tpu.memory_space<semaphore_mem>>)
    %dma_wait3A_103 = arith.constant 0 : i32
    %dma_wait3A_104 = arith.constant 0 : i32
    %dma_wait3A_105 = tpu.memref_slice %arg5[%dma_wait3A_103, %dma_wait3A_104] : memref<25088x128xi32, #tpu.memory_space<hbm>> -> memref<112x128xi32, #tpu.memory_space<hbm>>
    %dma_wait3A_106 = arith.constant 0 : i32
    %dma_wait3A_107 = arith.constant 0 : i32
    %dma_wait3A_108 = tpu.memref_slice %arg5[%dma_wait3A_106, %dma_wait3A_107] : memref<25088x128xi32, #tpu.memory_space<hbm>> -> memref<112x128xi32, #tpu.memory_space<hbm>>
    tpu.wait_dma2 semaphore(%arg16 : memref<!tpu.dma_semaphore, #tpu.memory_space<semaphore_mem>>) src(%arg11 : memref<112x128xi32, #tpu.memory_space<vmem>>) dst(%dma_wait3A_108 : memref<112x128xi32, #tpu.memory_space<hbm>>)
    %dma_wait3A_109 = arith.constant 0 : i32
    %dma_wait3A_110 = arith.constant 0 : i32
    %dma_wait3A_111 = tpu.memref_slice %arg6[%dma_wait3A_109, %dma_wait3A_110] : memref<25088x128xi32, #tpu.memory_space<hbm>> -> memref<112x128xi32, #tpu.memory_space<hbm>>
    %dma_wait3A_112 = arith.constant 0 : i32
    %dma_wait3A_113 = arith.constant 0 : i32
    %dma_wait3A_114 = tpu.memref_slice %arg6[%dma_wait3A_112, %dma_wait3A_113] : memref<25088x128xi32, #tpu.memory_space<hbm>> -> memref<112x128xi32, #tpu.memory_space<hbm>>
    tpu.wait_dma2 semaphore(%arg16 : memref<!tpu.dma_semaphore, #tpu.memory_space<semaphore_mem>>) src(%arg12 : memref<112x128xi32, #tpu.memory_space<vmem>>) dst(%dma_wait3A_114 : memref<112x128xi32, #tpu.memory_space<hbm>>)
    %dma_start3A_115 = arith.constant 3 : i32
    %dma_start3A_116 = arith.constant 0 : i32
    %dma_start3A_117 = tpu.memref_slice %arg7[%dma_start3A_115, %dma_start3A_116] : memref<7x112xi32, #tpu.memory_space<vmem>> -> memref<1x112xi32, #tpu.memory_space<vmem>>
    %dma_start3A_118 = tpu.memref_squeeze %dma_start3A_117 : memref<1x112xi32, #tpu.memory_space<vmem>> -> memref<112xi32, #tpu.memory_space<vmem>>
    %dma_start3A_119 = arith.constant 0 : i32
    %dma_start3A_120 = arith.constant 0 : i32
    %dma_start3A_121 = tpu.memref_slice %arg2[%dma_start3A_119, %dma_start3A_120] : memref<100000x128xi32, #tpu.memory_space<hbm>> -> memref<100000x128xi32, #tpu.memory_space<hbm>>
    tpu.enqueue_indirect_dma source(%dma_start3A_121 : memref<100000x128xi32, #tpu.memory_space<hbm>>) target(%arg11 : memref<112x128xi32, #tpu.memory_space<vmem>>) offsets(%dma_start3A_118 : memref<112xi32, #tpu.memory_space<vmem>>) semaphore(%arg14 : memref<!tpu.dma_semaphore, #tpu.memory_space<semaphore_mem>>)
    %dma_start3A_122 = arith.constant 3 : i32
    %dma_start3A_123 = arith.constant 0 : i32
    %dma_start3A_124 = tpu.memref_slice %arg8[%dma_start3A_122, %dma_start3A_123] : memref<7x112xi32, #tpu.memory_space<vmem>> -> memref<1x112xi32, #tpu.memory_space<vmem>>
    %dma_start3A_125 = tpu.memref_squeeze %dma_start3A_124 : memref<1x112xi32, #tpu.memory_space<vmem>> -> memref<112xi32, #tpu.memory_space<vmem>>
    %dma_start3A_126 = arith.constant 0 : i32
    %dma_start3A_127 = arith.constant 0 : i32
    %dma_start3A_128 = tpu.memref_slice %arg2[%dma_start3A_126, %dma_start3A_127] : memref<100000x128xi32, #tpu.memory_space<hbm>> -> memref<100000x128xi32, #tpu.memory_space<hbm>>
    tpu.enqueue_indirect_dma source(%dma_start3A_128 : memref<100000x128xi32, #tpu.memory_space<hbm>>) target(%arg12 : memref<112x128xi32, #tpu.memory_space<vmem>>) offsets(%dma_start3A_125 : memref<112xi32, #tpu.memory_space<vmem>>) semaphore(%arg14 : memref<!tpu.dma_semaphore, #tpu.memory_space<semaphore_mem>>)
    %dma_wait3A_129 = arith.constant 0 : i32
    %dma_wait3A_130 = arith.constant 0 : i32
    %dma_wait3A_131 = tpu.memref_slice %arg7[%dma_wait3A_129, %dma_wait3A_130] : memref<7x112xi32, #tpu.memory_space<vmem>> -> memref<1x112xi32, #tpu.memory_space<vmem>>
    %dma_wait3A_132 = tpu.memref_squeeze %dma_wait3A_131 : memref<1x112xi32, #tpu.memory_space<vmem>> -> memref<112xi32, #tpu.memory_space<vmem>>
    %dma_wait3A_133 = arith.constant 0 : i32
    %dma_wait3A_134 = arith.constant 0 : i32
    %dma_wait3A_135 = tpu.memref_slice %arg2[%dma_wait3A_133, %dma_wait3A_134] : memref<100000x128xi32, #tpu.memory_space<hbm>> -> memref<100000x128xi32, #tpu.memory_space<hbm>>
    tpu.wait_indirect_dma semaphore(%arg13 : memref<!tpu.dma_semaphore, #tpu.memory_space<semaphore_mem>>) src(%dma_wait3A_135 : memref<100000x128xi32, #tpu.memory_space<hbm>>) dst(%arg9 : memref<112x128xi32, #tpu.memory_space<vmem>>)
    %dma_wait3A_136 = arith.constant 0 : i32
    %dma_wait3A_137 = arith.constant 0 : i32
    %dma_wait3A_138 = tpu.memref_slice %arg8[%dma_wait3A_136, %dma_wait3A_137] : memref<7x112xi32, #tpu.memory_space<vmem>> -> memref<1x112xi32, #tpu.memory_space<vmem>>
    %dma_wait3A_139 = tpu.memref_squeeze %dma_wait3A_138 : memref<1x112xi32, #tpu.memory_space<vmem>> -> memref<112xi32, #tpu.memory_space<vmem>>
    %dma_wait3A_140 = arith.constant 0 : i32
    %dma_wait3A_141 = arith.constant 0 : i32
    %dma_wait3A_142 = tpu.memref_slice %arg2[%dma_wait3A_140, %dma_wait3A_141] : memref<100000x128xi32, #tpu.memory_space<hbm>> -> memref<100000x128xi32, #tpu.memory_space<hbm>>
    tpu.wait_indirect_dma semaphore(%arg13 : memref<!tpu.dma_semaphore, #tpu.memory_space<semaphore_mem>>) src(%dma_wait3A_142 : memref<100000x128xi32, #tpu.memory_space<hbm>>) dst(%arg10 : memref<112x128xi32, #tpu.memory_space<vmem>>)
    %add3A_143 = arith.constant 224 : i32
    %add3A_144 = arith.addi %mul3A_2, %add3A_143 : i32
    %dma_start3A_145 = arith.constant 0 : i32
    %dma_start3A_146 = tpu.memref_slice %arg5[%add3A_144, %dma_start3A_145] : memref<25088x128xi32, #tpu.memory_space<hbm>> -> memref<112x128xi32, #tpu.memory_space<hbm>>
    %dma_start3A_147 = arith.constant 0 : i32
    %dma_start3A_148 = tpu.memref_slice %arg5[%add3A_144, %dma_start3A_147] : memref<25088x128xi32, #tpu.memory_space<hbm>> -> memref<112x128xi32, #tpu.memory_space<hbm>>
    tpu.enqueue_dma source(%arg9 : memref<112x128xi32, #tpu.memory_space<vmem>>) target(%dma_start3A_148 : memref<112x128xi32, #tpu.memory_space<hbm>>) target_semaphore(%arg15 : memref<!tpu.dma_semaphore, #tpu.memory_space<semaphore_mem>>)
    %dma_start3A_149 = arith.constant 0 : i32
    %dma_start3A_150 = tpu.memref_slice %arg6[%add3A_144, %dma_start3A_149] : memref<25088x128xi32, #tpu.memory_space<hbm>> -> memref<112x128xi32, #tpu.memory_space<hbm>>
    %dma_start3A_151 = arith.constant 0 : i32
    %dma_start3A_152 = tpu.memref_slice %arg6[%add3A_144, %dma_start3A_151] : memref<25088x128xi32, #tpu.memory_space<hbm>> -> memref<112x128xi32, #tpu.memory_space<hbm>>
    tpu.enqueue_dma source(%arg10 : memref<112x128xi32, #tpu.memory_space<vmem>>) target(%dma_start3A_152 : memref<112x128xi32, #tpu.memory_space<hbm>>) target_semaphore(%arg15 : memref<!tpu.dma_semaphore, #tpu.memory_space<semaphore_mem>>)
    %dma_wait3A_153 = arith.constant 0 : i32
    %dma_wait3A_154 = arith.constant 0 : i32
    %dma_wait3A_155 = tpu.memref_slice %arg5[%dma_wait3A_153, %dma_wait3A_154] : memref<25088x128xi32, #tpu.memory_space<hbm>> -> memref<112x128xi32, #tpu.memory_space<hbm>>
    %dma_wait3A_156 = arith.constant 0 : i32
    %dma_wait3A_157 = arith.constant 0 : i32
    %dma_wait3A_158 = tpu.memref_slice %arg5[%dma_wait3A_156, %dma_wait3A_157] : memref<25088x128xi32, #tpu.memory_space<hbm>> -> memref<112x128xi32, #tpu.memory_space<hbm>>
    tpu.wait_dma2 semaphore(%arg15 : memref<!tpu.dma_semaphore, #tpu.memory_space<semaphore_mem>>) src(%arg9 : memref<112x128xi32, #tpu.memory_space<vmem>>) dst(%dma_wait3A_158 : memref<112x128xi32, #tpu.memory_space<hbm>>)
    %dma_wait3A_159 = arith.constant 0 : i32
    %dma_wait3A_160 = arith.constant 0 : i32
    %dma_wait3A_161 = tpu.memref_slice %arg6[%dma_wait3A_159, %dma_wait3A_160] : memref<25088x128xi32, #tpu.memory_space<hbm>> -> memref<112x128xi32, #tpu.memory_space<hbm>>
    %dma_wait3A_162 = arith.constant 0 : i32
    %dma_wait3A_163 = arith.constant 0 : i32
    %dma_wait3A_164 = tpu.memref_slice %arg6[%dma_wait3A_162, %dma_wait3A_163] : memref<25088x128xi32, #tpu.memory_space<hbm>> -> memref<112x128xi32, #tpu.memory_space<hbm>>
    tpu.wait_dma2 semaphore(%arg15 : memref<!tpu.dma_semaphore, #tpu.memory_space<semaphore_mem>>) src(%arg10 : memref<112x128xi32, #tpu.memory_space<vmem>>) dst(%dma_wait3A_164 : memref<112x128xi32, #tpu.memory_space<hbm>>)
    %dma_start3A_165 = arith.constant 4 : i32
    %dma_start3A_166 = arith.constant 0 : i32
    %dma_start3A_167 = tpu.memref_slice %arg7[%dma_start3A_165, %dma_start3A_166] : memref<7x112xi32, #tpu.memory_space<vmem>> -> memref<1x112xi32, #tpu.memory_space<vmem>>
    %dma_start3A_168 = tpu.memref_squeeze %dma_start3A_167 : memref<1x112xi32, #tpu.memory_space<vmem>> -> memref<112xi32, #tpu.memory_space<vmem>>
    %dma_start3A_169 = arith.constant 0 : i32
    %dma_start3A_170 = arith.constant 0 : i32
    %dma_start3A_171 = tpu.memref_slice %arg2[%dma_start3A_169, %dma_start3A_170] : memref<100000x128xi32, #tpu.memory_space<hbm>> -> memref<100000x128xi32, #tpu.memory_space<hbm>>
    tpu.enqueue_indirect_dma source(%dma_start3A_171 : memref<100000x128xi32, #tpu.memory_space<hbm>>) target(%arg9 : memref<112x128xi32, #tpu.memory_space<vmem>>) offsets(%dma_start3A_168 : memref<112xi32, #tpu.memory_space<vmem>>) semaphore(%arg13 : memref<!tpu.dma_semaphore, #tpu.memory_space<semaphore_mem>>)
    %dma_start3A_172 = arith.constant 4 : i32
    %dma_start3A_173 = arith.constant 0 : i32
    %dma_start3A_174 = tpu.memref_slice %arg8[%dma_start3A_172, %dma_start3A_173] : memref<7x112xi32, #tpu.memory_space<vmem>> -> memref<1x112xi32, #tpu.memory_space<vmem>>
    %dma_start3A_175 = tpu.memref_squeeze %dma_start3A_174 : memref<1x112xi32, #tpu.memory_space<vmem>> -> memref<112xi32, #tpu.memory_space<vmem>>
    %dma_start3A_176 = arith.constant 0 : i32
    %dma_start3A_177 = arith.constant 0 : i32
    %dma_start3A_178 = tpu.memref_slice %arg2[%dma_start3A_176, %dma_start3A_177] : memref<100000x128xi32, #tpu.memory_space<hbm>> -> memref<100000x128xi32, #tpu.memory_space<hbm>>
    tpu.enqueue_indirect_dma source(%dma_start3A_178 : memref<100000x128xi32, #tpu.memory_space<hbm>>) target(%arg10 : memref<112x128xi32, #tpu.memory_space<vmem>>) offsets(%dma_start3A_175 : memref<112xi32, #tpu.memory_space<vmem>>) semaphore(%arg13 : memref<!tpu.dma_semaphore, #tpu.memory_space<semaphore_mem>>)
    %dma_wait3A_179 = arith.constant 0 : i32
    %dma_wait3A_180 = arith.constant 0 : i32
    %dma_wait3A_181 = tpu.memref_slice %arg7[%dma_wait3A_179, %dma_wait3A_180] : memref<7x112xi32, #tpu.memory_space<vmem>> -> memref<1x112xi32, #tpu.memory_space<vmem>>
    %dma_wait3A_182 = tpu.memref_squeeze %dma_wait3A_181 : memref<1x112xi32, #tpu.memory_space<vmem>> -> memref<112xi32, #tpu.memory_space<vmem>>
    %dma_wait3A_183 = arith.constant 0 : i32
    %dma_wait3A_184 = arith.constant 0 : i32
    %dma_wait3A_185 = tpu.memref_slice %arg2[%dma_wait3A_183, %dma_wait3A_184] : memref<100000x128xi32, #tpu.memory_space<hbm>> -> memref<100000x128xi32, #tpu.memory_space<hbm>>
    tpu.wait_indirect_dma semaphore(%arg14 : memref<!tpu.dma_semaphore, #tpu.memory_space<semaphore_mem>>) src(%dma_wait3A_185 : memref<100000x128xi32, #tpu.memory_space<hbm>>) dst(%arg11 : memref<112x128xi32, #tpu.memory_space<vmem>>)
    %dma_wait3A_186 = arith.constant 0 : i32
    %dma_wait3A_187 = arith.constant 0 : i32
    %dma_wait3A_188 = tpu.memref_slice %arg8[%dma_wait3A_186, %dma_wait3A_187] : memref<7x112xi32, #tpu.memory_space<vmem>> -> memref<1x112xi32, #tpu.memory_space<vmem>>
    %dma_wait3A_189 = tpu.memref_squeeze %dma_wait3A_188 : memref<1x112xi32, #tpu.memory_space<vmem>> -> memref<112xi32, #tpu.memory_space<vmem>>
    %dma_wait3A_190 = arith.constant 0 : i32
    %dma_wait3A_191 = arith.constant 0 : i32
    %dma_wait3A_192 = tpu.memref_slice %arg2[%dma_wait3A_190, %dma_wait3A_191] : memref<100000x128xi32, #tpu.memory_space<hbm>> -> memref<100000x128xi32, #tpu.memory_space<hbm>>
    tpu.wait_indirect_dma semaphore(%arg14 : memref<!tpu.dma_semaphore, #tpu.memory_space<semaphore_mem>>) src(%dma_wait3A_192 : memref<100000x128xi32, #tpu.memory_space<hbm>>) dst(%arg12 : memref<112x128xi32, #tpu.memory_space<vmem>>)
    %add3A_193 = arith.constant 336 : i32
    %add3A_194 = arith.addi %mul3A_2, %add3A_193 : i32
    %dma_start3A_195 = arith.constant 0 : i32
    %dma_start3A_196 = tpu.memref_slice %arg5[%add3A_194, %dma_start3A_195] : memref<25088x128xi32, #tpu.memory_space<hbm>> -> memref<112x128xi32, #tpu.memory_space<hbm>>
    %dma_start3A_197 = arith.constant 0 : i32
    %dma_start3A_198 = tpu.memref_slice %arg5[%add3A_194, %dma_start3A_197] : memref<25088x128xi32, #tpu.memory_space<hbm>> -> memref<112x128xi32, #tpu.memory_space<hbm>>
    tpu.enqueue_dma source(%arg11 : memref<112x128xi32, #tpu.memory_space<vmem>>) target(%dma_start3A_198 : memref<112x128xi32, #tpu.memory_space<hbm>>) target_semaphore(%arg16 : memref<!tpu.dma_semaphore, #tpu.memory_space<semaphore_mem>>)
    %dma_start3A_199 = arith.constant 0 : i32
    %dma_start3A_200 = tpu.memref_slice %arg6[%add3A_194, %dma_start3A_199] : memref<25088x128xi32, #tpu.memory_space<hbm>> -> memref<112x128xi32, #tpu.memory_space<hbm>>
    %dma_start3A_201 = arith.constant 0 : i32
    %dma_start3A_202 = tpu.memref_slice %arg6[%add3A_194, %dma_start3A_201] : memref<25088x128xi32, #tpu.memory_space<hbm>> -> memref<112x128xi32, #tpu.memory_space<hbm>>
    tpu.enqueue_dma source(%arg12 : memref<112x128xi32, #tpu.memory_space<vmem>>) target(%dma_start3A_202 : memref<112x128xi32, #tpu.memory_space<hbm>>) target_semaphore(%arg16 : memref<!tpu.dma_semaphore, #tpu.memory_space<semaphore_mem>>)
    %dma_wait3A_203 = arith.constant 0 : i32
    %dma_wait3A_204 = arith.constant 0 : i32
    %dma_wait3A_205 = tpu.memref_slice %arg5[%dma_wait3A_203, %dma_wait3A_204] : memref<25088x128xi32, #tpu.memory_space<hbm>> -> memref<112x128xi32, #tpu.memory_space<hbm>>
    %dma_wait3A_206 = arith.constant 0 : i32
    %dma_wait3A_207 = arith.constant 0 : i32
    %dma_wait3A_208 = tpu.memref_slice %arg5[%dma_wait3A_206, %dma_wait3A_207] : memref<25088x128xi32, #tpu.memory_space<hbm>> -> memref<112x128xi32, #tpu.memory_space<hbm>>
    tpu.wait_dma2 semaphore(%arg16 : memref<!tpu.dma_semaphore, #tpu.memory_space<semaphore_mem>>) src(%arg11 : memref<112x128xi32, #tpu.memory_space<vmem>>) dst(%dma_wait3A_208 : memref<112x128xi32, #tpu.memory_space<hbm>>)
    %dma_wait3A_209 = arith.constant 0 : i32
    %dma_wait3A_210 = arith.constant 0 : i32
    %dma_wait3A_211 = tpu.memref_slice %arg6[%dma_wait3A_209, %dma_wait3A_210] : memref<25088x128xi32, #tpu.memory_space<hbm>> -> memref<112x128xi32, #tpu.memory_space<hbm>>
    %dma_wait3A_212 = arith.constant 0 : i32
    %dma_wait3A_213 = arith.constant 0 : i32
    %dma_wait3A_214 = tpu.memref_slice %arg6[%dma_wait3A_212, %dma_wait3A_213] : memref<25088x128xi32, #tpu.memory_space<hbm>> -> memref<112x128xi32, #tpu.memory_space<hbm>>
    tpu.wait_dma2 semaphore(%arg16 : memref<!tpu.dma_semaphore, #tpu.memory_space<semaphore_mem>>) src(%arg12 : memref<112x128xi32, #tpu.memory_space<vmem>>) dst(%dma_wait3A_214 : memref<112x128xi32, #tpu.memory_space<hbm>>)
    %dma_start3A_215 = arith.constant 5 : i32
    %dma_start3A_216 = arith.constant 0 : i32
    %dma_start3A_217 = tpu.memref_slice %arg7[%dma_start3A_215, %dma_start3A_216] : memref<7x112xi32, #tpu.memory_space<vmem>> -> memref<1x112xi32, #tpu.memory_space<vmem>>
    %dma_start3A_218 = tpu.memref_squeeze %dma_start3A_217 : memref<1x112xi32, #tpu.memory_space<vmem>> -> memref<112xi32, #tpu.memory_space<vmem>>
    %dma_start3A_219 = arith.constant 0 : i32
    %dma_start3A_220 = arith.constant 0 : i32
    %dma_start3A_221 = tpu.memref_slice %arg2[%dma_start3A_219, %dma_start3A_220] : memref<100000x128xi32, #tpu.memory_space<hbm>> -> memref<100000x128xi32, #tpu.memory_space<hbm>>
    tpu.enqueue_indirect_dma source(%dma_start3A_221 : memref<100000x128xi32, #tpu.memory_space<hbm>>) target(%arg11 : memref<112x128xi32, #tpu.memory_space<vmem>>) offsets(%dma_start3A_218 : memref<112xi32, #tpu.memory_space<vmem>>) semaphore(%arg14 : memref<!tpu.dma_semaphore, #tpu.memory_space<semaphore_mem>>)
    %dma_start3A_222 = arith.constant 5 : i32
    %dma_start3A_223 = arith.constant 0 : i32
    %dma_start3A_224 = tpu.memref_slice %arg8[%dma_start3A_222, %dma_start3A_223] : memref<7x112xi32, #tpu.memory_space<vmem>> -> memref<1x112xi32, #tpu.memory_space<vmem>>
    %dma_start3A_225 = tpu.memref_squeeze %dma_start3A_224 : memref<1x112xi32, #tpu.memory_space<vmem>> -> memref<112xi32, #tpu.memory_space<vmem>>
    %dma_start3A_226 = arith.constant 0 : i32
    %dma_start3A_227 = arith.constant 0 : i32
    %dma_start3A_228 = tpu.memref_slice %arg2[%dma_start3A_226, %dma_start3A_227] : memref<100000x128xi32, #tpu.memory_space<hbm>> -> memref<100000x128xi32, #tpu.memory_space<hbm>>
    tpu.enqueue_indirect_dma source(%dma_start3A_228 : memref<100000x128xi32, #tpu.memory_space<hbm>>) target(%arg12 : memref<112x128xi32, #tpu.memory_space<vmem>>) offsets(%dma_start3A_225 : memref<112xi32, #tpu.memory_space<vmem>>) semaphore(%arg14 : memref<!tpu.dma_semaphore, #tpu.memory_space<semaphore_mem>>)
    %dma_wait3A_229 = arith.constant 0 : i32
    %dma_wait3A_230 = arith.constant 0 : i32
    %dma_wait3A_231 = tpu.memref_slice %arg7[%dma_wait3A_229, %dma_wait3A_230] : memref<7x112xi32, #tpu.memory_space<vmem>> -> memref<1x112xi32, #tpu.memory_space<vmem>>
    %dma_wait3A_232 = tpu.memref_squeeze %dma_wait3A_231 : memref<1x112xi32, #tpu.memory_space<vmem>> -> memref<112xi32, #tpu.memory_space<vmem>>
    %dma_wait3A_233 = arith.constant 0 : i32
    %dma_wait3A_234 = arith.constant 0 : i32
    %dma_wait3A_235 = tpu.memref_slice %arg2[%dma_wait3A_233, %dma_wait3A_234] : memref<100000x128xi32, #tpu.memory_space<hbm>> -> memref<100000x128xi32, #tpu.memory_space<hbm>>
    tpu.wait_indirect_dma semaphore(%arg13 : memref<!tpu.dma_semaphore, #tpu.memory_space<semaphore_mem>>) src(%dma_wait3A_235 : memref<100000x128xi32, #tpu.memory_space<hbm>>) dst(%arg9 : memref<112x128xi32, #tpu.memory_space<vmem>>)
    %dma_wait3A_236 = arith.constant 0 : i32
    %dma_wait3A_237 = arith.constant 0 : i32
    %dma_wait3A_238 = tpu.memref_slice %arg8[%dma_wait3A_236, %dma_wait3A_237] : memref<7x112xi32, #tpu.memory_space<vmem>> -> memref<1x112xi32, #tpu.memory_space<vmem>>
    %dma_wait3A_239 = tpu.memref_squeeze %dma_wait3A_238 : memref<1x112xi32, #tpu.memory_space<vmem>> -> memref<112xi32, #tpu.memory_space<vmem>>
    %dma_wait3A_240 = arith.constant 0 : i32
    %dma_wait3A_241 = arith.constant 0 : i32
    %dma_wait3A_242 = tpu.memref_slice %arg2[%dma_wait3A_240, %dma_wait3A_241] : memref<100000x128xi32, #tpu.memory_space<hbm>> -> memref<100000x128xi32, #tpu.memory_space<hbm>>
    tpu.wait_indirect_dma semaphore(%arg13 : memref<!tpu.dma_semaphore, #tpu.memory_space<semaphore_mem>>) src(%dma_wait3A_242 : memref<100000x128xi32, #tpu.memory_space<hbm>>) dst(%arg10 : memref<112x128xi32, #tpu.memory_space<vmem>>)
    %add3A_243 = arith.constant 448 : i32
    %add3A_244 = arith.addi %mul3A_2, %add3A_243 : i32
    %dma_start3A_245 = arith.constant 0 : i32
    %dma_start3A_246 = tpu.memref_slice %arg5[%add3A_244, %dma_start3A_245] : memref<25088x128xi32, #tpu.memory_space<hbm>> -> memref<112x128xi32, #tpu.memory_space<hbm>>
    %dma_start3A_247 = arith.constant 0 : i32
    %dma_start3A_248 = tpu.memref_slice %arg5[%add3A_244, %dma_start3A_247] : memref<25088x128xi32, #tpu.memory_space<hbm>> -> memref<112x128xi32, #tpu.memory_space<hbm>>
    tpu.enqueue_dma source(%arg9 : memref<112x128xi32, #tpu.memory_space<vmem>>) target(%dma_start3A_248 : memref<112x128xi32, #tpu.memory_space<hbm>>) target_semaphore(%arg15 : memref<!tpu.dma_semaphore, #tpu.memory_space<semaphore_mem>>)
    %dma_start3A_249 = arith.constant 0 : i32
    %dma_start3A_250 = tpu.memref_slice %arg6[%add3A_244, %dma_start3A_249] : memref<25088x128xi32, #tpu.memory_space<hbm>> -> memref<112x128xi32, #tpu.memory_space<hbm>>
    %dma_start3A_251 = arith.constant 0 : i32
    %dma_start3A_252 = tpu.memref_slice %arg6[%add3A_244, %dma_start3A_251] : memref<25088x128xi32, #tpu.memory_space<hbm>> -> memref<112x128xi32, #tpu.memory_space<hbm>>
    tpu.enqueue_dma source(%arg10 : memref<112x128xi32, #tpu.memory_space<vmem>>) target(%dma_start3A_252 : memref<112x128xi32, #tpu.memory_space<hbm>>) target_semaphore(%arg15 : memref<!tpu.dma_semaphore, #tpu.memory_space<semaphore_mem>>)
    %dma_wait3A_253 = arith.constant 0 : i32
    %dma_wait3A_254 = arith.constant 0 : i32
    %dma_wait3A_255 = tpu.memref_slice %arg5[%dma_wait3A_253, %dma_wait3A_254] : memref<25088x128xi32, #tpu.memory_space<hbm>> -> memref<112x128xi32, #tpu.memory_space<hbm>>
    %dma_wait3A_256 = arith.constant 0 : i32
    %dma_wait3A_257 = arith.constant 0 : i32
    %dma_wait3A_258 = tpu.memref_slice %arg5[%dma_wait3A_256, %dma_wait3A_257] : memref<25088x128xi32, #tpu.memory_space<hbm>> -> memref<112x128xi32, #tpu.memory_space<hbm>>
    tpu.wait_dma2 semaphore(%arg15 : memref<!tpu.dma_semaphore, #tpu.memory_space<semaphore_mem>>) src(%arg9 : memref<112x128xi32, #tpu.memory_space<vmem>>) dst(%dma_wait3A_258 : memref<112x128xi32, #tpu.memory_space<hbm>>)
    %dma_wait3A_259 = arith.constant 0 : i32
    %dma_wait3A_260 = arith.constant 0 : i32
    %dma_wait3A_261 = tpu.memref_slice %arg6[%dma_wait3A_259, %dma_wait3A_260] : memref<25088x128xi32, #tpu.memory_space<hbm>> -> memref<112x128xi32, #tpu.memory_space<hbm>>
    %dma_wait3A_262 = arith.constant 0 : i32
    %dma_wait3A_263 = arith.constant 0 : i32
    %dma_wait3A_264 = tpu.memref_slice %arg6[%dma_wait3A_262, %dma_wait3A_263] : memref<25088x128xi32, #tpu.memory_space<hbm>> -> memref<112x128xi32, #tpu.memory_space<hbm>>
    tpu.wait_dma2 semaphore(%arg15 : memref<!tpu.dma_semaphore, #tpu.memory_space<semaphore_mem>>) src(%arg10 : memref<112x128xi32, #tpu.memory_space<vmem>>) dst(%dma_wait3A_264 : memref<112x128xi32, #tpu.memory_space<hbm>>)
    %dma_start3A_265 = arith.constant 6 : i32
    %dma_start3A_266 = arith.constant 0 : i32
    %dma_start3A_267 = tpu.memref_slice %arg7[%dma_start3A_265, %dma_start3A_266] : memref<7x112xi32, #tpu.memory_space<vmem>> -> memref<1x112xi32, #tpu.memory_space<vmem>>
    %dma_start3A_268 = tpu.memref_squeeze %dma_start3A_267 : memref<1x112xi32, #tpu.memory_space<vmem>> -> memref<112xi32, #tpu.memory_space<vmem>>
    %dma_start3A_269 = arith.constant 0 : i32
    %dma_start3A_270 = arith.constant 0 : i32
    %dma_start3A_271 = tpu.memref_slice %arg2[%dma_start3A_269, %dma_start3A_270] : memref<100000x128xi32, #tpu.memory_space<hbm>> -> memref<100000x128xi32, #tpu.memory_space<hbm>>
    tpu.enqueue_indirect_dma source(%dma_start3A_271 : memref<100000x128xi32, #tpu.memory_space<hbm>>) target(%arg9 : memref<112x128xi32, #tpu.memory_space<vmem>>) offsets(%dma_start3A_268 : memref<112xi32, #tpu.memory_space<vmem>>) semaphore(%arg13 : memref<!tpu.dma_semaphore, #tpu.memory_space<semaphore_mem>>)
    %dma_start3A_272 = arith.constant 6 : i32
    %dma_start3A_273 = arith.constant 0 : i32
    %dma_start3A_274 = tpu.memref_slice %arg8[%dma_start3A_272, %dma_start3A_273] : memref<7x112xi32, #tpu.memory_space<vmem>> -> memref<1x112xi32, #tpu.memory_space<vmem>>
    %dma_start3A_275 = tpu.memref_squeeze %dma_start3A_274 : memref<1x112xi32, #tpu.memory_space<vmem>> -> memref<112xi32, #tpu.memory_space<vmem>>
    %dma_start3A_276 = arith.constant 0 : i32
    %dma_start3A_277 = arith.constant 0 : i32
    %dma_start3A_278 = tpu.memref_slice %arg2[%dma_start3A_276, %dma_start3A_277] : memref<100000x128xi32, #tpu.memory_space<hbm>> -> memref<100000x128xi32, #tpu.memory_space<hbm>>
    tpu.enqueue_indirect_dma source(%dma_start3A_278 : memref<100000x128xi32, #tpu.memory_space<hbm>>) target(%arg10 : memref<112x128xi32, #tpu.memory_space<vmem>>) offsets(%dma_start3A_275 : memref<112xi32, #tpu.memory_space<vmem>>) semaphore(%arg13 : memref<!tpu.dma_semaphore, #tpu.memory_space<semaphore_mem>>)
    %dma_wait3A_279 = arith.constant 0 : i32
    %dma_wait3A_280 = arith.constant 0 : i32
    %dma_wait3A_281 = tpu.memref_slice %arg7[%dma_wait3A_279, %dma_wait3A_280] : memref<7x112xi32, #tpu.memory_space<vmem>> -> memref<1x112xi32, #tpu.memory_space<vmem>>
    %dma_wait3A_282 = tpu.memref_squeeze %dma_wait3A_281 : memref<1x112xi32, #tpu.memory_space<vmem>> -> memref<112xi32, #tpu.memory_space<vmem>>
    %dma_wait3A_283 = arith.constant 0 : i32
    %dma_wait3A_284 = arith.constant 0 : i32
    %dma_wait3A_285 = tpu.memref_slice %arg2[%dma_wait3A_283, %dma_wait3A_284] : memref<100000x128xi32, #tpu.memory_space<hbm>> -> memref<100000x128xi32, #tpu.memory_space<hbm>>
    tpu.wait_indirect_dma semaphore(%arg14 : memref<!tpu.dma_semaphore, #tpu.memory_space<semaphore_mem>>) src(%dma_wait3A_285 : memref<100000x128xi32, #tpu.memory_space<hbm>>) dst(%arg11 : memref<112x128xi32, #tpu.memory_space<vmem>>)
    %dma_wait3A_286 = arith.constant 0 : i32
    %dma_wait3A_287 = arith.constant 0 : i32
    %dma_wait3A_288 = tpu.memref_slice %arg8[%dma_wait3A_286, %dma_wait3A_287] : memref<7x112xi32, #tpu.memory_space<vmem>> -> memref<1x112xi32, #tpu.memory_space<vmem>>
    %dma_wait3A_289 = tpu.memref_squeeze %dma_wait3A_288 : memref<1x112xi32, #tpu.memory_space<vmem>> -> memref<112xi32, #tpu.memory_space<vmem>>
    %dma_wait3A_290 = arith.constant 0 : i32
    %dma_wait3A_291 = arith.constant 0 : i32
    %dma_wait3A_292 = tpu.memref_slice %arg2[%dma_wait3A_290, %dma_wait3A_291] : memref<100000x128xi32, #tpu.memory_space<hbm>> -> memref<100000x128xi32, #tpu.memory_space<hbm>>
    tpu.wait_indirect_dma semaphore(%arg14 : memref<!tpu.dma_semaphore, #tpu.memory_space<semaphore_mem>>) src(%dma_wait3A_292 : memref<100000x128xi32, #tpu.memory_space<hbm>>) dst(%arg12 : memref<112x128xi32, #tpu.memory_space<vmem>>)
    %add3A_293 = arith.constant 560 : i32
    %add3A_294 = arith.addi %mul3A_2, %add3A_293 : i32
    %dma_start3A_295 = arith.constant 0 : i32
    %dma_start3A_296 = tpu.memref_slice %arg5[%add3A_294, %dma_start3A_295] : memref<25088x128xi32, #tpu.memory_space<hbm>> -> memref<112x128xi32, #tpu.memory_space<hbm>>
    %dma_start3A_297 = arith.constant 0 : i32
    %dma_start3A_298 = tpu.memref_slice %arg5[%add3A_294, %dma_start3A_297] : memref<25088x128xi32, #tpu.memory_space<hbm>> -> memref<112x128xi32, #tpu.memory_space<hbm>>
    tpu.enqueue_dma source(%arg11 : memref<112x128xi32, #tpu.memory_space<vmem>>) target(%dma_start3A_298 : memref<112x128xi32, #tpu.memory_space<hbm>>) target_semaphore(%arg16 : memref<!tpu.dma_semaphore, #tpu.memory_space<semaphore_mem>>)
    %dma_start3A_299 = arith.constant 0 : i32
    %dma_start3A_300 = tpu.memref_slice %arg6[%add3A_294, %dma_start3A_299] : memref<25088x128xi32, #tpu.memory_space<hbm>> -> memref<112x128xi32, #tpu.memory_space<hbm>>
    %dma_start3A_301 = arith.constant 0 : i32
    %dma_start3A_302 = tpu.memref_slice %arg6[%add3A_294, %dma_start3A_301] : memref<25088x128xi32, #tpu.memory_space<hbm>> -> memref<112x128xi32, #tpu.memory_space<hbm>>
    tpu.enqueue_dma source(%arg12 : memref<112x128xi32, #tpu.memory_space<vmem>>) target(%dma_start3A_302 : memref<112x128xi32, #tpu.memory_space<hbm>>) target_semaphore(%arg16 : memref<!tpu.dma_semaphore, #tpu.memory_space<semaphore_mem>>)
    %dma_wait3A_303 = arith.constant 0 : i32
    %dma_wait3A_304 = arith.constant 0 : i32
    %dma_wait3A_305 = tpu.memref_slice %arg7[%dma_wait3A_303, %dma_wait3A_304] : memref<7x112xi32, #tpu.memory_space<vmem>> -> memref<1x112xi32, #tpu.memory_space<vmem>>
    %dma_wait3A_306 = tpu.memref_squeeze %dma_wait3A_305 : memref<1x112xi32, #tpu.memory_space<vmem>> -> memref<112xi32, #tpu.memory_space<vmem>>
    %dma_wait3A_307 = arith.constant 0 : i32
    %dma_wait3A_308 = arith.constant 0 : i32
    %dma_wait3A_309 = tpu.memref_slice %arg2[%dma_wait3A_307, %dma_wait3A_308] : memref<100000x128xi32, #tpu.memory_space<hbm>> -> memref<100000x128xi32, #tpu.memory_space<hbm>>
    tpu.wait_indirect_dma semaphore(%arg13 : memref<!tpu.dma_semaphore, #tpu.memory_space<semaphore_mem>>) src(%dma_wait3A_309 : memref<100000x128xi32, #tpu.memory_space<hbm>>) dst(%arg9 : memref<112x128xi32, #tpu.memory_space<vmem>>)
    %dma_wait3A_310 = arith.constant 0 : i32
    %dma_wait3A_311 = arith.constant 0 : i32
    %dma_wait3A_312 = tpu.memref_slice %arg8[%dma_wait3A_310, %dma_wait3A_311] : memref<7x112xi32, #tpu.memory_space<vmem>> -> memref<1x112xi32, #tpu.memory_space<vmem>>
    %dma_wait3A_313 = tpu.memref_squeeze %dma_wait3A_312 : memref<1x112xi32, #tpu.memory_space<vmem>> -> memref<112xi32, #tpu.memory_space<vmem>>
    %dma_wait3A_314 = arith.constant 0 : i32
    %dma_wait3A_315 = arith.constant 0 : i32
    %dma_wait3A_316 = tpu.memref_slice %arg2[%dma_wait3A_314, %dma_wait3A_315] : memref<100000x128xi32, #tpu.memory_space<hbm>> -> memref<100000x128xi32, #tpu.memory_space<hbm>>
    tpu.wait_indirect_dma semaphore(%arg13 : memref<!tpu.dma_semaphore, #tpu.memory_space<semaphore_mem>>) src(%dma_wait3A_316 : memref<100000x128xi32, #tpu.memory_space<hbm>>) dst(%arg10 : memref<112x128xi32, #tpu.memory_space<vmem>>)
    %add3A_317 = arith.constant 672 : i32
    %add3A_318 = arith.addi %mul3A_2, %add3A_317 : i32
    %dma_start3A_319 = arith.constant 0 : i32
    %dma_start3A_320 = tpu.memref_slice %arg5[%add3A_318, %dma_start3A_319] : memref<25088x128xi32, #tpu.memory_space<hbm>> -> memref<112x128xi32, #tpu.memory_space<hbm>>
    %dma_start3A_321 = arith.constant 0 : i32
    %dma_start3A_322 = tpu.memref_slice %arg5[%add3A_318, %dma_start3A_321] : memref<25088x128xi32, #tpu.memory_space<hbm>> -> memref<112x128xi32, #tpu.memory_space<hbm>>
    tpu.enqueue_dma source(%arg9 : memref<112x128xi32, #tpu.memory_space<vmem>>) target(%dma_start3A_322 : memref<112x128xi32, #tpu.memory_space<hbm>>) target_semaphore(%arg15 : memref<!tpu.dma_semaphore, #tpu.memory_space<semaphore_mem>>)
    %dma_start3A_323 = arith.constant 0 : i32
    %dma_start3A_324 = tpu.memref_slice %arg6[%add3A_318, %dma_start3A_323] : memref<25088x128xi32, #tpu.memory_space<hbm>> -> memref<112x128xi32, #tpu.memory_space<hbm>>
    %dma_start3A_325 = arith.constant 0 : i32
    %dma_start3A_326 = tpu.memref_slice %arg6[%add3A_318, %dma_start3A_325] : memref<25088x128xi32, #tpu.memory_space<hbm>> -> memref<112x128xi32, #tpu.memory_space<hbm>>
    tpu.enqueue_dma source(%arg10 : memref<112x128xi32, #tpu.memory_space<vmem>>) target(%dma_start3A_326 : memref<112x128xi32, #tpu.memory_space<hbm>>) target_semaphore(%arg15 : memref<!tpu.dma_semaphore, #tpu.memory_space<semaphore_mem>>)
    %dma_wait3A_327 = arith.constant 0 : i32
    %dma_wait3A_328 = arith.constant 0 : i32
    %dma_wait3A_329 = tpu.memref_slice %arg5[%dma_wait3A_327, %dma_wait3A_328] : memref<25088x128xi32, #tpu.memory_space<hbm>> -> memref<112x128xi32, #tpu.memory_space<hbm>>
    %dma_wait3A_330 = arith.constant 0 : i32
    %dma_wait3A_331 = arith.constant 0 : i32
    %dma_wait3A_332 = tpu.memref_slice %arg5[%dma_wait3A_330, %dma_wait3A_331] : memref<25088x128xi32, #tpu.memory_space<hbm>> -> memref<112x128xi32, #tpu.memory_space<hbm>>
    tpu.wait_dma2 semaphore(%arg16 : memref<!tpu.dma_semaphore, #tpu.memory_space<semaphore_mem>>) src(%arg11 : memref<112x128xi32, #tpu.memory_space<vmem>>) dst(%dma_wait3A_332 : memref<112x128xi32, #tpu.memory_space<hbm>>)
    %dma_wait3A_333 = arith.constant 0 : i32
    %dma_wait3A_334 = arith.constant 0 : i32
    %dma_wait3A_335 = tpu.memref_slice %arg6[%dma_wait3A_333, %dma_wait3A_334] : memref<25088x128xi32, #tpu.memory_space<hbm>> -> memref<112x128xi32, #tpu.memory_space<hbm>>
    %dma_wait3A_336 = arith.constant 0 : i32
    %dma_wait3A_337 = arith.constant 0 : i32
    %dma_wait3A_338 = tpu.memref_slice %arg6[%dma_wait3A_336, %dma_wait3A_337] : memref<25088x128xi32, #tpu.memory_space<hbm>> -> memref<112x128xi32, #tpu.memory_space<hbm>>
    tpu.wait_dma2 semaphore(%arg16 : memref<!tpu.dma_semaphore, #tpu.memory_space<semaphore_mem>>) src(%arg12 : memref<112x128xi32, #tpu.memory_space<vmem>>) dst(%dma_wait3A_338 : memref<112x128xi32, #tpu.memory_space<hbm>>)
    %dma_wait3A_339 = arith.constant 0 : i32
    %dma_wait3A_340 = arith.constant 0 : i32
    %dma_wait3A_341 = tpu.memref_slice %arg5[%dma_wait3A_339, %dma_wait3A_340] : memref<25088x128xi32, #tpu.memory_space<hbm>> -> memref<112x128xi32, #tpu.memory_space<hbm>>
    %dma_wait3A_342 = arith.constant 0 : i32
    %dma_wait3A_343 = arith.constant 0 : i32
    %dma_wait3A_344 = tpu.memref_slice %arg5[%dma_wait3A_342, %dma_wait3A_343] : memref<25088x128xi32, #tpu.memory_space<hbm>> -> memref<112x128xi32, #tpu.memory_space<hbm>>
    tpu.wait_dma2 semaphore(%arg15 : memref<!tpu.dma_semaphore, #tpu.memory_space<semaphore_mem>>) src(%arg9 : memref<112x128xi32, #tpu.memory_space<vmem>>) dst(%dma_wait3A_344 : memref<112x128xi32, #tpu.memory_space<hbm>>)
    %dma_wait3A_345 = arith.constant 0 : i32
    %dma_wait3A_346 = arith.constant 0 : i32
    %dma_wait3A_347 = tpu.memref_slice %arg6[%dma_wait3A_345, %dma_wait3A_346] : memref<25088x128xi32, #tpu.memory_space<hbm>> -> memref<112x128xi32, #tpu.memory_space<hbm>>
    %dma_wait3A_348 = arith.constant 0 : i32
    %dma_wait3A_349 = arith.constant 0 : i32
    %dma_wait3A_350 = tpu.memref_slice %arg6[%dma_wait3A_348, %dma_wait3A_349] : memref<25088x128xi32, #tpu.memory_space<hbm>> -> memref<112x128xi32, #tpu.memory_space<hbm>>
    tpu.wait_dma2 semaphore(%arg15 : memref<!tpu.dma_semaphore, #tpu.memory_space<semaphore_mem>>) src(%arg10 : memref<112x128xi32, #tpu.memory_space<vmem>>) dst(%dma_wait3A_350 : memref<112x128xi32, #tpu.memory_space<hbm>>)
    return
  }
}

#map = affine_map<(d0, d1) -> (0, 0)>
#map1 = affine_map<(d0, d1) -> (0, 0, 0)>
module attributes {stable_mosaic.version = 14 : i64} {
  func.func @sc_gather(%arg0: i32, %arg1: i32, %arg2: memref<100000x128xi32, #tpu.memory_space<hbm>>, %arg3: memref<32x7x112xi32, #tpu.memory_space<hbm>>, %arg4: memref<32x7x112xi32, #tpu.memory_space<hbm>>, %arg5: memref<25088x128xi32, #tpu.memory_space<hbm>>, %arg6: memref<25088x128xi32, #tpu.memory_space<hbm>>, %arg7: memref<7x112xi32, #tpu.memory_space<vmem>>, %arg8: memref<7x112xi32, #tpu.memory_space<vmem>>, %arg9: memref<112x128xi32, #tpu.memory_space<vmem>>, %arg10: memref<112x128xi32, #tpu.memory_space<vmem>>, %arg11: memref<112x128xi32, #tpu.memory_space<vmem>>, %arg12: memref<112x128xi32, #tpu.memory_space<vmem>>, %arg13: memref<!tpu.dma_semaphore, #tpu.memory_space<semaphore_mem>>, %arg14: memref<!tpu.dma_semaphore, #tpu.memory_space<semaphore_mem>>, %arg15: memref<!tpu.dma_semaphore, #tpu.memory_space<semaphore_mem>>, %arg16: memref<!tpu.dma_semaphore, #tpu.memory_space<semaphore_mem>>) attributes {dimension_semantics = [#tpu.dimension_semantics<core_parallel>, #tpu.dimension_semantics<subcore_parallel>], iteration_bounds = array<i64: 2, 16>, scalar_prefetch = 0 : i64, scratch_operands = 10 : i64, tpu.core_type = #tpu.core_type<sc_vector_subcore>, window_params = [{transform_indices = #map}, {transform_indices = #map1}, {transform_indices = #map1}, {transform_indices = #map}, {transform_indices = #map}]} {
    %mul3A = arith.constant 2 : i32
    %mul3A_0 = arith.muli %arg1, %mul3A : i32
    %add3A = arith.addi %mul3A_0, %arg0 : i32
    %mul3A_1 = arith.constant 784 : i32
    %mul3A_2 = arith.muli %add3A, %mul3A_1 : i32
    "tpu.region"() ({
      %run_scoped3A = tpu.sem_alloc : memref<!tpu.dma_semaphore, #tpu.memory_space<semaphore_mem>>
      %dma_start3A_351 = arith.constant 0 : i32
      %dma_start3A_352 = arith.constant 0 : i32
      %dma_start3A_353 = tpu.memref_slice %arg3[%add3A, %dma_start3A_351, %dma_start3A_352] : memref<32x7x112xi32, #tpu.memory_space<hbm>> -> memref<1x7x112xi32, #tpu.memory_space<hbm>>
      %dma_start3A_354 = tpu.memref_squeeze %dma_start3A_353 : memref<1x7x112xi32, #tpu.memory_space<hbm>> -> memref<7x112xi32, #tpu.memory_space<hbm>>
      %dma_start3A_355 = arith.constant 0 : i32
      %dma_start3A_356 = arith.constant 0 : i32
      %dma_start3A_357 = tpu.memref_slice %arg3[%add3A, %dma_start3A_355, %dma_start3A_356] : memref<32x7x112xi32, #tpu.memory_space<hbm>> -> memref<1x7x112xi32, #tpu.memory_space<hbm>>
      %dma_start3A_358 = tpu.memref_squeeze %dma_start3A_357 : memref<1x7x112xi32, #tpu.memory_space<hbm>> -> memref<7x112xi32, #tpu.memory_space<hbm>>
      tpu.enqueue_dma source(%dma_start3A_358 : memref<7x112xi32, #tpu.memory_space<hbm>>) target(%arg7 : memref<7x112xi32, #tpu.memory_space<vmem>>) target_semaphore(%run_scoped3A : memref<!tpu.dma_semaphore, #tpu.memory_space<semaphore_mem>>)
      %dma_wait3A_359 = arith.constant 0 : i32
      %dma_wait3A_360 = arith.constant 0 : i32
      %dma_wait3A_361 = tpu.memref_slice %arg3[%add3A, %dma_wait3A_359, %dma_wait3A_360] : memref<32x7x112xi32, #tpu.memory_space<hbm>> -> memref<1x7x112xi32, #tpu.memory_space<hbm>>
      %dma_wait3A_362 = tpu.memref_squeeze %dma_wait3A_361 : memref<1x7x112xi32, #tpu.memory_space<hbm>> -> memref<7x112xi32, #tpu.memory_space<hbm>>
      %dma_wait3A_363 = arith.constant 0 : i32
      %dma_wait3A_364 = arith.constant 0 : i32
      %dma_wait3A_365 = tpu.memref_slice %arg3[%add3A, %dma_wait3A_363, %dma_wait3A_364] : memref<32x7x112xi32, #tpu.memory_space<hbm>> -> memref<1x7x112xi32, #tpu.memory_space<hbm>>
      %dma_wait3A_366 = tpu.memref_squeeze %dma_wait3A_365 : memref<1x7x112xi32, #tpu.memory_space<hbm>> -> memref<7x112xi32, #tpu.memory_space<hbm>>
      tpu.wait_dma2 semaphore(%run_scoped3A : memref<!tpu.dma_semaphore, #tpu.memory_space<semaphore_mem>>) src(%dma_wait3A_366 : memref<7x112xi32, #tpu.memory_space<hbm>>) dst(%arg7 : memref<7x112xi32, #tpu.memory_space<vmem>>)
      tpu.yield
    }) : () -> ()
    "tpu.region"() ({
      %run_scoped3A = tpu.sem_alloc : memref<!tpu.dma_semaphore, #tpu.memory_space<semaphore_mem>>
      %dma_start3A_351 = arith.constant 0 : i32
      %dma_start3A_352 = arith.constant 0 : i32
      %dma_start3A_353 = tpu.memref_slice %arg4[%add3A, %dma_start3A_351, %dma_start3A_352] : memref<32x7x112xi32, #tpu.memory_space<hbm>> -> memref<1x7x112xi32, #tpu.memory_space<hbm>>
      %dma_start3A_354 = tpu.memref_squeeze %dma_start3A_353 : memref<1x7x112xi32, #tpu.memory_space<hbm>> -> memref<7x112xi32, #tpu.memory_space<hbm>>
      %dma_start3A_355 = arith.constant 0 : i32
      %dma_start3A_356 = arith.constant 0 : i32
      %dma_start3A_357 = tpu.memref_slice %arg4[%add3A, %dma_start3A_355, %dma_start3A_356] : memref<32x7x112xi32, #tpu.memory_space<hbm>> -> memref<1x7x112xi32, #tpu.memory_space<hbm>>
      %dma_start3A_358 = tpu.memref_squeeze %dma_start3A_357 : memref<1x7x112xi32, #tpu.memory_space<hbm>> -> memref<7x112xi32, #tpu.memory_space<hbm>>
      tpu.enqueue_dma source(%dma_start3A_358 : memref<7x112xi32, #tpu.memory_space<hbm>>) target(%arg8 : memref<7x112xi32, #tpu.memory_space<vmem>>) target_semaphore(%run_scoped3A : memref<!tpu.dma_semaphore, #tpu.memory_space<semaphore_mem>>)
      %dma_wait3A_359 = arith.constant 0 : i32
      %dma_wait3A_360 = arith.constant 0 : i32
      %dma_wait3A_361 = tpu.memref_slice %arg4[%add3A, %dma_wait3A_359, %dma_wait3A_360] : memref<32x7x112xi32, #tpu.memory_space<hbm>> -> memref<1x7x112xi32, #tpu.memory_space<hbm>>
      %dma_wait3A_362 = tpu.memref_squeeze %dma_wait3A_361 : memref<1x7x112xi32, #tpu.memory_space<hbm>> -> memref<7x112xi32, #tpu.memory_space<hbm>>
      %dma_wait3A_363 = arith.constant 0 : i32
      %dma_wait3A_364 = arith.constant 0 : i32
      %dma_wait3A_365 = tpu.memref_slice %arg4[%add3A, %dma_wait3A_363, %dma_wait3A_364] : memref<32x7x112xi32, #tpu.memory_space<hbm>> -> memref<1x7x112xi32, #tpu.memory_space<hbm>>
      %dma_wait3A_366 = tpu.memref_squeeze %dma_wait3A_365 : memref<1x7x112xi32, #tpu.memory_space<hbm>> -> memref<7x112xi32, #tpu.memory_space<hbm>>
      tpu.wait_dma2 semaphore(%run_scoped3A : memref<!tpu.dma_semaphore, #tpu.memory_space<semaphore_mem>>) src(%dma_wait3A_366 : memref<7x112xi32, #tpu.memory_space<hbm>>) dst(%arg8 : memref<7x112xi32, #tpu.memory_space<vmem>>)
      tpu.yield
    }) : () -> ()
    %dma_start3A = arith.constant 0 : i32
    %dma_start3A_3 = arith.constant 0 : i32
    %dma_start3A_4 = tpu.memref_slice %arg7[%dma_start3A, %dma_start3A_3] : memref<7x112xi32, #tpu.memory_space<vmem>> -> memref<1x112xi32, #tpu.memory_space<vmem>>
    %dma_start3A_5 = tpu.memref_squeeze %dma_start3A_4 : memref<1x112xi32, #tpu.memory_space<vmem>> -> memref<112xi32, #tpu.memory_space<vmem>>
    %dma_start3A_6 = arith.constant 0 : i32
    %dma_start3A_7 = arith.constant 0 : i32
    %dma_start3A_8 = tpu.memref_slice %arg2[%dma_start3A_6, %dma_start3A_7] : memref<100000x128xi32, #tpu.memory_space<hbm>> -> memref<100000x128xi32, #tpu.memory_space<hbm>>
    tpu.enqueue_indirect_dma source(%dma_start3A_8 : memref<100000x128xi32, #tpu.memory_space<hbm>>) target(%arg9 : memref<112x128xi32, #tpu.memory_space<vmem>>) offsets(%dma_start3A_5 : memref<112xi32, #tpu.memory_space<vmem>>) semaphore(%arg13 : memref<!tpu.dma_semaphore, #tpu.memory_space<semaphore_mem>>)
    %dma_start3A_9 = arith.constant 0 : i32
    %dma_start3A_10 = arith.constant 0 : i32
    %dma_start3A_11 = tpu.memref_slice %arg8[%dma_start3A_9, %dma_start3A_10] : memref<7x112xi32, #tpu.memory_space<vmem>> -> memref<1x112xi32, #tpu.memory_space<vmem>>
    %dma_start3A_12 = tpu.memref_squeeze %dma_start3A_11 : memref<1x112xi32, #tpu.memory_space<vmem>> -> memref<112xi32, #tpu.memory_space<vmem>>
    %dma_start3A_13 = arith.constant 0 : i32
    %dma_start3A_14 = arith.constant 0 : i32
    %dma_start3A_15 = tpu.memref_slice %arg2[%dma_start3A_13, %dma_start3A_14] : memref<100000x128xi32, #tpu.memory_space<hbm>> -> memref<100000x128xi32, #tpu.memory_space<hbm>>
    tpu.enqueue_indirect_dma source(%dma_start3A_15 : memref<100000x128xi32, #tpu.memory_space<hbm>>) target(%arg10 : memref<112x128xi32, #tpu.memory_space<vmem>>) offsets(%dma_start3A_12 : memref<112xi32, #tpu.memory_space<vmem>>) semaphore(%arg13 : memref<!tpu.dma_semaphore, #tpu.memory_space<semaphore_mem>>)
    %dma_start3A_16 = arith.constant 1 : i32
    %dma_start3A_17 = arith.constant 0 : i32
    %dma_start3A_18 = tpu.memref_slice %arg7[%dma_start3A_16, %dma_start3A_17] : memref<7x112xi32, #tpu.memory_space<vmem>> -> memref<1x112xi32, #tpu.memory_space<vmem>>
    %dma_start3A_19 = tpu.memref_squeeze %dma_start3A_18 : memref<1x112xi32, #tpu.memory_space<vmem>> -> memref<112xi32, #tpu.memory_space<vmem>>
    %dma_start3A_20 = arith.constant 0 : i32
    %dma_start3A_21 = arith.constant 0 : i32
    %dma_start3A_22 = tpu.memref_slice %arg2[%dma_start3A_20, %dma_start3A_21] : memref<100000x128xi32, #tpu.memory_space<hbm>> -> memref<100000x128xi32, #tpu.memory_space<hbm>>
    tpu.enqueue_indirect_dma source(%dma_start3A_22 : memref<100000x128xi32, #tpu.memory_space<hbm>>) target(%arg11 : memref<112x128xi32, #tpu.memory_space<vmem>>) offsets(%dma_start3A_19 : memref<112xi32, #tpu.memory_space<vmem>>) semaphore(%arg14 : memref<!tpu.dma_semaphore, #tpu.memory_space<semaphore_mem>>)
    %dma_start3A_23 = arith.constant 1 : i32
    %dma_start3A_24 = arith.constant 0 : i32
    %dma_start3A_25 = tpu.memref_slice %arg8[%dma_start3A_23, %dma_start3A_24] : memref<7x112xi32, #tpu.memory_space<vmem>> -> memref<1x112xi32, #tpu.memory_space<vmem>>
    %dma_start3A_26 = tpu.memref_squeeze %dma_start3A_25 : memref<1x112xi32, #tpu.memory_space<vmem>> -> memref<112xi32, #tpu.memory_space<vmem>>
    %dma_start3A_27 = arith.constant 0 : i32
    %dma_start3A_28 = arith.constant 0 : i32
    %dma_start3A_29 = tpu.memref_slice %arg2[%dma_start3A_27, %dma_start3A_28] : memref<100000x128xi32, #tpu.memory_space<hbm>> -> memref<100000x128xi32, #tpu.memory_space<hbm>>
    tpu.enqueue_indirect_dma source(%dma_start3A_29 : memref<100000x128xi32, #tpu.memory_space<hbm>>) target(%arg12 : memref<112x128xi32, #tpu.memory_space<vmem>>) offsets(%dma_start3A_26 : memref<112xi32, #tpu.memory_space<vmem>>) semaphore(%arg14 : memref<!tpu.dma_semaphore, #tpu.memory_space<semaphore_mem>>)
    %dma_wait3A = arith.constant 0 : i32
    %dma_wait3A_30 = arith.constant 0 : i32
    %dma_wait3A_31 = tpu.memref_slice %arg7[%dma_wait3A, %dma_wait3A_30] : memref<7x112xi32, #tpu.memory_space<vmem>> -> memref<1x112xi32, #tpu.memory_space<vmem>>
    %dma_wait3A_32 = tpu.memref_squeeze %dma_wait3A_31 : memref<1x112xi32, #tpu.memory_space<vmem>> -> memref<112xi32, #tpu.memory_space<vmem>>
    %dma_wait3A_33 = arith.constant 0 : i32
    %dma_wait3A_34 = arith.constant 0 : i32
    %dma_wait3A_35 = tpu.memref_slice %arg2[%dma_wait3A_33, %dma_wait3A_34] : memref<100000x128xi32, #tpu.memory_space<hbm>> -> memref<100000x128xi32, #tpu.memory_space<hbm>>
    tpu.wait_indirect_dma semaphore(%arg13 : memref<!tpu.dma_semaphore, #tpu.memory_space<semaphore_mem>>) src(%dma_wait3A_35 : memref<100000x128xi32, #tpu.memory_space<hbm>>) dst(%arg9 : memref<112x128xi32, #tpu.memory_space<vmem>>)
    %dma_wait3A_36 = arith.constant 0 : i32
    %dma_wait3A_37 = arith.constant 0 : i32
    %dma_wait3A_38 = tpu.memref_slice %arg8[%dma_wait3A_36, %dma_wait3A_37] : memref<7x112xi32, #tpu.memory_space<vmem>> -> memref<1x112xi32, #tpu.memory_space<vmem>>
    %dma_wait3A_39 = tpu.memref_squeeze %dma_wait3A_38 : memref<1x112xi32, #tpu.memory_space<vmem>> -> memref<112xi32, #tpu.memory_space<vmem>>
    %dma_wait3A_40 = arith.constant 0 : i32
    %dma_wait3A_41 = arith.constant 0 : i32
    %dma_wait3A_42 = tpu.memref_slice %arg2[%dma_wait3A_40, %dma_wait3A_41] : memref<100000x128xi32, #tpu.memory_space<hbm>> -> memref<100000x128xi32, #tpu.memory_space<hbm>>
    tpu.wait_indirect_dma semaphore(%arg13 : memref<!tpu.dma_semaphore, #tpu.memory_space<semaphore_mem>>) src(%dma_wait3A_42 : memref<100000x128xi32, #tpu.memory_space<hbm>>) dst(%arg10 : memref<112x128xi32, #tpu.memory_space<vmem>>)
    %add3A_43 = arith.constant 0 : i32
    %add3A_44 = arith.addi %mul3A_2, %add3A_43 : i32
    %dma_start3A_45 = arith.constant 0 : i32
    %dma_start3A_46 = tpu.memref_slice %arg5[%add3A_44, %dma_start3A_45] : memref<25088x128xi32, #tpu.memory_space<hbm>> -> memref<112x128xi32, #tpu.memory_space<hbm>>
    %dma_start3A_47 = arith.constant 0 : i32
    %dma_start3A_48 = tpu.memref_slice %arg5[%add3A_44, %dma_start3A_47] : memref<25088x128xi32, #tpu.memory_space<hbm>> -> memref<112x128xi32, #tpu.memory_space<hbm>>
    tpu.enqueue_dma source(%arg9 : memref<112x128xi32, #tpu.memory_space<vmem>>) target(%dma_start3A_48 : memref<112x128xi32, #tpu.memory_space<hbm>>) target_semaphore(%arg15 : memref<!tpu.dma_semaphore, #tpu.memory_space<semaphore_mem>>)
    %dma_start3A_49 = arith.constant 0 : i32
    %dma_start3A_50 = tpu.memref_slice %arg6[%add3A_44, %dma_start3A_49] : memref<25088x128xi32, #tpu.memory_space<hbm>> -> memref<112x128xi32, #tpu.memory_space<hbm>>
    %dma_start3A_51 = arith.constant 0 : i32
    %dma_start3A_52 = tpu.memref_slice %arg6[%add3A_44, %dma_start3A_51] : memref<25088x128xi32, #tpu.memory_space<hbm>> -> memref<112x128xi32, #tpu.memory_space<hbm>>
    tpu.enqueue_dma source(%arg10 : memref<112x128xi32, #tpu.memory_space<vmem>>) target(%dma_start3A_52 : memref<112x128xi32, #tpu.memory_space<hbm>>) target_semaphore(%arg15 : memref<!tpu.dma_semaphore, #tpu.memory_space<semaphore_mem>>)
    %dma_wait3A_53 = arith.constant 0 : i32
    %dma_wait3A_54 = arith.constant 0 : i32
    %dma_wait3A_55 = tpu.memref_slice %arg5[%dma_wait3A_53, %dma_wait3A_54] : memref<25088x128xi32, #tpu.memory_space<hbm>> -> memref<112x128xi32, #tpu.memory_space<hbm>>
    %dma_wait3A_56 = arith.constant 0 : i32
    %dma_wait3A_57 = arith.constant 0 : i32
    %dma_wait3A_58 = tpu.memref_slice %arg5[%dma_wait3A_56, %dma_wait3A_57] : memref<25088x128xi32, #tpu.memory_space<hbm>> -> memref<112x128xi32, #tpu.memory_space<hbm>>
    tpu.wait_dma2 semaphore(%arg15 : memref<!tpu.dma_semaphore, #tpu.memory_space<semaphore_mem>>) src(%arg9 : memref<112x128xi32, #tpu.memory_space<vmem>>) dst(%dma_wait3A_58 : memref<112x128xi32, #tpu.memory_space<hbm>>)
    %dma_wait3A_59 = arith.constant 0 : i32
    %dma_wait3A_60 = arith.constant 0 : i32
    %dma_wait3A_61 = tpu.memref_slice %arg6[%dma_wait3A_59, %dma_wait3A_60] : memref<25088x128xi32, #tpu.memory_space<hbm>> -> memref<112x128xi32, #tpu.memory_space<hbm>>
    %dma_wait3A_62 = arith.constant 0 : i32
    %dma_wait3A_63 = arith.constant 0 : i32
    %dma_wait3A_64 = tpu.memref_slice %arg6[%dma_wait3A_62, %dma_wait3A_63] : memref<25088x128xi32, #tpu.memory_space<hbm>> -> memref<112x128xi32, #tpu.memory_space<hbm>>
    tpu.wait_dma2 semaphore(%arg15 : memref<!tpu.dma_semaphore, #tpu.memory_space<semaphore_mem>>) src(%arg10 : memref<112x128xi32, #tpu.memory_space<vmem>>) dst(%dma_wait3A_64 : memref<112x128xi32, #tpu.memory_space<hbm>>)
    %dma_start3A_65 = arith.constant 2 : i32
    %dma_start3A_66 = arith.constant 0 : i32
    %dma_start3A_67 = tpu.memref_slice %arg7[%dma_start3A_65, %dma_start3A_66] : memref<7x112xi32, #tpu.memory_space<vmem>> -> memref<1x112xi32, #tpu.memory_space<vmem>>
    %dma_start3A_68 = tpu.memref_squeeze %dma_start3A_67 : memref<1x112xi32, #tpu.memory_space<vmem>> -> memref<112xi32, #tpu.memory_space<vmem>>
    %dma_start3A_69 = arith.constant 0 : i32
    %dma_start3A_70 = arith.constant 0 : i32
    %dma_start3A_71 = tpu.memref_slice %arg2[%dma_start3A_69, %dma_start3A_70] : memref<100000x128xi32, #tpu.memory_space<hbm>> -> memref<100000x128xi32, #tpu.memory_space<hbm>>
    tpu.enqueue_indirect_dma source(%dma_start3A_71 : memref<100000x128xi32, #tpu.memory_space<hbm>>) target(%arg9 : memref<112x128xi32, #tpu.memory_space<vmem>>) offsets(%dma_start3A_68 : memref<112xi32, #tpu.memory_space<vmem>>) semaphore(%arg13 : memref<!tpu.dma_semaphore, #tpu.memory_space<semaphore_mem>>)
    %dma_start3A_72 = arith.constant 2 : i32
    %dma_start3A_73 = arith.constant 0 : i32
    %dma_start3A_74 = tpu.memref_slice %arg8[%dma_start3A_72, %dma_start3A_73] : memref<7x112xi32, #tpu.memory_space<vmem>> -> memref<1x112xi32, #tpu.memory_space<vmem>>
    %dma_start3A_75 = tpu.memref_squeeze %dma_start3A_74 : memref<1x112xi32, #tpu.memory_space<vmem>> -> memref<112xi32, #tpu.memory_space<vmem>>
    %dma_start3A_76 = arith.constant 0 : i32
    %dma_start3A_77 = arith.constant 0 : i32
    %dma_start3A_78 = tpu.memref_slice %arg2[%dma_start3A_76, %dma_start3A_77] : memref<100000x128xi32, #tpu.memory_space<hbm>> -> memref<100000x128xi32, #tpu.memory_space<hbm>>
    tpu.enqueue_indirect_dma source(%dma_start3A_78 : memref<100000x128xi32, #tpu.memory_space<hbm>>) target(%arg10 : memref<112x128xi32, #tpu.memory_space<vmem>>) offsets(%dma_start3A_75 : memref<112xi32, #tpu.memory_space<vmem>>) semaphore(%arg13 : memref<!tpu.dma_semaphore, #tpu.memory_space<semaphore_mem>>)
    %dma_wait3A_79 = arith.constant 0 : i32
    %dma_wait3A_80 = arith.constant 0 : i32
    %dma_wait3A_81 = tpu.memref_slice %arg7[%dma_wait3A_79, %dma_wait3A_80] : memref<7x112xi32, #tpu.memory_space<vmem>> -> memref<1x112xi32, #tpu.memory_space<vmem>>
    %dma_wait3A_82 = tpu.memref_squeeze %dma_wait3A_81 : memref<1x112xi32, #tpu.memory_space<vmem>> -> memref<112xi32, #tpu.memory_space<vmem>>
    %dma_wait3A_83 = arith.constant 0 : i32
    %dma_wait3A_84 = arith.constant 0 : i32
    %dma_wait3A_85 = tpu.memref_slice %arg2[%dma_wait3A_83, %dma_wait3A_84] : memref<100000x128xi32, #tpu.memory_space<hbm>> -> memref<100000x128xi32, #tpu.memory_space<hbm>>
    tpu.wait_indirect_dma semaphore(%arg14 : memref<!tpu.dma_semaphore, #tpu.memory_space<semaphore_mem>>) src(%dma_wait3A_85 : memref<100000x128xi32, #tpu.memory_space<hbm>>) dst(%arg11 : memref<112x128xi32, #tpu.memory_space<vmem>>)
    %dma_wait3A_86 = arith.constant 0 : i32
    %dma_wait3A_87 = arith.constant 0 : i32
    %dma_wait3A_88 = tpu.memref_slice %arg8[%dma_wait3A_86, %dma_wait3A_87] : memref<7x112xi32, #tpu.memory_space<vmem>> -> memref<1x112xi32, #tpu.memory_space<vmem>>
    %dma_wait3A_89 = tpu.memref_squeeze %dma_wait3A_88 : memref<1x112xi32, #tpu.memory_space<vmem>> -> memref<112xi32, #tpu.memory_space<vmem>>
    %dma_wait3A_90 = arith.constant 0 : i32
    %dma_wait3A_91 = arith.constant 0 : i32
    %dma_wait3A_92 = tpu.memref_slice %arg2[%dma_wait3A_90, %dma_wait3A_91] : memref<100000x128xi32, #tpu.memory_space<hbm>> -> memref<100000x128xi32, #tpu.memory_space<hbm>>
    tpu.wait_indirect_dma semaphore(%arg14 : memref<!tpu.dma_semaphore, #tpu.memory_space<semaphore_mem>>) src(%dma_wait3A_92 : memref<100000x128xi32, #tpu.memory_space<hbm>>) dst(%arg12 : memref<112x128xi32, #tpu.memory_space<vmem>>)
    %add3A_93 = arith.constant 112 : i32
    %add3A_94 = arith.addi %mul3A_2, %add3A_93 : i32
    %dma_start3A_95 = arith.constant 0 : i32
    %dma_start3A_96 = tpu.memref_slice %arg5[%add3A_94, %dma_start3A_95] : memref<25088x128xi32, #tpu.memory_space<hbm>> -> memref<112x128xi32, #tpu.memory_space<hbm>>
    %dma_start3A_97 = arith.constant 0 : i32
    %dma_start3A_98 = tpu.memref_slice %arg5[%add3A_94, %dma_start3A_97] : memref<25088x128xi32, #tpu.memory_space<hbm>> -> memref<112x128xi32, #tpu.memory_space<hbm>>
    tpu.enqueue_dma source(%arg11 : memref<112x128xi32, #tpu.memory_space<vmem>>) target(%dma_start3A_98 : memref<112x128xi32, #tpu.memory_space<hbm>>) target_semaphore(%arg16 : memref<!tpu.dma_semaphore, #tpu.memory_space<semaphore_mem>>)
    %dma_start3A_99 = arith.constant 0 : i32
    %dma_start3A_100 = tpu.memref_slice %arg6[%add3A_94, %dma_start3A_99] : memref<25088x128xi32, #tpu.memory_space<hbm>> -> memref<112x128xi32, #tpu.memory_space<hbm>>
    %dma_start3A_101 = arith.constant 0 : i32
    %dma_start3A_102 = tpu.memref_slice %arg6[%add3A_94, %dma_start3A_101] : memref<25088x128xi32, #tpu.memory_space<hbm>> -> memref<112x128xi32, #tpu.memory_space<hbm>>
    tpu.enqueue_dma source(%arg12 : memref<112x128xi32, #tpu.memory_space<vmem>>) target(%dma_start3A_102 : memref<112x128xi32, #tpu.memory_space<hbm>>) target_semaphore(%arg16 : memref<!tpu.dma_semaphore, #tpu.memory_space<semaphore_mem>>)
    %dma_wait3A_103 = arith.constant 0 : i32
    %dma_wait3A_104 = arith.constant 0 : i32
    %dma_wait3A_105 = tpu.memref_slice %arg5[%dma_wait3A_103, %dma_wait3A_104] : memref<25088x128xi32, #tpu.memory_space<hbm>> -> memref<112x128xi32, #tpu.memory_space<hbm>>
    %dma_wait3A_106 = arith.constant 0 : i32
    %dma_wait3A_107 = arith.constant 0 : i32
    %dma_wait3A_108 = tpu.memref_slice %arg5[%dma_wait3A_106, %dma_wait3A_107] : memref<25088x128xi32, #tpu.memory_space<hbm>> -> memref<112x128xi32, #tpu.memory_space<hbm>>
    tpu.wait_dma2 semaphore(%arg16 : memref<!tpu.dma_semaphore, #tpu.memory_space<semaphore_mem>>) src(%arg11 : memref<112x128xi32, #tpu.memory_space<vmem>>) dst(%dma_wait3A_108 : memref<112x128xi32, #tpu.memory_space<hbm>>)
    %dma_wait3A_109 = arith.constant 0 : i32
    %dma_wait3A_110 = arith.constant 0 : i32
    %dma_wait3A_111 = tpu.memref_slice %arg6[%dma_wait3A_109, %dma_wait3A_110] : memref<25088x128xi32, #tpu.memory_space<hbm>> -> memref<112x128xi32, #tpu.memory_space<hbm>>
    %dma_wait3A_112 = arith.constant 0 : i32
    %dma_wait3A_113 = arith.constant 0 : i32
    %dma_wait3A_114 = tpu.memref_slice %arg6[%dma_wait3A_112, %dma_wait3A_113] : memref<25088x128xi32, #tpu.memory_space<hbm>> -> memref<112x128xi32, #tpu.memory_space<hbm>>
    tpu.wait_dma2 semaphore(%arg16 : memref<!tpu.dma_semaphore, #tpu.memory_space<semaphore_mem>>) src(%arg12 : memref<112x128xi32, #tpu.memory_space<vmem>>) dst(%dma_wait3A_114 : memref<112x128xi32, #tpu.memory_space<hbm>>)
    %dma_start3A_115 = arith.constant 3 : i32
    %dma_start3A_116 = arith.constant 0 : i32
    %dma_start3A_117 = tpu.memref_slice %arg7[%dma_start3A_115, %dma_start3A_116] : memref<7x112xi32, #tpu.memory_space<vmem>> -> memref<1x112xi32, #tpu.memory_space<vmem>>
    %dma_start3A_118 = tpu.memref_squeeze %dma_start3A_117 : memref<1x112xi32, #tpu.memory_space<vmem>> -> memref<112xi32, #tpu.memory_space<vmem>>
    %dma_start3A_119 = arith.constant 0 : i32
    %dma_start3A_120 = arith.constant 0 : i32
    %dma_start3A_121 = tpu.memref_slice %arg2[%dma_start3A_119, %dma_start3A_120] : memref<100000x128xi32, #tpu.memory_space<hbm>> -> memref<100000x128xi32, #tpu.memory_space<hbm>>
    tpu.enqueue_indirect_dma source(%dma_start3A_121 : memref<100000x128xi32, #tpu.memory_space<hbm>>) target(%arg11 : memref<112x128xi32, #tpu.memory_space<vmem>>) offsets(%dma_start3A_118 : memref<112xi32, #tpu.memory_space<vmem>>) semaphore(%arg14 : memref<!tpu.dma_semaphore, #tpu.memory_space<semaphore_mem>>)
    %dma_start3A_122 = arith.constant 3 : i32
    %dma_start3A_123 = arith.constant 0 : i32
    %dma_start3A_124 = tpu.memref_slice %arg8[%dma_start3A_122, %dma_start3A_123] : memref<7x112xi32, #tpu.memory_space<vmem>> -> memref<1x112xi32, #tpu.memory_space<vmem>>
    %dma_start3A_125 = tpu.memref_squeeze %dma_start3A_124 : memref<1x112xi32, #tpu.memory_space<vmem>> -> memref<112xi32, #tpu.memory_space<vmem>>
    %dma_start3A_126 = arith.constant 0 : i32
    %dma_start3A_127 = arith.constant 0 : i32
    %dma_start3A_128 = tpu.memref_slice %arg2[%dma_start3A_126, %dma_start3A_127] : memref<100000x128xi32, #tpu.memory_space<hbm>> -> memref<100000x128xi32, #tpu.memory_space<hbm>>
    tpu.enqueue_indirect_dma source(%dma_start3A_128 : memref<100000x128xi32, #tpu.memory_space<hbm>>) target(%arg12 : memref<112x128xi32, #tpu.memory_space<vmem>>) offsets(%dma_start3A_125 : memref<112xi32, #tpu.memory_space<vmem>>) semaphore(%arg14 : memref<!tpu.dma_semaphore, #tpu.memory_space<semaphore_mem>>)
    %dma_wait3A_129 = arith.constant 0 : i32
    %dma_wait3A_130 = arith.constant 0 : i32
    %dma_wait3A_131 = tpu.memref_slice %arg7[%dma_wait3A_129, %dma_wait3A_130] : memref<7x112xi32, #tpu.memory_space<vmem>> -> memref<1x112xi32, #tpu.memory_space<vmem>>
    %dma_wait3A_132 = tpu.memref_squeeze %dma_wait3A_131 : memref<1x112xi32, #tpu.memory_space<vmem>> -> memref<112xi32, #tpu.memory_space<vmem>>
    %dma_wait3A_133 = arith.constant 0 : i32
    %dma_wait3A_134 = arith.constant 0 : i32
    %dma_wait3A_135 = tpu.memref_slice %arg2[%dma_wait3A_133, %dma_wait3A_134] : memref<100000x128xi32, #tpu.memory_space<hbm>> -> memref<100000x128xi32, #tpu.memory_space<hbm>>
    tpu.wait_indirect_dma semaphore(%arg13 : memref<!tpu.dma_semaphore, #tpu.memory_space<semaphore_mem>>) src(%dma_wait3A_135 : memref<100000x128xi32, #tpu.memory_space<hbm>>) dst(%arg9 : memref<112x128xi32, #tpu.memory_space<vmem>>)
    %dma_wait3A_136 = arith.constant 0 : i32
    %dma_wait3A_137 = arith.constant 0 : i32
    %dma_wait3A_138 = tpu.memref_slice %arg8[%dma_wait3A_136, %dma_wait3A_137] : memref<7x112xi32, #tpu.memory_space<vmem>> -> memref<1x112xi32, #tpu.memory_space<vmem>>
    %dma_wait3A_139 = tpu.memref_squeeze %dma_wait3A_138 : memref<1x112xi32, #tpu.memory_space<vmem>> -> memref<112xi32, #tpu.memory_space<vmem>>
    %dma_wait3A_140 = arith.constant 0 : i32
    %dma_wait3A_141 = arith.constant 0 : i32
    %dma_wait3A_142 = tpu.memref_slice %arg2[%dma_wait3A_140, %dma_wait3A_141] : memref<100000x128xi32, #tpu.memory_space<hbm>> -> memref<100000x128xi32, #tpu.memory_space<hbm>>
    tpu.wait_indirect_dma semaphore(%arg13 : memref<!tpu.dma_semaphore, #tpu.memory_space<semaphore_mem>>) src(%dma_wait3A_142 : memref<100000x128xi32, #tpu.memory_space<hbm>>) dst(%arg10 : memref<112x128xi32, #tpu.memory_space<vmem>>)
    %add3A_143 = arith.constant 224 : i32
    %add3A_144 = arith.addi %mul3A_2, %add3A_143 : i32
    %dma_start3A_145 = arith.constant 0 : i32
    %dma_start3A_146 = tpu.memref_slice %arg5[%add3A_144, %dma_start3A_145] : memref<25088x128xi32, #tpu.memory_space<hbm>> -> memref<112x128xi32, #tpu.memory_space<hbm>>
    %dma_start3A_147 = arith.constant 0 : i32
    %dma_start3A_148 = tpu.memref_slice %arg5[%add3A_144, %dma_start3A_147] : memref<25088x128xi32, #tpu.memory_space<hbm>> -> memref<112x128xi32, #tpu.memory_space<hbm>>
    tpu.enqueue_dma source(%arg9 : memref<112x128xi32, #tpu.memory_space<vmem>>) target(%dma_start3A_148 : memref<112x128xi32, #tpu.memory_space<hbm>>) target_semaphore(%arg15 : memref<!tpu.dma_semaphore, #tpu.memory_space<semaphore_mem>>)
    %dma_start3A_149 = arith.constant 0 : i32
    %dma_start3A_150 = tpu.memref_slice %arg6[%add3A_144, %dma_start3A_149] : memref<25088x128xi32, #tpu.memory_space<hbm>> -> memref<112x128xi32, #tpu.memory_space<hbm>>
    %dma_start3A_151 = arith.constant 0 : i32
    %dma_start3A_152 = tpu.memref_slice %arg6[%add3A_144, %dma_start3A_151] : memref<25088x128xi32, #tpu.memory_space<hbm>> -> memref<112x128xi32, #tpu.memory_space<hbm>>
    tpu.enqueue_dma source(%arg10 : memref<112x128xi32, #tpu.memory_space<vmem>>) target(%dma_start3A_152 : memref<112x128xi32, #tpu.memory_space<hbm>>) target_semaphore(%arg15 : memref<!tpu.dma_semaphore, #tpu.memory_space<semaphore_mem>>)
    %dma_wait3A_153 = arith.constant 0 : i32
    %dma_wait3A_154 = arith.constant 0 : i32
    %dma_wait3A_155 = tpu.memref_slice %arg5[%dma_wait3A_153, %dma_wait3A_154] : memref<25088x128xi32, #tpu.memory_space<hbm>> -> memref<112x128xi32, #tpu.memory_space<hbm>>
    %dma_wait3A_156 = arith.constant 0 : i32
    %dma_wait3A_157 = arith.constant 0 : i32
    %dma_wait3A_158 = tpu.memref_slice %arg5[%dma_wait3A_156, %dma_wait3A_157] : memref<25088x128xi32, #tpu.memory_space<hbm>> -> memref<112x128xi32, #tpu.memory_space<hbm>>
    tpu.wait_dma2 semaphore(%arg15 : memref<!tpu.dma_semaphore, #tpu.memory_space<semaphore_mem>>) src(%arg9 : memref<112x128xi32, #tpu.memory_space<vmem>>) dst(%dma_wait3A_158 : memref<112x128xi32, #tpu.memory_space<hbm>>)
    %dma_wait3A_159 = arith.constant 0 : i32
    %dma_wait3A_160 = arith.constant 0 : i32
    %dma_wait3A_161 = tpu.memref_slice %arg6[%dma_wait3A_159, %dma_wait3A_160] : memref<25088x128xi32, #tpu.memory_space<hbm>> -> memref<112x128xi32, #tpu.memory_space<hbm>>
    %dma_wait3A_162 = arith.constant 0 : i32
    %dma_wait3A_163 = arith.constant 0 : i32
    %dma_wait3A_164 = tpu.memref_slice %arg6[%dma_wait3A_162, %dma_wait3A_163] : memref<25088x128xi32, #tpu.memory_space<hbm>> -> memref<112x128xi32, #tpu.memory_space<hbm>>
    tpu.wait_dma2 semaphore(%arg15 : memref<!tpu.dma_semaphore, #tpu.memory_space<semaphore_mem>>) src(%arg10 : memref<112x128xi32, #tpu.memory_space<vmem>>) dst(%dma_wait3A_164 : memref<112x128xi32, #tpu.memory_space<hbm>>)
    %dma_start3A_165 = arith.constant 4 : i32
    %dma_start3A_166 = arith.constant 0 : i32
    %dma_start3A_167 = tpu.memref_slice %arg7[%dma_start3A_165, %dma_start3A_166] : memref<7x112xi32, #tpu.memory_space<vmem>> -> memref<1x112xi32, #tpu.memory_space<vmem>>
    %dma_start3A_168 = tpu.memref_squeeze %dma_start3A_167 : memref<1x112xi32, #tpu.memory_space<vmem>> -> memref<112xi32, #tpu.memory_space<vmem>>
    %dma_start3A_169 = arith.constant 0 : i32
    %dma_start3A_170 = arith.constant 0 : i32
    %dma_start3A_171 = tpu.memref_slice %arg2[%dma_start3A_169, %dma_start3A_170] : memref<100000x128xi32, #tpu.memory_space<hbm>> -> memref<100000x128xi32, #tpu.memory_space<hbm>>
    tpu.enqueue_indirect_dma source(%dma_start3A_171 : memref<100000x128xi32, #tpu.memory_space<hbm>>) target(%arg9 : memref<112x128xi32, #tpu.memory_space<vmem>>) offsets(%dma_start3A_168 : memref<112xi32, #tpu.memory_space<vmem>>) semaphore(%arg13 : memref<!tpu.dma_semaphore, #tpu.memory_space<semaphore_mem>>)
    %dma_start3A_172 = arith.constant 4 : i32
    %dma_start3A_173 = arith.constant 0 : i32
    %dma_start3A_174 = tpu.memref_slice %arg8[%dma_start3A_172, %dma_start3A_173] : memref<7x112xi32, #tpu.memory_space<vmem>> -> memref<1x112xi32, #tpu.memory_space<vmem>>
    %dma_start3A_175 = tpu.memref_squeeze %dma_start3A_174 : memref<1x112xi32, #tpu.memory_space<vmem>> -> memref<112xi32, #tpu.memory_space<vmem>>
    %dma_start3A_176 = arith.constant 0 : i32
    %dma_start3A_177 = arith.constant 0 : i32
    %dma_start3A_178 = tpu.memref_slice %arg2[%dma_start3A_176, %dma_start3A_177] : memref<100000x128xi32, #tpu.memory_space<hbm>> -> memref<100000x128xi32, #tpu.memory_space<hbm>>
    tpu.enqueue_indirect_dma source(%dma_start3A_178 : memref<100000x128xi32, #tpu.memory_space<hbm>>) target(%arg10 : memref<112x128xi32, #tpu.memory_space<vmem>>) offsets(%dma_start3A_175 : memref<112xi32, #tpu.memory_space<vmem>>) semaphore(%arg13 : memref<!tpu.dma_semaphore, #tpu.memory_space<semaphore_mem>>)
    %dma_wait3A_179 = arith.constant 0 : i32
    %dma_wait3A_180 = arith.constant 0 : i32
    %dma_wait3A_181 = tpu.memref_slice %arg7[%dma_wait3A_179, %dma_wait3A_180] : memref<7x112xi32, #tpu.memory_space<vmem>> -> memref<1x112xi32, #tpu.memory_space<vmem>>
    %dma_wait3A_182 = tpu.memref_squeeze %dma_wait3A_181 : memref<1x112xi32, #tpu.memory_space<vmem>> -> memref<112xi32, #tpu.memory_space<vmem>>
    %dma_wait3A_183 = arith.constant 0 : i32
    %dma_wait3A_184 = arith.constant 0 : i32
    %dma_wait3A_185 = tpu.memref_slice %arg2[%dma_wait3A_183, %dma_wait3A_184] : memref<100000x128xi32, #tpu.memory_space<hbm>> -> memref<100000x128xi32, #tpu.memory_space<hbm>>
    tpu.wait_indirect_dma semaphore(%arg14 : memref<!tpu.dma_semaphore, #tpu.memory_space<semaphore_mem>>) src(%dma_wait3A_185 : memref<100000x128xi32, #tpu.memory_space<hbm>>) dst(%arg11 : memref<112x128xi32, #tpu.memory_space<vmem>>)
    %dma_wait3A_186 = arith.constant 0 : i32
    %dma_wait3A_187 = arith.constant 0 : i32
    %dma_wait3A_188 = tpu.memref_slice %arg8[%dma_wait3A_186, %dma_wait3A_187] : memref<7x112xi32, #tpu.memory_space<vmem>> -> memref<1x112xi32, #tpu.memory_space<vmem>>
    %dma_wait3A_189 = tpu.memref_squeeze %dma_wait3A_188 : memref<1x112xi32, #tpu.memory_space<vmem>> -> memref<112xi32, #tpu.memory_space<vmem>>
    %dma_wait3A_190 = arith.constant 0 : i32
    %dma_wait3A_191 = arith.constant 0 : i32
    %dma_wait3A_192 = tpu.memref_slice %arg2[%dma_wait3A_190, %dma_wait3A_191] : memref<100000x128xi32, #tpu.memory_space<hbm>> -> memref<100000x128xi32, #tpu.memory_space<hbm>>
    tpu.wait_indirect_dma semaphore(%arg14 : memref<!tpu.dma_semaphore, #tpu.memory_space<semaphore_mem>>) src(%dma_wait3A_192 : memref<100000x128xi32, #tpu.memory_space<hbm>>) dst(%arg12 : memref<112x128xi32, #tpu.memory_space<vmem>>)
    %add3A_193 = arith.constant 336 : i32
    %add3A_194 = arith.addi %mul3A_2, %add3A_193 : i32
    %dma_start3A_195 = arith.constant 0 : i32
    %dma_start3A_196 = tpu.memref_slice %arg5[%add3A_194, %dma_start3A_195] : memref<25088x128xi32, #tpu.memory_space<hbm>> -> memref<112x128xi32, #tpu.memory_space<hbm>>
    %dma_start3A_197 = arith.constant 0 : i32
    %dma_start3A_198 = tpu.memref_slice %arg5[%add3A_194, %dma_start3A_197] : memref<25088x128xi32, #tpu.memory_space<hbm>> -> memref<112x128xi32, #tpu.memory_space<hbm>>
    tpu.enqueue_dma source(%arg11 : memref<112x128xi32, #tpu.memory_space<vmem>>) target(%dma_start3A_198 : memref<112x128xi32, #tpu.memory_space<hbm>>) target_semaphore(%arg16 : memref<!tpu.dma_semaphore, #tpu.memory_space<semaphore_mem>>)
    %dma_start3A_199 = arith.constant 0 : i32
    %dma_start3A_200 = tpu.memref_slice %arg6[%add3A_194, %dma_start3A_199] : memref<25088x128xi32, #tpu.memory_space<hbm>> -> memref<112x128xi32, #tpu.memory_space<hbm>>
    %dma_start3A_201 = arith.constant 0 : i32
    %dma_start3A_202 = tpu.memref_slice %arg6[%add3A_194, %dma_start3A_201] : memref<25088x128xi32, #tpu.memory_space<hbm>> -> memref<112x128xi32, #tpu.memory_space<hbm>>
    tpu.enqueue_dma source(%arg12 : memref<112x128xi32, #tpu.memory_space<vmem>>) target(%dma_start3A_202 : memref<112x128xi32, #tpu.memory_space<hbm>>) target_semaphore(%arg16 : memref<!tpu.dma_semaphore, #tpu.memory_space<semaphore_mem>>)
    %dma_wait3A_203 = arith.constant 0 : i32
    %dma_wait3A_204 = arith.constant 0 : i32
    %dma_wait3A_205 = tpu.memref_slice %arg5[%dma_wait3A_203, %dma_wait3A_204] : memref<25088x128xi32, #tpu.memory_space<hbm>> -> memref<112x128xi32, #tpu.memory_space<hbm>>
    %dma_wait3A_206 = arith.constant 0 : i32
    %dma_wait3A_207 = arith.constant 0 : i32
    %dma_wait3A_208 = tpu.memref_slice %arg5[%dma_wait3A_206, %dma_wait3A_207] : memref<25088x128xi32, #tpu.memory_space<hbm>> -> memref<112x128xi32, #tpu.memory_space<hbm>>
    tpu.wait_dma2 semaphore(%arg16 : memref<!tpu.dma_semaphore, #tpu.memory_space<semaphore_mem>>) src(%arg11 : memref<112x128xi32, #tpu.memory_space<vmem>>) dst(%dma_wait3A_208 : memref<112x128xi32, #tpu.memory_space<hbm>>)
    %dma_wait3A_209 = arith.constant 0 : i32
    %dma_wait3A_210 = arith.constant 0 : i32
    %dma_wait3A_211 = tpu.memref_slice %arg6[%dma_wait3A_209, %dma_wait3A_210] : memref<25088x128xi32, #tpu.memory_space<hbm>> -> memref<112x128xi32, #tpu.memory_space<hbm>>
    %dma_wait3A_212 = arith.constant 0 : i32
    %dma_wait3A_213 = arith.constant 0 : i32
    %dma_wait3A_214 = tpu.memref_slice %arg6[%dma_wait3A_212, %dma_wait3A_213] : memref<25088x128xi32, #tpu.memory_space<hbm>> -> memref<112x128xi32, #tpu.memory_space<hbm>>
    tpu.wait_dma2 semaphore(%arg16 : memref<!tpu.dma_semaphore, #tpu.memory_space<semaphore_mem>>) src(%arg12 : memref<112x128xi32, #tpu.memory_space<vmem>>) dst(%dma_wait3A_214 : memref<112x128xi32, #tpu.memory_space<hbm>>)
    %dma_start3A_215 = arith.constant 5 : i32
    %dma_start3A_216 = arith.constant 0 : i32
    %dma_start3A_217 = tpu.memref_slice %arg7[%dma_start3A_215, %dma_start3A_216] : memref<7x112xi32, #tpu.memory_space<vmem>> -> memref<1x112xi32, #tpu.memory_space<vmem>>
    %dma_start3A_218 = tpu.memref_squeeze %dma_start3A_217 : memref<1x112xi32, #tpu.memory_space<vmem>> -> memref<112xi32, #tpu.memory_space<vmem>>
    %dma_start3A_219 = arith.constant 0 : i32
    %dma_start3A_220 = arith.constant 0 : i32
    %dma_start3A_221 = tpu.memref_slice %arg2[%dma_start3A_219, %dma_start3A_220] : memref<100000x128xi32, #tpu.memory_space<hbm>> -> memref<100000x128xi32, #tpu.memory_space<hbm>>
    tpu.enqueue_indirect_dma source(%dma_start3A_221 : memref<100000x128xi32, #tpu.memory_space<hbm>>) target(%arg11 : memref<112x128xi32, #tpu.memory_space<vmem>>) offsets(%dma_start3A_218 : memref<112xi32, #tpu.memory_space<vmem>>) semaphore(%arg14 : memref<!tpu.dma_semaphore, #tpu.memory_space<semaphore_mem>>)
    %dma_start3A_222 = arith.constant 5 : i32
    %dma_start3A_223 = arith.constant 0 : i32
    %dma_start3A_224 = tpu.memref_slice %arg8[%dma_start3A_222, %dma_start3A_223] : memref<7x112xi32, #tpu.memory_space<vmem>> -> memref<1x112xi32, #tpu.memory_space<vmem>>
    %dma_start3A_225 = tpu.memref_squeeze %dma_start3A_224 : memref<1x112xi32, #tpu.memory_space<vmem>> -> memref<112xi32, #tpu.memory_space<vmem>>
    %dma_start3A_226 = arith.constant 0 : i32
    %dma_start3A_227 = arith.constant 0 : i32
    %dma_start3A_228 = tpu.memref_slice %arg2[%dma_start3A_226, %dma_start3A_227] : memref<100000x128xi32, #tpu.memory_space<hbm>> -> memref<100000x128xi32, #tpu.memory_space<hbm>>
    tpu.enqueue_indirect_dma source(%dma_start3A_228 : memref<100000x128xi32, #tpu.memory_space<hbm>>) target(%arg12 : memref<112x128xi32, #tpu.memory_space<vmem>>) offsets(%dma_start3A_225 : memref<112xi32, #tpu.memory_space<vmem>>) semaphore(%arg14 : memref<!tpu.dma_semaphore, #tpu.memory_space<semaphore_mem>>)
    %dma_wait3A_229 = arith.constant 0 : i32
    %dma_wait3A_230 = arith.constant 0 : i32
    %dma_wait3A_231 = tpu.memref_slice %arg7[%dma_wait3A_229, %dma_wait3A_230] : memref<7x112xi32, #tpu.memory_space<vmem>> -> memref<1x112xi32, #tpu.memory_space<vmem>>
    %dma_wait3A_232 = tpu.memref_squeeze %dma_wait3A_231 : memref<1x112xi32, #tpu.memory_space<vmem>> -> memref<112xi32, #tpu.memory_space<vmem>>
    %dma_wait3A_233 = arith.constant 0 : i32
    %dma_wait3A_234 = arith.constant 0 : i32
    %dma_wait3A_235 = tpu.memref_slice %arg2[%dma_wait3A_233, %dma_wait3A_234] : memref<100000x128xi32, #tpu.memory_space<hbm>> -> memref<100000x128xi32, #tpu.memory_space<hbm>>
    tpu.wait_indirect_dma semaphore(%arg13 : memref<!tpu.dma_semaphore, #tpu.memory_space<semaphore_mem>>) src(%dma_wait3A_235 : memref<100000x128xi32, #tpu.memory_space<hbm>>) dst(%arg9 : memref<112x128xi32, #tpu.memory_space<vmem>>)
    %dma_wait3A_236 = arith.constant 0 : i32
    %dma_wait3A_237 = arith.constant 0 : i32
    %dma_wait3A_238 = tpu.memref_slice %arg8[%dma_wait3A_236, %dma_wait3A_237] : memref<7x112xi32, #tpu.memory_space<vmem>> -> memref<1x112xi32, #tpu.memory_space<vmem>>
    %dma_wait3A_239 = tpu.memref_squeeze %dma_wait3A_238 : memref<1x112xi32, #tpu.memory_space<vmem>> -> memref<112xi32, #tpu.memory_space<vmem>>
    %dma_wait3A_240 = arith.constant 0 : i32
    %dma_wait3A_241 = arith.constant 0 : i32
    %dma_wait3A_242 = tpu.memref_slice %arg2[%dma_wait3A_240, %dma_wait3A_241] : memref<100000x128xi32, #tpu.memory_space<hbm>> -> memref<100000x128xi32, #tpu.memory_space<hbm>>
    tpu.wait_indirect_dma semaphore(%arg13 : memref<!tpu.dma_semaphore, #tpu.memory_space<semaphore_mem>>) src(%dma_wait3A_242 : memref<100000x128xi32, #tpu.memory_space<hbm>>) dst(%arg10 : memref<112x128xi32, #tpu.memory_space<vmem>>)
    %add3A_243 = arith.constant 448 : i32
    %add3A_244 = arith.addi %mul3A_2, %add3A_243 : i32
    %dma_start3A_245 = arith.constant 0 : i32
    %dma_start3A_246 = tpu.memref_slice %arg5[%add3A_244, %dma_start3A_245] : memref<25088x128xi32, #tpu.memory_space<hbm>> -> memref<112x128xi32, #tpu.memory_space<hbm>>
    %dma_start3A_247 = arith.constant 0 : i32
    %dma_start3A_248 = tpu.memref_slice %arg5[%add3A_244, %dma_start3A_247] : memref<25088x128xi32, #tpu.memory_space<hbm>> -> memref<112x128xi32, #tpu.memory_space<hbm>>
    tpu.enqueue_dma source(%arg9 : memref<112x128xi32, #tpu.memory_space<vmem>>) target(%dma_start3A_248 : memref<112x128xi32, #tpu.memory_space<hbm>>) target_semaphore(%arg15 : memref<!tpu.dma_semaphore, #tpu.memory_space<semaphore_mem>>)
    %dma_start3A_249 = arith.constant 0 : i32
    %dma_start3A_250 = tpu.memref_slice %arg6[%add3A_244, %dma_start3A_249] : memref<25088x128xi32, #tpu.memory_space<hbm>> -> memref<112x128xi32, #tpu.memory_space<hbm>>
    %dma_start3A_251 = arith.constant 0 : i32
    %dma_start3A_252 = tpu.memref_slice %arg6[%add3A_244, %dma_start3A_251] : memref<25088x128xi32, #tpu.memory_space<hbm>> -> memref<112x128xi32, #tpu.memory_space<hbm>>
    tpu.enqueue_dma source(%arg10 : memref<112x128xi32, #tpu.memory_space<vmem>>) target(%dma_start3A_252 : memref<112x128xi32, #tpu.memory_space<hbm>>) target_semaphore(%arg15 : memref<!tpu.dma_semaphore, #tpu.memory_space<semaphore_mem>>)
    %dma_wait3A_253 = arith.constant 0 : i32
    %dma_wait3A_254 = arith.constant 0 : i32
    %dma_wait3A_255 = tpu.memref_slice %arg5[%dma_wait3A_253, %dma_wait3A_254] : memref<25088x128xi32, #tpu.memory_space<hbm>> -> memref<112x128xi32, #tpu.memory_space<hbm>>
    %dma_wait3A_256 = arith.constant 0 : i32
    %dma_wait3A_257 = arith.constant 0 : i32
    %dma_wait3A_258 = tpu.memref_slice %arg5[%dma_wait3A_256, %dma_wait3A_257] : memref<25088x128xi32, #tpu.memory_space<hbm>> -> memref<112x128xi32, #tpu.memory_space<hbm>>
    tpu.wait_dma2 semaphore(%arg15 : memref<!tpu.dma_semaphore, #tpu.memory_space<semaphore_mem>>) src(%arg9 : memref<112x128xi32, #tpu.memory_space<vmem>>) dst(%dma_wait3A_258 : memref<112x128xi32, #tpu.memory_space<hbm>>)
    %dma_wait3A_259 = arith.constant 0 : i32
    %dma_wait3A_260 = arith.constant 0 : i32
    %dma_wait3A_261 = tpu.memref_slice %arg6[%dma_wait3A_259, %dma_wait3A_260] : memref<25088x128xi32, #tpu.memory_space<hbm>> -> memref<112x128xi32, #tpu.memory_space<hbm>>
    %dma_wait3A_262 = arith.constant 0 : i32
    %dma_wait3A_263 = arith.constant 0 : i32
    %dma_wait3A_264 = tpu.memref_slice %arg6[%dma_wait3A_262, %dma_wait3A_263] : memref<25088x128xi32, #tpu.memory_space<hbm>> -> memref<112x128xi32, #tpu.memory_space<hbm>>
    tpu.wait_dma2 semaphore(%arg15 : memref<!tpu.dma_semaphore, #tpu.memory_space<semaphore_mem>>) src(%arg10 : memref<112x128xi32, #tpu.memory_space<vmem>>) dst(%dma_wait3A_264 : memref<112x128xi32, #tpu.memory_space<hbm>>)
    %dma_start3A_265 = arith.constant 6 : i32
    %dma_start3A_266 = arith.constant 0 : i32
    %dma_start3A_267 = tpu.memref_slice %arg7[%dma_start3A_265, %dma_start3A_266] : memref<7x112xi32, #tpu.memory_space<vmem>> -> memref<1x112xi32, #tpu.memory_space<vmem>>
    %dma_start3A_268 = tpu.memref_squeeze %dma_start3A_267 : memref<1x112xi32, #tpu.memory_space<vmem>> -> memref<112xi32, #tpu.memory_space<vmem>>
    %dma_start3A_269 = arith.constant 0 : i32
    %dma_start3A_270 = arith.constant 0 : i32
    %dma_start3A_271 = tpu.memref_slice %arg2[%dma_start3A_269, %dma_start3A_270] : memref<100000x128xi32, #tpu.memory_space<hbm>> -> memref<100000x128xi32, #tpu.memory_space<hbm>>
    tpu.enqueue_indirect_dma source(%dma_start3A_271 : memref<100000x128xi32, #tpu.memory_space<hbm>>) target(%arg9 : memref<112x128xi32, #tpu.memory_space<vmem>>) offsets(%dma_start3A_268 : memref<112xi32, #tpu.memory_space<vmem>>) semaphore(%arg13 : memref<!tpu.dma_semaphore, #tpu.memory_space<semaphore_mem>>)
    %dma_start3A_272 = arith.constant 6 : i32
    %dma_start3A_273 = arith.constant 0 : i32
    %dma_start3A_274 = tpu.memref_slice %arg8[%dma_start3A_272, %dma_start3A_273] : memref<7x112xi32, #tpu.memory_space<vmem>> -> memref<1x112xi32, #tpu.memory_space<vmem>>
    %dma_start3A_275 = tpu.memref_squeeze %dma_start3A_274 : memref<1x112xi32, #tpu.memory_space<vmem>> -> memref<112xi32, #tpu.memory_space<vmem>>
    %dma_start3A_276 = arith.constant 0 : i32
    %dma_start3A_277 = arith.constant 0 : i32
    %dma_start3A_278 = tpu.memref_slice %arg2[%dma_start3A_276, %dma_start3A_277] : memref<100000x128xi32, #tpu.memory_space<hbm>> -> memref<100000x128xi32, #tpu.memory_space<hbm>>
    tpu.enqueue_indirect_dma source(%dma_start3A_278 : memref<100000x128xi32, #tpu.memory_space<hbm>>) target(%arg10 : memref<112x128xi32, #tpu.memory_space<vmem>>) offsets(%dma_start3A_275 : memref<112xi32, #tpu.memory_space<vmem>>) semaphore(%arg13 : memref<!tpu.dma_semaphore, #tpu.memory_space<semaphore_mem>>)
    %dma_wait3A_279 = arith.constant 0 : i32
    %dma_wait3A_280 = arith.constant 0 : i32
    %dma_wait3A_281 = tpu.memref_slice %arg7[%dma_wait3A_279, %dma_wait3A_280] : memref<7x112xi32, #tpu.memory_space<vmem>> -> memref<1x112xi32, #tpu.memory_space<vmem>>
    %dma_wait3A_282 = tpu.memref_squeeze %dma_wait3A_281 : memref<1x112xi32, #tpu.memory_space<vmem>> -> memref<112xi32, #tpu.memory_space<vmem>>
    %dma_wait3A_283 = arith.constant 0 : i32
    %dma_wait3A_284 = arith.constant 0 : i32
    %dma_wait3A_285 = tpu.memref_slice %arg2[%dma_wait3A_283, %dma_wait3A_284] : memref<100000x128xi32, #tpu.memory_space<hbm>> -> memref<100000x128xi32, #tpu.memory_space<hbm>>
    tpu.wait_indirect_dma semaphore(%arg14 : memref<!tpu.dma_semaphore, #tpu.memory_space<semaphore_mem>>) src(%dma_wait3A_285 : memref<100000x128xi32, #tpu.memory_space<hbm>>) dst(%arg11 : memref<112x128xi32, #tpu.memory_space<vmem>>)
    %dma_wait3A_286 = arith.constant 0 : i32
    %dma_wait3A_287 = arith.constant 0 : i32
    %dma_wait3A_288 = tpu.memref_slice %arg8[%dma_wait3A_286, %dma_wait3A_287] : memref<7x112xi32, #tpu.memory_space<vmem>> -> memref<1x112xi32, #tpu.memory_space<vmem>>
    %dma_wait3A_289 = tpu.memref_squeeze %dma_wait3A_288 : memref<1x112xi32, #tpu.memory_space<vmem>> -> memref<112xi32, #tpu.memory_space<vmem>>
    %dma_wait3A_290 = arith.constant 0 : i32
    %dma_wait3A_291 = arith.constant 0 : i32
    %dma_wait3A_292 = tpu.memref_slice %arg2[%dma_wait3A_290, %dma_wait3A_291] : memref<100000x128xi32, #tpu.memory_space<hbm>> -> memref<100000x128xi32, #tpu.memory_space<hbm>>
    tpu.wait_indirect_dma semaphore(%arg14 : memref<!tpu.dma_semaphore, #tpu.memory_space<semaphore_mem>>) src(%dma_wait3A_292 : memref<100000x128xi32, #tpu.memory_space<hbm>>) dst(%arg12 : memref<112x128xi32, #tpu.memory_space<vmem>>)
    %add3A_293 = arith.constant 560 : i32
    %add3A_294 = arith.addi %mul3A_2, %add3A_293 : i32
    %dma_start3A_295 = arith.constant 0 : i32
    %dma_start3A_296 = tpu.memref_slice %arg5[%add3A_294, %dma_start3A_295] : memref<25088x128xi32, #tpu.memory_space<hbm>> -> memref<112x128xi32, #tpu.memory_space<hbm>>
    %dma_start3A_297 = arith.constant 0 : i32
    %dma_start3A_298 = tpu.memref_slice %arg5[%add3A_294, %dma_start3A_297] : memref<25088x128xi32, #tpu.memory_space<hbm>> -> memref<112x128xi32, #tpu.memory_space<hbm>>
    tpu.enqueue_dma source(%arg11 : memref<112x128xi32, #tpu.memory_space<vmem>>) target(%dma_start3A_298 : memref<112x128xi32, #tpu.memory_space<hbm>>) target_semaphore(%arg16 : memref<!tpu.dma_semaphore, #tpu.memory_space<semaphore_mem>>)
    %dma_start3A_299 = arith.constant 0 : i32
    %dma_start3A_300 = tpu.memref_slice %arg6[%add3A_294, %dma_start3A_299] : memref<25088x128xi32, #tpu.memory_space<hbm>> -> memref<112x128xi32, #tpu.memory_space<hbm>>
    %dma_start3A_301 = arith.constant 0 : i32
    %dma_start3A_302 = tpu.memref_slice %arg6[%add3A_294, %dma_start3A_301] : memref<25088x128xi32, #tpu.memory_space<hbm>> -> memref<112x128xi32, #tpu.memory_space<hbm>>
    tpu.enqueue_dma source(%arg12 : memref<112x128xi32, #tpu.memory_space<vmem>>) target(%dma_start3A_302 : memref<112x128xi32, #tpu.memory_space<hbm>>) target_semaphore(%arg16 : memref<!tpu.dma_semaphore, #tpu.memory_space<semaphore_mem>>)
    %dma_wait3A_303 = arith.constant 0 : i32
    %dma_wait3A_304 = arith.constant 0 : i32
    %dma_wait3A_305 = tpu.memref_slice %arg7[%dma_wait3A_303, %dma_wait3A_304] : memref<7x112xi32, #tpu.memory_space<vmem>> -> memref<1x112xi32, #tpu.memory_space<vmem>>
    %dma_wait3A_306 = tpu.memref_squeeze %dma_wait3A_305 : memref<1x112xi32, #tpu.memory_space<vmem>> -> memref<112xi32, #tpu.memory_space<vmem>>
    %dma_wait3A_307 = arith.constant 0 : i32
    %dma_wait3A_308 = arith.constant 0 : i32
    %dma_wait3A_309 = tpu.memref_slice %arg2[%dma_wait3A_307, %dma_wait3A_308] : memref<100000x128xi32, #tpu.memory_space<hbm>> -> memref<100000x128xi32, #tpu.memory_space<hbm>>
    tpu.wait_indirect_dma semaphore(%arg13 : memref<!tpu.dma_semaphore, #tpu.memory_space<semaphore_mem>>) src(%dma_wait3A_309 : memref<100000x128xi32, #tpu.memory_space<hbm>>) dst(%arg9 : memref<112x128xi32, #tpu.memory_space<vmem>>)
    %dma_wait3A_310 = arith.constant 0 : i32
    %dma_wait3A_311 = arith.constant 0 : i32
    %dma_wait3A_312 = tpu.memref_slice %arg8[%dma_wait3A_310, %dma_wait3A_311] : memref<7x112xi32, #tpu.memory_space<vmem>> -> memref<1x112xi32, #tpu.memory_space<vmem>>
    %dma_wait3A_313 = tpu.memref_squeeze %dma_wait3A_312 : memref<1x112xi32, #tpu.memory_space<vmem>> -> memref<112xi32, #tpu.memory_space<vmem>>
    %dma_wait3A_314 = arith.constant 0 : i32
    %dma_wait3A_315 = arith.constant 0 : i32
    %dma_wait3A_316 = tpu.memref_slice %arg2[%dma_wait3A_314, %dma_wait3A_315] : memref<100000x128xi32, #tpu.memory_space<hbm>> -> memref<100000x128xi32, #tpu.memory_space<hbm>>
    tpu.wait_indirect_dma semaphore(%arg13 : memref<!tpu.dma_semaphore, #tpu.memory_space<semaphore_mem>>) src(%dma_wait3A_316 : memref<100000x128xi32, #tpu.memory_space<hbm>>) dst(%arg10 : memref<112x128xi32, #tpu.memory_space<vmem>>)
    %add3A_317 = arith.constant 672 : i32
    %add3A_318 = arith.addi %mul3A_2, %add3A_317 : i32
    %dma_start3A_319 = arith.constant 0 : i32
    %dma_start3A_320 = tpu.memref_slice %arg5[%add3A_318, %dma_start3A_319] : memref<25088x128xi32, #tpu.memory_space<hbm>> -> memref<112x128xi32, #tpu.memory_space<hbm>>
    %dma_start3A_321 = arith.constant 0 : i32
    %dma_start3A_322 = tpu.memref_slice %arg5[%add3A_318, %dma_start3A_321] : memref<25088x128xi32, #tpu.memory_space<hbm>> -> memref<112x128xi32, #tpu.memory_space<hbm>>
    tpu.enqueue_dma source(%arg9 : memref<112x128xi32, #tpu.memory_space<vmem>>) target(%dma_start3A_322 : memref<112x128xi32, #tpu.memory_space<hbm>>) target_semaphore(%arg15 : memref<!tpu.dma_semaphore, #tpu.memory_space<semaphore_mem>>)
    %dma_start3A_323 = arith.constant 0 : i32
    %dma_start3A_324 = tpu.memref_slice %arg6[%add3A_318, %dma_start3A_323] : memref<25088x128xi32, #tpu.memory_space<hbm>> -> memref<112x128xi32, #tpu.memory_space<hbm>>
    %dma_start3A_325 = arith.constant 0 : i32
    %dma_start3A_326 = tpu.memref_slice %arg6[%add3A_318, %dma_start3A_325] : memref<25088x128xi32, #tpu.memory_space<hbm>> -> memref<112x128xi32, #tpu.memory_space<hbm>>
    tpu.enqueue_dma source(%arg10 : memref<112x128xi32, #tpu.memory_space<vmem>>) target(%dma_start3A_326 : memref<112x128xi32, #tpu.memory_space<hbm>>) target_semaphore(%arg15 : memref<!tpu.dma_semaphore, #tpu.memory_space<semaphore_mem>>)
    %dma_wait3A_327 = arith.constant 0 : i32
    %dma_wait3A_328 = arith.constant 0 : i32
    %dma_wait3A_329 = tpu.memref_slice %arg5[%dma_wait3A_327, %dma_wait3A_328] : memref<25088x128xi32, #tpu.memory_space<hbm>> -> memref<112x128xi32, #tpu.memory_space<hbm>>
    %dma_wait3A_330 = arith.constant 0 : i32
    %dma_wait3A_331 = arith.constant 0 : i32
    %dma_wait3A_332 = tpu.memref_slice %arg5[%dma_wait3A_330, %dma_wait3A_331] : memref<25088x128xi32, #tpu.memory_space<hbm>> -> memref<112x128xi32, #tpu.memory_space<hbm>>
    tpu.wait_dma2 semaphore(%arg16 : memref<!tpu.dma_semaphore, #tpu.memory_space<semaphore_mem>>) src(%arg11 : memref<112x128xi32, #tpu.memory_space<vmem>>) dst(%dma_wait3A_332 : memref<112x128xi32, #tpu.memory_space<hbm>>)
    %dma_wait3A_333 = arith.constant 0 : i32
    %dma_wait3A_334 = arith.constant 0 : i32
    %dma_wait3A_335 = tpu.memref_slice %arg6[%dma_wait3A_333, %dma_wait3A_334] : memref<25088x128xi32, #tpu.memory_space<hbm>> -> memref<112x128xi32, #tpu.memory_space<hbm>>
    %dma_wait3A_336 = arith.constant 0 : i32
    %dma_wait3A_337 = arith.constant 0 : i32
    %dma_wait3A_338 = tpu.memref_slice %arg6[%dma_wait3A_336, %dma_wait3A_337] : memref<25088x128xi32, #tpu.memory_space<hbm>> -> memref<112x128xi32, #tpu.memory_space<hbm>>
    tpu.wait_dma2 semaphore(%arg16 : memref<!tpu.dma_semaphore, #tpu.memory_space<semaphore_mem>>) src(%arg12 : memref<112x128xi32, #tpu.memory_space<vmem>>) dst(%dma_wait3A_338 : memref<112x128xi32, #tpu.memory_space<hbm>>)
    %dma_wait3A_339 = arith.constant 0 : i32
    %dma_wait3A_340 = arith.constant 0 : i32
    %dma_wait3A_341 = tpu.memref_slice %arg5[%dma_wait3A_339, %dma_wait3A_340] : memref<25088x128xi32, #tpu.memory_space<hbm>> -> memref<112x128xi32, #tpu.memory_space<hbm>>
    %dma_wait3A_342 = arith.constant 0 : i32
    %dma_wait3A_343 = arith.constant 0 : i32
    %dma_wait3A_344 = tpu.memref_slice %arg5[%dma_wait3A_342, %dma_wait3A_343] : memref<25088x128xi32, #tpu.memory_space<hbm>> -> memref<112x128xi32, #tpu.memory_space<hbm>>
    tpu.wait_dma2 semaphore(%arg15 : memref<!tpu.dma_semaphore, #tpu.memory_space<semaphore_mem>>) src(%arg9 : memref<112x128xi32, #tpu.memory_space<vmem>>) dst(%dma_wait3A_344 : memref<112x128xi32, #tpu.memory_space<hbm>>)
    %dma_wait3A_345 = arith.constant 0 : i32
    %dma_wait3A_346 = arith.constant 0 : i32
    %dma_wait3A_347 = tpu.memref_slice %arg6[%dma_wait3A_345, %dma_wait3A_346] : memref<25088x128xi32, #tpu.memory_space<hbm>> -> memref<112x128xi32, #tpu.memory_space<hbm>>
    %dma_wait3A_348 = arith.constant 0 : i32
    %dma_wait3A_349 = arith.constant 0 : i32
    %dma_wait3A_350 = tpu.memref_slice %arg6[%dma_wait3A_348, %dma_wait3A_349] : memref<25088x128xi32, #tpu.memory_space<hbm>> -> memref<112x128xi32, #tpu.memory_space<hbm>>
    tpu.wait_dma2 semaphore(%arg15 : memref<!tpu.dma_semaphore, #tpu.memory_space<semaphore_mem>>) src(%arg10 : memref<112x128xi32, #tpu.memory_space<vmem>>) dst(%dma_wait3A_350 : memref<112x128xi32, #tpu.memory_space<hbm>>)
    return
  }
}

#map = affine_map<(d0, d1) -> (0, 0)>
#map1 = affine_map<(d0, d1) -> (0, 0, 0)>
module attributes {stable_mosaic.version = 14 : i64} {
  func.func @sc_gather(%arg0: i32, %arg1: i32, %arg2: memref<100000x128xi32, #tpu.memory_space<hbm>>, %arg3: memref<32x7x112xi32, #tpu.memory_space<hbm>>, %arg4: memref<32x7x112xi32, #tpu.memory_space<hbm>>, %arg5: memref<25088x128xi32, #tpu.memory_space<hbm>>, %arg6: memref<25088x128xi32, #tpu.memory_space<hbm>>, %arg7: memref<7x112xi32, #tpu.memory_space<vmem>>, %arg8: memref<7x112xi32, #tpu.memory_space<vmem>>, %arg9: memref<112x128xi32, #tpu.memory_space<vmem>>, %arg10: memref<112x128xi32, #tpu.memory_space<vmem>>, %arg11: memref<112x128xi32, #tpu.memory_space<vmem>>, %arg12: memref<112x128xi32, #tpu.memory_space<vmem>>, %arg13: memref<!tpu.dma_semaphore, #tpu.memory_space<semaphore_mem>>, %arg14: memref<!tpu.dma_semaphore, #tpu.memory_space<semaphore_mem>>, %arg15: memref<!tpu.dma_semaphore, #tpu.memory_space<semaphore_mem>>, %arg16: memref<!tpu.dma_semaphore, #tpu.memory_space<semaphore_mem>>) attributes {dimension_semantics = [#tpu.dimension_semantics<core_parallel>, #tpu.dimension_semantics<subcore_parallel>], iteration_bounds = array<i64: 2, 16>, scalar_prefetch = 0 : i64, scratch_operands = 10 : i64, tpu.core_type = #tpu.core_type<sc_vector_subcore>, window_params = [{transform_indices = #map}, {transform_indices = #map1}, {transform_indices = #map1}, {transform_indices = #map}, {transform_indices = #map}]} {
    %mul3A = arith.constant 2 : i32
    %mul3A_0 = arith.muli %arg1, %mul3A : i32
    %add3A = arith.addi %mul3A_0, %arg0 : i32
    %mul3A_1 = arith.constant 784 : i32
    %mul3A_2 = arith.muli %add3A, %mul3A_1 : i32
    "tpu.region"() ({
      %run_scoped3A = tpu.sem_alloc : memref<!tpu.dma_semaphore, #tpu.memory_space<semaphore_mem>>
      %dma_start3A_351 = arith.constant 0 : i32
      %dma_start3A_352 = arith.constant 0 : i32
      %dma_start3A_353 = tpu.memref_slice %arg3[%add3A, %dma_start3A_351, %dma_start3A_352] : memref<32x7x112xi32, #tpu.memory_space<hbm>> -> memref<1x7x112xi32, #tpu.memory_space<hbm>>
      %dma_start3A_354 = tpu.memref_squeeze %dma_start3A_353 : memref<1x7x112xi32, #tpu.memory_space<hbm>> -> memref<7x112xi32, #tpu.memory_space<hbm>>
      %dma_start3A_355 = arith.constant 0 : i32
      %dma_start3A_356 = arith.constant 0 : i32
      %dma_start3A_357 = tpu.memref_slice %arg3[%add3A, %dma_start3A_355, %dma_start3A_356] : memref<32x7x112xi32, #tpu.memory_space<hbm>> -> memref<1x7x112xi32, #tpu.memory_space<hbm>>
      %dma_start3A_358 = tpu.memref_squeeze %dma_start3A_357 : memref<1x7x112xi32, #tpu.memory_space<hbm>> -> memref<7x112xi32, #tpu.memory_space<hbm>>
      tpu.enqueue_dma source(%dma_start3A_358 : memref<7x112xi32, #tpu.memory_space<hbm>>) target(%arg7 : memref<7x112xi32, #tpu.memory_space<vmem>>) target_semaphore(%run_scoped3A : memref<!tpu.dma_semaphore, #tpu.memory_space<semaphore_mem>>)
      %dma_wait3A_359 = arith.constant 0 : i32
      %dma_wait3A_360 = arith.constant 0 : i32
      %dma_wait3A_361 = tpu.memref_slice %arg3[%add3A, %dma_wait3A_359, %dma_wait3A_360] : memref<32x7x112xi32, #tpu.memory_space<hbm>> -> memref<1x7x112xi32, #tpu.memory_space<hbm>>
      %dma_wait3A_362 = tpu.memref_squeeze %dma_wait3A_361 : memref<1x7x112xi32, #tpu.memory_space<hbm>> -> memref<7x112xi32, #tpu.memory_space<hbm>>
      %dma_wait3A_363 = arith.constant 0 : i32
      %dma_wait3A_364 = arith.constant 0 : i32
      %dma_wait3A_365 = tpu.memref_slice %arg3[%add3A, %dma_wait3A_363, %dma_wait3A_364] : memref<32x7x112xi32, #tpu.memory_space<hbm>> -> memref<1x7x112xi32, #tpu.memory_space<hbm>>
      %dma_wait3A_366 = tpu.memref_squeeze %dma_wait3A_365 : memref<1x7x112xi32, #tpu.memory_space<hbm>> -> memref<7x112xi32, #tpu.memory_space<hbm>>
      tpu.wait_dma2 semaphore(%run_scoped3A : memref<!tpu.dma_semaphore, #tpu.memory_space<semaphore_mem>>) src(%dma_wait3A_366 : memref<7x112xi32, #tpu.memory_space<hbm>>) dst(%arg7 : memref<7x112xi32, #tpu.memory_space<vmem>>)
      tpu.yield
    }) : () -> ()
    "tpu.region"() ({
      %run_scoped3A = tpu.sem_alloc : memref<!tpu.dma_semaphore, #tpu.memory_space<semaphore_mem>>
      %dma_start3A_351 = arith.constant 0 : i32
      %dma_start3A_352 = arith.constant 0 : i32
      %dma_start3A_353 = tpu.memref_slice %arg4[%add3A, %dma_start3A_351, %dma_start3A_352] : memref<32x7x112xi32, #tpu.memory_space<hbm>> -> memref<1x7x112xi32, #tpu.memory_space<hbm>>
      %dma_start3A_354 = tpu.memref_squeeze %dma_start3A_353 : memref<1x7x112xi32, #tpu.memory_space<hbm>> -> memref<7x112xi32, #tpu.memory_space<hbm>>
      %dma_start3A_355 = arith.constant 0 : i32
      %dma_start3A_356 = arith.constant 0 : i32
      %dma_start3A_357 = tpu.memref_slice %arg4[%add3A, %dma_start3A_355, %dma_start3A_356] : memref<32x7x112xi32, #tpu.memory_space<hbm>> -> memref<1x7x112xi32, #tpu.memory_space<hbm>>
      %dma_start3A_358 = tpu.memref_squeeze %dma_start3A_357 : memref<1x7x112xi32, #tpu.memory_space<hbm>> -> memref<7x112xi32, #tpu.memory_space<hbm>>
      tpu.enqueue_dma source(%dma_start3A_358 : memref<7x112xi32, #tpu.memory_space<hbm>>) target(%arg8 : memref<7x112xi32, #tpu.memory_space<vmem>>) target_semaphore(%run_scoped3A : memref<!tpu.dma_semaphore, #tpu.memory_space<semaphore_mem>>)
      %dma_wait3A_359 = arith.constant 0 : i32
      %dma_wait3A_360 = arith.constant 0 : i32
      %dma_wait3A_361 = tpu.memref_slice %arg4[%add3A, %dma_wait3A_359, %dma_wait3A_360] : memref<32x7x112xi32, #tpu.memory_space<hbm>> -> memref<1x7x112xi32, #tpu.memory_space<hbm>>
      %dma_wait3A_362 = tpu.memref_squeeze %dma_wait3A_361 : memref<1x7x112xi32, #tpu.memory_space<hbm>> -> memref<7x112xi32, #tpu.memory_space<hbm>>
      %dma_wait3A_363 = arith.constant 0 : i32
      %dma_wait3A_364 = arith.constant 0 : i32
      %dma_wait3A_365 = tpu.memref_slice %arg4[%add3A, %dma_wait3A_363, %dma_wait3A_364] : memref<32x7x112xi32, #tpu.memory_space<hbm>> -> memref<1x7x112xi32, #tpu.memory_space<hbm>>
      %dma_wait3A_366 = tpu.memref_squeeze %dma_wait3A_365 : memref<1x7x112xi32, #tpu.memory_space<hbm>> -> memref<7x112xi32, #tpu.memory_space<hbm>>
      tpu.wait_dma2 semaphore(%run_scoped3A : memref<!tpu.dma_semaphore, #tpu.memory_space<semaphore_mem>>) src(%dma_wait3A_366 : memref<7x112xi32, #tpu.memory_space<hbm>>) dst(%arg8 : memref<7x112xi32, #tpu.memory_space<vmem>>)
      tpu.yield
    }) : () -> ()
    %dma_start3A = arith.constant 0 : i32
    %dma_start3A_3 = arith.constant 0 : i32
    %dma_start3A_4 = tpu.memref_slice %arg7[%dma_start3A, %dma_start3A_3] : memref<7x112xi32, #tpu.memory_space<vmem>> -> memref<1x112xi32, #tpu.memory_space<vmem>>
    %dma_start3A_5 = tpu.memref_squeeze %dma_start3A_4 : memref<1x112xi32, #tpu.memory_space<vmem>> -> memref<112xi32, #tpu.memory_space<vmem>>
    %dma_start3A_6 = arith.constant 0 : i32
    %dma_start3A_7 = arith.constant 0 : i32
    %dma_start3A_8 = tpu.memref_slice %arg2[%dma_start3A_6, %dma_start3A_7] : memref<100000x128xi32, #tpu.memory_space<hbm>> -> memref<100000x128xi32, #tpu.memory_space<hbm>>
    tpu.enqueue_indirect_dma source(%dma_start3A_8 : memref<100000x128xi32, #tpu.memory_space<hbm>>) target(%arg9 : memref<112x128xi32, #tpu.memory_space<vmem>>) offsets(%dma_start3A_5 : memref<112xi32, #tpu.memory_space<vmem>>) semaphore(%arg13 : memref<!tpu.dma_semaphore, #tpu.memory_space<semaphore_mem>>)
    %dma_start3A_9 = arith.constant 0 : i32
    %dma_start3A_10 = arith.constant 0 : i32
    %dma_start3A_11 = tpu.memref_slice %arg8[%dma_start3A_9, %dma_start3A_10] : memref<7x112xi32, #tpu.memory_space<vmem>> -> memref<1x112xi32, #tpu.memory_space<vmem>>
    %dma_start3A_12 = tpu.memref_squeeze %dma_start3A_11 : memref<1x112xi32, #tpu.memory_space<vmem>> -> memref<112xi32, #tpu.memory_space<vmem>>
    %dma_start3A_13 = arith.constant 0 : i32
    %dma_start3A_14 = arith.constant 0 : i32
    %dma_start3A_15 = tpu.memref_slice %arg2[%dma_start3A_13, %dma_start3A_14] : memref<100000x128xi32, #tpu.memory_space<hbm>> -> memref<100000x128xi32, #tpu.memory_space<hbm>>
    tpu.enqueue_indirect_dma source(%dma_start3A_15 : memref<100000x128xi32, #tpu.memory_space<hbm>>) target(%arg10 : memref<112x128xi32, #tpu.memory_space<vmem>>) offsets(%dma_start3A_12 : memref<112xi32, #tpu.memory_space<vmem>>) semaphore(%arg13 : memref<!tpu.dma_semaphore, #tpu.memory_space<semaphore_mem>>)
    %dma_start3A_16 = arith.constant 1 : i32
    %dma_start3A_17 = arith.constant 0 : i32
    %dma_start3A_18 = tpu.memref_slice %arg7[%dma_start3A_16, %dma_start3A_17] : memref<7x112xi32, #tpu.memory_space<vmem>> -> memref<1x112xi32, #tpu.memory_space<vmem>>
    %dma_start3A_19 = tpu.memref_squeeze %dma_start3A_18 : memref<1x112xi32, #tpu.memory_space<vmem>> -> memref<112xi32, #tpu.memory_space<vmem>>
    %dma_start3A_20 = arith.constant 0 : i32
    %dma_start3A_21 = arith.constant 0 : i32
    %dma_start3A_22 = tpu.memref_slice %arg2[%dma_start3A_20, %dma_start3A_21] : memref<100000x128xi32, #tpu.memory_space<hbm>> -> memref<100000x128xi32, #tpu.memory_space<hbm>>
    tpu.enqueue_indirect_dma source(%dma_start3A_22 : memref<100000x128xi32, #tpu.memory_space<hbm>>) target(%arg11 : memref<112x128xi32, #tpu.memory_space<vmem>>) offsets(%dma_start3A_19 : memref<112xi32, #tpu.memory_space<vmem>>) semaphore(%arg14 : memref<!tpu.dma_semaphore, #tpu.memory_space<semaphore_mem>>)
    %dma_start3A_23 = arith.constant 1 : i32
    %dma_start3A_24 = arith.constant 0 : i32
    %dma_start3A_25 = tpu.memref_slice %arg8[%dma_start3A_23, %dma_start3A_24] : memref<7x112xi32, #tpu.memory_space<vmem>> -> memref<1x112xi32, #tpu.memory_space<vmem>>
    %dma_start3A_26 = tpu.memref_squeeze %dma_start3A_25 : memref<1x112xi32, #tpu.memory_space<vmem>> -> memref<112xi32, #tpu.memory_space<vmem>>
    %dma_start3A_27 = arith.constant 0 : i32
    %dma_start3A_28 = arith.constant 0 : i32
    %dma_start3A_29 = tpu.memref_slice %arg2[%dma_start3A_27, %dma_start3A_28] : memref<100000x128xi32, #tpu.memory_space<hbm>> -> memref<100000x128xi32, #tpu.memory_space<hbm>>
    tpu.enqueue_indirect_dma source(%dma_start3A_29 : memref<100000x128xi32, #tpu.memory_space<hbm>>) target(%arg12 : memref<112x128xi32, #tpu.memory_space<vmem>>) offsets(%dma_start3A_26 : memref<112xi32, #tpu.memory_space<vmem>>) semaphore(%arg14 : memref<!tpu.dma_semaphore, #tpu.memory_space<semaphore_mem>>)
    %dma_wait3A = arith.constant 0 : i32
    %dma_wait3A_30 = arith.constant 0 : i32
    %dma_wait3A_31 = tpu.memref_slice %arg7[%dma_wait3A, %dma_wait3A_30] : memref<7x112xi32, #tpu.memory_space<vmem>> -> memref<1x112xi32, #tpu.memory_space<vmem>>
    %dma_wait3A_32 = tpu.memref_squeeze %dma_wait3A_31 : memref<1x112xi32, #tpu.memory_space<vmem>> -> memref<112xi32, #tpu.memory_space<vmem>>
    %dma_wait3A_33 = arith.constant 0 : i32
    %dma_wait3A_34 = arith.constant 0 : i32
    %dma_wait3A_35 = tpu.memref_slice %arg2[%dma_wait3A_33, %dma_wait3A_34] : memref<100000x128xi32, #tpu.memory_space<hbm>> -> memref<100000x128xi32, #tpu.memory_space<hbm>>
    tpu.wait_indirect_dma semaphore(%arg13 : memref<!tpu.dma_semaphore, #tpu.memory_space<semaphore_mem>>) src(%dma_wait3A_35 : memref<100000x128xi32, #tpu.memory_space<hbm>>) dst(%arg9 : memref<112x128xi32, #tpu.memory_space<vmem>>)
    %dma_wait3A_36 = arith.constant 0 : i32
    %dma_wait3A_37 = arith.constant 0 : i32
    %dma_wait3A_38 = tpu.memref_slice %arg8[%dma_wait3A_36, %dma_wait3A_37] : memref<7x112xi32, #tpu.memory_space<vmem>> -> memref<1x112xi32, #tpu.memory_space<vmem>>
    %dma_wait3A_39 = tpu.memref_squeeze %dma_wait3A_38 : memref<1x112xi32, #tpu.memory_space<vmem>> -> memref<112xi32, #tpu.memory_space<vmem>>
    %dma_wait3A_40 = arith.constant 0 : i32
    %dma_wait3A_41 = arith.constant 0 : i32
    %dma_wait3A_42 = tpu.memref_slice %arg2[%dma_wait3A_40, %dma_wait3A_41] : memref<100000x128xi32, #tpu.memory_space<hbm>> -> memref<100000x128xi32, #tpu.memory_space<hbm>>
    tpu.wait_indirect_dma semaphore(%arg13 : memref<!tpu.dma_semaphore, #tpu.memory_space<semaphore_mem>>) src(%dma_wait3A_42 : memref<100000x128xi32, #tpu.memory_space<hbm>>) dst(%arg10 : memref<112x128xi32, #tpu.memory_space<vmem>>)
    %add3A_43 = arith.constant 0 : i32
    %add3A_44 = arith.addi %mul3A_2, %add3A_43 : i32
    %dma_start3A_45 = arith.constant 0 : i32
    %dma_start3A_46 = tpu.memref_slice %arg5[%add3A_44, %dma_start3A_45] : memref<25088x128xi32, #tpu.memory_space<hbm>> -> memref<112x128xi32, #tpu.memory_space<hbm>>
    %dma_start3A_47 = arith.constant 0 : i32
    %dma_start3A_48 = tpu.memref_slice %arg5[%add3A_44, %dma_start3A_47] : memref<25088x128xi32, #tpu.memory_space<hbm>> -> memref<112x128xi32, #tpu.memory_space<hbm>>
    tpu.enqueue_dma source(%arg9 : memref<112x128xi32, #tpu.memory_space<vmem>>) target(%dma_start3A_48 : memref<112x128xi32, #tpu.memory_space<hbm>>) target_semaphore(%arg15 : memref<!tpu.dma_semaphore, #tpu.memory_space<semaphore_mem>>)
    %dma_start3A_49 = arith.constant 0 : i32
    %dma_start3A_50 = tpu.memref_slice %arg6[%add3A_44, %dma_start3A_49] : memref<25088x128xi32, #tpu.memory_space<hbm>> -> memref<112x128xi32, #tpu.memory_space<hbm>>
    %dma_start3A_51 = arith.constant 0 : i32
    %dma_start3A_52 = tpu.memref_slice %arg6[%add3A_44, %dma_start3A_51] : memref<25088x128xi32, #tpu.memory_space<hbm>> -> memref<112x128xi32, #tpu.memory_space<hbm>>
    tpu.enqueue_dma source(%arg10 : memref<112x128xi32, #tpu.memory_space<vmem>>) target(%dma_start3A_52 : memref<112x128xi32, #tpu.memory_space<hbm>>) target_semaphore(%arg15 : memref<!tpu.dma_semaphore, #tpu.memory_space<semaphore_mem>>)
    %dma_wait3A_53 = arith.constant 0 : i32
    %dma_wait3A_54 = arith.constant 0 : i32
    %dma_wait3A_55 = tpu.memref_slice %arg5[%dma_wait3A_53, %dma_wait3A_54] : memref<25088x128xi32, #tpu.memory_space<hbm>> -> memref<112x128xi32, #tpu.memory_space<hbm>>
    %dma_wait3A_56 = arith.constant 0 : i32
    %dma_wait3A_57 = arith.constant 0 : i32
    %dma_wait3A_58 = tpu.memref_slice %arg5[%dma_wait3A_56, %dma_wait3A_57] : memref<25088x128xi32, #tpu.memory_space<hbm>> -> memref<112x128xi32, #tpu.memory_space<hbm>>
    tpu.wait_dma2 semaphore(%arg15 : memref<!tpu.dma_semaphore, #tpu.memory_space<semaphore_mem>>) src(%arg9 : memref<112x128xi32, #tpu.memory_space<vmem>>) dst(%dma_wait3A_58 : memref<112x128xi32, #tpu.memory_space<hbm>>)
    %dma_wait3A_59 = arith.constant 0 : i32
    %dma_wait3A_60 = arith.constant 0 : i32
    %dma_wait3A_61 = tpu.memref_slice %arg6[%dma_wait3A_59, %dma_wait3A_60] : memref<25088x128xi32, #tpu.memory_space<hbm>> -> memref<112x128xi32, #tpu.memory_space<hbm>>
    %dma_wait3A_62 = arith.constant 0 : i32
    %dma_wait3A_63 = arith.constant 0 : i32
    %dma_wait3A_64 = tpu.memref_slice %arg6[%dma_wait3A_62, %dma_wait3A_63] : memref<25088x128xi32, #tpu.memory_space<hbm>> -> memref<112x128xi32, #tpu.memory_space<hbm>>
    tpu.wait_dma2 semaphore(%arg15 : memref<!tpu.dma_semaphore, #tpu.memory_space<semaphore_mem>>) src(%arg10 : memref<112x128xi32, #tpu.memory_space<vmem>>) dst(%dma_wait3A_64 : memref<112x128xi32, #tpu.memory_space<hbm>>)
    %dma_start3A_65 = arith.constant 2 : i32
    %dma_start3A_66 = arith.constant 0 : i32
    %dma_start3A_67 = tpu.memref_slice %arg7[%dma_start3A_65, %dma_start3A_66] : memref<7x112xi32, #tpu.memory_space<vmem>> -> memref<1x112xi32, #tpu.memory_space<vmem>>
    %dma_start3A_68 = tpu.memref_squeeze %dma_start3A_67 : memref<1x112xi32, #tpu.memory_space<vmem>> -> memref<112xi32, #tpu.memory_space<vmem>>
    %dma_start3A_69 = arith.constant 0 : i32
    %dma_start3A_70 = arith.constant 0 : i32
    %dma_start3A_71 = tpu.memref_slice %arg2[%dma_start3A_69, %dma_start3A_70] : memref<100000x128xi32, #tpu.memory_space<hbm>> -> memref<100000x128xi32, #tpu.memory_space<hbm>>
    tpu.enqueue_indirect_dma source(%dma_start3A_71 : memref<100000x128xi32, #tpu.memory_space<hbm>>) target(%arg9 : memref<112x128xi32, #tpu.memory_space<vmem>>) offsets(%dma_start3A_68 : memref<112xi32, #tpu.memory_space<vmem>>) semaphore(%arg13 : memref<!tpu.dma_semaphore, #tpu.memory_space<semaphore_mem>>)
    %dma_start3A_72 = arith.constant 2 : i32
    %dma_start3A_73 = arith.constant 0 : i32
    %dma_start3A_74 = tpu.memref_slice %arg8[%dma_start3A_72, %dma_start3A_73] : memref<7x112xi32, #tpu.memory_space<vmem>> -> memref<1x112xi32, #tpu.memory_space<vmem>>
    %dma_start3A_75 = tpu.memref_squeeze %dma_start3A_74 : memref<1x112xi32, #tpu.memory_space<vmem>> -> memref<112xi32, #tpu.memory_space<vmem>>
    %dma_start3A_76 = arith.constant 0 : i32
    %dma_start3A_77 = arith.constant 0 : i32
    %dma_start3A_78 = tpu.memref_slice %arg2[%dma_start3A_76, %dma_start3A_77] : memref<100000x128xi32, #tpu.memory_space<hbm>> -> memref<100000x128xi32, #tpu.memory_space<hbm>>
    tpu.enqueue_indirect_dma source(%dma_start3A_78 : memref<100000x128xi32, #tpu.memory_space<hbm>>) target(%arg10 : memref<112x128xi32, #tpu.memory_space<vmem>>) offsets(%dma_start3A_75 : memref<112xi32, #tpu.memory_space<vmem>>) semaphore(%arg13 : memref<!tpu.dma_semaphore, #tpu.memory_space<semaphore_mem>>)
    %dma_wait3A_79 = arith.constant 0 : i32
    %dma_wait3A_80 = arith.constant 0 : i32
    %dma_wait3A_81 = tpu.memref_slice %arg7[%dma_wait3A_79, %dma_wait3A_80] : memref<7x112xi32, #tpu.memory_space<vmem>> -> memref<1x112xi32, #tpu.memory_space<vmem>>
    %dma_wait3A_82 = tpu.memref_squeeze %dma_wait3A_81 : memref<1x112xi32, #tpu.memory_space<vmem>> -> memref<112xi32, #tpu.memory_space<vmem>>
    %dma_wait3A_83 = arith.constant 0 : i32
    %dma_wait3A_84 = arith.constant 0 : i32
    %dma_wait3A_85 = tpu.memref_slice %arg2[%dma_wait3A_83, %dma_wait3A_84] : memref<100000x128xi32, #tpu.memory_space<hbm>> -> memref<100000x128xi32, #tpu.memory_space<hbm>>
    tpu.wait_indirect_dma semaphore(%arg14 : memref<!tpu.dma_semaphore, #tpu.memory_space<semaphore_mem>>) src(%dma_wait3A_85 : memref<100000x128xi32, #tpu.memory_space<hbm>>) dst(%arg11 : memref<112x128xi32, #tpu.memory_space<vmem>>)
    %dma_wait3A_86 = arith.constant 0 : i32
    %dma_wait3A_87 = arith.constant 0 : i32
    %dma_wait3A_88 = tpu.memref_slice %arg8[%dma_wait3A_86, %dma_wait3A_87] : memref<7x112xi32, #tpu.memory_space<vmem>> -> memref<1x112xi32, #tpu.memory_space<vmem>>
    %dma_wait3A_89 = tpu.memref_squeeze %dma_wait3A_88 : memref<1x112xi32, #tpu.memory_space<vmem>> -> memref<112xi32, #tpu.memory_space<vmem>>
    %dma_wait3A_90 = arith.constant 0 : i32
    %dma_wait3A_91 = arith.constant 0 : i32
    %dma_wait3A_92 = tpu.memref_slice %arg2[%dma_wait3A_90, %dma_wait3A_91] : memref<100000x128xi32, #tpu.memory_space<hbm>> -> memref<100000x128xi32, #tpu.memory_space<hbm>>
    tpu.wait_indirect_dma semaphore(%arg14 : memref<!tpu.dma_semaphore, #tpu.memory_space<semaphore_mem>>) src(%dma_wait3A_92 : memref<100000x128xi32, #tpu.memory_space<hbm>>) dst(%arg12 : memref<112x128xi32, #tpu.memory_space<vmem>>)
    %add3A_93 = arith.constant 112 : i32
    %add3A_94 = arith.addi %mul3A_2, %add3A_93 : i32
    %dma_start3A_95 = arith.constant 0 : i32
    %dma_start3A_96 = tpu.memref_slice %arg5[%add3A_94, %dma_start3A_95] : memref<25088x128xi32, #tpu.memory_space<hbm>> -> memref<112x128xi32, #tpu.memory_space<hbm>>
    %dma_start3A_97 = arith.constant 0 : i32
    %dma_start3A_98 = tpu.memref_slice %arg5[%add3A_94, %dma_start3A_97] : memref<25088x128xi32, #tpu.memory_space<hbm>> -> memref<112x128xi32, #tpu.memory_space<hbm>>
    tpu.enqueue_dma source(%arg11 : memref<112x128xi32, #tpu.memory_space<vmem>>) target(%dma_start3A_98 : memref<112x128xi32, #tpu.memory_space<hbm>>) target_semaphore(%arg16 : memref<!tpu.dma_semaphore, #tpu.memory_space<semaphore_mem>>)
    %dma_start3A_99 = arith.constant 0 : i32
    %dma_start3A_100 = tpu.memref_slice %arg6[%add3A_94, %dma_start3A_99] : memref<25088x128xi32, #tpu.memory_space<hbm>> -> memref<112x128xi32, #tpu.memory_space<hbm>>
    %dma_start3A_101 = arith.constant 0 : i32
    %dma_start3A_102 = tpu.memref_slice %arg6[%add3A_94, %dma_start3A_101] : memref<25088x128xi32, #tpu.memory_space<hbm>> -> memref<112x128xi32, #tpu.memory_space<hbm>>
    tpu.enqueue_dma source(%arg12 : memref<112x128xi32, #tpu.memory_space<vmem>>) target(%dma_start3A_102 : memref<112x128xi32, #tpu.memory_space<hbm>>) target_semaphore(%arg16 : memref<!tpu.dma_semaphore, #tpu.memory_space<semaphore_mem>>)
    %dma_wait3A_103 = arith.constant 0 : i32
    %dma_wait3A_104 = arith.constant 0 : i32
    %dma_wait3A_105 = tpu.memref_slice %arg5[%dma_wait3A_103, %dma_wait3A_104] : memref<25088x128xi32, #tpu.memory_space<hbm>> -> memref<112x128xi32, #tpu.memory_space<hbm>>
    %dma_wait3A_106 = arith.constant 0 : i32
    %dma_wait3A_107 = arith.constant 0 : i32
    %dma_wait3A_108 = tpu.memref_slice %arg5[%dma_wait3A_106, %dma_wait3A_107] : memref<25088x128xi32, #tpu.memory_space<hbm>> -> memref<112x128xi32, #tpu.memory_space<hbm>>
    tpu.wait_dma2 semaphore(%arg16 : memref<!tpu.dma_semaphore, #tpu.memory_space<semaphore_mem>>) src(%arg11 : memref<112x128xi32, #tpu.memory_space<vmem>>) dst(%dma_wait3A_108 : memref<112x128xi32, #tpu.memory_space<hbm>>)
    %dma_wait3A_109 = arith.constant 0 : i32
    %dma_wait3A_110 = arith.constant 0 : i32
    %dma_wait3A_111 = tpu.memref_slice %arg6[%dma_wait3A_109, %dma_wait3A_110] : memref<25088x128xi32, #tpu.memory_space<hbm>> -> memref<112x128xi32, #tpu.memory_space<hbm>>
    %dma_wait3A_112 = arith.constant 0 : i32
    %dma_wait3A_113 = arith.constant 0 : i32
    %dma_wait3A_114 = tpu.memref_slice %arg6[%dma_wait3A_112, %dma_wait3A_113] : memref<25088x128xi32, #tpu.memory_space<hbm>> -> memref<112x128xi32, #tpu.memory_space<hbm>>
    tpu.wait_dma2 semaphore(%arg16 : memref<!tpu.dma_semaphore, #tpu.memory_space<semaphore_mem>>) src(%arg12 : memref<112x128xi32, #tpu.memory_space<vmem>>) dst(%dma_wait3A_114 : memref<112x128xi32, #tpu.memory_space<hbm>>)
    %dma_start3A_115 = arith.constant 3 : i32
    %dma_start3A_116 = arith.constant 0 : i32
    %dma_start3A_117 = tpu.memref_slice %arg7[%dma_start3A_115, %dma_start3A_116] : memref<7x112xi32, #tpu.memory_space<vmem>> -> memref<1x112xi32, #tpu.memory_space<vmem>>
    %dma_start3A_118 = tpu.memref_squeeze %dma_start3A_117 : memref<1x112xi32, #tpu.memory_space<vmem>> -> memref<112xi32, #tpu.memory_space<vmem>>
    %dma_start3A_119 = arith.constant 0 : i32
    %dma_start3A_120 = arith.constant 0 : i32
    %dma_start3A_121 = tpu.memref_slice %arg2[%dma_start3A_119, %dma_start3A_120] : memref<100000x128xi32, #tpu.memory_space<hbm>> -> memref<100000x128xi32, #tpu.memory_space<hbm>>
    tpu.enqueue_indirect_dma source(%dma_start3A_121 : memref<100000x128xi32, #tpu.memory_space<hbm>>) target(%arg11 : memref<112x128xi32, #tpu.memory_space<vmem>>) offsets(%dma_start3A_118 : memref<112xi32, #tpu.memory_space<vmem>>) semaphore(%arg14 : memref<!tpu.dma_semaphore, #tpu.memory_space<semaphore_mem>>)
    %dma_start3A_122 = arith.constant 3 : i32
    %dma_start3A_123 = arith.constant 0 : i32
    %dma_start3A_124 = tpu.memref_slice %arg8[%dma_start3A_122, %dma_start3A_123] : memref<7x112xi32, #tpu.memory_space<vmem>> -> memref<1x112xi32, #tpu.memory_space<vmem>>
    %dma_start3A_125 = tpu.memref_squeeze %dma_start3A_124 : memref<1x112xi32, #tpu.memory_space<vmem>> -> memref<112xi32, #tpu.memory_space<vmem>>
    %dma_start3A_126 = arith.constant 0 : i32
    %dma_start3A_127 = arith.constant 0 : i32
    %dma_start3A_128 = tpu.memref_slice %arg2[%dma_start3A_126, %dma_start3A_127] : memref<100000x128xi32, #tpu.memory_space<hbm>> -> memref<100000x128xi32, #tpu.memory_space<hbm>>
    tpu.enqueue_indirect_dma source(%dma_start3A_128 : memref<100000x128xi32, #tpu.memory_space<hbm>>) target(%arg12 : memref<112x128xi32, #tpu.memory_space<vmem>>) offsets(%dma_start3A_125 : memref<112xi32, #tpu.memory_space<vmem>>) semaphore(%arg14 : memref<!tpu.dma_semaphore, #tpu.memory_space<semaphore_mem>>)
    %dma_wait3A_129 = arith.constant 0 : i32
    %dma_wait3A_130 = arith.constant 0 : i32
    %dma_wait3A_131 = tpu.memref_slice %arg7[%dma_wait3A_129, %dma_wait3A_130] : memref<7x112xi32, #tpu.memory_space<vmem>> -> memref<1x112xi32, #tpu.memory_space<vmem>>
    %dma_wait3A_132 = tpu.memref_squeeze %dma_wait3A_131 : memref<1x112xi32, #tpu.memory_space<vmem>> -> memref<112xi32, #tpu.memory_space<vmem>>
    %dma_wait3A_133 = arith.constant 0 : i32
    %dma_wait3A_134 = arith.constant 0 : i32
    %dma_wait3A_135 = tpu.memref_slice %arg2[%dma_wait3A_133, %dma_wait3A_134] : memref<100000x128xi32, #tpu.memory_space<hbm>> -> memref<100000x128xi32, #tpu.memory_space<hbm>>
    tpu.wait_indirect_dma semaphore(%arg13 : memref<!tpu.dma_semaphore, #tpu.memory_space<semaphore_mem>>) src(%dma_wait3A_135 : memref<100000x128xi32, #tpu.memory_space<hbm>>) dst(%arg9 : memref<112x128xi32, #tpu.memory_space<vmem>>)
    %dma_wait3A_136 = arith.constant 0 : i32
    %dma_wait3A_137 = arith.constant 0 : i32
    %dma_wait3A_138 = tpu.memref_slice %arg8[%dma_wait3A_136, %dma_wait3A_137] : memref<7x112xi32, #tpu.memory_space<vmem>> -> memref<1x112xi32, #tpu.memory_space<vmem>>
    %dma_wait3A_139 = tpu.memref_squeeze %dma_wait3A_138 : memref<1x112xi32, #tpu.memory_space<vmem>> -> memref<112xi32, #tpu.memory_space<vmem>>
    %dma_wait3A_140 = arith.constant 0 : i32
    %dma_wait3A_141 = arith.constant 0 : i32
    %dma_wait3A_142 = tpu.memref_slice %arg2[%dma_wait3A_140, %dma_wait3A_141] : memref<100000x128xi32, #tpu.memory_space<hbm>> -> memref<100000x128xi32, #tpu.memory_space<hbm>>
    tpu.wait_indirect_dma semaphore(%arg13 : memref<!tpu.dma_semaphore, #tpu.memory_space<semaphore_mem>>) src(%dma_wait3A_142 : memref<100000x128xi32, #tpu.memory_space<hbm>>) dst(%arg10 : memref<112x128xi32, #tpu.memory_space<vmem>>)
    %add3A_143 = arith.constant 224 : i32
    %add3A_144 = arith.addi %mul3A_2, %add3A_143 : i32
    %dma_start3A_145 = arith.constant 0 : i32
    %dma_start3A_146 = tpu.memref_slice %arg5[%add3A_144, %dma_start3A_145] : memref<25088x128xi32, #tpu.memory_space<hbm>> -> memref<112x128xi32, #tpu.memory_space<hbm>>
    %dma_start3A_147 = arith.constant 0 : i32
    %dma_start3A_148 = tpu.memref_slice %arg5[%add3A_144, %dma_start3A_147] : memref<25088x128xi32, #tpu.memory_space<hbm>> -> memref<112x128xi32, #tpu.memory_space<hbm>>
    tpu.enqueue_dma source(%arg9 : memref<112x128xi32, #tpu.memory_space<vmem>>) target(%dma_start3A_148 : memref<112x128xi32, #tpu.memory_space<hbm>>) target_semaphore(%arg15 : memref<!tpu.dma_semaphore, #tpu.memory_space<semaphore_mem>>)
    %dma_start3A_149 = arith.constant 0 : i32
    %dma_start3A_150 = tpu.memref_slice %arg6[%add3A_144, %dma_start3A_149] : memref<25088x128xi32, #tpu.memory_space<hbm>> -> memref<112x128xi32, #tpu.memory_space<hbm>>
    %dma_start3A_151 = arith.constant 0 : i32
    %dma_start3A_152 = tpu.memref_slice %arg6[%add3A_144, %dma_start3A_151] : memref<25088x128xi32, #tpu.memory_space<hbm>> -> memref<112x128xi32, #tpu.memory_space<hbm>>
    tpu.enqueue_dma source(%arg10 : memref<112x128xi32, #tpu.memory_space<vmem>>) target(%dma_start3A_152 : memref<112x128xi32, #tpu.memory_space<hbm>>) target_semaphore(%arg15 : memref<!tpu.dma_semaphore, #tpu.memory_space<semaphore_mem>>)
    %dma_wait3A_153 = arith.constant 0 : i32
    %dma_wait3A_154 = arith.constant 0 : i32
    %dma_wait3A_155 = tpu.memref_slice %arg5[%dma_wait3A_153, %dma_wait3A_154] : memref<25088x128xi32, #tpu.memory_space<hbm>> -> memref<112x128xi32, #tpu.memory_space<hbm>>
    %dma_wait3A_156 = arith.constant 0 : i32
    %dma_wait3A_157 = arith.constant 0 : i32
    %dma_wait3A_158 = tpu.memref_slice %arg5[%dma_wait3A_156, %dma_wait3A_157] : memref<25088x128xi32, #tpu.memory_space<hbm>> -> memref<112x128xi32, #tpu.memory_space<hbm>>
    tpu.wait_dma2 semaphore(%arg15 : memref<!tpu.dma_semaphore, #tpu.memory_space<semaphore_mem>>) src(%arg9 : memref<112x128xi32, #tpu.memory_space<vmem>>) dst(%dma_wait3A_158 : memref<112x128xi32, #tpu.memory_space<hbm>>)
    %dma_wait3A_159 = arith.constant 0 : i32
    %dma_wait3A_160 = arith.constant 0 : i32
    %dma_wait3A_161 = tpu.memref_slice %arg6[%dma_wait3A_159, %dma_wait3A_160] : memref<25088x128xi32, #tpu.memory_space<hbm>> -> memref<112x128xi32, #tpu.memory_space<hbm>>
    %dma_wait3A_162 = arith.constant 0 : i32
    %dma_wait3A_163 = arith.constant 0 : i32
    %dma_wait3A_164 = tpu.memref_slice %arg6[%dma_wait3A_162, %dma_wait3A_163] : memref<25088x128xi32, #tpu.memory_space<hbm>> -> memref<112x128xi32, #tpu.memory_space<hbm>>
    tpu.wait_dma2 semaphore(%arg15 : memref<!tpu.dma_semaphore, #tpu.memory_space<semaphore_mem>>) src(%arg10 : memref<112x128xi32, #tpu.memory_space<vmem>>) dst(%dma_wait3A_164 : memref<112x128xi32, #tpu.memory_space<hbm>>)
    %dma_start3A_165 = arith.constant 4 : i32
    %dma_start3A_166 = arith.constant 0 : i32
    %dma_start3A_167 = tpu.memref_slice %arg7[%dma_start3A_165, %dma_start3A_166] : memref<7x112xi32, #tpu.memory_space<vmem>> -> memref<1x112xi32, #tpu.memory_space<vmem>>
    %dma_start3A_168 = tpu.memref_squeeze %dma_start3A_167 : memref<1x112xi32, #tpu.memory_space<vmem>> -> memref<112xi32, #tpu.memory_space<vmem>>
    %dma_start3A_169 = arith.constant 0 : i32
    %dma_start3A_170 = arith.constant 0 : i32
    %dma_start3A_171 = tpu.memref_slice %arg2[%dma_start3A_169, %dma_start3A_170] : memref<100000x128xi32, #tpu.memory_space<hbm>> -> memref<100000x128xi32, #tpu.memory_space<hbm>>
    tpu.enqueue_indirect_dma source(%dma_start3A_171 : memref<100000x128xi32, #tpu.memory_space<hbm>>) target(%arg9 : memref<112x128xi32, #tpu.memory_space<vmem>>) offsets(%dma_start3A_168 : memref<112xi32, #tpu.memory_space<vmem>>) semaphore(%arg13 : memref<!tpu.dma_semaphore, #tpu.memory_space<semaphore_mem>>)
    %dma_start3A_172 = arith.constant 4 : i32
    %dma_start3A_173 = arith.constant 0 : i32
    %dma_start3A_174 = tpu.memref_slice %arg8[%dma_start3A_172, %dma_start3A_173] : memref<7x112xi32, #tpu.memory_space<vmem>> -> memref<1x112xi32, #tpu.memory_space<vmem>>
    %dma_start3A_175 = tpu.memref_squeeze %dma_start3A_174 : memref<1x112xi32, #tpu.memory_space<vmem>> -> memref<112xi32, #tpu.memory_space<vmem>>
    %dma_start3A_176 = arith.constant 0 : i32
    %dma_start3A_177 = arith.constant 0 : i32
    %dma_start3A_178 = tpu.memref_slice %arg2[%dma_start3A_176, %dma_start3A_177] : memref<100000x128xi32, #tpu.memory_space<hbm>> -> memref<100000x128xi32, #tpu.memory_space<hbm>>
    tpu.enqueue_indirect_dma source(%dma_start3A_178 : memref<100000x128xi32, #tpu.memory_space<hbm>>) target(%arg10 : memref<112x128xi32, #tpu.memory_space<vmem>>) offsets(%dma_start3A_175 : memref<112xi32, #tpu.memory_space<vmem>>) semaphore(%arg13 : memref<!tpu.dma_semaphore, #tpu.memory_space<semaphore_mem>>)
    %dma_wait3A_179 = arith.constant 0 : i32
    %dma_wait3A_180 = arith.constant 0 : i32
    %dma_wait3A_181 = tpu.memref_slice %arg7[%dma_wait3A_179, %dma_wait3A_180] : memref<7x112xi32, #tpu.memory_space<vmem>> -> memref<1x112xi32, #tpu.memory_space<vmem>>
    %dma_wait3A_182 = tpu.memref_squeeze %dma_wait3A_181 : memref<1x112xi32, #tpu.memory_space<vmem>> -> memref<112xi32, #tpu.memory_space<vmem>>
    %dma_wait3A_183 = arith.constant 0 : i32
    %dma_wait3A_184 = arith.constant 0 : i32
    %dma_wait3A_185 = tpu.memref_slice %arg2[%dma_wait3A_183, %dma_wait3A_184] : memref<100000x128xi32, #tpu.memory_space<hbm>> -> memref<100000x128xi32, #tpu.memory_space<hbm>>
    tpu.wait_indirect_dma semaphore(%arg14 : memref<!tpu.dma_semaphore, #tpu.memory_space<semaphore_mem>>) src(%dma_wait3A_185 : memref<100000x128xi32, #tpu.memory_space<hbm>>) dst(%arg11 : memref<112x128xi32, #tpu.memory_space<vmem>>)
    %dma_wait3A_186 = arith.constant 0 : i32
    %dma_wait3A_187 = arith.constant 0 : i32
    %dma_wait3A_188 = tpu.memref_slice %arg8[%dma_wait3A_186, %dma_wait3A_187] : memref<7x112xi32, #tpu.memory_space<vmem>> -> memref<1x112xi32, #tpu.memory_space<vmem>>
    %dma_wait3A_189 = tpu.memref_squeeze %dma_wait3A_188 : memref<1x112xi32, #tpu.memory_space<vmem>> -> memref<112xi32, #tpu.memory_space<vmem>>
    %dma_wait3A_190 = arith.constant 0 : i32
    %dma_wait3A_191 = arith.constant 0 : i32
    %dma_wait3A_192 = tpu.memref_slice %arg2[%dma_wait3A_190, %dma_wait3A_191] : memref<100000x128xi32, #tpu.memory_space<hbm>> -> memref<100000x128xi32, #tpu.memory_space<hbm>>
    tpu.wait_indirect_dma semaphore(%arg14 : memref<!tpu.dma_semaphore, #tpu.memory_space<semaphore_mem>>) src(%dma_wait3A_192 : memref<100000x128xi32, #tpu.memory_space<hbm>>) dst(%arg12 : memref<112x128xi32, #tpu.memory_space<vmem>>)
    %add3A_193 = arith.constant 336 : i32
    %add3A_194 = arith.addi %mul3A_2, %add3A_193 : i32
    %dma_start3A_195 = arith.constant 0 : i32
    %dma_start3A_196 = tpu.memref_slice %arg5[%add3A_194, %dma_start3A_195] : memref<25088x128xi32, #tpu.memory_space<hbm>> -> memref<112x128xi32, #tpu.memory_space<hbm>>
    %dma_start3A_197 = arith.constant 0 : i32
    %dma_start3A_198 = tpu.memref_slice %arg5[%add3A_194, %dma_start3A_197] : memref<25088x128xi32, #tpu.memory_space<hbm>> -> memref<112x128xi32, #tpu.memory_space<hbm>>
    tpu.enqueue_dma source(%arg11 : memref<112x128xi32, #tpu.memory_space<vmem>>) target(%dma_start3A_198 : memref<112x128xi32, #tpu.memory_space<hbm>>) target_semaphore(%arg16 : memref<!tpu.dma_semaphore, #tpu.memory_space<semaphore_mem>>)
    %dma_start3A_199 = arith.constant 0 : i32
    %dma_start3A_200 = tpu.memref_slice %arg6[%add3A_194, %dma_start3A_199] : memref<25088x128xi32, #tpu.memory_space<hbm>> -> memref<112x128xi32, #tpu.memory_space<hbm>>
    %dma_start3A_201 = arith.constant 0 : i32
    %dma_start3A_202 = tpu.memref_slice %arg6[%add3A_194, %dma_start3A_201] : memref<25088x128xi32, #tpu.memory_space<hbm>> -> memref<112x128xi32, #tpu.memory_space<hbm>>
    tpu.enqueue_dma source(%arg12 : memref<112x128xi32, #tpu.memory_space<vmem>>) target(%dma_start3A_202 : memref<112x128xi32, #tpu.memory_space<hbm>>) target_semaphore(%arg16 : memref<!tpu.dma_semaphore, #tpu.memory_space<semaphore_mem>>)
    %dma_wait3A_203 = arith.constant 0 : i32
    %dma_wait3A_204 = arith.constant 0 : i32
    %dma_wait3A_205 = tpu.memref_slice %arg5[%dma_wait3A_203, %dma_wait3A_204] : memref<25088x128xi32, #tpu.memory_space<hbm>> -> memref<112x128xi32, #tpu.memory_space<hbm>>
    %dma_wait3A_206 = arith.constant 0 : i32
    %dma_wait3A_207 = arith.constant 0 : i32
    %dma_wait3A_208 = tpu.memref_slice %arg5[%dma_wait3A_206, %dma_wait3A_207] : memref<25088x128xi32, #tpu.memory_space<hbm>> -> memref<112x128xi32, #tpu.memory_space<hbm>>
    tpu.wait_dma2 semaphore(%arg16 : memref<!tpu.dma_semaphore, #tpu.memory_space<semaphore_mem>>) src(%arg11 : memref<112x128xi32, #tpu.memory_space<vmem>>) dst(%dma_wait3A_208 : memref<112x128xi32, #tpu.memory_space<hbm>>)
    %dma_wait3A_209 = arith.constant 0 : i32
    %dma_wait3A_210 = arith.constant 0 : i32
    %dma_wait3A_211 = tpu.memref_slice %arg6[%dma_wait3A_209, %dma_wait3A_210] : memref<25088x128xi32, #tpu.memory_space<hbm>> -> memref<112x128xi32, #tpu.memory_space<hbm>>
    %dma_wait3A_212 = arith.constant 0 : i32
    %dma_wait3A_213 = arith.constant 0 : i32
    %dma_wait3A_214 = tpu.memref_slice %arg6[%dma_wait3A_212, %dma_wait3A_213] : memref<25088x128xi32, #tpu.memory_space<hbm>> -> memref<112x128xi32, #tpu.memory_space<hbm>>
    tpu.wait_dma2 semaphore(%arg16 : memref<!tpu.dma_semaphore, #tpu.memory_space<semaphore_mem>>) src(%arg12 : memref<112x128xi32, #tpu.memory_space<vmem>>) dst(%dma_wait3A_214 : memref<112x128xi32, #tpu.memory_space<hbm>>)
    %dma_start3A_215 = arith.constant 5 : i32
    %dma_start3A_216 = arith.constant 0 : i32
    %dma_start3A_217 = tpu.memref_slice %arg7[%dma_start3A_215, %dma_start3A_216] : memref<7x112xi32, #tpu.memory_space<vmem>> -> memref<1x112xi32, #tpu.memory_space<vmem>>
    %dma_start3A_218 = tpu.memref_squeeze %dma_start3A_217 : memref<1x112xi32, #tpu.memory_space<vmem>> -> memref<112xi32, #tpu.memory_space<vmem>>
    %dma_start3A_219 = arith.constant 0 : i32
    %dma_start3A_220 = arith.constant 0 : i32
    %dma_start3A_221 = tpu.memref_slice %arg2[%dma_start3A_219, %dma_start3A_220] : memref<100000x128xi32, #tpu.memory_space<hbm>> -> memref<100000x128xi32, #tpu.memory_space<hbm>>
    tpu.enqueue_indirect_dma source(%dma_start3A_221 : memref<100000x128xi32, #tpu.memory_space<hbm>>) target(%arg11 : memref<112x128xi32, #tpu.memory_space<vmem>>) offsets(%dma_start3A_218 : memref<112xi32, #tpu.memory_space<vmem>>) semaphore(%arg14 : memref<!tpu.dma_semaphore, #tpu.memory_space<semaphore_mem>>)
    %dma_start3A_222 = arith.constant 5 : i32
    %dma_start3A_223 = arith.constant 0 : i32
    %dma_start3A_224 = tpu.memref_slice %arg8[%dma_start3A_222, %dma_start3A_223] : memref<7x112xi32, #tpu.memory_space<vmem>> -> memref<1x112xi32, #tpu.memory_space<vmem>>
    %dma_start3A_225 = tpu.memref_squeeze %dma_start3A_224 : memref<1x112xi32, #tpu.memory_space<vmem>> -> memref<112xi32, #tpu.memory_space<vmem>>
    %dma_start3A_226 = arith.constant 0 : i32
    %dma_start3A_227 = arith.constant 0 : i32
    %dma_start3A_228 = tpu.memref_slice %arg2[%dma_start3A_226, %dma_start3A_227] : memref<100000x128xi32, #tpu.memory_space<hbm>> -> memref<100000x128xi32, #tpu.memory_space<hbm>>
    tpu.enqueue_indirect_dma source(%dma_start3A_228 : memref<100000x128xi32, #tpu.memory_space<hbm>>) target(%arg12 : memref<112x128xi32, #tpu.memory_space<vmem>>) offsets(%dma_start3A_225 : memref<112xi32, #tpu.memory_space<vmem>>) semaphore(%arg14 : memref<!tpu.dma_semaphore, #tpu.memory_space<semaphore_mem>>)
    %dma_wait3A_229 = arith.constant 0 : i32
    %dma_wait3A_230 = arith.constant 0 : i32
    %dma_wait3A_231 = tpu.memref_slice %arg7[%dma_wait3A_229, %dma_wait3A_230] : memref<7x112xi32, #tpu.memory_space<vmem>> -> memref<1x112xi32, #tpu.memory_space<vmem>>
    %dma_wait3A_232 = tpu.memref_squeeze %dma_wait3A_231 : memref<1x112xi32, #tpu.memory_space<vmem>> -> memref<112xi32, #tpu.memory_space<vmem>>
    %dma_wait3A_233 = arith.constant 0 : i32
    %dma_wait3A_234 = arith.constant 0 : i32
    %dma_wait3A_235 = tpu.memref_slice %arg2[%dma_wait3A_233, %dma_wait3A_234] : memref<100000x128xi32, #tpu.memory_space<hbm>> -> memref<100000x128xi32, #tpu.memory_space<hbm>>
    tpu.wait_indirect_dma semaphore(%arg13 : memref<!tpu.dma_semaphore, #tpu.memory_space<semaphore_mem>>) src(%dma_wait3A_235 : memref<100000x128xi32, #tpu.memory_space<hbm>>) dst(%arg9 : memref<112x128xi32, #tpu.memory_space<vmem>>)
    %dma_wait3A_236 = arith.constant 0 : i32
    %dma_wait3A_237 = arith.constant 0 : i32
    %dma_wait3A_238 = tpu.memref_slice %arg8[%dma_wait3A_236, %dma_wait3A_237] : memref<7x112xi32, #tpu.memory_space<vmem>> -> memref<1x112xi32, #tpu.memory_space<vmem>>
    %dma_wait3A_239 = tpu.memref_squeeze %dma_wait3A_238 : memref<1x112xi32, #tpu.memory_space<vmem>> -> memref<112xi32, #tpu.memory_space<vmem>>
    %dma_wait3A_240 = arith.constant 0 : i32
    %dma_wait3A_241 = arith.constant 0 : i32
    %dma_wait3A_242 = tpu.memref_slice %arg2[%dma_wait3A_240, %dma_wait3A_241] : memref<100000x128xi32, #tpu.memory_space<hbm>> -> memref<100000x128xi32, #tpu.memory_space<hbm>>
    tpu.wait_indirect_dma semaphore(%arg13 : memref<!tpu.dma_semaphore, #tpu.memory_space<semaphore_mem>>) src(%dma_wait3A_242 : memref<100000x128xi32, #tpu.memory_space<hbm>>) dst(%arg10 : memref<112x128xi32, #tpu.memory_space<vmem>>)
    %add3A_243 = arith.constant 448 : i32
    %add3A_244 = arith.addi %mul3A_2, %add3A_243 : i32
    %dma_start3A_245 = arith.constant 0 : i32
    %dma_start3A_246 = tpu.memref_slice %arg5[%add3A_244, %dma_start3A_245] : memref<25088x128xi32, #tpu.memory_space<hbm>> -> memref<112x128xi32, #tpu.memory_space<hbm>>
    %dma_start3A_247 = arith.constant 0 : i32
    %dma_start3A_248 = tpu.memref_slice %arg5[%add3A_244, %dma_start3A_247] : memref<25088x128xi32, #tpu.memory_space<hbm>> -> memref<112x128xi32, #tpu.memory_space<hbm>>
    tpu.enqueue_dma source(%arg9 : memref<112x128xi32, #tpu.memory_space<vmem>>) target(%dma_start3A_248 : memref<112x128xi32, #tpu.memory_space<hbm>>) target_semaphore(%arg15 : memref<!tpu.dma_semaphore, #tpu.memory_space<semaphore_mem>>)
    %dma_start3A_249 = arith.constant 0 : i32
    %dma_start3A_250 = tpu.memref_slice %arg6[%add3A_244, %dma_start3A_249] : memref<25088x128xi32, #tpu.memory_space<hbm>> -> memref<112x128xi32, #tpu.memory_space<hbm>>
    %dma_start3A_251 = arith.constant 0 : i32
    %dma_start3A_252 = tpu.memref_slice %arg6[%add3A_244, %dma_start3A_251] : memref<25088x128xi32, #tpu.memory_space<hbm>> -> memref<112x128xi32, #tpu.memory_space<hbm>>
    tpu.enqueue_dma source(%arg10 : memref<112x128xi32, #tpu.memory_space<vmem>>) target(%dma_start3A_252 : memref<112x128xi32, #tpu.memory_space<hbm>>) target_semaphore(%arg15 : memref<!tpu.dma_semaphore, #tpu.memory_space<semaphore_mem>>)
    %dma_wait3A_253 = arith.constant 0 : i32
    %dma_wait3A_254 = arith.constant 0 : i32
    %dma_wait3A_255 = tpu.memref_slice %arg5[%dma_wait3A_253, %dma_wait3A_254] : memref<25088x128xi32, #tpu.memory_space<hbm>> -> memref<112x128xi32, #tpu.memory_space<hbm>>
    %dma_wait3A_256 = arith.constant 0 : i32
    %dma_wait3A_257 = arith.constant 0 : i32
    %dma_wait3A_258 = tpu.memref_slice %arg5[%dma_wait3A_256, %dma_wait3A_257] : memref<25088x128xi32, #tpu.memory_space<hbm>> -> memref<112x128xi32, #tpu.memory_space<hbm>>
    tpu.wait_dma2 semaphore(%arg15 : memref<!tpu.dma_semaphore, #tpu.memory_space<semaphore_mem>>) src(%arg9 : memref<112x128xi32, #tpu.memory_space<vmem>>) dst(%dma_wait3A_258 : memref<112x128xi32, #tpu.memory_space<hbm>>)
    %dma_wait3A_259 = arith.constant 0 : i32
    %dma_wait3A_260 = arith.constant 0 : i32
    %dma_wait3A_261 = tpu.memref_slice %arg6[%dma_wait3A_259, %dma_wait3A_260] : memref<25088x128xi32, #tpu.memory_space<hbm>> -> memref<112x128xi32, #tpu.memory_space<hbm>>
    %dma_wait3A_262 = arith.constant 0 : i32
    %dma_wait3A_263 = arith.constant 0 : i32
    %dma_wait3A_264 = tpu.memref_slice %arg6[%dma_wait3A_262, %dma_wait3A_263] : memref<25088x128xi32, #tpu.memory_space<hbm>> -> memref<112x128xi32, #tpu.memory_space<hbm>>
    tpu.wait_dma2 semaphore(%arg15 : memref<!tpu.dma_semaphore, #tpu.memory_space<semaphore_mem>>) src(%arg10 : memref<112x128xi32, #tpu.memory_space<vmem>>) dst(%dma_wait3A_264 : memref<112x128xi32, #tpu.memory_space<hbm>>)
    %dma_start3A_265 = arith.constant 6 : i32
    %dma_start3A_266 = arith.constant 0 : i32
    %dma_start3A_267 = tpu.memref_slice %arg7[%dma_start3A_265, %dma_start3A_266] : memref<7x112xi32, #tpu.memory_space<vmem>> -> memref<1x112xi32, #tpu.memory_space<vmem>>
    %dma_start3A_268 = tpu.memref_squeeze %dma_start3A_267 : memref<1x112xi32, #tpu.memory_space<vmem>> -> memref<112xi32, #tpu.memory_space<vmem>>
    %dma_start3A_269 = arith.constant 0 : i32
    %dma_start3A_270 = arith.constant 0 : i32
    %dma_start3A_271 = tpu.memref_slice %arg2[%dma_start3A_269, %dma_start3A_270] : memref<100000x128xi32, #tpu.memory_space<hbm>> -> memref<100000x128xi32, #tpu.memory_space<hbm>>
    tpu.enqueue_indirect_dma source(%dma_start3A_271 : memref<100000x128xi32, #tpu.memory_space<hbm>>) target(%arg9 : memref<112x128xi32, #tpu.memory_space<vmem>>) offsets(%dma_start3A_268 : memref<112xi32, #tpu.memory_space<vmem>>) semaphore(%arg13 : memref<!tpu.dma_semaphore, #tpu.memory_space<semaphore_mem>>)
    %dma_start3A_272 = arith.constant 6 : i32
    %dma_start3A_273 = arith.constant 0 : i32
    %dma_start3A_274 = tpu.memref_slice %arg8[%dma_start3A_272, %dma_start3A_273] : memref<7x112xi32, #tpu.memory_space<vmem>> -> memref<1x112xi32, #tpu.memory_space<vmem>>
    %dma_start3A_275 = tpu.memref_squeeze %dma_start3A_274 : memref<1x112xi32, #tpu.memory_space<vmem>> -> memref<112xi32, #tpu.memory_space<vmem>>
    %dma_start3A_276 = arith.constant 0 : i32
    %dma_start3A_277 = arith.constant 0 : i32
    %dma_start3A_278 = tpu.memref_slice %arg2[%dma_start3A_276, %dma_start3A_277] : memref<100000x128xi32, #tpu.memory_space<hbm>> -> memref<100000x128xi32, #tpu.memory_space<hbm>>
    tpu.enqueue_indirect_dma source(%dma_start3A_278 : memref<100000x128xi32, #tpu.memory_space<hbm>>) target(%arg10 : memref<112x128xi32, #tpu.memory_space<vmem>>) offsets(%dma_start3A_275 : memref<112xi32, #tpu.memory_space<vmem>>) semaphore(%arg13 : memref<!tpu.dma_semaphore, #tpu.memory_space<semaphore_mem>>)
    %dma_wait3A_279 = arith.constant 0 : i32
    %dma_wait3A_280 = arith.constant 0 : i32
    %dma_wait3A_281 = tpu.memref_slice %arg7[%dma_wait3A_279, %dma_wait3A_280] : memref<7x112xi32, #tpu.memory_space<vmem>> -> memref<1x112xi32, #tpu.memory_space<vmem>>
    %dma_wait3A_282 = tpu.memref_squeeze %dma_wait3A_281 : memref<1x112xi32, #tpu.memory_space<vmem>> -> memref<112xi32, #tpu.memory_space<vmem>>
    %dma_wait3A_283 = arith.constant 0 : i32
    %dma_wait3A_284 = arith.constant 0 : i32
    %dma_wait3A_285 = tpu.memref_slice %arg2[%dma_wait3A_283, %dma_wait3A_284] : memref<100000x128xi32, #tpu.memory_space<hbm>> -> memref<100000x128xi32, #tpu.memory_space<hbm>>
    tpu.wait_indirect_dma semaphore(%arg14 : memref<!tpu.dma_semaphore, #tpu.memory_space<semaphore_mem>>) src(%dma_wait3A_285 : memref<100000x128xi32, #tpu.memory_space<hbm>>) dst(%arg11 : memref<112x128xi32, #tpu.memory_space<vmem>>)
    %dma_wait3A_286 = arith.constant 0 : i32
    %dma_wait3A_287 = arith.constant 0 : i32
    %dma_wait3A_288 = tpu.memref_slice %arg8[%dma_wait3A_286, %dma_wait3A_287] : memref<7x112xi32, #tpu.memory_space<vmem>> -> memref<1x112xi32, #tpu.memory_space<vmem>>
    %dma_wait3A_289 = tpu.memref_squeeze %dma_wait3A_288 : memref<1x112xi32, #tpu.memory_space<vmem>> -> memref<112xi32, #tpu.memory_space<vmem>>
    %dma_wait3A_290 = arith.constant 0 : i32
    %dma_wait3A_291 = arith.constant 0 : i32
    %dma_wait3A_292 = tpu.memref_slice %arg2[%dma_wait3A_290, %dma_wait3A_291] : memref<100000x128xi32, #tpu.memory_space<hbm>> -> memref<100000x128xi32, #tpu.memory_space<hbm>>
    tpu.wait_indirect_dma semaphore(%arg14 : memref<!tpu.dma_semaphore, #tpu.memory_space<semaphore_mem>>) src(%dma_wait3A_292 : memref<100000x128xi32, #tpu.memory_space<hbm>>) dst(%arg12 : memref<112x128xi32, #tpu.memory_space<vmem>>)
    %add3A_293 = arith.constant 560 : i32
    %add3A_294 = arith.addi %mul3A_2, %add3A_293 : i32
    %dma_start3A_295 = arith.constant 0 : i32
    %dma_start3A_296 = tpu.memref_slice %arg5[%add3A_294, %dma_start3A_295] : memref<25088x128xi32, #tpu.memory_space<hbm>> -> memref<112x128xi32, #tpu.memory_space<hbm>>
    %dma_start3A_297 = arith.constant 0 : i32
    %dma_start3A_298 = tpu.memref_slice %arg5[%add3A_294, %dma_start3A_297] : memref<25088x128xi32, #tpu.memory_space<hbm>> -> memref<112x128xi32, #tpu.memory_space<hbm>>
    tpu.enqueue_dma source(%arg11 : memref<112x128xi32, #tpu.memory_space<vmem>>) target(%dma_start3A_298 : memref<112x128xi32, #tpu.memory_space<hbm>>) target_semaphore(%arg16 : memref<!tpu.dma_semaphore, #tpu.memory_space<semaphore_mem>>)
    %dma_start3A_299 = arith.constant 0 : i32
    %dma_start3A_300 = tpu.memref_slice %arg6[%add3A_294, %dma_start3A_299] : memref<25088x128xi32, #tpu.memory_space<hbm>> -> memref<112x128xi32, #tpu.memory_space<hbm>>
    %dma_start3A_301 = arith.constant 0 : i32
    %dma_start3A_302 = tpu.memref_slice %arg6[%add3A_294, %dma_start3A_301] : memref<25088x128xi32, #tpu.memory_space<hbm>> -> memref<112x128xi32, #tpu.memory_space<hbm>>
    tpu.enqueue_dma source(%arg12 : memref<112x128xi32, #tpu.memory_space<vmem>>) target(%dma_start3A_302 : memref<112x128xi32, #tpu.memory_space<hbm>>) target_semaphore(%arg16 : memref<!tpu.dma_semaphore, #tpu.memory_space<semaphore_mem>>)
    %dma_wait3A_303 = arith.constant 0 : i32
    %dma_wait3A_304 = arith.constant 0 : i32
    %dma_wait3A_305 = tpu.memref_slice %arg7[%dma_wait3A_303, %dma_wait3A_304] : memref<7x112xi32, #tpu.memory_space<vmem>> -> memref<1x112xi32, #tpu.memory_space<vmem>>
    %dma_wait3A_306 = tpu.memref_squeeze %dma_wait3A_305 : memref<1x112xi32, #tpu.memory_space<vmem>> -> memref<112xi32, #tpu.memory_space<vmem>>
    %dma_wait3A_307 = arith.constant 0 : i32
    %dma_wait3A_308 = arith.constant 0 : i32
    %dma_wait3A_309 = tpu.memref_slice %arg2[%dma_wait3A_307, %dma_wait3A_308] : memref<100000x128xi32, #tpu.memory_space<hbm>> -> memref<100000x128xi32, #tpu.memory_space<hbm>>
    tpu.wait_indirect_dma semaphore(%arg13 : memref<!tpu.dma_semaphore, #tpu.memory_space<semaphore_mem>>) src(%dma_wait3A_309 : memref<100000x128xi32, #tpu.memory_space<hbm>>) dst(%arg9 : memref<112x128xi32, #tpu.memory_space<vmem>>)
    %dma_wait3A_310 = arith.constant 0 : i32
    %dma_wait3A_311 = arith.constant 0 : i32
    %dma_wait3A_312 = tpu.memref_slice %arg8[%dma_wait3A_310, %dma_wait3A_311] : memref<7x112xi32, #tpu.memory_space<vmem>> -> memref<1x112xi32, #tpu.memory_space<vmem>>
    %dma_wait3A_313 = tpu.memref_squeeze %dma_wait3A_312 : memref<1x112xi32, #tpu.memory_space<vmem>> -> memref<112xi32, #tpu.memory_space<vmem>>
    %dma_wait3A_314 = arith.constant 0 : i32
    %dma_wait3A_315 = arith.constant 0 : i32
    %dma_wait3A_316 = tpu.memref_slice %arg2[%dma_wait3A_314, %dma_wait3A_315] : memref<100000x128xi32, #tpu.memory_space<hbm>> -> memref<100000x128xi32, #tpu.memory_space<hbm>>
    tpu.wait_indirect_dma semaphore(%arg13 : memref<!tpu.dma_semaphore, #tpu.memory_space<semaphore_mem>>) src(%dma_wait3A_316 : memref<100000x128xi32, #tpu.memory_space<hbm>>) dst(%arg10 : memref<112x128xi32, #tpu.memory_space<vmem>>)
    %add3A_317 = arith.constant 672 : i32
    %add3A_318 = arith.addi %mul3A_2, %add3A_317 : i32
    %dma_start3A_319 = arith.constant 0 : i32
    %dma_start3A_320 = tpu.memref_slice %arg5[%add3A_318, %dma_start3A_319] : memref<25088x128xi32, #tpu.memory_space<hbm>> -> memref<112x128xi32, #tpu.memory_space<hbm>>
    %dma_start3A_321 = arith.constant 0 : i32
    %dma_start3A_322 = tpu.memref_slice %arg5[%add3A_318, %dma_start3A_321] : memref<25088x128xi32, #tpu.memory_space<hbm>> -> memref<112x128xi32, #tpu.memory_space<hbm>>
    tpu.enqueue_dma source(%arg9 : memref<112x128xi32, #tpu.memory_space<vmem>>) target(%dma_start3A_322 : memref<112x128xi32, #tpu.memory_space<hbm>>) target_semaphore(%arg15 : memref<!tpu.dma_semaphore, #tpu.memory_space<semaphore_mem>>)
    %dma_start3A_323 = arith.constant 0 : i32
    %dma_start3A_324 = tpu.memref_slice %arg6[%add3A_318, %dma_start3A_323] : memref<25088x128xi32, #tpu.memory_space<hbm>> -> memref<112x128xi32, #tpu.memory_space<hbm>>
    %dma_start3A_325 = arith.constant 0 : i32
    %dma_start3A_326 = tpu.memref_slice %arg6[%add3A_318, %dma_start3A_325] : memref<25088x128xi32, #tpu.memory_space<hbm>> -> memref<112x128xi32, #tpu.memory_space<hbm>>
    tpu.enqueue_dma source(%arg10 : memref<112x128xi32, #tpu.memory_space<vmem>>) target(%dma_start3A_326 : memref<112x128xi32, #tpu.memory_space<hbm>>) target_semaphore(%arg15 : memref<!tpu.dma_semaphore, #tpu.memory_space<semaphore_mem>>)
    %dma_wait3A_327 = arith.constant 0 : i32
    %dma_wait3A_328 = arith.constant 0 : i32
    %dma_wait3A_329 = tpu.memref_slice %arg5[%dma_wait3A_327, %dma_wait3A_328] : memref<25088x128xi32, #tpu.memory_space<hbm>> -> memref<112x128xi32, #tpu.memory_space<hbm>>
    %dma_wait3A_330 = arith.constant 0 : i32
    %dma_wait3A_331 = arith.constant 0 : i32
    %dma_wait3A_332 = tpu.memref_slice %arg5[%dma_wait3A_330, %dma_wait3A_331] : memref<25088x128xi32, #tpu.memory_space<hbm>> -> memref<112x128xi32, #tpu.memory_space<hbm>>
    tpu.wait_dma2 semaphore(%arg16 : memref<!tpu.dma_semaphore, #tpu.memory_space<semaphore_mem>>) src(%arg11 : memref<112x128xi32, #tpu.memory_space<vmem>>) dst(%dma_wait3A_332 : memref<112x128xi32, #tpu.memory_space<hbm>>)
    %dma_wait3A_333 = arith.constant 0 : i32
    %dma_wait3A_334 = arith.constant 0 : i32
    %dma_wait3A_335 = tpu.memref_slice %arg6[%dma_wait3A_333, %dma_wait3A_334] : memref<25088x128xi32, #tpu.memory_space<hbm>> -> memref<112x128xi32, #tpu.memory_space<hbm>>
    %dma_wait3A_336 = arith.constant 0 : i32
    %dma_wait3A_337 = arith.constant 0 : i32
    %dma_wait3A_338 = tpu.memref_slice %arg6[%dma_wait3A_336, %dma_wait3A_337] : memref<25088x128xi32, #tpu.memory_space<hbm>> -> memref<112x128xi32, #tpu.memory_space<hbm>>
    tpu.wait_dma2 semaphore(%arg16 : memref<!tpu.dma_semaphore, #tpu.memory_space<semaphore_mem>>) src(%arg12 : memref<112x128xi32, #tpu.memory_space<vmem>>) dst(%dma_wait3A_338 : memref<112x128xi32, #tpu.memory_space<hbm>>)
    %dma_wait3A_339 = arith.constant 0 : i32
    %dma_wait3A_340 = arith.constant 0 : i32
    %dma_wait3A_341 = tpu.memref_slice %arg5[%dma_wait3A_339, %dma_wait3A_340] : memref<25088x128xi32, #tpu.memory_space<hbm>> -> memref<112x128xi32, #tpu.memory_space<hbm>>
    %dma_wait3A_342 = arith.constant 0 : i32
    %dma_wait3A_343 = arith.constant 0 : i32
    %dma_wait3A_344 = tpu.memref_slice %arg5[%dma_wait3A_342, %dma_wait3A_343] : memref<25088x128xi32, #tpu.memory_space<hbm>> -> memref<112x128xi32, #tpu.memory_space<hbm>>
    tpu.wait_dma2 semaphore(%arg15 : memref<!tpu.dma_semaphore, #tpu.memory_space<semaphore_mem>>) src(%arg9 : memref<112x128xi32, #tpu.memory_space<vmem>>) dst(%dma_wait3A_344 : memref<112x128xi32, #tpu.memory_space<hbm>>)
    %dma_wait3A_345 = arith.constant 0 : i32
    %dma_wait3A_346 = arith.constant 0 : i32
    %dma_wait3A_347 = tpu.memref_slice %arg6[%dma_wait3A_345, %dma_wait3A_346] : memref<25088x128xi32, #tpu.memory_space<hbm>> -> memref<112x128xi32, #tpu.memory_space<hbm>>
    %dma_wait3A_348 = arith.constant 0 : i32
    %dma_wait3A_349 = arith.constant 0 : i32
    %dma_wait3A_350 = tpu.memref_slice %arg6[%dma_wait3A_348, %dma_wait3A_349] : memref<25088x128xi32, #tpu.memory_space<hbm>> -> memref<112x128xi32, #tpu.memory_space<hbm>>
    tpu.wait_dma2 semaphore(%arg15 : memref<!tpu.dma_semaphore, #tpu.memory_space<semaphore_mem>>) src(%arg10 : memref<112x128xi32, #tpu.memory_space<vmem>>) dst(%dma_wait3A_350 : memref<112x128xi32, #tpu.memory_space<hbm>>)
    return
  }
}

module attributes {stable_mosaic.version = 14 : i64} {
  func.func @_tc_cell(%arg0: i32, %arg1: memref<5000x128xf32, #tpu.memory_space<vmem>>, %arg2: memref<5000x128xi32, #tpu.memory_space<vmem>>, %arg3: memref<5000x128xi32, #tpu.memory_space<vmem>>, %arg4: memref<128x384xf32, #tpu.memory_space<vmem>>, %arg5: memref<128x384xf32, #tpu.memory_space<vmem>>, %arg6: memref<128x384xf32, #tpu.memory_space<vmem>>, %arg7: memref<128x256xf32, #tpu.memory_space<vmem>>, %arg8: memref<128x256xf32, #tpu.memory_space<vmem>>, %arg9: memref<1x384xf32, #tpu.memory_space<vmem>>, %arg10: memref<1x256xf32, #tpu.memory_space<vmem>>, %arg11: memref<5000x128xf32, #tpu.memory_space<vmem>>, %arg12: memref<5000x128xf32, #tpu.memory_space<vmem>>) attributes {dimension_semantics = [#tpu.dimension_semantics<arbitrary>], iteration_bounds = array<i64: 5>, scalar_prefetch = 0 : i64, scratch_operands = 0 : i64, tpu.core_type = #tpu.core_type<tc>, window_params = [{transform_indices = @transform_0, window_bounds = array<i64: 5000, 128>}, {transform_indices = @transform_1, window_bounds = array<i64: 5000, 128>}, {transform_indices = @transform_2, window_bounds = array<i64: 5000, 128>}, {pipeline_mode = #tpu.pipeline_mode<synchronous>, transform_indices = @transform_3, window_bounds = array<i64: 128, 384>}, {pipeline_mode = #tpu.pipeline_mode<synchronous>, transform_indices = @transform_4, window_bounds = array<i64: 128, 384>}, {pipeline_mode = #tpu.pipeline_mode<synchronous>, transform_indices = @transform_5, window_bounds = array<i64: 128, 384>}, {pipeline_mode = #tpu.pipeline_mode<synchronous>, transform_indices = @transform_6, window_bounds = array<i64: 128, 256>}, {pipeline_mode = #tpu.pipeline_mode<synchronous>, transform_indices = @transform_7, window_bounds = array<i64: 128, 256>}, {pipeline_mode = #tpu.pipeline_mode<synchronous>, transform_indices = @transform_8, window_bounds = array<i64: 1, 384>}, {pipeline_mode = #tpu.pipeline_mode<synchronous>, transform_indices = @transform_9, window_bounds = array<i64: 1, 256>}, {transform_indices = @transform_10, window_bounds = array<i64: 5000, 128>}, {transform_indices = @transform_11, window_bounds = array<i64: 5000, 128>}]} {
    %get3A = arith.constant 0 : index
    %get3A_0 = arith.constant 0 : index
    %get3A_1 = vector.load %arg2[%get3A, %get3A_0] : memref<5000x128xi32, #tpu.memory_space<vmem>>, vector<5000x128xi32>
    %get3A_2 = arith.constant 0 : index
    %get3A_3 = arith.constant 0 : index
    %get3A_4 = vector.load %arg3[%get3A_2, %get3A_3] : memref<5000x128xi32, #tpu.memory_space<vmem>>, vector<5000x128xi32>
    %shift_left3A = arith.constant 16 : i32
    %shift_left3A_5 = vector.broadcast %shift_left3A : i32 to vector<5000x128xi32>
    %shift_left3A_6 = arith.shli %get3A_1, %shift_left3A_5 : vector<5000x128xi32>
    %bitcast_convert_type3A = tpu.bitcast %shift_left3A_6 : vector<5000x128xi32> -> vector<5000x128xf32>
    %convert_element_type3A = arith.truncf %bitcast_convert_type3A : vector<5000x128xf32> to vector<5000x128xbf16>
    %shift_left3A_7 = arith.constant 16 : i32
    %shift_left3A_8 = vector.broadcast %shift_left3A_7 : i32 to vector<5000x128xi32>
    %shift_left3A_9 = arith.shli %get3A_4, %shift_left3A_8 : vector<5000x128xi32>
    %bitcast_convert_type3A_10 = tpu.bitcast %shift_left3A_9 : vector<5000x128xi32> -> vector<5000x128xf32>
    %convert_element_type3A_11 = arith.truncf %bitcast_convert_type3A_10 : vector<5000x128xf32> to vector<5000x128xbf16>
    %and3A = arith.constant -65536 : i32
    %and3A_12 = vector.broadcast %and3A : i32 to vector<5000x128xi32>
    %and3A_13 = arith.andi %get3A_1, %and3A_12 : vector<5000x128xi32>
    %bitcast_convert_type3A_14 = tpu.bitcast %and3A_13 : vector<5000x128xi32> -> vector<5000x128xf32>
    %and3A_15 = arith.constant -65536 : i32
    %and3A_16 = vector.broadcast %and3A_15 : i32 to vector<5000x128xi32>
    %and3A_17 = arith.andi %get3A_4, %and3A_16 : vector<5000x128xi32>
    %bitcast_convert_type3A_18 = tpu.bitcast %and3A_17 : vector<5000x128xi32> -> vector<5000x128xf32>
    %get3A_19 = arith.constant 0 : index
    %get3A_20 = arith.constant 0 : index
    %get3A_21 = vector.load %arg7[%get3A_19, %get3A_20] : memref<128x256xf32, #tpu.memory_space<vmem>>, vector<128x256xf32>
    %convert_element_type3A_22 = arith.truncf %get3A_21 : vector<128x256xf32> to vector<128x256xbf16>
    %dot_general3A = arith.constant dense<0.000000e+00> : vector<5000x256xf32>
    %dot_general3A_23 = tpu.matmul %convert_element_type3A, %convert_element_type3A_22, %dot_general3A {dimension_numbers = #tpu.dot_dimension_numbers<[1], [0], [0], [1], [0, 0, 1, 1], [], []>, transpose_lhs_hint = false} : vector<5000x128xbf16>, vector<128x256xbf16>, vector<5000x256xf32> -> vector<5000x256xf32>
    %get3A_24 = arith.constant 0 : index
    %get3A_25 = arith.constant 0 : index
    %get3A_26 = vector.load %arg8[%get3A_24, %get3A_25] : memref<128x256xf32, #tpu.memory_space<vmem>>, vector<128x256xf32>
    %convert_element_type3A_27 = arith.truncf %get3A_26 : vector<128x256xf32> to vector<128x256xbf16>
    %dot_general3A_28 = arith.constant dense<0.000000e+00> : vector<5000x256xf32>
    %dot_general3A_29 = tpu.matmul %convert_element_type3A_11, %convert_element_type3A_27, %dot_general3A_28 {dimension_numbers = #tpu.dot_dimension_numbers<[1], [0], [0], [1], [0, 0, 1, 1], [], []>, transpose_lhs_hint = false} : vector<5000x128xbf16>, vector<128x256xbf16>, vector<5000x256xf32> -> vector<5000x256xf32>
    %add3A = arith.addf %dot_general3A_23, %dot_general3A_29 : vector<5000x256xf32>
    %get3A_30 = arith.constant 0 : index
    %get3A_31 = arith.constant 0 : index
    %get3A_32 = vector.load %arg10[%get3A_30, %get3A_31] : memref<1x256xf32, #tpu.memory_space<vmem>>, vector<1x256xf32>
    %add3A_33 = vector.broadcast %get3A_32 : vector<1x256xf32> to vector<5000x256xf32>
    %add3A_34 = arith.addf %add3A, %add3A_33 : vector<5000x256xf32>
    %mul3A = arith.constant 5.000000e-01 : f32
    %mul3A_35 = vector.broadcast %mul3A : f32 to vector<5000x256xf32>
    %mul3A_36 = arith.mulf %mul3A_35, %add3A_34 : vector<5000x256xf32>
    %tanh3A = math.tanh %mul3A_36 : vector<5000x256xf32>
    %mul3A_37 = arith.constant 5.000000e-01 : f32
    %mul3A_38 = vector.broadcast %mul3A_37 : f32 to vector<5000x256xf32>
    %mul3A_39 = arith.mulf %mul3A_38, %tanh3A : vector<5000x256xf32>
    %add3A_40 = arith.constant 5.000000e-01 : f32
    %add3A_41 = vector.broadcast %add3A_40 : f32 to vector<5000x256xf32>
    %add3A_42 = arith.addf %mul3A_39, %add3A_41 : vector<5000x256xf32>
    %slice3A = vector.extract_strided_slice %add3A_42 {offsets = [0, 0], sizes = [5000, 128], strides = [1, 1]} : vector<5000x256xf32> to vector<5000x128xf32>
    %mul3A_43 = arith.mulf %slice3A, %bitcast_convert_type3A_14 : vector<5000x128xf32>
    %slice3A_44 = vector.extract_strided_slice %add3A_42 {offsets = [0, 128], sizes = [5000, 128], strides = [1, 1]} : vector<5000x256xf32> to vector<5000x128xf32>
    %mul3A_45 = arith.mulf %slice3A_44, %bitcast_convert_type3A_18 : vector<5000x128xf32>
    %add3A_46 = arith.addf %mul3A_43, %mul3A_45 : vector<5000x128xf32>
    %get3A_47 = arith.constant 0 : index
    %get3A_48 = arith.constant 0 : index
    %get3A_49 = vector.load %arg1[%get3A_47, %get3A_48] : memref<5000x128xf32, #tpu.memory_space<vmem>>, vector<5000x128xf32>
    %convert_element_type3A_50 = arith.truncf %get3A_49 : vector<5000x128xf32> to vector<5000x128xbf16>
    %get3A_51 = arith.constant 0 : index
    %get3A_52 = arith.constant 0 : index
    %get3A_53 = vector.load %arg4[%get3A_51, %get3A_52] : memref<128x384xf32, #tpu.memory_space<vmem>>, vector<128x384xf32>
    %convert_element_type3A_54 = arith.truncf %get3A_53 : vector<128x384xf32> to vector<128x384xbf16>
    %dot_general3A_55 = arith.constant dense<0.000000e+00> : vector<5000x384xf32>
    %dot_general3A_56 = tpu.matmul %convert_element_type3A_50, %convert_element_type3A_54, %dot_general3A_55 {dimension_numbers = #tpu.dot_dimension_numbers<[1], [0], [0], [1], [0, 0, 1, 1], [], []>, transpose_lhs_hint = false} : vector<5000x128xbf16>, vector<128x384xbf16>, vector<5000x384xf32> -> vector<5000x384xf32>
    %get3A_57 = arith.constant 0 : index
    %get3A_58 = arith.constant 0 : index
    %get3A_59 = vector.load %arg5[%get3A_57, %get3A_58] : memref<128x384xf32, #tpu.memory_space<vmem>>, vector<128x384xf32>
    %convert_element_type3A_60 = arith.truncf %get3A_59 : vector<128x384xf32> to vector<128x384xbf16>
    %dot_general3A_61 = arith.constant dense<0.000000e+00> : vector<5000x384xf32>
    %dot_general3A_62 = tpu.matmul %convert_element_type3A, %convert_element_type3A_60, %dot_general3A_61 {dimension_numbers = #tpu.dot_dimension_numbers<[1], [0], [0], [1], [0, 0, 1, 1], [], []>, transpose_lhs_hint = false} : vector<5000x128xbf16>, vector<128x384xbf16>, vector<5000x384xf32> -> vector<5000x384xf32>
    %add3A_63 = arith.addf %dot_general3A_56, %dot_general3A_62 : vector<5000x384xf32>
    %get3A_64 = arith.constant 0 : index
    %get3A_65 = arith.constant 0 : index
    %get3A_66 = vector.load %arg6[%get3A_64, %get3A_65] : memref<128x384xf32, #tpu.memory_space<vmem>>, vector<128x384xf32>
    %convert_element_type3A_67 = arith.truncf %get3A_66 : vector<128x384xf32> to vector<128x384xbf16>
    %dot_general3A_68 = arith.constant dense<0.000000e+00> : vector<5000x384xf32>
    %dot_general3A_69 = tpu.matmul %convert_element_type3A_11, %convert_element_type3A_67, %dot_general3A_68 {dimension_numbers = #tpu.dot_dimension_numbers<[1], [0], [0], [1], [0, 0, 1, 1], [], []>, transpose_lhs_hint = false} : vector<5000x128xbf16>, vector<128x384xbf16>, vector<5000x384xf32> -> vector<5000x384xf32>
    %add3A_70 = arith.addf %add3A_63, %dot_general3A_69 : vector<5000x384xf32>
    %get3A_71 = arith.constant 0 : index
    %get3A_72 = arith.constant 0 : index
    %get3A_73 = vector.load %arg9[%get3A_71, %get3A_72] : memref<1x384xf32, #tpu.memory_space<vmem>>, vector<1x384xf32>
    %add3A_74 = vector.broadcast %get3A_73 : vector<1x384xf32> to vector<5000x384xf32>
    %add3A_75 = arith.addf %add3A_70, %add3A_74 : vector<5000x384xf32>
    %slice3A_76 = vector.extract_strided_slice %add3A_75 {offsets = [0, 0], sizes = [5000, 128], strides = [1, 1]} : vector<5000x384xf32> to vector<5000x128xf32>
    %mul3A_77 = arith.constant 5.000000e-01 : f32
    %mul3A_78 = vector.broadcast %mul3A_77 : f32 to vector<5000x128xf32>
    %mul3A_79 = arith.mulf %mul3A_78, %slice3A_76 : vector<5000x128xf32>
    %tanh3A_80 = math.tanh %mul3A_79 : vector<5000x128xf32>
    %mul3A_81 = arith.constant 5.000000e-01 : f32
    %mul3A_82 = vector.broadcast %mul3A_81 : f32 to vector<5000x128xf32>
    %mul3A_83 = arith.mulf %mul3A_82, %tanh3A_80 : vector<5000x128xf32>
    %add3A_84 = arith.constant 5.000000e-01 : f32
    %add3A_85 = vector.broadcast %add3A_84 : f32 to vector<5000x128xf32>
    %add3A_86 = arith.addf %mul3A_83, %add3A_85 : vector<5000x128xf32>
    %slice3A_87 = vector.extract_strided_slice %add3A_75 {offsets = [0, 128], sizes = [5000, 128], strides = [1, 1]} : vector<5000x384xf32> to vector<5000x128xf32>
    %mul3A_88 = arith.constant 5.000000e-01 : f32
    %mul3A_89 = vector.broadcast %mul3A_88 : f32 to vector<5000x128xf32>
    %mul3A_90 = arith.mulf %mul3A_89, %slice3A_87 : vector<5000x128xf32>
    %tanh3A_91 = math.tanh %mul3A_90 : vector<5000x128xf32>
    %mul3A_92 = arith.constant 5.000000e-01 : f32
    %mul3A_93 = vector.broadcast %mul3A_92 : f32 to vector<5000x128xf32>
    %mul3A_94 = arith.mulf %mul3A_93, %tanh3A_91 : vector<5000x128xf32>
    %add3A_95 = arith.constant 5.000000e-01 : f32
    %add3A_96 = vector.broadcast %add3A_95 : f32 to vector<5000x128xf32>
    %add3A_97 = arith.addf %mul3A_94, %add3A_96 : vector<5000x128xf32>
    %slice3A_98 = vector.extract_strided_slice %add3A_75 {offsets = [0, 256], sizes = [5000, 128], strides = [1, 1]} : vector<5000x384xf32> to vector<5000x128xf32>
    %tanh3A_99 = math.tanh %slice3A_98 : vector<5000x128xf32>
    %mul3A_100 = arith.mulf %add3A_86, %tanh3A_99 : vector<5000x128xf32>
    %add3A_101 = arith.addf %mul3A_100, %add3A_46 : vector<5000x128xf32>
    %tanh3A_102 = math.tanh %add3A_101 : vector<5000x128xf32>
    %mul3A_103 = arith.mulf %add3A_97, %tanh3A_102 : vector<5000x128xf32>
    %swap3A = arith.constant 0 : index
    %swap3A_104 = arith.constant 0 : index
    %swap3A_105 = vector.load %arg11[%swap3A, %swap3A_104] : memref<5000x128xf32, #tpu.memory_space<vmem>>, vector<5000x128xf32>
    tpu.vector_store %arg11[%swap3A, %swap3A_104], %mul3A_103 {strides = array<i32>} : memref<5000x128xf32, #tpu.memory_space<vmem>>, vector<5000x128xf32>,
    %swap3A_106 = arith.constant 0 : index
    %swap3A_107 = arith.constant 0 : index
    %swap3A_108 = vector.load %arg12[%swap3A_106, %swap3A_107] : memref<5000x128xf32, #tpu.memory_space<vmem>>, vector<5000x128xf32>
    tpu.vector_store %arg12[%swap3A_106, %swap3A_107], %add3A_101 {strides = array<i32>} : memref<5000x128xf32, #tpu.memory_space<vmem>>, vector<5000x128xf32>,
    return
  }
  func.func @transform_0(%arg0: i32) -> (i32, i32) {
    %add3A = arith.constant 0 : i32
    %add3A_0 = arith.addi %add3A, %arg0 : i32
    %c0_i32 = arith.constant 0 : i32
    %c0_i32_1 = arith.constant 0 : i32
    return %add3A_0, %c0_i32 : i32, i32
  }
  func.func @transform_1(%arg0: i32) -> (i32, i32) {
    %c0_i32 = arith.constant 0 : i32
    %c0_i32_0 = arith.constant 0 : i32
    return %arg0, %c0_i32 : i32, i32
  }
  func.func @transform_2(%arg0: i32) -> (i32, i32) {
    %c0_i32 = arith.constant 0 : i32
    %c0_i32_0 = arith.constant 0 : i32
    return %arg0, %c0_i32 : i32, i32
  }
  func.func @transform_3(%arg0: i32) -> (i32, i32) {
    %c0_i32 = arith.constant 0 : i32
    %c0_i32_0 = arith.constant 0 : i32
    %c0_i32_1 = arith.constant 0 : i32
    return %c0_i32, %c0_i32_0 : i32, i32
  }
  func.func @transform_4(%arg0: i32) -> (i32, i32) {
    %c0_i32 = arith.constant 0 : i32
    %c0_i32_0 = arith.constant 0 : i32
    %c0_i32_1 = arith.constant 0 : i32
    return %c0_i32, %c0_i32_0 : i32, i32
  }
  func.func @transform_5(%arg0: i32) -> (i32, i32) {
    %c0_i32 = arith.constant 0 : i32
    %c0_i32_0 = arith.constant 0 : i32
    %c0_i32_1 = arith.constant 0 : i32
    return %c0_i32, %c0_i32_0 : i32, i32
  }
  func.func @transform_6(%arg0: i32) -> (i32, i32) {
    %c0_i32 = arith.constant 0 : i32
    %c0_i32_0 = arith.constant 0 : i32
    %c0_i32_1 = arith.constant 0 : i32
    return %c0_i32, %c0_i32_0 : i32, i32
  }
  func.func @transform_7(%arg0: i32) -> (i32, i32) {
    %c0_i32 = arith.constant 0 : i32
    %c0_i32_0 = arith.constant 0 : i32
    %c0_i32_1 = arith.constant 0 : i32
    return %c0_i32, %c0_i32_0 : i32, i32
  }
  func.func @transform_8(%arg0: i32) -> (i32, i32) {
    %c0_i32 = arith.constant 0 : i32
    %c0_i32_0 = arith.constant 0 : i32
    %c0_i32_1 = arith.constant 0 : i32
    return %c0_i32, %c0_i32_0 : i32, i32
  }
  func.func @transform_9(%arg0: i32) -> (i32, i32) {
    %c0_i32 = arith.constant 0 : i32
    %c0_i32_0 = arith.constant 0 : i32
    %c0_i32_1 = arith.constant 0 : i32
    return %c0_i32, %c0_i32_0 : i32, i32
  }
  func.func @transform_10(%arg0: i32) -> (i32, i32) {
    %add3A = arith.constant 0 : i32
    %add3A_0 = arith.addi %add3A, %arg0 : i32
    %c0_i32 = arith.constant 0 : i32
    %c0_i32_1 = arith.constant 0 : i32
    return %add3A_0, %c0_i32 : i32, i32
  }
  func.func @transform_11(%arg0: i32) -> (i32, i32) {
    %add3A = arith.constant 0 : i32
    %add3A_0 = arith.addi %add3A, %arg0 : i32
    %c0_i32 = arith.constant 0 : i32
    %c0_i32_1 = arith.constant 0 : i32
    return %add3A_0, %c0_i32 : i32, i32
  }
}

module attributes {stable_mosaic.version = 14 : i64} {
  func.func @_lambda_(%arg0: i32, %arg1: memref<5000x128xf32, #tpu.memory_space<vmem>>, %arg2: memref<5000x128xi32, #tpu.memory_space<vmem>>, %arg3: memref<5000x128xi32, #tpu.memory_space<vmem>>, %arg4: memref<128x384xf32, #tpu.memory_space<vmem>>, %arg5: memref<128x384xf32, #tpu.memory_space<vmem>>, %arg6: memref<128x384xf32, #tpu.memory_space<vmem>>, %arg7: memref<128x256xf32, #tpu.memory_space<vmem>>, %arg8: memref<128x256xf32, #tpu.memory_space<vmem>>, %arg9: memref<1x384xf32, #tpu.memory_space<vmem>>, %arg10: memref<1x256xf32, #tpu.memory_space<vmem>>, %arg11: memref<100000x128xf32, #tpu.memory_space<any>>, %arg12: memref<100000x128xf32, #tpu.memory_space<any>>, %arg13: memref<5000x128xf32, #tpu.memory_space<vmem>>, %arg14: memref<5000x128xf32, #tpu.memory_space<vmem>>) attributes {dimension_semantics = [#tpu.dimension_semantics<arbitrary>], iteration_bounds = array<i64: 5>, scalar_prefetch = 0 : i64, scratch_operands = 0 : i64, tpu.core_type = #tpu.core_type<tc>, window_params = [{transform_indices = @transform_0, window_bounds = array<i64: 5000, 128>}, {transform_indices = @transform_1, window_bounds = array<i64: 5000, 128>}, {transform_indices = @transform_2, window_bounds = array<i64: 5000, 128>}, {pipeline_mode = #tpu.pipeline_mode<synchronous>, transform_indices = @transform_3, window_bounds = array<i64: 128, 384>}, {pipeline_mode = #tpu.pipeline_mode<synchronous>, transform_indices = @transform_4, window_bounds = array<i64: 128, 384>}, {pipeline_mode = #tpu.pipeline_mode<synchronous>, transform_indices = @transform_5, window_bounds = array<i64: 128, 384>}, {pipeline_mode = #tpu.pipeline_mode<synchronous>, transform_indices = @transform_6, window_bounds = array<i64: 128, 256>}, {pipeline_mode = #tpu.pipeline_mode<synchronous>, transform_indices = @transform_7, window_bounds = array<i64: 128, 256>}, {pipeline_mode = #tpu.pipeline_mode<synchronous>, transform_indices = @transform_8, window_bounds = array<i64: 1, 384>}, {pipeline_mode = #tpu.pipeline_mode<synchronous>, transform_indices = @transform_9, window_bounds = array<i64: 1, 256>}, {}, {}, {transform_indices = @transform_12, window_bounds = array<i64: 5000, 128>}, {transform_indices = @transform_13, window_bounds = array<i64: 5000, 128>}]} {
    %get3A = arith.constant 0 : index
    %get3A_0 = arith.constant 0 : index
    %get3A_1 = vector.load %arg2[%get3A, %get3A_0] : memref<5000x128xi32, #tpu.memory_space<vmem>>, vector<5000x128xi32>
    %get3A_2 = arith.constant 0 : index
    %get3A_3 = arith.constant 0 : index
    %get3A_4 = vector.load %arg3[%get3A_2, %get3A_3] : memref<5000x128xi32, #tpu.memory_space<vmem>>, vector<5000x128xi32>
    %shift_left3A = arith.constant 16 : i32
    %shift_left3A_5 = vector.broadcast %shift_left3A : i32 to vector<5000x128xi32>
    %shift_left3A_6 = arith.shli %get3A_1, %shift_left3A_5 : vector<5000x128xi32>
    %bitcast_convert_type3A = tpu.bitcast %shift_left3A_6 : vector<5000x128xi32> -> vector<5000x128xf32>
    %convert_element_type3A = arith.truncf %bitcast_convert_type3A : vector<5000x128xf32> to vector<5000x128xbf16>
    %shift_left3A_7 = arith.constant 16 : i32
    %shift_left3A_8 = vector.broadcast %shift_left3A_7 : i32 to vector<5000x128xi32>
    %shift_left3A_9 = arith.shli %get3A_4, %shift_left3A_8 : vector<5000x128xi32>
    %bitcast_convert_type3A_10 = tpu.bitcast %shift_left3A_9 : vector<5000x128xi32> -> vector<5000x128xf32>
    %convert_element_type3A_11 = arith.truncf %bitcast_convert_type3A_10 : vector<5000x128xf32> to vector<5000x128xbf16>
    %and3A = arith.constant -65536 : i32
    %and3A_12 = vector.broadcast %and3A : i32 to vector<5000x128xi32>
    %and3A_13 = arith.andi %get3A_1, %and3A_12 : vector<5000x128xi32>
    %bitcast_convert_type3A_14 = tpu.bitcast %and3A_13 : vector<5000x128xi32> -> vector<5000x128xf32>
    %and3A_15 = arith.constant -65536 : i32
    %and3A_16 = vector.broadcast %and3A_15 : i32 to vector<5000x128xi32>
    %and3A_17 = arith.andi %get3A_4, %and3A_16 : vector<5000x128xi32>
    %bitcast_convert_type3A_18 = tpu.bitcast %and3A_17 : vector<5000x128xi32> -> vector<5000x128xf32>
    %get3A_19 = arith.constant 0 : index
    %get3A_20 = arith.constant 0 : index
    %get3A_21 = vector.load %arg7[%get3A_19, %get3A_20] : memref<128x256xf32, #tpu.memory_space<vmem>>, vector<128x256xf32>
    %convert_element_type3A_22 = arith.truncf %get3A_21 : vector<128x256xf32> to vector<128x256xbf16>
    %dot_general3A = arith.constant dense<0.000000e+00> : vector<5000x256xf32>
    %dot_general3A_23 = tpu.matmul %convert_element_type3A, %convert_element_type3A_22, %dot_general3A {dimension_numbers = #tpu.dot_dimension_numbers<[1], [0], [0], [1], [0, 0, 1, 1], [], []>, transpose_lhs_hint = false} : vector<5000x128xbf16>, vector<128x256xbf16>, vector<5000x256xf32> -> vector<5000x256xf32>
    %get3A_24 = arith.constant 0 : index
    %get3A_25 = arith.constant 0 : index
    %get3A_26 = vector.load %arg8[%get3A_24, %get3A_25] : memref<128x256xf32, #tpu.memory_space<vmem>>, vector<128x256xf32>
    %convert_element_type3A_27 = arith.truncf %get3A_26 : vector<128x256xf32> to vector<128x256xbf16>
    %dot_general3A_28 = arith.constant dense<0.000000e+00> : vector<5000x256xf32>
    %dot_general3A_29 = tpu.matmul %convert_element_type3A_11, %convert_element_type3A_27, %dot_general3A_28 {dimension_numbers = #tpu.dot_dimension_numbers<[1], [0], [0], [1], [0, 0, 1, 1], [], []>, transpose_lhs_hint = false} : vector<5000x128xbf16>, vector<128x256xbf16>, vector<5000x256xf32> -> vector<5000x256xf32>
    %add3A = arith.addf %dot_general3A_23, %dot_general3A_29 : vector<5000x256xf32>
    %get3A_30 = arith.constant 0 : index
    %get3A_31 = arith.constant 0 : index
    %get3A_32 = vector.load %arg10[%get3A_30, %get3A_31] : memref<1x256xf32, #tpu.memory_space<vmem>>, vector<1x256xf32>
    %add3A_33 = vector.broadcast %get3A_32 : vector<1x256xf32> to vector<5000x256xf32>
    %add3A_34 = arith.addf %add3A, %add3A_33 : vector<5000x256xf32>
    %mul3A = arith.constant 5.000000e-01 : f32
    %mul3A_35 = vector.broadcast %mul3A : f32 to vector<5000x256xf32>
    %mul3A_36 = arith.mulf %mul3A_35, %add3A_34 : vector<5000x256xf32>
    %tanh3A = math.tanh %mul3A_36 : vector<5000x256xf32>
    %mul3A_37 = arith.constant 5.000000e-01 : f32
    %mul3A_38 = vector.broadcast %mul3A_37 : f32 to vector<5000x256xf32>
    %mul3A_39 = arith.mulf %mul3A_38, %tanh3A : vector<5000x256xf32>
    %add3A_40 = arith.constant 5.000000e-01 : f32
    %add3A_41 = vector.broadcast %add3A_40 : f32 to vector<5000x256xf32>
    %add3A_42 = arith.addf %mul3A_39, %add3A_41 : vector<5000x256xf32>
    %slice3A = vector.extract_strided_slice %add3A_42 {offsets = [0, 0], sizes = [5000, 128], strides = [1, 1]} : vector<5000x256xf32> to vector<5000x128xf32>
    %mul3A_43 = arith.mulf %slice3A, %bitcast_convert_type3A_14 : vector<5000x128xf32>
    %slice3A_44 = vector.extract_strided_slice %add3A_42 {offsets = [0, 128], sizes = [5000, 128], strides = [1, 1]} : vector<5000x256xf32> to vector<5000x128xf32>
    %mul3A_45 = arith.mulf %slice3A_44, %bitcast_convert_type3A_18 : vector<5000x128xf32>
    %add3A_46 = arith.addf %mul3A_43, %mul3A_45 : vector<5000x128xf32>
    %get3A_47 = arith.constant 0 : index
    %get3A_48 = arith.constant 0 : index
    %get3A_49 = vector.load %arg1[%get3A_47, %get3A_48] : memref<5000x128xf32, #tpu.memory_space<vmem>>, vector<5000x128xf32>
    %convert_element_type3A_50 = arith.truncf %get3A_49 : vector<5000x128xf32> to vector<5000x128xbf16>
    %get3A_51 = arith.constant 0 : index
    %get3A_52 = arith.constant 0 : index
    %get3A_53 = vector.load %arg4[%get3A_51, %get3A_52] : memref<128x384xf32, #tpu.memory_space<vmem>>, vector<128x384xf32>
    %convert_element_type3A_54 = arith.truncf %get3A_53 : vector<128x384xf32> to vector<128x384xbf16>
    %dot_general3A_55 = arith.constant dense<0.000000e+00> : vector<5000x384xf32>
    %dot_general3A_56 = tpu.matmul %convert_element_type3A_50, %convert_element_type3A_54, %dot_general3A_55 {dimension_numbers = #tpu.dot_dimension_numbers<[1], [0], [0], [1], [0, 0, 1, 1], [], []>, transpose_lhs_hint = false} : vector<5000x128xbf16>, vector<128x384xbf16>, vector<5000x384xf32> -> vector<5000x384xf32>
    %get3A_57 = arith.constant 0 : index
    %get3A_58 = arith.constant 0 : index
    %get3A_59 = vector.load %arg5[%get3A_57, %get3A_58] : memref<128x384xf32, #tpu.memory_space<vmem>>, vector<128x384xf32>
    %convert_element_type3A_60 = arith.truncf %get3A_59 : vector<128x384xf32> to vector<128x384xbf16>
    %dot_general3A_61 = arith.constant dense<0.000000e+00> : vector<5000x384xf32>
    %dot_general3A_62 = tpu.matmul %convert_element_type3A, %convert_element_type3A_60, %dot_general3A_61 {dimension_numbers = #tpu.dot_dimension_numbers<[1], [0], [0], [1], [0, 0, 1, 1], [], []>, transpose_lhs_hint = false} : vector<5000x128xbf16>, vector<128x384xbf16>, vector<5000x384xf32> -> vector<5000x384xf32>
    %add3A_63 = arith.addf %dot_general3A_56, %dot_general3A_62 : vector<5000x384xf32>
    %get3A_64 = arith.constant 0 : index
    %get3A_65 = arith.constant 0 : index
    %get3A_66 = vector.load %arg6[%get3A_64, %get3A_65] : memref<128x384xf32, #tpu.memory_space<vmem>>, vector<128x384xf32>
    %convert_element_type3A_67 = arith.truncf %get3A_66 : vector<128x384xf32> to vector<128x384xbf16>
    %dot_general3A_68 = arith.constant dense<0.000000e+00> : vector<5000x384xf32>
    %dot_general3A_69 = tpu.matmul %convert_element_type3A_11, %convert_element_type3A_67, %dot_general3A_68 {dimension_numbers = #tpu.dot_dimension_numbers<[1], [0], [0], [1], [0, 0, 1, 1], [], []>, transpose_lhs_hint = false} : vector<5000x128xbf16>, vector<128x384xbf16>, vector<5000x384xf32> -> vector<5000x384xf32>
    %add3A_70 = arith.addf %add3A_63, %dot_general3A_69 : vector<5000x384xf32>
    %get3A_71 = arith.constant 0 : index
    %get3A_72 = arith.constant 0 : index
    %get3A_73 = vector.load %arg9[%get3A_71, %get3A_72] : memref<1x384xf32, #tpu.memory_space<vmem>>, vector<1x384xf32>
    %add3A_74 = vector.broadcast %get3A_73 : vector<1x384xf32> to vector<5000x384xf32>
    %add3A_75 = arith.addf %add3A_70, %add3A_74 : vector<5000x384xf32>
    %slice3A_76 = vector.extract_strided_slice %add3A_75 {offsets = [0, 0], sizes = [5000, 128], strides = [1, 1]} : vector<5000x384xf32> to vector<5000x128xf32>
    %mul3A_77 = arith.constant 5.000000e-01 : f32
    %mul3A_78 = vector.broadcast %mul3A_77 : f32 to vector<5000x128xf32>
    %mul3A_79 = arith.mulf %mul3A_78, %slice3A_76 : vector<5000x128xf32>
    %tanh3A_80 = math.tanh %mul3A_79 : vector<5000x128xf32>
    %mul3A_81 = arith.constant 5.000000e-01 : f32
    %mul3A_82 = vector.broadcast %mul3A_81 : f32 to vector<5000x128xf32>
    %mul3A_83 = arith.mulf %mul3A_82, %tanh3A_80 : vector<5000x128xf32>
    %add3A_84 = arith.constant 5.000000e-01 : f32
    %add3A_85 = vector.broadcast %add3A_84 : f32 to vector<5000x128xf32>
    %add3A_86 = arith.addf %mul3A_83, %add3A_85 : vector<5000x128xf32>
    %slice3A_87 = vector.extract_strided_slice %add3A_75 {offsets = [0, 128], sizes = [5000, 128], strides = [1, 1]} : vector<5000x384xf32> to vector<5000x128xf32>
    %mul3A_88 = arith.constant 5.000000e-01 : f32
    %mul3A_89 = vector.broadcast %mul3A_88 : f32 to vector<5000x128xf32>
    %mul3A_90 = arith.mulf %mul3A_89, %slice3A_87 : vector<5000x128xf32>
    %tanh3A_91 = math.tanh %mul3A_90 : vector<5000x128xf32>
    %mul3A_92 = arith.constant 5.000000e-01 : f32
    %mul3A_93 = vector.broadcast %mul3A_92 : f32 to vector<5000x128xf32>
    %mul3A_94 = arith.mulf %mul3A_93, %tanh3A_91 : vector<5000x128xf32>
    %add3A_95 = arith.constant 5.000000e-01 : f32
    %add3A_96 = vector.broadcast %add3A_95 : f32 to vector<5000x128xf32>
    %add3A_97 = arith.addf %mul3A_94, %add3A_96 : vector<5000x128xf32>
    %slice3A_98 = vector.extract_strided_slice %add3A_75 {offsets = [0, 256], sizes = [5000, 128], strides = [1, 1]} : vector<5000x384xf32> to vector<5000x128xf32>
    %tanh3A_99 = math.tanh %slice3A_98 : vector<5000x128xf32>
    %mul3A_100 = arith.mulf %add3A_86, %tanh3A_99 : vector<5000x128xf32>
    %add3A_101 = arith.addf %mul3A_100, %add3A_46 : vector<5000x128xf32>
    %tanh3A_102 = math.tanh %add3A_101 : vector<5000x128xf32>
    %mul3A_103 = arith.mulf %add3A_97, %tanh3A_102 : vector<5000x128xf32>
    %swap3A = arith.constant 0 : index
    %swap3A_104 = arith.constant 0 : index
    %swap3A_105 = vector.load %arg13[%swap3A, %swap3A_104] : memref<5000x128xf32, #tpu.memory_space<vmem>>, vector<5000x128xf32>
    tpu.vector_store %arg13[%swap3A, %swap3A_104], %mul3A_103 {strides = array<i32>} : memref<5000x128xf32, #tpu.memory_space<vmem>>, vector<5000x128xf32>,
    %swap3A_106 = arith.constant 0 : index
    %swap3A_107 = arith.constant 0 : index
    %swap3A_108 = vector.load %arg14[%swap3A_106, %swap3A_107] : memref<5000x128xf32, #tpu.memory_space<vmem>>, vector<5000x128xf32>
    tpu.vector_store %arg14[%swap3A_106, %swap3A_107], %add3A_101 {strides = array<i32>} : memref<5000x128xf32, #tpu.memory_space<vmem>>, vector<5000x128xf32>,
    return
  }
  func.func @transform_0(%arg0: i32) -> (i32, i32) {
    %add3A = arith.constant 5 : i32
    %add3A_0 = arith.addi %add3A, %arg0 : i32
    %c0_i32 = arith.constant 0 : i32
    %c0_i32_1 = arith.constant 0 : i32
    return %add3A_0, %c0_i32 : i32, i32
  }
  func.func @transform_1(%arg0: i32) -> (i32, i32) {
    %c0_i32 = arith.constant 0 : i32
    %c0_i32_0 = arith.constant 0 : i32
    return %arg0, %c0_i32 : i32, i32
  }
  func.func @transform_2(%arg0: i32) -> (i32, i32) {
    %c0_i32 = arith.constant 0 : i32
    %c0_i32_0 = arith.constant 0 : i32
    return %arg0, %c0_i32 : i32, i32
  }
  func.func @transform_3(%arg0: i32) -> (i32, i32) {
    %c0_i32 = arith.constant 0 : i32
    %c0_i32_0 = arith.constant 0 : i32
    %c0_i32_1 = arith.constant 0 : i32
    return %c0_i32, %c0_i32_0 : i32, i32
  }
  func.func @transform_4(%arg0: i32) -> (i32, i32) {
    %c0_i32 = arith.constant 0 : i32
    %c0_i32_0 = arith.constant 0 : i32
    %c0_i32_1 = arith.constant 0 : i32
    return %c0_i32, %c0_i32_0 : i32, i32
  }
  func.func @transform_5(%arg0: i32) -> (i32, i32) {
    %c0_i32 = arith.constant 0 : i32
    %c0_i32_0 = arith.constant 0 : i32
    %c0_i32_1 = arith.constant 0 : i32
    return %c0_i32, %c0_i32_0 : i32, i32
  }
  func.func @transform_6(%arg0: i32) -> (i32, i32) {
    %c0_i32 = arith.constant 0 : i32
    %c0_i32_0 = arith.constant 0 : i32
    %c0_i32_1 = arith.constant 0 : i32
    return %c0_i32, %c0_i32_0 : i32, i32
  }
  func.func @transform_7(%arg0: i32) -> (i32, i32) {
    %c0_i32 = arith.constant 0 : i32
    %c0_i32_0 = arith.constant 0 : i32
    %c0_i32_1 = arith.constant 0 : i32
    return %c0_i32, %c0_i32_0 : i32, i32
  }
  func.func @transform_8(%arg0: i32) -> (i32, i32) {
    %c0_i32 = arith.constant 0 : i32
    %c0_i32_0 = arith.constant 0 : i32
    %c0_i32_1 = arith.constant 0 : i32
    return %c0_i32, %c0_i32_0 : i32, i32
  }
  func.func @transform_9(%arg0: i32) -> (i32, i32) {
    %c0_i32 = arith.constant 0 : i32
    %c0_i32_0 = arith.constant 0 : i32
    %c0_i32_1 = arith.constant 0 : i32
    return %c0_i32, %c0_i32_0 : i32, i32
  }
  func.func @transform_12(%arg0: i32) -> (i32, i32) {
    %add3A = arith.constant 5 : i32
    %add3A_0 = arith.addi %add3A, %arg0 : i32
    %c0_i32 = arith.constant 0 : i32
    %c0_i32_1 = arith.constant 0 : i32
    return %add3A_0, %c0_i32 : i32, i32
  }
  func.func @transform_13(%arg0: i32) -> (i32, i32) {
    %add3A = arith.constant 5 : i32
    %add3A_0 = arith.addi %add3A, %arg0 : i32
    %c0_i32 = arith.constant 0 : i32
    %c0_i32_1 = arith.constant 0 : i32
    return %add3A_0, %c0_i32 : i32, i32
  }
}

module attributes {stable_mosaic.version = 14 : i64} {
  func.func @_lambda_(%arg0: i32, %arg1: memref<5000x128xf32, #tpu.memory_space<vmem>>, %arg2: memref<5000x128xi32, #tpu.memory_space<vmem>>, %arg3: memref<5000x128xi32, #tpu.memory_space<vmem>>, %arg4: memref<128x384xf32, #tpu.memory_space<vmem>>, %arg5: memref<128x384xf32, #tpu.memory_space<vmem>>, %arg6: memref<128x384xf32, #tpu.memory_space<vmem>>, %arg7: memref<128x256xf32, #tpu.memory_space<vmem>>, %arg8: memref<128x256xf32, #tpu.memory_space<vmem>>, %arg9: memref<1x384xf32, #tpu.memory_space<vmem>>, %arg10: memref<1x256xf32, #tpu.memory_space<vmem>>, %arg11: memref<100000x128xf32, #tpu.memory_space<any>>, %arg12: memref<100000x128xf32, #tpu.memory_space<any>>, %arg13: memref<5000x128xf32, #tpu.memory_space<vmem>>, %arg14: memref<5000x128xf32, #tpu.memory_space<vmem>>) attributes {dimension_semantics = [#tpu.dimension_semantics<arbitrary>], iteration_bounds = array<i64: 5>, scalar_prefetch = 0 : i64, scratch_operands = 0 : i64, tpu.core_type = #tpu.core_type<tc>, window_params = [{transform_indices = @transform_0, window_bounds = array<i64: 5000, 128>}, {transform_indices = @transform_1, window_bounds = array<i64: 5000, 128>}, {transform_indices = @transform_2, window_bounds = array<i64: 5000, 128>}, {pipeline_mode = #tpu.pipeline_mode<synchronous>, transform_indices = @transform_3, window_bounds = array<i64: 128, 384>}, {pipeline_mode = #tpu.pipeline_mode<synchronous>, transform_indices = @transform_4, window_bounds = array<i64: 128, 384>}, {pipeline_mode = #tpu.pipeline_mode<synchronous>, transform_indices = @transform_5, window_bounds = array<i64: 128, 384>}, {pipeline_mode = #tpu.pipeline_mode<synchronous>, transform_indices = @transform_6, window_bounds = array<i64: 128, 256>}, {pipeline_mode = #tpu.pipeline_mode<synchronous>, transform_indices = @transform_7, window_bounds = array<i64: 128, 256>}, {pipeline_mode = #tpu.pipeline_mode<synchronous>, transform_indices = @transform_8, window_bounds = array<i64: 1, 384>}, {pipeline_mode = #tpu.pipeline_mode<synchronous>, transform_indices = @transform_9, window_bounds = array<i64: 1, 256>}, {}, {}, {transform_indices = @transform_12, window_bounds = array<i64: 5000, 128>}, {transform_indices = @transform_13, window_bounds = array<i64: 5000, 128>}]} {
    %get3A = arith.constant 0 : index
    %get3A_0 = arith.constant 0 : index
    %get3A_1 = vector.load %arg2[%get3A, %get3A_0] : memref<5000x128xi32, #tpu.memory_space<vmem>>, vector<5000x128xi32>
    %get3A_2 = arith.constant 0 : index
    %get3A_3 = arith.constant 0 : index
    %get3A_4 = vector.load %arg3[%get3A_2, %get3A_3] : memref<5000x128xi32, #tpu.memory_space<vmem>>, vector<5000x128xi32>
    %shift_left3A = arith.constant 16 : i32
    %shift_left3A_5 = vector.broadcast %shift_left3A : i32 to vector<5000x128xi32>
    %shift_left3A_6 = arith.shli %get3A_1, %shift_left3A_5 : vector<5000x128xi32>
    %bitcast_convert_type3A = tpu.bitcast %shift_left3A_6 : vector<5000x128xi32> -> vector<5000x128xf32>
    %convert_element_type3A = arith.truncf %bitcast_convert_type3A : vector<5000x128xf32> to vector<5000x128xbf16>
    %shift_left3A_7 = arith.constant 16 : i32
    %shift_left3A_8 = vector.broadcast %shift_left3A_7 : i32 to vector<5000x128xi32>
    %shift_left3A_9 = arith.shli %get3A_4, %shift_left3A_8 : vector<5000x128xi32>
    %bitcast_convert_type3A_10 = tpu.bitcast %shift_left3A_9 : vector<5000x128xi32> -> vector<5000x128xf32>
    %convert_element_type3A_11 = arith.truncf %bitcast_convert_type3A_10 : vector<5000x128xf32> to vector<5000x128xbf16>
    %and3A = arith.constant -65536 : i32
    %and3A_12 = vector.broadcast %and3A : i32 to vector<5000x128xi32>
    %and3A_13 = arith.andi %get3A_1, %and3A_12 : vector<5000x128xi32>
    %bitcast_convert_type3A_14 = tpu.bitcast %and3A_13 : vector<5000x128xi32> -> vector<5000x128xf32>
    %and3A_15 = arith.constant -65536 : i32
    %and3A_16 = vector.broadcast %and3A_15 : i32 to vector<5000x128xi32>
    %and3A_17 = arith.andi %get3A_4, %and3A_16 : vector<5000x128xi32>
    %bitcast_convert_type3A_18 = tpu.bitcast %and3A_17 : vector<5000x128xi32> -> vector<5000x128xf32>
    %get3A_19 = arith.constant 0 : index
    %get3A_20 = arith.constant 0 : index
    %get3A_21 = vector.load %arg7[%get3A_19, %get3A_20] : memref<128x256xf32, #tpu.memory_space<vmem>>, vector<128x256xf32>
    %convert_element_type3A_22 = arith.truncf %get3A_21 : vector<128x256xf32> to vector<128x256xbf16>
    %dot_general3A = arith.constant dense<0.000000e+00> : vector<5000x256xf32>
    %dot_general3A_23 = tpu.matmul %convert_element_type3A, %convert_element_type3A_22, %dot_general3A {dimension_numbers = #tpu.dot_dimension_numbers<[1], [0], [0], [1], [0, 0, 1, 1], [], []>, transpose_lhs_hint = false} : vector<5000x128xbf16>, vector<128x256xbf16>, vector<5000x256xf32> -> vector<5000x256xf32>
    %get3A_24 = arith.constant 0 : index
    %get3A_25 = arith.constant 0 : index
    %get3A_26 = vector.load %arg8[%get3A_24, %get3A_25] : memref<128x256xf32, #tpu.memory_space<vmem>>, vector<128x256xf32>
    %convert_element_type3A_27 = arith.truncf %get3A_26 : vector<128x256xf32> to vector<128x256xbf16>
    %dot_general3A_28 = arith.constant dense<0.000000e+00> : vector<5000x256xf32>
    %dot_general3A_29 = tpu.matmul %convert_element_type3A_11, %convert_element_type3A_27, %dot_general3A_28 {dimension_numbers = #tpu.dot_dimension_numbers<[1], [0], [0], [1], [0, 0, 1, 1], [], []>, transpose_lhs_hint = false} : vector<5000x128xbf16>, vector<128x256xbf16>, vector<5000x256xf32> -> vector<5000x256xf32>
    %add3A = arith.addf %dot_general3A_23, %dot_general3A_29 : vector<5000x256xf32>
    %get3A_30 = arith.constant 0 : index
    %get3A_31 = arith.constant 0 : index
    %get3A_32 = vector.load %arg10[%get3A_30, %get3A_31] : memref<1x256xf32, #tpu.memory_space<vmem>>, vector<1x256xf32>
    %add3A_33 = vector.broadcast %get3A_32 : vector<1x256xf32> to vector<5000x256xf32>
    %add3A_34 = arith.addf %add3A, %add3A_33 : vector<5000x256xf32>
    %mul3A = arith.constant 5.000000e-01 : f32
    %mul3A_35 = vector.broadcast %mul3A : f32 to vector<5000x256xf32>
    %mul3A_36 = arith.mulf %mul3A_35, %add3A_34 : vector<5000x256xf32>
    %tanh3A = math.tanh %mul3A_36 : vector<5000x256xf32>
    %mul3A_37 = arith.constant 5.000000e-01 : f32
    %mul3A_38 = vector.broadcast %mul3A_37 : f32 to vector<5000x256xf32>
    %mul3A_39 = arith.mulf %mul3A_38, %tanh3A : vector<5000x256xf32>
    %add3A_40 = arith.constant 5.000000e-01 : f32
    %add3A_41 = vector.broadcast %add3A_40 : f32 to vector<5000x256xf32>
    %add3A_42 = arith.addf %mul3A_39, %add3A_41 : vector<5000x256xf32>
    %slice3A = vector.extract_strided_slice %add3A_42 {offsets = [0, 0], sizes = [5000, 128], strides = [1, 1]} : vector<5000x256xf32> to vector<5000x128xf32>
    %mul3A_43 = arith.mulf %slice3A, %bitcast_convert_type3A_14 : vector<5000x128xf32>
    %slice3A_44 = vector.extract_strided_slice %add3A_42 {offsets = [0, 128], sizes = [5000, 128], strides = [1, 1]} : vector<5000x256xf32> to vector<5000x128xf32>
    %mul3A_45 = arith.mulf %slice3A_44, %bitcast_convert_type3A_18 : vector<5000x128xf32>
    %add3A_46 = arith.addf %mul3A_43, %mul3A_45 : vector<5000x128xf32>
    %get3A_47 = arith.constant 0 : index
    %get3A_48 = arith.constant 0 : index
    %get3A_49 = vector.load %arg1[%get3A_47, %get3A_48] : memref<5000x128xf32, #tpu.memory_space<vmem>>, vector<5000x128xf32>
    %convert_element_type3A_50 = arith.truncf %get3A_49 : vector<5000x128xf32> to vector<5000x128xbf16>
    %get3A_51 = arith.constant 0 : index
    %get3A_52 = arith.constant 0 : index
    %get3A_53 = vector.load %arg4[%get3A_51, %get3A_52] : memref<128x384xf32, #tpu.memory_space<vmem>>, vector<128x384xf32>
    %convert_element_type3A_54 = arith.truncf %get3A_53 : vector<128x384xf32> to vector<128x384xbf16>
    %dot_general3A_55 = arith.constant dense<0.000000e+00> : vector<5000x384xf32>
    %dot_general3A_56 = tpu.matmul %convert_element_type3A_50, %convert_element_type3A_54, %dot_general3A_55 {dimension_numbers = #tpu.dot_dimension_numbers<[1], [0], [0], [1], [0, 0, 1, 1], [], []>, transpose_lhs_hint = false} : vector<5000x128xbf16>, vector<128x384xbf16>, vector<5000x384xf32> -> vector<5000x384xf32>
    %get3A_57 = arith.constant 0 : index
    %get3A_58 = arith.constant 0 : index
    %get3A_59 = vector.load %arg5[%get3A_57, %get3A_58] : memref<128x384xf32, #tpu.memory_space<vmem>>, vector<128x384xf32>
    %convert_element_type3A_60 = arith.truncf %get3A_59 : vector<128x384xf32> to vector<128x384xbf16>
    %dot_general3A_61 = arith.constant dense<0.000000e+00> : vector<5000x384xf32>
    %dot_general3A_62 = tpu.matmul %convert_element_type3A, %convert_element_type3A_60, %dot_general3A_61 {dimension_numbers = #tpu.dot_dimension_numbers<[1], [0], [0], [1], [0, 0, 1, 1], [], []>, transpose_lhs_hint = false} : vector<5000x128xbf16>, vector<128x384xbf16>, vector<5000x384xf32> -> vector<5000x384xf32>
    %add3A_63 = arith.addf %dot_general3A_56, %dot_general3A_62 : vector<5000x384xf32>
    %get3A_64 = arith.constant 0 : index
    %get3A_65 = arith.constant 0 : index
    %get3A_66 = vector.load %arg6[%get3A_64, %get3A_65] : memref<128x384xf32, #tpu.memory_space<vmem>>, vector<128x384xf32>
    %convert_element_type3A_67 = arith.truncf %get3A_66 : vector<128x384xf32> to vector<128x384xbf16>
    %dot_general3A_68 = arith.constant dense<0.000000e+00> : vector<5000x384xf32>
    %dot_general3A_69 = tpu.matmul %convert_element_type3A_11, %convert_element_type3A_67, %dot_general3A_68 {dimension_numbers = #tpu.dot_dimension_numbers<[1], [0], [0], [1], [0, 0, 1, 1], [], []>, transpose_lhs_hint = false} : vector<5000x128xbf16>, vector<128x384xbf16>, vector<5000x384xf32> -> vector<5000x384xf32>
    %add3A_70 = arith.addf %add3A_63, %dot_general3A_69 : vector<5000x384xf32>
    %get3A_71 = arith.constant 0 : index
    %get3A_72 = arith.constant 0 : index
    %get3A_73 = vector.load %arg9[%get3A_71, %get3A_72] : memref<1x384xf32, #tpu.memory_space<vmem>>, vector<1x384xf32>
    %add3A_74 = vector.broadcast %get3A_73 : vector<1x384xf32> to vector<5000x384xf32>
    %add3A_75 = arith.addf %add3A_70, %add3A_74 : vector<5000x384xf32>
    %slice3A_76 = vector.extract_strided_slice %add3A_75 {offsets = [0, 0], sizes = [5000, 128], strides = [1, 1]} : vector<5000x384xf32> to vector<5000x128xf32>
    %mul3A_77 = arith.constant 5.000000e-01 : f32
    %mul3A_78 = vector.broadcast %mul3A_77 : f32 to vector<5000x128xf32>
    %mul3A_79 = arith.mulf %mul3A_78, %slice3A_76 : vector<5000x128xf32>
    %tanh3A_80 = math.tanh %mul3A_79 : vector<5000x128xf32>
    %mul3A_81 = arith.constant 5.000000e-01 : f32
    %mul3A_82 = vector.broadcast %mul3A_81 : f32 to vector<5000x128xf32>
    %mul3A_83 = arith.mulf %mul3A_82, %tanh3A_80 : vector<5000x128xf32>
    %add3A_84 = arith.constant 5.000000e-01 : f32
    %add3A_85 = vector.broadcast %add3A_84 : f32 to vector<5000x128xf32>
    %add3A_86 = arith.addf %mul3A_83, %add3A_85 : vector<5000x128xf32>
    %slice3A_87 = vector.extract_strided_slice %add3A_75 {offsets = [0, 128], sizes = [5000, 128], strides = [1, 1]} : vector<5000x384xf32> to vector<5000x128xf32>
    %mul3A_88 = arith.constant 5.000000e-01 : f32
    %mul3A_89 = vector.broadcast %mul3A_88 : f32 to vector<5000x128xf32>
    %mul3A_90 = arith.mulf %mul3A_89, %slice3A_87 : vector<5000x128xf32>
    %tanh3A_91 = math.tanh %mul3A_90 : vector<5000x128xf32>
    %mul3A_92 = arith.constant 5.000000e-01 : f32
    %mul3A_93 = vector.broadcast %mul3A_92 : f32 to vector<5000x128xf32>
    %mul3A_94 = arith.mulf %mul3A_93, %tanh3A_91 : vector<5000x128xf32>
    %add3A_95 = arith.constant 5.000000e-01 : f32
    %add3A_96 = vector.broadcast %add3A_95 : f32 to vector<5000x128xf32>
    %add3A_97 = arith.addf %mul3A_94, %add3A_96 : vector<5000x128xf32>
    %slice3A_98 = vector.extract_strided_slice %add3A_75 {offsets = [0, 256], sizes = [5000, 128], strides = [1, 1]} : vector<5000x384xf32> to vector<5000x128xf32>
    %tanh3A_99 = math.tanh %slice3A_98 : vector<5000x128xf32>
    %mul3A_100 = arith.mulf %add3A_86, %tanh3A_99 : vector<5000x128xf32>
    %add3A_101 = arith.addf %mul3A_100, %add3A_46 : vector<5000x128xf32>
    %tanh3A_102 = math.tanh %add3A_101 : vector<5000x128xf32>
    %mul3A_103 = arith.mulf %add3A_97, %tanh3A_102 : vector<5000x128xf32>
    %swap3A = arith.constant 0 : index
    %swap3A_104 = arith.constant 0 : index
    %swap3A_105 = vector.load %arg13[%swap3A, %swap3A_104] : memref<5000x128xf32, #tpu.memory_space<vmem>>, vector<5000x128xf32>
    tpu.vector_store %arg13[%swap3A, %swap3A_104], %mul3A_103 {strides = array<i32>} : memref<5000x128xf32, #tpu.memory_space<vmem>>, vector<5000x128xf32>,
    %swap3A_106 = arith.constant 0 : index
    %swap3A_107 = arith.constant 0 : index
    %swap3A_108 = vector.load %arg14[%swap3A_106, %swap3A_107] : memref<5000x128xf32, #tpu.memory_space<vmem>>, vector<5000x128xf32>
    tpu.vector_store %arg14[%swap3A_106, %swap3A_107], %add3A_101 {strides = array<i32>} : memref<5000x128xf32, #tpu.memory_space<vmem>>, vector<5000x128xf32>,
    return
  }
  func.func @transform_0(%arg0: i32) -> (i32, i32) {
    %add3A = arith.constant 10 : i32
    %add3A_0 = arith.addi %add3A, %arg0 : i32
    %c0_i32 = arith.constant 0 : i32
    %c0_i32_1 = arith.constant 0 : i32
    return %add3A_0, %c0_i32 : i32, i32
  }
  func.func @transform_1(%arg0: i32) -> (i32, i32) {
    %c0_i32 = arith.constant 0 : i32
    %c0_i32_0 = arith.constant 0 : i32
    return %arg0, %c0_i32 : i32, i32
  }
  func.func @transform_2(%arg0: i32) -> (i32, i32) {
    %c0_i32 = arith.constant 0 : i32
    %c0_i32_0 = arith.constant 0 : i32
    return %arg0, %c0_i32 : i32, i32
  }
  func.func @transform_3(%arg0: i32) -> (i32, i32) {
    %c0_i32 = arith.constant 0 : i32
    %c0_i32_0 = arith.constant 0 : i32
    %c0_i32_1 = arith.constant 0 : i32
    return %c0_i32, %c0_i32_0 : i32, i32
  }
  func.func @transform_4(%arg0: i32) -> (i32, i32) {
    %c0_i32 = arith.constant 0 : i32
    %c0_i32_0 = arith.constant 0 : i32
    %c0_i32_1 = arith.constant 0 : i32
    return %c0_i32, %c0_i32_0 : i32, i32
  }
  func.func @transform_5(%arg0: i32) -> (i32, i32) {
    %c0_i32 = arith.constant 0 : i32
    %c0_i32_0 = arith.constant 0 : i32
    %c0_i32_1 = arith.constant 0 : i32
    return %c0_i32, %c0_i32_0 : i32, i32
  }
  func.func @transform_6(%arg0: i32) -> (i32, i32) {
    %c0_i32 = arith.constant 0 : i32
    %c0_i32_0 = arith.constant 0 : i32
    %c0_i32_1 = arith.constant 0 : i32
    return %c0_i32, %c0_i32_0 : i32, i32
  }
  func.func @transform_7(%arg0: i32) -> (i32, i32) {
    %c0_i32 = arith.constant 0 : i32
    %c0_i32_0 = arith.constant 0 : i32
    %c0_i32_1 = arith.constant 0 : i32
    return %c0_i32, %c0_i32_0 : i32, i32
  }
  func.func @transform_8(%arg0: i32) -> (i32, i32) {
    %c0_i32 = arith.constant 0 : i32
    %c0_i32_0 = arith.constant 0 : i32
    %c0_i32_1 = arith.constant 0 : i32
    return %c0_i32, %c0_i32_0 : i32, i32
  }
  func.func @transform_9(%arg0: i32) -> (i32, i32) {
    %c0_i32 = arith.constant 0 : i32
    %c0_i32_0 = arith.constant 0 : i32
    %c0_i32_1 = arith.constant 0 : i32
    return %c0_i32, %c0_i32_0 : i32, i32
  }
  func.func @transform_12(%arg0: i32) -> (i32, i32) {
    %add3A = arith.constant 10 : i32
    %add3A_0 = arith.addi %add3A, %arg0 : i32
    %c0_i32 = arith.constant 0 : i32
    %c0_i32_1 = arith.constant 0 : i32
    return %add3A_0, %c0_i32 : i32, i32
  }
  func.func @transform_13(%arg0: i32) -> (i32, i32) {
    %add3A = arith.constant 10 : i32
    %add3A_0 = arith.addi %add3A, %arg0 : i32
    %c0_i32 = arith.constant 0 : i32
    %c0_i32_1 = arith.constant 0 : i32
    return %add3A_0, %c0_i32 : i32, i32
  }
}

module attributes {stable_mosaic.version = 14 : i64} {
  func.func @_lambda_(%arg0: i32, %arg1: memref<5000x128xf32, #tpu.memory_space<vmem>>, %arg2: memref<5000x128xi32, #tpu.memory_space<vmem>>, %arg3: memref<5000x128xi32, #tpu.memory_space<vmem>>, %arg4: memref<128x384xf32, #tpu.memory_space<vmem>>, %arg5: memref<128x384xf32, #tpu.memory_space<vmem>>, %arg6: memref<128x384xf32, #tpu.memory_space<vmem>>, %arg7: memref<128x256xf32, #tpu.memory_space<vmem>>, %arg8: memref<128x256xf32, #tpu.memory_space<vmem>>, %arg9: memref<1x384xf32, #tpu.memory_space<vmem>>, %arg10: memref<1x256xf32, #tpu.memory_space<vmem>>, %arg11: memref<100000x128xf32, #tpu.memory_space<any>>, %arg12: memref<100000x128xf32, #tpu.memory_space<any>>, %arg13: memref<5000x128xf32, #tpu.memory_space<vmem>>, %arg14: memref<5000x128xf32, #tpu.memory_space<vmem>>) attributes {dimension_semantics = [#tpu.dimension_semantics<arbitrary>], iteration_bounds = array<i64: 5>, scalar_prefetch = 0 : i64, scratch_operands = 0 : i64, tpu.core_type = #tpu.core_type<tc>, window_params = [{transform_indices = @transform_0, window_bounds = array<i64: 5000, 128>}, {transform_indices = @transform_1, window_bounds = array<i64: 5000, 128>}, {transform_indices = @transform_2, window_bounds = array<i64: 5000, 128>}, {pipeline_mode = #tpu.pipeline_mode<synchronous>, transform_indices = @transform_3, window_bounds = array<i64: 128, 384>}, {pipeline_mode = #tpu.pipeline_mode<synchronous>, transform_indices = @transform_4, window_bounds = array<i64: 128, 384>}, {pipeline_mode = #tpu.pipeline_mode<synchronous>, transform_indices = @transform_5, window_bounds = array<i64: 128, 384>}, {pipeline_mode = #tpu.pipeline_mode<synchronous>, transform_indices = @transform_6, window_bounds = array<i64: 128, 256>}, {pipeline_mode = #tpu.pipeline_mode<synchronous>, transform_indices = @transform_7, window_bounds = array<i64: 128, 256>}, {pipeline_mode = #tpu.pipeline_mode<synchronous>, transform_indices = @transform_8, window_bounds = array<i64: 1, 384>}, {pipeline_mode = #tpu.pipeline_mode<synchronous>, transform_indices = @transform_9, window_bounds = array<i64: 1, 256>}, {}, {}, {transform_indices = @transform_12, window_bounds = array<i64: 5000, 128>}, {transform_indices = @transform_13, window_bounds = array<i64: 5000, 128>}]} {
    %get3A = arith.constant 0 : index
    %get3A_0 = arith.constant 0 : index
    %get3A_1 = vector.load %arg2[%get3A, %get3A_0] : memref<5000x128xi32, #tpu.memory_space<vmem>>, vector<5000x128xi32>
    %get3A_2 = arith.constant 0 : index
    %get3A_3 = arith.constant 0 : index
    %get3A_4 = vector.load %arg3[%get3A_2, %get3A_3] : memref<5000x128xi32, #tpu.memory_space<vmem>>, vector<5000x128xi32>
    %shift_left3A = arith.constant 16 : i32
    %shift_left3A_5 = vector.broadcast %shift_left3A : i32 to vector<5000x128xi32>
    %shift_left3A_6 = arith.shli %get3A_1, %shift_left3A_5 : vector<5000x128xi32>
    %bitcast_convert_type3A = tpu.bitcast %shift_left3A_6 : vector<5000x128xi32> -> vector<5000x128xf32>
    %convert_element_type3A = arith.truncf %bitcast_convert_type3A : vector<5000x128xf32> to vector<5000x128xbf16>
    %shift_left3A_7 = arith.constant 16 : i32
    %shift_left3A_8 = vector.broadcast %shift_left3A_7 : i32 to vector<5000x128xi32>
    %shift_left3A_9 = arith.shli %get3A_4, %shift_left3A_8 : vector<5000x128xi32>
    %bitcast_convert_type3A_10 = tpu.bitcast %shift_left3A_9 : vector<5000x128xi32> -> vector<5000x128xf32>
    %convert_element_type3A_11 = arith.truncf %bitcast_convert_type3A_10 : vector<5000x128xf32> to vector<5000x128xbf16>
    %and3A = arith.constant -65536 : i32
    %and3A_12 = vector.broadcast %and3A : i32 to vector<5000x128xi32>
    %and3A_13 = arith.andi %get3A_1, %and3A_12 : vector<5000x128xi32>
    %bitcast_convert_type3A_14 = tpu.bitcast %and3A_13 : vector<5000x128xi32> -> vector<5000x128xf32>
    %and3A_15 = arith.constant -65536 : i32
    %and3A_16 = vector.broadcast %and3A_15 : i32 to vector<5000x128xi32>
    %and3A_17 = arith.andi %get3A_4, %and3A_16 : vector<5000x128xi32>
    %bitcast_convert_type3A_18 = tpu.bitcast %and3A_17 : vector<5000x128xi32> -> vector<5000x128xf32>
    %get3A_19 = arith.constant 0 : index
    %get3A_20 = arith.constant 0 : index
    %get3A_21 = vector.load %arg7[%get3A_19, %get3A_20] : memref<128x256xf32, #tpu.memory_space<vmem>>, vector<128x256xf32>
    %convert_element_type3A_22 = arith.truncf %get3A_21 : vector<128x256xf32> to vector<128x256xbf16>
    %dot_general3A = arith.constant dense<0.000000e+00> : vector<5000x256xf32>
    %dot_general3A_23 = tpu.matmul %convert_element_type3A, %convert_element_type3A_22, %dot_general3A {dimension_numbers = #tpu.dot_dimension_numbers<[1], [0], [0], [1], [0, 0, 1, 1], [], []>, transpose_lhs_hint = false} : vector<5000x128xbf16>, vector<128x256xbf16>, vector<5000x256xf32> -> vector<5000x256xf32>
    %get3A_24 = arith.constant 0 : index
    %get3A_25 = arith.constant 0 : index
    %get3A_26 = vector.load %arg8[%get3A_24, %get3A_25] : memref<128x256xf32, #tpu.memory_space<vmem>>, vector<128x256xf32>
    %convert_element_type3A_27 = arith.truncf %get3A_26 : vector<128x256xf32> to vector<128x256xbf16>
    %dot_general3A_28 = arith.constant dense<0.000000e+00> : vector<5000x256xf32>
    %dot_general3A_29 = tpu.matmul %convert_element_type3A_11, %convert_element_type3A_27, %dot_general3A_28 {dimension_numbers = #tpu.dot_dimension_numbers<[1], [0], [0], [1], [0, 0, 1, 1], [], []>, transpose_lhs_hint = false} : vector<5000x128xbf16>, vector<128x256xbf16>, vector<5000x256xf32> -> vector<5000x256xf32>
    %add3A = arith.addf %dot_general3A_23, %dot_general3A_29 : vector<5000x256xf32>
    %get3A_30 = arith.constant 0 : index
    %get3A_31 = arith.constant 0 : index
    %get3A_32 = vector.load %arg10[%get3A_30, %get3A_31] : memref<1x256xf32, #tpu.memory_space<vmem>>, vector<1x256xf32>
    %add3A_33 = vector.broadcast %get3A_32 : vector<1x256xf32> to vector<5000x256xf32>
    %add3A_34 = arith.addf %add3A, %add3A_33 : vector<5000x256xf32>
    %mul3A = arith.constant 5.000000e-01 : f32
    %mul3A_35 = vector.broadcast %mul3A : f32 to vector<5000x256xf32>
    %mul3A_36 = arith.mulf %mul3A_35, %add3A_34 : vector<5000x256xf32>
    %tanh3A = math.tanh %mul3A_36 : vector<5000x256xf32>
    %mul3A_37 = arith.constant 5.000000e-01 : f32
    %mul3A_38 = vector.broadcast %mul3A_37 : f32 to vector<5000x256xf32>
    %mul3A_39 = arith.mulf %mul3A_38, %tanh3A : vector<5000x256xf32>
    %add3A_40 = arith.constant 5.000000e-01 : f32
    %add3A_41 = vector.broadcast %add3A_40 : f32 to vector<5000x256xf32>
    %add3A_42 = arith.addf %mul3A_39, %add3A_41 : vector<5000x256xf32>
    %slice3A = vector.extract_strided_slice %add3A_42 {offsets = [0, 0], sizes = [5000, 128], strides = [1, 1]} : vector<5000x256xf32> to vector<5000x128xf32>
    %mul3A_43 = arith.mulf %slice3A, %bitcast_convert_type3A_14 : vector<5000x128xf32>
    %slice3A_44 = vector.extract_strided_slice %add3A_42 {offsets = [0, 128], sizes = [5000, 128], strides = [1, 1]} : vector<5000x256xf32> to vector<5000x128xf32>
    %mul3A_45 = arith.mulf %slice3A_44, %bitcast_convert_type3A_18 : vector<5000x128xf32>
    %add3A_46 = arith.addf %mul3A_43, %mul3A_45 : vector<5000x128xf32>
    %get3A_47 = arith.constant 0 : index
    %get3A_48 = arith.constant 0 : index
    %get3A_49 = vector.load %arg1[%get3A_47, %get3A_48] : memref<5000x128xf32, #tpu.memory_space<vmem>>, vector<5000x128xf32>
    %convert_element_type3A_50 = arith.truncf %get3A_49 : vector<5000x128xf32> to vector<5000x128xbf16>
    %get3A_51 = arith.constant 0 : index
    %get3A_52 = arith.constant 0 : index
    %get3A_53 = vector.load %arg4[%get3A_51, %get3A_52] : memref<128x384xf32, #tpu.memory_space<vmem>>, vector<128x384xf32>
    %convert_element_type3A_54 = arith.truncf %get3A_53 : vector<128x384xf32> to vector<128x384xbf16>
    %dot_general3A_55 = arith.constant dense<0.000000e+00> : vector<5000x384xf32>
    %dot_general3A_56 = tpu.matmul %convert_element_type3A_50, %convert_element_type3A_54, %dot_general3A_55 {dimension_numbers = #tpu.dot_dimension_numbers<[1], [0], [0], [1], [0, 0, 1, 1], [], []>, transpose_lhs_hint = false} : vector<5000x128xbf16>, vector<128x384xbf16>, vector<5000x384xf32> -> vector<5000x384xf32>
    %get3A_57 = arith.constant 0 : index
    %get3A_58 = arith.constant 0 : index
    %get3A_59 = vector.load %arg5[%get3A_57, %get3A_58] : memref<128x384xf32, #tpu.memory_space<vmem>>, vector<128x384xf32>
    %convert_element_type3A_60 = arith.truncf %get3A_59 : vector<128x384xf32> to vector<128x384xbf16>
    %dot_general3A_61 = arith.constant dense<0.000000e+00> : vector<5000x384xf32>
    %dot_general3A_62 = tpu.matmul %convert_element_type3A, %convert_element_type3A_60, %dot_general3A_61 {dimension_numbers = #tpu.dot_dimension_numbers<[1], [0], [0], [1], [0, 0, 1, 1], [], []>, transpose_lhs_hint = false} : vector<5000x128xbf16>, vector<128x384xbf16>, vector<5000x384xf32> -> vector<5000x384xf32>
    %add3A_63 = arith.addf %dot_general3A_56, %dot_general3A_62 : vector<5000x384xf32>
    %get3A_64 = arith.constant 0 : index
    %get3A_65 = arith.constant 0 : index
    %get3A_66 = vector.load %arg6[%get3A_64, %get3A_65] : memref<128x384xf32, #tpu.memory_space<vmem>>, vector<128x384xf32>
    %convert_element_type3A_67 = arith.truncf %get3A_66 : vector<128x384xf32> to vector<128x384xbf16>
    %dot_general3A_68 = arith.constant dense<0.000000e+00> : vector<5000x384xf32>
    %dot_general3A_69 = tpu.matmul %convert_element_type3A_11, %convert_element_type3A_67, %dot_general3A_68 {dimension_numbers = #tpu.dot_dimension_numbers<[1], [0], [0], [1], [0, 0, 1, 1], [], []>, transpose_lhs_hint = false} : vector<5000x128xbf16>, vector<128x384xbf16>, vector<5000x384xf32> -> vector<5000x384xf32>
    %add3A_70 = arith.addf %add3A_63, %dot_general3A_69 : vector<5000x384xf32>
    %get3A_71 = arith.constant 0 : index
    %get3A_72 = arith.constant 0 : index
    %get3A_73 = vector.load %arg9[%get3A_71, %get3A_72] : memref<1x384xf32, #tpu.memory_space<vmem>>, vector<1x384xf32>
    %add3A_74 = vector.broadcast %get3A_73 : vector<1x384xf32> to vector<5000x384xf32>
    %add3A_75 = arith.addf %add3A_70, %add3A_74 : vector<5000x384xf32>
    %slice3A_76 = vector.extract_strided_slice %add3A_75 {offsets = [0, 0], sizes = [5000, 128], strides = [1, 1]} : vector<5000x384xf32> to vector<5000x128xf32>
    %mul3A_77 = arith.constant 5.000000e-01 : f32
    %mul3A_78 = vector.broadcast %mul3A_77 : f32 to vector<5000x128xf32>
    %mul3A_79 = arith.mulf %mul3A_78, %slice3A_76 : vector<5000x128xf32>
    %tanh3A_80 = math.tanh %mul3A_79 : vector<5000x128xf32>
    %mul3A_81 = arith.constant 5.000000e-01 : f32
    %mul3A_82 = vector.broadcast %mul3A_81 : f32 to vector<5000x128xf32>
    %mul3A_83 = arith.mulf %mul3A_82, %tanh3A_80 : vector<5000x128xf32>
    %add3A_84 = arith.constant 5.000000e-01 : f32
    %add3A_85 = vector.broadcast %add3A_84 : f32 to vector<5000x128xf32>
    %add3A_86 = arith.addf %mul3A_83, %add3A_85 : vector<5000x128xf32>
    %slice3A_87 = vector.extract_strided_slice %add3A_75 {offsets = [0, 128], sizes = [5000, 128], strides = [1, 1]} : vector<5000x384xf32> to vector<5000x128xf32>
    %mul3A_88 = arith.constant 5.000000e-01 : f32
    %mul3A_89 = vector.broadcast %mul3A_88 : f32 to vector<5000x128xf32>
    %mul3A_90 = arith.mulf %mul3A_89, %slice3A_87 : vector<5000x128xf32>
    %tanh3A_91 = math.tanh %mul3A_90 : vector<5000x128xf32>
    %mul3A_92 = arith.constant 5.000000e-01 : f32
    %mul3A_93 = vector.broadcast %mul3A_92 : f32 to vector<5000x128xf32>
    %mul3A_94 = arith.mulf %mul3A_93, %tanh3A_91 : vector<5000x128xf32>
    %add3A_95 = arith.constant 5.000000e-01 : f32
    %add3A_96 = vector.broadcast %add3A_95 : f32 to vector<5000x128xf32>
    %add3A_97 = arith.addf %mul3A_94, %add3A_96 : vector<5000x128xf32>
    %slice3A_98 = vector.extract_strided_slice %add3A_75 {offsets = [0, 256], sizes = [5000, 128], strides = [1, 1]} : vector<5000x384xf32> to vector<5000x128xf32>
    %tanh3A_99 = math.tanh %slice3A_98 : vector<5000x128xf32>
    %mul3A_100 = arith.mulf %add3A_86, %tanh3A_99 : vector<5000x128xf32>
    %add3A_101 = arith.addf %mul3A_100, %add3A_46 : vector<5000x128xf32>
    %tanh3A_102 = math.tanh %add3A_101 : vector<5000x128xf32>
    %mul3A_103 = arith.mulf %add3A_97, %tanh3A_102 : vector<5000x128xf32>
    %swap3A = arith.constant 0 : index
    %swap3A_104 = arith.constant 0 : index
    %swap3A_105 = vector.load %arg13[%swap3A, %swap3A_104] : memref<5000x128xf32, #tpu.memory_space<vmem>>, vector<5000x128xf32>
    tpu.vector_store %arg13[%swap3A, %swap3A_104], %mul3A_103 {strides = array<i32>} : memref<5000x128xf32, #tpu.memory_space<vmem>>, vector<5000x128xf32>,
    %swap3A_106 = arith.constant 0 : index
    %swap3A_107 = arith.constant 0 : index
    %swap3A_108 = vector.load %arg14[%swap3A_106, %swap3A_107] : memref<5000x128xf32, #tpu.memory_space<vmem>>, vector<5000x128xf32>
    tpu.vector_store %arg14[%swap3A_106, %swap3A_107], %add3A_101 {strides = array<i32>} : memref<5000x128xf32, #tpu.memory_space<vmem>>, vector<5000x128xf32>,
    return
  }
  func.func @transform_0(%arg0: i32) -> (i32, i32) {
    %add3A = arith.constant 15 : i32
    %add3A_0 = arith.addi %add3A, %arg0 : i32
    %c0_i32 = arith.constant 0 : i32
    %c0_i32_1 = arith.constant 0 : i32
    return %add3A_0, %c0_i32 : i32, i32
  }
  func.func @transform_1(%arg0: i32) -> (i32, i32) {
    %c0_i32 = arith.constant 0 : i32
    %c0_i32_0 = arith.constant 0 : i32
    return %arg0, %c0_i32 : i32, i32
  }
  func.func @transform_2(%arg0: i32) -> (i32, i32) {
    %c0_i32 = arith.constant 0 : i32
    %c0_i32_0 = arith.constant 0 : i32
    return %arg0, %c0_i32 : i32, i32
  }
  func.func @transform_3(%arg0: i32) -> (i32, i32) {
    %c0_i32 = arith.constant 0 : i32
    %c0_i32_0 = arith.constant 0 : i32
    %c0_i32_1 = arith.constant 0 : i32
    return %c0_i32, %c0_i32_0 : i32, i32
  }
  func.func @transform_4(%arg0: i32) -> (i32, i32) {
    %c0_i32 = arith.constant 0 : i32
    %c0_i32_0 = arith.constant 0 : i32
    %c0_i32_1 = arith.constant 0 : i32
    return %c0_i32, %c0_i32_0 : i32, i32
  }
  func.func @transform_5(%arg0: i32) -> (i32, i32) {
    %c0_i32 = arith.constant 0 : i32
    %c0_i32_0 = arith.constant 0 : i32
    %c0_i32_1 = arith.constant 0 : i32
    return %c0_i32, %c0_i32_0 : i32, i32
  }
  func.func @transform_6(%arg0: i32) -> (i32, i32) {
    %c0_i32 = arith.constant 0 : i32
    %c0_i32_0 = arith.constant 0 : i32
    %c0_i32_1 = arith.constant 0 : i32
    return %c0_i32, %c0_i32_0 : i32, i32
  }
  func.func @transform_7(%arg0: i32) -> (i32, i32) {
    %c0_i32 = arith.constant 0 : i32
    %c0_i32_0 = arith.constant 0 : i32
    %c0_i32_1 = arith.constant 0 : i32
    return %c0_i32, %c0_i32_0 : i32, i32
  }
  func.func @transform_8(%arg0: i32) -> (i32, i32) {
    %c0_i32 = arith.constant 0 : i32
    %c0_i32_0 = arith.constant 0 : i32
    %c0_i32_1 = arith.constant 0 : i32
    return %c0_i32, %c0_i32_0 : i32, i32
  }
  func.func @transform_9(%arg0: i32) -> (i32, i32) {
    %c0_i32 = arith.constant 0 : i32
    %c0_i32_0 = arith.constant 0 : i32
    %c0_i32_1 = arith.constant 0 : i32
    return %c0_i32, %c0_i32_0 : i32, i32
  }
  func.func @transform_12(%arg0: i32) -> (i32, i32) {
    %add3A = arith.constant 15 : i32
    %add3A_0 = arith.addi %add3A, %arg0 : i32
    %c0_i32 = arith.constant 0 : i32
    %c0_i32_1 = arith.constant 0 : i32
    return %add3A_0, %c0_i32 : i32, i32
  }
  func.func @transform_13(%arg0: i32) -> (i32, i32) {
    %add3A = arith.constant 15 : i32
    %add3A_0 = arith.addi %add3A, %arg0 : i32
    %c0_i32 = arith.constant 0 : i32
    %c0_i32_1 = arith.constant 0 : i32
    return %add3A_0, %c0_i32 : i32, i32
  }
}

</mosaic_0001>

<sc_bundles>
// kernel: kernel.10.cloned.1.call-start
scs
__scs_entry_jumppad:
0x0: {  	(pc) =	sbr.rel $0x88, $3  }
0x1: {  	(tag) =	ssettag $0x0;
	lr =	simm.s32 $0x1  }
0x2: {  	[smem:$0x3F98] =	sst lr;
	_ =	strace $0xD0000000  }
0x3: {  	_ = 	snop  }
0x4: {  	_ = 	snop  }
0x5: {  	_ = 	snop  }
0x6: {  	_ = 	snop  }
0x7: {  	_ = 	snop  }
__scs_overlays_trampoline_lowered:
0x8: {  	[smem:$0x3FA7] =	sst s0  }
0x9: {  	[smem:$0x3FA8] =	sst s1  }
0xa: {  	[smem:$0x3FA9] =	sst s2  }
0xb: {  	[smem:$0x3FAA] =	sst s3  }
0xc: {  	[smem:$0x3FAB] =	sst s4  }
0xd: {  	[smem:$0x3FAC] =	sst s5  }
0xe: {  	[smem:$0x3FAD] =	sst s6  }
0xf: {  	[smem:$0x3FAE] =	sst s7  }
0x10: {  	[smem:$0x3FAF] =	sst s8  }
0x11: {  	[smem:$0x3FB0] =	sst s9;
	s0 =	simm.s32 @!p0 $0x0  }
0x12: {  	s1 =	sld [smem:$0x3F96];
	s0 =	simm.s32 @p0 $0x1  }
0x13: {  	[smem:$0x3FB1] =	sst s0;
	s0 =	simm.s32 @!p1 $0x0  }
0x14: {  	s2 =	sld [smem:$0x3F95];
	s0 =	simm.s32 @p1 $0x1  }
0x15: {  	[smem:$0x3FB2] =	sst s0;
	s0 =	simm.s32 @!p2 $0x0  }
0x16: {  	s3 =	sld [smem:$0x3FDB];
	s0 =	simm.s32 @p2 $0x1  }
0x17: {  	s4 =	simm.s32 $0x1BF5;
	[smem:$0x3FB4] =	sst s0  }
0x18: {  	s0 =	sld [smem:$0x3F97];
	_ =	swait.ge [sflag:s4], $0x0  }
0x19: {  	s7 =	sld [smem:$0x3F98]  }
0x1a: {  	s8 =	sadd.s32 $0xFFFFE003, lr  }
0x1b: {  	s9 =	sadd.s32 $0xFFFFFEF7, lr;
	s5 =	simm.s32 $0xFFFFFFFF;
	p2 =	slt.u32 s8, $0xFFFFF086  }
0x1c: {  	p1 =	slt.u32 s9, $0xF7A;
	s5 =	simm.s32 @!p2 $0x0  }
0x1d: {  	s5 =	simm.s32 @p1 $0x1;
	p0 =	seq.s32 s7, s2  }
0x1e: {  	s7 =	smul.u32 @!p0 $0xF7A, s2;
	p2 =	seq.s32 @!p0 s5, $0x0  }
0x1f: {  	s9 =	smul.u32 $0xF7A, s1;
	s8 =	simm.s32 @!p0 $0x1BF5;
	p2 =	por !p2, p0  }
0x20: {  	[sflag:s8] =	ssyncset.s32 @!p0 $0xFFFFF086;
	s6 =	sadd.s32 @!p0 s3, s7;
	s7 =	simm.s32 @!p0 $0x108  }
0x21: {  	s3 =	sadd.s32 s3, s9;
	s6 =	sadd.s32 @!p0 $0x88, s6;
	s7 =	simm.s32 @p2 $0x1082  }
0x22: {  	[simem:s7], [sflag:s8] =	dma.local @!p0 [hbm:s6], $0xF7A  }
0x23: {  	s9 =	sor.u32 $0xD0000000, s2;
	s6 =	simm.s32 $0x108;
	_ =	swait.ge @!p0 [sflag:s8], $0x0  }
0x24: {  	s3 =	sadd.s32 $0x88, s3;
	s6 =	simm.s32 @!p1 $0x1082;
	[sflag:s4] =	ssyncset.s32 $0xFFFFF086  }
0x25: {  	[simem:s6], [sflag:s4] =	dma.local [hbm:s3], $0xF7A  }
0x26: {  	[smem:$0x3F98] =	sst s1;
	(tag) =	ssettag s2;
	_ =	strace s9  }
0x27: {  	s1 =	sld [smem:$0x3FA8]  }
0x28: {  	s2 =	sld [smem:$0x3FA9]  }
0x29: {  	s4 =	sld [smem:$0x3FAB]  }
0x2a: {  	p0 =	seq.s32 s5, $0x0;
	s5 =	sld [smem:$0x3FAC]  }
0x2b: {  	s6 =	sld [smem:$0x3FAD]  }
0x2c: {  	s7 =	sld [smem:$0x3FAE]  }
0x2d: {  	s3 =	simm.s32 $0x108;
	s8 =	sld [smem:$0x3FAF]  }
0x2e: {  	s3 =	simm.s32 @!p0 $0x1082;
	s9 =	sld [smem:$0x3FB0]  }
0x2f: {  	lr =	sadd.s32 s0, s3;
	s0 =	sld [smem:$0x3FA7]  }
0x30: {  	s3 =	sld [smem:$0x3FAA]  }
0x31: {  	[smem:$0x3FB3] =	sst s10  }
0x32: {  	s10 =	sld [smem:$0x3FB1];
	_ =	sdelay $0x3  }
0x33: {  	p0 =	seq.s32 s10, $0x1;
	s10 =	sld [smem:$0x3FB3];
	_ =	sdelay $0x3  }
0x34: {  	[smem:$0x3FB3] =	sst s10  }
0x35: {  	s10 =	sld [smem:$0x3FB2];
	_ =	sdelay $0x3  }
0x36: {  	p1 =	seq.s32 s10, $0x1;
	s10 =	sld [smem:$0x3FB3];
	_ =	sdelay $0x3  }
0x37: {  	[smem:$0x3FB3] =	sst s10  }
0x38: {  	s10 =	sld [smem:$0x3FB4]  }
0x39: {  	_ = 	snop;
	(pc) =	sbr.ind lr, $3  }
0x3a: {  	_ = 	snop  }
0x3b: {  	_ = 	snop  }
0x3c: {  	p2 =	seq.s32 s10, $0x1;
	s10 =	sld [smem:$0x3FB3]  }
0x3d: {  	_ =	shalt  }
0x3e: {  	_ =	shalt  }
0x3f: {  	_ =	shalt  }
0x40: {  	_ =	shalt  }
0x41: {  	_ =	shalt  }
0x42: {  	_ =	shalt  }
0x43: {  	_ =	shalt  }
0x44: {  	_ =	shalt  }
0x45: {  	_ =	shalt  }
0x46: {  	_ =	shalt  }
0x47: {  	_ =	shalt  }
0x48: {  	_ =	shalt  }
0x49: {  	_ =	shalt  }
0x4a: {  	_ =	shalt  }
0x4b: {  	_ =	shalt  }
0x4c: {  	_ =	shalt  }
0x4d: {  	_ =	shalt  }
0x4e: {  	_ =	shalt  }
0x4f: {  	_ =	shalt  }
0x50: {  	_ =	shalt  }
0x51: {  	_ =	shalt  }
0x52: {  	_ =	shalt  }
0x53: {  	_ =	shalt  }
0x54: {  	_ =	shalt  }
0x55: {  	_ =	shalt  }
0x56: {  	_ =	shalt  }
0x57: {  	_ =	shalt  }
0x58: {  	_ =	shalt  }
0x59: {  	_ =	shalt  }
0x5a: {  	_ =	shalt  }
0x5b: {  	_ =	shalt  }
0x5c: {  	_ =	shalt  }
0x5d: {  	_ =	shalt  }
0x5e: {  	_ =	shalt  }
0x5f: {  	_ =	shalt  }
0x60: {  	_ =	shalt  }
0x61: {  	_ =	shalt  }
0x62: {  	_ =	shalt  }
0x63: {  	_ =	shalt  }
0x64: {  	_ =	shalt  }
0x65: {  	_ =	shalt  }
0x66: {  	_ =	shalt  }
0x67: {  	_ =	shalt  }
0x68: {  	_ =	shalt  }
0x69: {  	_ =	shalt  }
0x6a: {  	_ =	shalt  }
0x6b: {  	_ =	shalt  }
0x6c: {  	_ =	shalt  }
0x6d: {  	_ =	shalt  }
0x6e: {  	_ =	shalt  }
0x6f: {  	_ =	shalt  }
0x70: {  	_ =	shalt  }
0x71: {  	_ =	shalt  }
0x72: {  	_ =	shalt  }
0x73: {  	_ =	shalt  }
0x74: {  	_ =	shalt  }
0x75: {  	_ =	shalt  }
0x76: {  	_ =	shalt  }
0x77: {  	_ =	shalt  }
0x78: {  	_ =	shalt  }
0x79: {  	_ =	shalt  }
0x7a: {  	_ =	shalt  }
0x7b: {  	_ =	shalt  }
0x7c: {  	_ =	shalt  }
0x7d: {  	_ =	shalt  }
0x7e: {  	_ =	shalt  }
0x7f: {  	_ =	shalt  }
0x80: {  	_ =	shalt  }
0x81: {  	_ =	shalt  }
0x82: {  	_ =	shalt  }
0x83: {  	_ =	shalt  }
0x84: {  	_ =	shalt  }
0x85: {  	_ =	shalt  }
0x86: {  	_ =	shalt  }
0x87: {  	_ =	shalt  }
.Lfunc_end0:
.L_simem_size_0:
called_computation_lowered:
.L_overlay_start_0:
0x88: {  	s2 =	sld [smem:$0x3FD9]  }
0x89: {  	s3 =	sld [smem:$0x3FFE];
	_ =	sdelay $0x1  }
0x8a: {  	s1 =	srdreg.scid  }
0x8b: {  	s0 =	sand.u32 $0x1, s1  }
0x8c: {  	s14 =	sshll.u32 s0, $0xA;
	s2 =	sadd.s32 s3, s2  }
0x8d: {  	s2 =	sadd.s32 s2, s14  }
0x8e: {  	[smem:$0x3FBF] =	sst s2  }
0x8f: {  	_ = 	snop  }
0x90: {  	s2 =	sld [smem:$0x3FD0];
	_ =	sdelay $0x2  }
0x91: {  	s15 =	simm.s32 $0xD;
	s4 =	simm.s32 $0x10  }
0x92: {  	[smem:s4], [sflag:s15] =	dma.local [hbm:s2], $0x1  }
0x93: {  	_ =	swait.eq [sflag:s15], $0x1  }
0x94: {  	[sflag:s15] =	ssyncset.done $0x0  }
0x95: {  	s16 =	sld [smem:$0x10];
	[sflag:s15] =	ssyncadd.s32 $0xFFFFFFFF  }
0x96: {  	s17 =	sld [smem:$0x11];
	(tm) =	ssettm $0x1  }
0x97: {  	s18 =	sld [smem:$0x3FFB];
	_ =	sdelay $0x3  }
0x98: {  	_ =	strace s18  }
0x99: {  	s4 =	sld [smem:$0x3FFC];
	_ =	sdelay $0x3  }
0x9a: {  	_ =	strace s4  }
0x9b: {  	s4 =	sld [smem:$0x3FFD];
	_ =	sdelay $0x3  }
0x9c: {  	_ =	strace s4  }
0x9d: {  	_ =	strace $0x8FFFFFFF  }
0x9e: {  	s19 =	sld [smem:$0x3FDB];
	_ =	sdelay $0x1  }
0x9f: {  	s5 =	simm.s32 $_scs_section_size  }
0xa0: {  	s6 =	simm.s32 $_size__tile_overlayer_lowered;
	s7 =	simm.s32 $_tile_overlayer_lowered  }
0xa1: {  	s22 =	simm.s32 $0x1BFF;
	s21 =	sshll.u32 s7, $0x1;
	s4 =	sadd.s32 s5, s19  }
0xa2: {  	s8 =	simm.s32 $0x0;
	s20 =	sshll.u32 s6, $0x1;
	s6 =	sadd.s32 s21, s4  }
0xa3: {  	[timem:s8], [sflag:s22] =	dma.local [hbm:s6], s20  }
0xa4: {  	_ =	swait.ge [sflag:s22], s20  }
0xa5: {  	s5 =	ssub.s32 $0x0, s20;
	[sflag:s22] =	ssyncset.done $0x0  }
0xa6: {  	[sflag:s22] =	ssyncadd.s32 s5;
	_ =	sdelay $0x1  }
0xa7: {  	s23 =	simm.s32 $0x1B8B  }
0xa8: {  	_ =	swait.ge [sflag:s23], $0x1  }
0xa9: {  	[sflag:s23] =	ssyncset.done $0x0  }
0xaa: {  	s25 =	simm.s32 $0x1B8E;
	s24 =	sld [smem:$0x3FFE];
	[sflag:s23] =	ssyncadd.s32 $0xFFFFFFFF  }
0xab: {  	s26 =	simm.s32 $execute0_lowered;
	[smem:$0x3FD2] =	sst s25  }
0xac: {  	s6 =	sshll.u32 s26, $0x1;
	_ =	strace $0x80000046;
	[dreg:$0x1] =	wrdreg $0xFFFFFFFF  }
0xad: {  	s28 =	simm.s32 $_size_execute0_lowered;
	s4 =	sadd.s32 s4, s6;
	[dreg:$0x0] =	wrdreg $0x0  }
0xae: {  	s6 =	sshll.u32 s28, $0x1;
	[dreg:$0x2] =	wrdreg s4  }
0xaf: {  	[dreg:$0x3] =	wrdreg s6  }
0xb0: {  	[dreg:$0x4] =	wrdreg $0xC0  }
0xb1: {  	_ =	task [dreg:s8], $0x5FFFF  }
0xb2: {  	[dreg:$0x1] =	wrdreg $0xFFFFFFFF  }
0xb3: {  	[dreg:$0x0] =	wrdreg $0x60  }
0xb4: {  	[dreg:$0x2] =	wrdreg s24  }
0xb5: {  	[dreg:$0x3] =	wrdreg s16  }
0xb6: {  	[dreg:$0x4] =	wrdreg s17  }
0xb7: {  	[dreg:$0x5] =	wrdreg $0x9  }
0xb8: {  	_ =	task.clear_ibuf [dreg:s8], $0x6FFFF;
	_ =	strace $0x90000046  }
0xb9: {  	s29 =	simm.s32 $0x9;
	_ =	strace $0x80000048  }
0xba: {  	_ =	swait.ge [sflag:s29], $0x1  }
0xbb: {  	[sflag:s29] =	ssyncadd.s32 $0xFFFFFFFF  }
0xbc: {  	_ =	strace $0x90000048  }
0xbd: {  	_ =	sfence  }
0xbe: {  	s30 =	sld [smem:$0x0];
	_ =	sdelay $0x2  }
0xbf: {  	s31 =	sshll.u32 s1, $0xD;
	s1 =	sshrl.u32 s1, $0x2  }
0xc0: {  	s3 =	sand.u32 $0x4000, s31;
	s1 =	sadd.s32 s1, s30  }
0xc1: {  	s0 =	sor.u32 s3, s0;
	s1 =	sshll.u32 s1, $0x11  }
0xc2: {  	s0 =	sor.u32 s1, s0  }
0xc3: {  	s0 =	sadd.s32 $0x8F2B, s0  }
0xc4: {  	[sflag:s0] =	ssyncadd.remote.s32 $0x1  }
0xc5: {  	_ =	sfence.sel $0xFFFF  }
0xc6: {  	[dreg:$0x0] =	wrdreg $0xFFFFFFFF;
	(pc) =	sbr.abs _section_cstart, $3  }
0xc7: {  	[dreg:$0x1] =	wrdreg $0xFFFFFFFF  }
0xc8: {  	_ =	task.clear_ibuf [dreg:s8], $0x2FFFF;
	_ =	strace $0x9FFFFFFF  }
0xc9: {  	(tm) =	ssettm $0x7FFFFFFF  }
tec
execute0_lowered:
.L_overlay_start_1:
0x0: {  	(tag) =	ssettag $0x1  }
0x1: {  	s0 =	rddreg [dreg:$0x0]  }
0x2: {  	s1 =	rddreg [dreg:$0x1]  }
0x3: {  	s4 =	rddreg [dreg:$0x2]  }
0x4: {  	s17 =	rddreg [dreg:$0x3]  }
0x5: {  	s3 =	srdreg.scid;
	s6 =	stileid.u32  }
0x6: {  	s2 =	simm.s32 $0x0;
	s29 =	simm.s32 $0x5;
	s28 =	simm.s32 $0x400  }
0x7: {  	s31 =	simm.s32 $0x480;
	s30 =	simm.s32 $0x500;
	p0 =	por $0x0, $0x0  }
0x8: {  	s5 =	sand.u32 $0x1, s3;
	s21 =	sshll.u32 s6, $0x1;
	[smem:$0x7FF] =	sst s2  }
0x9: {  	s6 =	sadd.s32 $0x189200, s0;
	s3 =	sor.u32 s5, s21;
	_ =	strace $0x80000047  }
0xa: {  	s5 =	ssub.s32 $0x2, s5;
	s22 =	sshll.u32 s3, $0x7;
	s7 =	smul.u32 $0x3100, s3  }
0xb: {  	s3 =	smul.u32 $0x18800, s3;
	s8 =	sadd.s32 s22, s0;
	s1 =	sadd.s32 s1, s22  }
0xc: {  	s18 =	sshrl.u32 s5, $0x1;
	[dreg:$0x4] =	wrdreg s1;
	s23 =	sadd.s32 $0x1800, s8  }
0xd: {  	s20 =	ssub.s32 s5, s18;
	s24 =	sadd.s32 s4, s7;
	[dreg:$0x5] =	wrdreg s23  }
0xe: {  	s9 =	sshrl.u32 s3, $0x3;
	s25 =	sadd.s32 s6, s7;
	[dreg:$0x6] =	wrdreg s24  }
0xf: {  	s18 =	simm.s32 $0x300;
	s3 =	sadd.s32 $0x700, s9;
	[dreg:$0x7] =	wrdreg s25  }
0x10: {  	s8 =	sadd.s32 $0xE00, s9;
	s12 =	sadd.s32 $0x1500, s9;
	s15 =	sadd.s32 $0x1C00, s9  }
0x11: {  	s21 =	sadd.s32 $0x2300, s9;
	s22 =	sadd.s32 $0x2A00, s9;
	s23 =	smax.u32 s20, $0x1  }
0x12: {  	s9 =	simm.s32 $0x800;
	s24 =	simm.s32 $0x180;
	s25 =	simm.s32 $0x580  }
0x13: {  	s20 =	simm.s32 $0x280;
	s1 =	rddreg [dreg:$0x4];
	s26 =	sadd.s32 s4, s3  }
0x14: {  	s7 =	sadd.s32 s6, s3;
	s10 =	sadd.s32 s4, s8;
	s11 =	sadd.s32 s6, s8  }
0x15: {  	s3 =	sadd.s32 $0x2800, s0;
	s13 =	sadd.s32 s4, s12;
	[dreg:$0x8] =	wrdreg s26  }
0x16: {  	s14 =	sadd.s32 s6, s12;
	s16 =	sadd.s32 s4, s15;
	[dreg:$0x9] =	wrdreg s7  }
0x17: {  	s19 =	sadd.s32 s6, s15;
	s8 =	sadd.s32 s6, s21;
	[dreg:$0xa] =	wrdreg s10  }
0x18: {  	s5 =	sadd.s32 s6, s22;
	s15 =	simm.s32 $0x70;
	[dreg:$0xb] =	wrdreg s11  }
0x19: {  	s12 =	simm.s32 $0x1;
	s6 =	simm.s32 $0x3;
	[dreg:$0xc] =	wrdreg s13  }
0x1a: {  	p1 =	sne.s32 s23, $0x1;
	s0 =	sadd.s32 $0xFFFFFFFF, s23;
	[dreg:$0xd] =	wrdreg s14  }
.Ltmp0:
0x1b: {  	s23 =	simm.s32 $0x600;
	[dreg:$0xe] =	wrdreg s16;
	(pc) =	sbr.rel @!p1 .LBB2_1-.Ltmp0, $4  }
0x1c: {  	[dreg:$0xf] =	wrdreg s19;
	s7 =	sadd.s32 s4, s21;
	s4 =	sadd.s32 s4, s22  }
0x1d: {  	s10 =	simm.s32 $0x4000;
	s13 =	simm.s32 $0x7800;
	s14 =	simm.s32 $0xB000  }
0x1e: {  	s26 =	simm.s32 $0x100;
	s16 =	simm.s32 $0x2;
	s11 =	simm.s32 $0x4  }
0x1f: {  	s22 =	simm.s32 $0x200;
	s21 =	simm.s32 $0x680;
	s19 =	simm.s32 $0x700  }
0x20: {  	[tilespmem:s2], [sflag:$0x5] =	stream.linear.gather [hbm4b:s1+s2], $0x380, $0x38;
	[tilespmem:$0xE800] =	vst v63  }
0x21: {  	_ =	swait.ge [sflag:s29], $0x380  }
0x22: {  	[sflag:s29] =	ssyncset.done $0x0  }
0x23: {  	s17 =	rddreg [dreg:$0x5];
	[sflag:s29] =	ssyncadd.s32 $0xFFFFFC80  }
0x24: {  	[tilespmem:s28], [sflag:$0x5] =	stream.linear.gather [hbm4b:s17+s2], $0x380, $0x38;
	[tilespmem:$0xE800] =	vst v63  }
0x25: {  	_ =	swait.ge [sflag:s29], $0x380  }
0x26: {  	[sflag:s29] =	ssyncset.done $0x0  }
0x27: {  	[sflag:s29] =	ssyncadd.s32 $0xFFFFFC80  }
0x28: {  	[tilespmem:s9], [sflag:$0x1] =	stream.indirect.gather [hbm4b:s3+s15], $0x80, s2, s15, $0xb8;
	[tilespmem:$0xE800] =	vst v63  }
0x29: {  	_ = 	snop  }
0x2a: {  	[tilespmem:s10], [sflag:$0x1] =	stream.indirect.gather [hbm4b:s3+s15], $0x80, s28, s15, $0xb8;
	[tilespmem:$0xE800] =	vst v63  }
0x2b: {  	s1 =	simm.s32 $0x80  }
0x2c: {  	[tilespmem:s13], [sflag:$0x2] =	stream.indirect.gather [hbm4b:s3+s15], $0x80, s1, s15, $0xb8;
	[tilespmem:$0xE800] =	vst v63  }
0x2d: {  	_ = 	snop  }
0x2e: {  	[tilespmem:s14], [sflag:$0x2] =	stream.indirect.gather [hbm4b:s3+s15], $0x80, s31, s15, $0xb8;
	[tilespmem:$0xE800] =	vst v63  }
0x2f: {  	_ =	swait.ge [sflag:s12], $0x3800  }
0x30: {  	[sflag:s12] =	ssyncset.done $0x0  }
0x31: {  	[sflag:s12] =	ssyncadd.s32 $0xFFFFC800  }
0x32: {  	_ =	swait.ge [sflag:s12], $0x3800  }
0x33: {  	[sflag:s12] =	ssyncset.done $0x0  }
0x34: {  	s1 =	rddreg [dreg:$0x6];
	[sflag:s12] =	ssyncadd.s32 $0xFFFFC800  }
0x35: {  	[hbm4b:s1+s2] =	stream.linear.scatter [tilespmem:s9], [sflag:$0x3], $0x3800, $0x38;
	[tilespmem:$0xE800] =	vst v63  }
0x36: {  	s17 =	smov.u32 s0;
	s0 =	rddreg [dreg:$0x7]  }
0x37: {  	[hbm4b:s0+s2] =	stream.linear.scatter [tilespmem:s10], [sflag:$0x3], $0x3800, $0x38;
	[tilespmem:$0xE800] =	vst v63  }
0x38: {  	_ =	swait.ge [sflag:s6], $0x3800  }
0x39: {  	[sflag:s6] =	ssyncset.done $0x0  }
0x3a: {  	[sflag:s6] =	ssyncadd.s32 $0xFFFFC800  }
0x3b: {  	_ =	swait.ge [sflag:s6], $0x3800  }
0x3c: {  	[sflag:s6] =	ssyncset.done $0x0  }
0x3d: {  	[sflag:s6] =	ssyncadd.s32 $0xFFFFC800  }
0x3e: {  	[tilespmem:s9], [sflag:$0x1] =	stream.indirect.gather [hbm4b:s3+s15], $0x80, s26, s15, $0xb8;
	[tilespmem:$0xE800] =	vst v63  }
0x3f: {  	_ = 	snop  }
0x40: {  	[tilespmem:s10], [sflag:$0x1] =	stream.indirect.gather [hbm4b:s3+s15], $0x80, s30, s15, $0xb8;
	[tilespmem:$0xE800] =	vst v63  }
0x41: {  	_ =	swait.ge [sflag:s16], $0x3800  }
0x42: {  	[sflag:s16] =	ssyncset.done $0x0  }
0x43: {  	[sflag:s16] =	ssyncadd.s32 $0xFFFFC800  }
0x44: {  	_ =	swait.ge [sflag:s16], $0x3800  }
0x45: {  	[sflag:s16] =	ssyncset.done $0x0  }
0x46: {  	s0 =	rddreg [dreg:$0x8];
	[sflag:s16] =	ssyncadd.s32 $0xFFFFC800  }
0x47: {  	[hbm4b:s0+s2] =	stream.linear.scatter [tilespmem:s13], [sflag:$0x4], $0x3800, $0x38;
	[tilespmem:$0xE800] =	vst v63  }
0x48: {  	s1 =	rddreg [dreg:$0x9]  }
0x49: {  	[hbm4b:s1+s2] =	stream.linear.scatter [tilespmem:s14], [sflag:$0x4], $0x3800, $0x38;
	[tilespmem:$0xE800] =	vst v63  }
0x4a: {  	_ =	swait.ge [sflag:s11], $0x3800  }
0x4b: {  	[sflag:s11] =	ssyncset.done $0x0  }
0x4c: {  	[sflag:s11] =	ssyncadd.s32 $0xFFFFC800  }
0x4d: {  	_ =	swait.ge [sflag:s11], $0x3800  }
0x4e: {  	[sflag:s11] =	ssyncset.done $0x0  }
0x4f: {  	[sflag:s11] =	ssyncadd.s32 $0xFFFFC800  }
0x50: {  	[tilespmem:s13], [sflag:$0x2] =	stream.indirect.gather [hbm4b:s3+s15], $0x80, s24, s15, $0xb8;
	[tilespmem:$0xE800] =	vst v63  }
0x51: {  	_ = 	snop  }
0x52: {  	[tilespmem:s14], [sflag:$0x2] =	stream.indirect.gather [hbm4b:s3+s15], $0x80, s25, s15, $0xb8;
	[tilespmem:$0xE800] =	vst v63  }
0x53: {  	_ =	swait.ge [sflag:s12], $0x3800  }
0x54: {  	[sflag:s12] =	ssyncset.done $0x0  }
0x55: {  	[sflag:s12] =	ssyncadd.s32 $0xFFFFC800  }
0x56: {  	_ =	swait.ge [sflag:s12], $0x3800  }
0x57: {  	[sflag:s12] =	ssyncset.done $0x0  }
0x58: {  	s0 =	rddreg [dreg:$0xa];
	[sflag:s12] =	ssyncadd.s32 $0xFFFFC800  }
0x59: {  	[hbm4b:s0+s2] =	stream.linear.scatter [tilespmem:s9], [sflag:$0x3], $0x3800, $0x38;
	[tilespmem:$0xE800] =	vst v63  }
0x5a: {  	s1 =	rddreg [dreg:$0xb]  }
0x5b: {  	[hbm4b:s1+s2] =	stream.linear.scatter [tilespmem:s10], [sflag:$0x3], $0x3800, $0x38;
	[tilespmem:$0xE800] =	vst v63  }
0x5c: {  	_ =	swait.ge [sflag:s6], $0x3800  }
0x5d: {  	[sflag:s6] =	ssyncset.done $0x0  }
0x5e: {  	[sflag:s6] =	ssyncadd.s32 $0xFFFFC800  }
0x5f: {  	_ =	swait.ge [sflag:s6], $0x3800  }
0x60: {  	[sflag:s6] =	ssyncset.done $0x0  }
0x61: {  	[sflag:s6] =	ssyncadd.s32 $0xFFFFC800  }
0x62: {  	[tilespmem:s9], [sflag:$0x1] =	stream.indirect.gather [hbm4b:s3+s15], $0x80, s22, s15, $0xb8;
	[tilespmem:$0xE800] =	vst v63  }
0x63: {  	_ = 	snop  }
0x64: {  	[tilespmem:s10], [sflag:$0x1] =	stream.indirect.gather [hbm4b:s3+s15], $0x80, s23, s15, $0xb8;
	[tilespmem:$0xE800] =	vst v63  }
0x65: {  	_ =	swait.ge [sflag:s16], $0x3800  }
0x66: {  	[sflag:s16] =	ssyncset.done $0x0  }
0x67: {  	[sflag:s16] =	ssyncadd.s32 $0xFFFFC800  }
0x68: {  	_ =	swait.ge [sflag:s16], $0x3800  }
0x69: {  	[sflag:s16] =	ssyncset.done $0x0  }
0x6a: {  	s0 =	rddreg [dreg:$0xc];
	[sflag:s16] =	ssyncadd.s32 $0xFFFFC800  }
0x6b: {  	[hbm4b:s0+s2] =	stream.linear.scatter [tilespmem:s13], [sflag:$0x4], $0x3800, $0x38;
	[tilespmem:$0xE800] =	vst v63  }
0x6c: {  	s1 =	rddreg [dreg:$0xd]  }
0x6d: {  	[hbm4b:s1+s2] =	stream.linear.scatter [tilespmem:s14], [sflag:$0x4], $0x3800, $0x38;
	[tilespmem:$0xE800] =	vst v63  }
0x6e: {  	_ =	swait.ge [sflag:s11], $0x3800  }
0x6f: {  	[sflag:s11] =	ssyncset.done $0x0  }
0x70: {  	[sflag:s11] =	ssyncadd.s32 $0xFFFFC800  }
0x71: {  	_ =	swait.ge [sflag:s11], $0x3800  }
0x72: {  	[sflag:s11] =	ssyncset.done $0x0  }
0x73: {  	[sflag:s11] =	ssyncadd.s32 $0xFFFFC800  }
0x74: {  	[tilespmem:s13], [sflag:$0x2] =	stream.indirect.gather [hbm4b:s3+s15], $0x80, s20, s15, $0xb8;
	[tilespmem:$0xE800] =	vst v63  }
0x75: {  	_ = 	snop  }
0x76: {  	[tilespmem:s14], [sflag:$0x2] =	stream.indirect.gather [hbm4b:s3+s15], $0x80, s21, s15, $0xb8;
	[tilespmem:$0xE800] =	vst v63  }
0x77: {  	_ =	swait.ge [sflag:s12], $0x3800  }
0x78: {  	[sflag:s12] =	ssyncset.done $0x0  }
0x79: {  	[sflag:s12] =	ssyncadd.s32 $0xFFFFC800  }
0x7a: {  	_ =	swait.ge [sflag:s12], $0x3800  }
0x7b: {  	[sflag:s12] =	ssyncset.done $0x0  }
0x7c: {  	s0 =	rddreg [dreg:$0xe];
	[sflag:s12] =	ssyncadd.s32 $0xFFFFC800  }
0x7d: {  	[hbm4b:s0+s2] =	stream.linear.scatter [tilespmem:s9], [sflag:$0x3], $0x3800, $0x38;
	[tilespmem:$0xE800] =	vst v63  }
0x7e: {  	s1 =	rddreg [dreg:$0xf]  }
0x7f: {  	[hbm4b:s1+s2] =	stream.linear.scatter [tilespmem:s10], [sflag:$0x3], $0x3800, $0x38;
	[tilespmem:$0xE800] =	vst v63  }
0x80: {  	_ =	swait.ge [sflag:s6], $0x3800  }
0x81: {  	[sflag:s6] =	ssyncset.done $0x0  }
0x82: {  	[sflag:s6] =	ssyncadd.s32 $0xFFFFC800  }
0x83: {  	_ =	swait.ge [sflag:s6], $0x3800  }
0x84: {  	[sflag:s6] =	ssyncset.done $0x0  }
0x85: {  	[sflag:s6] =	ssyncadd.s32 $0xFFFFC800  }
0x86: {  	[tilespmem:s9], [sflag:$0x1] =	stream.indirect.gather [hbm4b:s3+s15], $0x80, s18, s15, $0xb8;
	[tilespmem:$0xE800] =	vst v63  }
0x87: {  	_ = 	snop  }
0x88: {  	[tilespmem:s10], [sflag:$0x1] =	stream.indirect.gather [hbm4b:s3+s15], $0x80, s19, s15, $0xb8;
	[tilespmem:$0xE800] =	vst v63  }
0x89: {  	_ =	swait.ge [sflag:s16], $0x3800  }
0x8a: {  	[sflag:s16] =	ssyncset.done $0x0  }
0x8b: {  	[sflag:s16] =	ssyncadd.s32 $0xFFFFC800  }
0x8c: {  	_ =	swait.ge [sflag:s16], $0x3800  }
0x8d: {  	[sflag:s16] =	ssyncset.done $0x0  }
0x8e: {  	[sflag:s16] =	ssyncadd.s32 $0xFFFFC800  }
0x8f: {  	[hbm4b:s7+s2] =	stream.linear.scatter [tilespmem:s13], [sflag:$0x4], $0x3800, $0x38;
	[tilespmem:$0xE800] =	vst v63  }
0x90: {  	_ = 	snop  }
0x91: {  	[hbm4b:s8+s2] =	stream.linear.scatter [tilespmem:s14], [sflag:$0x4], $0x3800, $0x38;
	[tilespmem:$0xE800] =	vst v63  }
0x92: {  	_ =	swait.ge [sflag:s12], $0x3800  }
0x93: {  	[sflag:s12] =	ssyncset.done $0x0  }
0x94: {  	[sflag:s12] =	ssyncadd.s32 $0xFFFFC800  }
0x95: {  	_ =	swait.ge [sflag:s12], $0x3800  }
0x96: {  	[sflag:s12] =	ssyncset.done $0x0  }
0x97: {  	[sflag:s12] =	ssyncadd.s32 $0xFFFFC800  }
0x98: {  	[hbm4b:s4+s2] =	stream.linear.scatter [tilespmem:s9], [sflag:$0x3], $0x3800, $0x38;
	[tilespmem:$0xE800] =	vst v63  }
0x99: {  	_ = 	snop  }
0x9a: {  	[hbm4b:s5+s2] =	stream.linear.scatter [tilespmem:s10], [sflag:$0x3], $0x3800, $0x38;
	[tilespmem:$0xE800] =	vst v63  }
0x9b: {  	_ =	swait.ge [sflag:s11], $0x3800  }
0x9c: {  	[sflag:s11] =	ssyncset.done $0x0  }
0x9d: {  	[sflag:s11] =	ssyncadd.s32 $0xFFFFC800  }
0x9e: {  	_ =	swait.ge [sflag:s11], $0x3800  }
0x9f: {  	[sflag:s11] =	ssyncset.done $0x0  }
0xa0: {  	p1 =	sne.s32 s17, $0x1;
	[sflag:s11] =	ssyncadd.s32 $0xFFFFC800  }
.Ltmp1:
0xa1: {  	_ =	swait.ge [sflag:s6], $0x3800;
	(pc) =	sbr.rel @!p1 .LBB2_3-.Ltmp1, $4  }
0xa2: {  	[sflag:s6] =	ssyncset.done $0x0  }
0xa3: {  	[sflag:s6] =	ssyncadd.s32 $0xFFFFC800  }
0xa4: {  	p0 =	por $0x1, $0x1;
	_ =	swait.ge [sflag:s6], $0x3800  }
0xa5: {  	s0 =	sadd.s32 $0xFFFFFFFF, s17;
	s1 =	rddreg [dreg:$0x4];
	[sflag:s6] =	ssyncset.done $0x0  }
.LBB2_4:
0xa6: {  	[sflag:s6] =	ssyncadd.s32 $0xFFFFC800  }
0xa7: {  	[tilespmem:s2], [sflag:$0x5] =	stream.linear.gather [hbm4b:s1+s2], $0x380, $0x38;
	[tilespmem:$0xE800] =	vst v63  }
0xa8: {  	_ =	swait.ge [sflag:s29], $0x380  }
0xa9: {  	[sflag:s29] =	ssyncset.done $0x0  }
0xaa: {  	s17 =	rddreg [dreg:$0x5];
	[sflag:s29] =	ssyncadd.s32 $0xFFFFFC80  }
0xab: {  	[tilespmem:s28], [sflag:$0x5] =	stream.linear.gather [hbm4b:s17+s2], $0x380, $0x38;
	[tilespmem:$0xE800] =	vst v63  }
0xac: {  	_ =	swait.ge [sflag:s29], $0x380  }
0xad: {  	[sflag:s29] =	ssyncset.done $0x0  }
0xae: {  	[sflag:s29] =	ssyncadd.s32 $0xFFFFFC80  }
0xaf: {  	[tilespmem:s9], [sflag:$0x1] =	stream.indirect.gather [hbm4b:s3+s15], $0x80, s2, s15, $0xb8;
	[tilespmem:$0xE800] =	vst v63  }
0xb0: {  	_ = 	snop  }
0xb1: {  	[tilespmem:s10], [sflag:$0x1] =	stream.indirect.gather [hbm4b:s3+s15], $0x80, s28, s15, $0xb8;
	[tilespmem:$0xE800] =	vst v63  }
0xb2: {  	s17 =	simm.s32 $0x80  }
0xb3: {  	[tilespmem:s13], [sflag:$0x2] =	stream.indirect.gather [hbm4b:s3+s15], $0x80, s17, s15, $0xb8;
	[tilespmem:$0xE800] =	vst v63  }
0xb4: {  	_ = 	snop  }
0xb5: {  	[tilespmem:s14], [sflag:$0x2] =	stream.indirect.gather [hbm4b:s3+s15], $0x80, s31, s15, $0xb8;
	[tilespmem:$0xE800] =	vst v63  }
0xb6: {  	_ =	swait.ge [sflag:s12], $0x3800  }
0xb7: {  	[sflag:s12] =	ssyncset.done $0x0  }
0xb8: {  	[sflag:s12] =	ssyncadd.s32 $0xFFFFC800  }
0xb9: {  	_ =	swait.ge [sflag:s12], $0x3800  }
0xba: {  	[sflag:s12] =	ssyncset.done $0x0  }
0xbb: {  	s1 =	rddreg [dreg:$0x6];
	[sflag:s12] =	ssyncadd.s32 $0xFFFFC800  }
0xbc: {  	[hbm4b:s1+s2] =	stream.linear.scatter [tilespmem:s9], [sflag:$0x3], $0x3800, $0x38;
	[tilespmem:$0xE800] =	vst v63  }
0xbd: {  	s17 =	rddreg [dreg:$0x7]  }
0xbe: {  	[hbm4b:s17+s2] =	stream.linear.scatter [tilespmem:s10], [sflag:$0x3], $0x3800, $0x38;
	[tilespmem:$0xE800] =	vst v63  }
0xbf: {  	_ =	swait.ge [sflag:s6], $0x3800  }
0xc0: {  	[sflag:s6] =	ssyncset.done $0x0  }
0xc1: {  	[sflag:s6] =	ssyncadd.s32 $0xFFFFC800  }
0xc2: {  	_ =	swait.ge [sflag:s6], $0x3800  }
0xc3: {  	[sflag:s6] =	ssyncset.done $0x0  }
0xc4: {  	[sflag:s6] =	ssyncadd.s32 $0xFFFFC800  }
0xc5: {  	[tilespmem:s9], [sflag:$0x1] =	stream.indirect.gather [hbm4b:s3+s15], $0x80, s26, s15, $0xb8;
	[tilespmem:$0xE800] =	vst v63  }
0xc6: {  	_ = 	snop  }
0xc7: {  	[tilespmem:s10], [sflag:$0x1] =	stream.indirect.gather [hbm4b:s3+s15], $0x80, s30, s15, $0xb8;
	[tilespmem:$0xE800] =	vst v63  }
0xc8: {  	_ =	swait.ge [sflag:s16], $0x3800  }
0xc9: {  	[sflag:s16] =	ssyncset.done $0x0  }
0xca: {  	[sflag:s16] =	ssyncadd.s32 $0xFFFFC800  }
0xcb: {  	_ =	swait.ge [sflag:s16], $0x3800  }
0xcc: {  	[sflag:s16] =	ssyncset.done $0x0  }
0xcd: {  	s1 =	rddreg [dreg:$0x8];
	[sflag:s16] =	ssyncadd.s32 $0xFFFFC800  }
0xce: {  	[hbm4b:s1+s2] =	stream.linear.scatter [tilespmem:s13], [sflag:$0x4], $0x3800, $0x38;
	[tilespmem:$0xE800] =	vst v63  }
0xcf: {  	s17 =	rddreg [dreg:$0x9]  }
0xd0: {  	[hbm4b:s17+s2] =	stream.linear.scatter [tilespmem:s14], [sflag:$0x4], $0x3800, $0x38;
	[tilespmem:$0xE800] =	vst v63  }
0xd1: {  	_ =	swait.ge [sflag:s11], $0x3800  }
0xd2: {  	[sflag:s11] =	ssyncset.done $0x0  }
0xd3: {  	[sflag:s11] =	ssyncadd.s32 $0xFFFFC800  }
0xd4: {  	_ =	swait.ge [sflag:s11], $0x3800  }
0xd5: {  	[sflag:s11] =	ssyncset.done $0x0  }
0xd6: {  	[sflag:s11] =	ssyncadd.s32 $0xFFFFC800  }
0xd7: {  	[tilespmem:s13], [sflag:$0x2] =	stream.indirect.gather [hbm4b:s3+s15], $0x80, s24, s15, $0xb8;
	[tilespmem:$0xE800] =	vst v63  }
0xd8: {  	_ = 	snop  }
0xd9: {  	[tilespmem:s14], [sflag:$0x2] =	stream.indirect.gather [hbm4b:s3+s15], $0x80, s25, s15, $0xb8;
	[tilespmem:$0xE800] =	vst v63  }
0xda: {  	_ =	swait.ge [sflag:s12], $0x3800  }
0xdb: {  	[sflag:s12] =	ssyncset.done $0x0  }
0xdc: {  	[sflag:s12] =	ssyncadd.s32 $0xFFFFC800  }
0xdd: {  	_ =	swait.ge [sflag:s12], $0x3800  }
0xde: {  	[sflag:s12] =	ssyncset.done $0x0  }
0xdf: {  	s1 =	rddreg [dreg:$0xa];
	[sflag:s12] =	ssyncadd.s32 $0xFFFFC800  }
0xe0: {  	[hbm4b:s1+s2] =	stream.linear.scatter [tilespmem:s9], [sflag:$0x3], $0x3800, $0x38;
	[tilespmem:$0xE800] =	vst v63  }
0xe1: {  	s17 =	rddreg [dreg:$0xb]  }
0xe2: {  	[hbm4b:s17+s2] =	stream.linear.scatter [tilespmem:s10], [sflag:$0x3], $0x3800, $0x38;
	[tilespmem:$0xE800] =	vst v63  }
0xe3: {  	_ =	swait.ge [sflag:s6], $0x3800  }
0xe4: {  	[sflag:s6] =	ssyncset.done $0x0  }
0xe5: {  	[sflag:s6] =	ssyncadd.s32 $0xFFFFC800  }
0xe6: {  	_ =	swait.ge [sflag:s6], $0x3800  }
0xe7: {  	[sflag:s6] =	ssyncset.done $0x0  }
0xe8: {  	[sflag:s6] =	ssyncadd.s32 $0xFFFFC800  }
0xe9: {  	[tilespmem:s9], [sflag:$0x1] =	stream.indirect.gather [hbm4b:s3+s15], $0x80, s22, s15, $0xb8;
	[tilespmem:$0xE800] =	vst v63  }
0xea: {  	_ = 	snop  }
0xeb: {  	[tilespmem:s10], [sflag:$0x1] =	stream.indirect.gather [hbm4b:s3+s15], $0x80, s23, s15, $0xb8;
	[tilespmem:$0xE800] =	vst v63  }
0xec: {  	_ =	swait.ge [sflag:s16], $0x3800  }
0xed: {  	[sflag:s16] =	ssyncset.done $0x0  }
0xee: {  	[sflag:s16] =	ssyncadd.s32 $0xFFFFC800  }
0xef: {  	_ =	swait.ge [sflag:s16], $0x3800  }
0xf0: {  	[sflag:s16] =	ssyncset.done $0x0  }
0xf1: {  	s1 =	rddreg [dreg:$0xc];
	[sflag:s16] =	ssyncadd.s32 $0xFFFFC800  }
0xf2: {  	[hbm4b:s1+s2] =	stream.linear.scatter [tilespmem:s13], [sflag:$0x4], $0x3800, $0x38;
	[tilespmem:$0xE800] =	vst v63  }
0xf3: {  	s17 =	rddreg [dreg:$0xd]  }
0xf4: {  	[hbm4b:s17+s2] =	stream.linear.scatter [tilespmem:s14], [sflag:$0x4], $0x3800, $0x38;
	[tilespmem:$0xE800] =	vst v63  }
0xf5: {  	_ =	swait.ge [sflag:s11], $0x3800  }
0xf6: {  	[sflag:s11] =	ssyncset.done $0x0  }
0xf7: {  	[sflag:s11] =	ssyncadd.s32 $0xFFFFC800  }
0xf8: {  	_ =	swait.ge [sflag:s11], $0x3800  }
0xf9: {  	[sflag:s11] =	ssyncset.done $0x0  }
0xfa: {  	[sflag:s11] =	ssyncadd.s32 $0xFFFFC800  }
0xfb: {  	[tilespmem:s13], [sflag:$0x2] =	stream.indirect.gather [hbm4b:s3+s15], $0x80, s20, s15, $0xb8;
	[tilespmem:$0xE800] =	vst v63  }
0xfc: {  	_ = 	snop  }
0xfd: {  	[tilespmem:s14], [sflag:$0x2] =	stream.indirect.gather [hbm4b:s3+s15], $0x80, s21, s15, $0xb8;
	[tilespmem:$0xE800] =	vst v63  }
0xfe: {  	_ =	swait.ge [sflag:s12], $0x3800  }
0xff: {  	[sflag:s12] =	ssyncset.done $0x0  }
0x100: {  	[sflag:s12] =	ssyncadd.s32 $0xFFFFC800  }
0x101: {  	_ =	swait.ge [sflag:s12], $0x3800  }
0x102: {  	[sflag:s12] =	ssyncset.done $0x0  }
0x103: {  	s1 =	rddreg [dreg:$0xe];
	[sflag:s12] =	ssyncadd.s32 $0xFFFFC800  }
0x104: {  	[hbm4b:s1+s2] =	stream.linear.scatter [tilespmem:s9], [sflag:$0x3], $0x3800, $0x38;
	[tilespmem:$0xE800] =	vst v63  }
0x105: {  	s17 =	rddreg [dreg:$0xf]  }
0x106: {  	[hbm4b:s17+s2] =	stream.linear.scatter [tilespmem:s10], [sflag:$0x3], $0x3800, $0x38;
	[tilespmem:$0xE800] =	vst v63  }
0x107: {  	_ =	swait.ge [sflag:s6], $0x3800  }
0x108: {  	[sflag:s6] =	ssyncset.done $0x0  }
0x109: {  	[sflag:s6] =	ssyncadd.s32 $0xFFFFC800  }
0x10a: {  	_ =	swait.ge [sflag:s6], $0x3800  }
0x10b: {  	[sflag:s6] =	ssyncset.done $0x0  }
0x10c: {  	[sflag:s6] =	ssyncadd.s32 $0xFFFFC800  }
0x10d: {  	[tilespmem:s9], [sflag:$0x1] =	stream.indirect.gather [hbm4b:s3+s15], $0x80, s18, s15, $0xb8;
	[tilespmem:$0xE800] =	vst v63  }
0x10e: {  	_ = 	snop  }
0x10f: {  	[tilespmem:s10], [sflag:$0x1] =	stream.indirect.gather [hbm4b:s3+s15], $0x80, s19, s15, $0xb8;
	[tilespmem:$0xE800] =	vst v63  }
0x110: {  	_ =	swait.ge [sflag:s16], $0x3800  }
0x111: {  	[sflag:s16] =	ssyncset.done $0x0  }
0x112: {  	[sflag:s16] =	ssyncadd.s32 $0xFFFFC800  }
0x113: {  	_ =	swait.ge [sflag:s16], $0x3800  }
0x114: {  	[sflag:s16] =	ssyncset.done $0x0  }
0x115: {  	[sflag:s16] =	ssyncadd.s32 $0xFFFFC800  }
0x116: {  	[hbm4b:s7+s2] =	stream.linear.scatter [tilespmem:s13], [sflag:$0x4], $0x3800, $0x38;
	[tilespmem:$0xE800] =	vst v63  }
0x117: {  	_ = 	snop  }
0x118: {  	[hbm4b:s8+s2] =	stream.linear.scatter [tilespmem:s14], [sflag:$0x4], $0x3800, $0x38;
	[tilespmem:$0xE800] =	vst v63  }
0x119: {  	_ =	swait.ge [sflag:s12], $0x3800  }
0x11a: {  	[sflag:s12] =	ssyncset.done $0x0  }
0x11b: {  	[sflag:s12] =	ssyncadd.s32 $0xFFFFC800  }
0x11c: {  	_ =	swait.ge [sflag:s12], $0x3800  }
0x11d: {  	[sflag:s12] =	ssyncset.done $0x0  }
0x11e: {  	[sflag:s12] =	ssyncadd.s32 $0xFFFFC800  }
0x11f: {  	[hbm4b:s4+s2] =	stream.linear.scatter [tilespmem:s9], [sflag:$0x3], $0x3800, $0x38;
	[tilespmem:$0xE800] =	vst v63  }
0x120: {  	_ = 	snop  }
0x121: {  	[hbm4b:s5+s2] =	stream.linear.scatter [tilespmem:s10], [sflag:$0x3], $0x3800, $0x38;
	[tilespmem:$0xE800] =	vst v63  }
0x122: {  	_ =	swait.ge [sflag:s11], $0x3800  }
0x123: {  	[sflag:s11] =	ssyncset.done $0x0  }
0x124: {  	[sflag:s11] =	ssyncadd.s32 $0xFFFFC800  }
0x125: {  	_ =	swait.ge [sflag:s11], $0x3800  }
0x126: {  	[sflag:s11] =	ssyncset.done $0x0  }
0x127: {  	p1 =	sne.s32 s0, $0x1;
	[sflag:s11] =	ssyncadd.s32 $0xFFFFC800  }
.Ltmp2:
0x128: {  	_ =	swait.ge [sflag:s6], $0x3800;
	(pc) =	sbr.rel @p1 .LBB2_4-.Ltmp2, $4  }
0x129: {  	[sflag:s6] =	ssyncset.done $0x0  }
0x12a: {  	[sflag:s6] =	ssyncadd.s32 $0xFFFFC800  }
0x12b: {  	_ =	swait.ge [sflag:s6], $0x3800  }
0x12c: {  	s0 =	sadd.s32 $0xFFFFFFFF, s0;
	s1 =	rddreg [dreg:$0x4];
	[sflag:s6] =	ssyncset.done $0x0  }
0x12d: {  	s19 =	simm.s32 $0x480;
	s31 =	simm.s32 $0x80;
	s30 =	simm.s32 $0x500  }
0x12e: {  	s26 =	simm.s32 $0x100;
	s25 =	simm.s32 $0x580;
	s24 =	simm.s32 $0x180  }
0x12f: {  	s23 =	simm.s32 $0x600;
	s22 =	simm.s32 $0x200;
	s21 =	simm.s32 $0x680  }
0x130: {  	s20 =	simm.s32 $0x280;
	s18 =	simm.s32 $0x300;
	s17 =	rddreg [dreg:$0x3]  }
.LBB2_6:
0x131: {  	[sflag:s6] =	ssyncadd.s32 @p0 $0xFFFFC800  }
0x132: {  	[tilespmem:s2], [sflag:$0x5] =	stream.linear.gather [hbm4b:s1+s2], $0x380, $0x38;
	[tilespmem:$0xE800] =	vst v63  }
0x133: {  	_ =	swait.ge [sflag:s29], $0x380  }
0x134: {  	[sflag:s29] =	ssyncset.done $0x0  }
0x135: {  	s0 =	rddreg [dreg:$0x5];
	[sflag:s29] =	ssyncadd.s32 $0xFFFFFC80  }
0x136: {  	[tilespmem:s28], [sflag:$0x5] =	stream.linear.gather [hbm4b:s0+s2], $0x380, $0x38;
	[tilespmem:$0xE800] =	vst v63  }
0x137: {  	_ =	swait.ge [sflag:s29], $0x380  }
0x138: {  	[sflag:s29] =	ssyncset.done $0x0  }
0x139: {  	[sflag:s29] =	ssyncadd.s32 $0xFFFFFC80  }
0x13a: {  	[tilespmem:s9], [sflag:$0x1] =	stream.indirect.gather [hbm4b:s3+s15], $0x80, s2, s15, $0xb8;
	[tilespmem:$0xE800] =	vst v63  }
0x13b: {  	_ = 	snop  }
0x13c: {  	[tilespmem:s10], [sflag:$0x1] =	stream.indirect.gather [hbm4b:s3+s15], $0x80, s28, s15, $0xb8;
	[tilespmem:$0xE800] =	vst v63  }
0x13d: {  	_ = 	snop  }
0x13e: {  	[tilespmem:s13], [sflag:$0x2] =	stream.indirect.gather [hbm4b:s3+s15], $0x80, s31, s15, $0xb8;
	[tilespmem:$0xE800] =	vst v63  }
0x13f: {  	_ = 	snop  }
0x140: {  	[tilespmem:s14], [sflag:$0x2] =	stream.indirect.gather [hbm4b:s3+s15], $0x80, s19, s15, $0xb8;
	[tilespmem:$0xE800] =	vst v63  }
0x141: {  	_ =	swait.ge [sflag:s12], $0x3800  }
0x142: {  	[sflag:s12] =	ssyncset.done $0x0  }
0x143: {  	[sflag:s12] =	ssyncadd.s32 $0xFFFFC800  }
0x144: {  	_ =	swait.ge [sflag:s12], $0x3800  }
0x145: {  	[sflag:s12] =	ssyncset.done $0x0  }
0x146: {  	s28 =	rddreg [dreg:$0x6];
	[sflag:s12] =	ssyncadd.s32 $0xFFFFC800  }
0x147: {  	[hbm4b:s28+s2] =	stream.linear.scatter [tilespmem:s9], [sflag:$0x3], $0x3800, $0x38;
	[tilespmem:$0xE800] =	vst v63  }
0x148: {  	s29 =	rddreg [dreg:$0x7]  }
0x149: {  	[hbm4b:s29+s2] =	stream.linear.scatter [tilespmem:s10], [sflag:$0x3], $0x3800, $0x38;
	[tilespmem:$0xE800] =	vst v63  }
0x14a: {  	_ =	swait.ge [sflag:s6], $0x3800  }
0x14b: {  	[sflag:s6] =	ssyncset.done $0x0  }
0x14c: {  	[sflag:s6] =	ssyncadd.s32 $0xFFFFC800  }
0x14d: {  	_ =	swait.ge [sflag:s6], $0x3800  }
0x14e: {  	[sflag:s6] =	ssyncset.done $0x0  }
0x14f: {  	[sflag:s6] =	ssyncadd.s32 $0xFFFFC800  }
0x150: {  	[tilespmem:s9], [sflag:$0x1] =	stream.indirect.gather [hbm4b:s3+s15], $0x80, s26, s15, $0xb8;
	[tilespmem:$0xE800] =	vst v63  }
0x151: {  	_ = 	snop  }
0x152: {  	[tilespmem:s10], [sflag:$0x1] =	stream.indirect.gather [hbm4b:s3+s15], $0x80, s30, s15, $0xb8;
	[tilespmem:$0xE800] =	vst v63  }
0x153: {  	_ =	swait.ge [sflag:s16], $0x3800  }
0x154: {  	[sflag:s16] =	ssyncset.done $0x0  }
0x155: {  	[sflag:s16] =	ssyncadd.s32 $0xFFFFC800  }
0x156: {  	_ =	swait.ge [sflag:s16], $0x3800  }
0x157: {  	[sflag:s16] =	ssyncset.done $0x0  }
0x158: {  	s30 =	rddreg [dreg:$0x8];
	[sflag:s16] =	ssyncadd.s32 $0xFFFFC800  }
0x159: {  	[hbm4b:s30+s2] =	stream.linear.scatter [tilespmem:s13], [sflag:$0x4], $0x3800, $0x38;
	[tilespmem:$0xE800] =	vst v63  }
0x15a: {  	s31 =	rddreg [dreg:$0x9]  }
0x15b: {  	[hbm4b:s31+s2] =	stream.linear.scatter [tilespmem:s14], [sflag:$0x4], $0x3800, $0x38;
	[tilespmem:$0xE800] =	vst v63  }
0x15c: {  	_ =	swait.ge [sflag:s11], $0x3800  }
0x15d: {  	[sflag:s11] =	ssyncset.done $0x0  }
0x15e: {  	[sflag:s11] =	ssyncadd.s32 $0xFFFFC800  }
0x15f: {  	_ =	swait.ge [sflag:s11], $0x3800  }
0x160: {  	[sflag:s11] =	ssyncset.done $0x0  }
0x161: {  	[sflag:s11] =	ssyncadd.s32 $0xFFFFC800  }
0x162: {  	[tilespmem:s13], [sflag:$0x2] =	stream.indirect.gather [hbm4b:s3+s15], $0x80, s24, s15, $0xb8;
	[tilespmem:$0xE800] =	vst v63  }
0x163: {  	_ = 	snop  }
0x164: {  	[tilespmem:s14], [sflag:$0x2] =	stream.indirect.gather [hbm4b:s3+s15], $0x80, s25, s15, $0xb8;
	[tilespmem:$0xE800] =	vst v63  }
0x165: {  	_ =	swait.ge [sflag:s12], $0x3800  }
0x166: {  	[sflag:s12] =	ssyncset.done $0x0  }
0x167: {  	[sflag:s12] =	ssyncadd.s32 $0xFFFFC800  }
0x168: {  	_ =	swait.ge [sflag:s12], $0x3800  }
0x169: {  	[sflag:s12] =	ssyncset.done $0x0  }
0x16a: {  	s19 =	rddreg [dreg:$0xa];
	[sflag:s12] =	ssyncadd.s32 $0xFFFFC800  }
0x16b: {  	[hbm4b:s19+s2] =	stream.linear.scatter [tilespmem:s9], [sflag:$0x3], $0x3800, $0x38;
	[tilespmem:$0xE800] =	vst v63  }
0x16c: {  	s24 =	rddreg [dreg:$0xb]  }
0x16d: {  	[hbm4b:s24+s2] =	stream.linear.scatter [tilespmem:s10], [sflag:$0x3], $0x3800, $0x38;
	[tilespmem:$0xE800] =	vst v63  }
0x16e: {  	_ =	swait.ge [sflag:s6], $0x3800  }
0x16f: {  	[sflag:s6] =	ssyncset.done $0x0  }
0x170: {  	[sflag:s6] =	ssyncadd.s32 $0xFFFFC800  }
0x171: {  	_ =	swait.ge [sflag:s6], $0x3800  }
0x172: {  	[sflag:s6] =	ssyncset.done $0x0  }
0x173: {  	[sflag:s6] =	ssyncadd.s32 $0xFFFFC800  }
0x174: {  	[tilespmem:s9], [sflag:$0x1] =	stream.indirect.gather [hbm4b:s3+s15], $0x80, s22, s15, $0xb8;
	[tilespmem:$0xE800] =	vst v63  }
0x175: {  	_ = 	snop  }
0x176: {  	[tilespmem:s10], [sflag:$0x1] =	stream.indirect.gather [hbm4b:s3+s15], $0x80, s23, s15, $0xb8;
	[tilespmem:$0xE800] =	vst v63  }
0x177: {  	_ =	swait.ge [sflag:s16], $0x3800  }
0x178: {  	[sflag:s16] =	ssyncset.done $0x0  }
0x179: {  	[sflag:s16] =	ssyncadd.s32 $0xFFFFC800  }
0x17a: {  	_ =	swait.ge [sflag:s16], $0x3800  }
0x17b: {  	[sflag:s16] =	ssyncset.done $0x0  }
0x17c: {  	s25 =	rddreg [dreg:$0xc];
	[sflag:s16] =	ssyncadd.s32 $0xFFFFC800  }
0x17d: {  	[hbm4b:s25+s2] =	stream.linear.scatter [tilespmem:s13], [sflag:$0x4], $0x3800, $0x38;
	[tilespmem:$0xE800] =	vst v63  }
0x17e: {  	s26 =	rddreg [dreg:$0xd]  }
0x17f: {  	[hbm4b:s26+s2] =	stream.linear.scatter [tilespmem:s14], [sflag:$0x4], $0x3800, $0x38;
	[tilespmem:$0xE800] =	vst v63  }
0x180: {  	_ =	swait.ge [sflag:s11], $0x3800  }
0x181: {  	[sflag:s11] =	ssyncset.done $0x0  }
0x182: {  	[sflag:s11] =	ssyncadd.s32 $0xFFFFC800  }
0x183: {  	_ =	swait.ge [sflag:s11], $0x3800  }
0x184: {  	[sflag:s11] =	ssyncset.done $0x0  }
0x185: {  	[sflag:s11] =	ssyncadd.s32 $0xFFFFC800  }
0x186: {  	[tilespmem:s13], [sflag:$0x2] =	stream.indirect.gather [hbm4b:s3+s15], $0x80, s20, s15, $0xb8;
	[tilespmem:$0xE800] =	vst v63  }
0x187: {  	_ = 	snop  }
0x188: {  	[tilespmem:s14], [sflag:$0x2] =	stream.indirect.gather [hbm4b:s3+s15], $0x80, s21, s15, $0xb8;
	[tilespmem:$0xE800] =	vst v63  }
0x189: {  	_ =	swait.ge [sflag:s12], $0x3800  }
0x18a: {  	[sflag:s12] =	ssyncset.done $0x0  }
0x18b: {  	[sflag:s12] =	ssyncadd.s32 $0xFFFFC800  }
0x18c: {  	_ =	swait.ge [sflag:s12], $0x3800  }
0x18d: {  	[sflag:s12] =	ssyncset.done $0x0  }
0x18e: {  	s28 =	rddreg [dreg:$0xe];
	[sflag:s12] =	ssyncadd.s32 $0xFFFFC800  }
0x18f: {  	[hbm4b:s28+s2] =	stream.linear.scatter [tilespmem:s9], [sflag:$0x3], $0x3800, $0x38;
	[tilespmem:$0xE800] =	vst v63  }
0x190: {  	s29 =	rddreg [dreg:$0xf]  }
0x191: {  	[hbm4b:s29+s2] =	stream.linear.scatter [tilespmem:s10], [sflag:$0x3], $0x3800, $0x38;
	[tilespmem:$0xE800] =	vst v63  }
0x192: {  	_ =	swait.ge [sflag:s6], $0x3800  }
0x193: {  	[sflag:s6] =	ssyncset.done $0x0  }
0x194: {  	[sflag:s6] =	ssyncadd.s32 $0xFFFFC800  }
0x195: {  	_ =	swait.ge [sflag:s6], $0x3800  }
0x196: {  	[sflag:s6] =	ssyncset.done $0x0  }
0x197: {  	[sflag:s6] =	ssyncadd.s32 $0xFFFFC800  }
0x198: {  	[tilespmem:s9], [sflag:$0x1] =	stream.indirect.gather [hbm4b:s3+s15], $0x80, s18, s15, $0xb8;
	[tilespmem:$0xE800] =	vst v63  }
0x199: {  	s30 =	simm.s32 $0x700  }
0x19a: {  	[tilespmem:s10], [sflag:$0x1] =	stream.indirect.gather [hbm4b:s3+s15], $0x80, s30, s15, $0xb8;
	[tilespmem:$0xE800] =	vst v63  }
0x19b: {  	_ =	swait.ge [sflag:s16], $0x3800  }
0x19c: {  	[sflag:s16] =	ssyncset.done $0x0  }
0x19d: {  	[sflag:s16] =	ssyncadd.s32 $0xFFFFC800  }
0x19e: {  	_ =	swait.ge [sflag:s16], $0x3800  }
0x19f: {  	[sflag:s16] =	ssyncset.done $0x0  }
0x1a0: {  	[sflag:s16] =	ssyncadd.s32 $0xFFFFC800  }
0x1a1: {  	[hbm4b:s7+s2] =	stream.linear.scatter [tilespmem:s13], [sflag:$0x4], $0x3800, $0x38;
	[tilespmem:$0xE800] =	vst v63  }
0x1a2: {  	_ = 	snop  }
0x1a3: {  	[hbm4b:s8+s2] =	stream.linear.scatter [tilespmem:s14], [sflag:$0x4], $0x3800, $0x38;
	[tilespmem:$0xE800] =	vst v63  }
0x1a4: {  	_ =	swait.ge [sflag:s12], $0x3800  }
0x1a5: {  	[sflag:s12] =	ssyncset.done $0x0  }
0x1a6: {  	[sflag:s12] =	ssyncadd.s32 $0xFFFFC800  }
0x1a7: {  	_ =	swait.ge [sflag:s12], $0x3800  }
0x1a8: {  	[sflag:s12] =	ssyncset.done $0x0  }
0x1a9: {  	[sflag:s12] =	ssyncadd.s32 $0xFFFFC800  }
0x1aa: {  	[hbm4b:s4+s2] =	stream.linear.scatter [tilespmem:s9], [sflag:$0x3], $0x3800, $0x38;
	[tilespmem:$0xE800] =	vst v63  }
0x1ab: {  	_ = 	snop  }
0x1ac: {  	[hbm4b:s5+s2] =	stream.linear.scatter [tilespmem:s10], [sflag:$0x3], $0x3800, $0x38;
	[tilespmem:$0xE800] =	vst v63  }
0x1ad: {  	_ =	swait.ge [sflag:s11], $0x3800  }
0x1ae: {  	[sflag:s11] =	ssyncset.done $0x0  }
0x1af: {  	[sflag:s11] =	ssyncadd.s32 $0xFFFFC800  }
0x1b0: {  	_ =	swait.ge [sflag:s11], $0x3800  }
0x1b1: {  	[sflag:s11] =	ssyncset.done $0x0  }
0x1b2: {  	[sflag:s11] =	ssyncadd.s32 $0xFFFFC800  }
0x1b3: {  	_ =	swait.ge [sflag:s6], $0x3800  }
0x1b4: {  	[sflag:s6] =	ssyncset.done $0x0  }
0x1b5: {  	[sflag:s6] =	ssyncadd.s32 $0xFFFFC800  }
0x1b6: {  	_ =	swait.ge [sflag:s6], $0x3800  }
0x1b7: {  	[sflag:s6] =	ssyncset.done $0x0  }
0x1b8: {  	[sflag:s6] =	ssyncadd.s32 $0xFFFFC800  }
0x1b9: {  	_ =	sfence.sel $0x180000  }
0x1ba: {  	s31 =	stileid.u32;
	[bflag:$0x0] =	sbarrier.arrive $0xFFFF  }
0x1bb: {  	p0 =	sne.s32 s31, $0x0;
	_ =	strace $0x90000047  }
0x1bc: {  	s0 =	sadd.s32 @!p0 $0x100000, s17;
	[bflag:$0x2] =	sbarrier.arrive $0xFFFF  }
0x1bd: {  	[sflag:s0] =	ssyncadd.tile.s32 @!p0 $0x1;
	_ =	shalt  }
.LBB2_1:
.Ltmp3:
0x1be: {  	(pc) =	sbr.rel .LBB2_6-.Ltmp3, $4  }
0x1bf: {  	s19 =	simm.s32 $0x480;
	s31 =	simm.s32 $0x80  }
0x1c0: {  	s30 =	simm.s32 $0x500;
	s26 =	simm.s32 $0x100;
	s25 =	simm.s32 $0x580  }
0x1c1: {  	s24 =	simm.s32 $0x180;
	s23 =	simm.s32 $0x600;
	s22 =	simm.s32 $0x200  }
0x1c2: {  	s21 =	simm.s32 $0x680;
	s20 =	simm.s32 $0x280;
	s18 =	simm.s32 $0x300  }
.LBB2_3:
.Ltmp4:
0x1c3: {  	(pc) =	sbr.rel .LBB2_6-.Ltmp4, $4  }
0x1c4: {  	s19 =	simm.s32 $0x480;
	s31 =	simm.s32 $0x80;
	s30 =	simm.s32 $0x500  }
0x1c5: {  	s26 =	simm.s32 $0x100;
	s25 =	simm.s32 $0x580;
	s24 =	simm.s32 $0x180  }
0x1c6: {  	s23 =	simm.s32 $0x600;
	s22 =	simm.s32 $0x200;
	s21 =	simm.s32 $0x680  }
0x1c7: {  	s20 =	simm.s32 $0x280;
	s18 =	simm.s32 $0x300;
	s17 =	rddreg [dreg:$0x3]  }
.Lfunc_end2:
_tile_overlayer_lowered:
.L_overlay_start_2:
0x1c8: {  	(tag) =	ssettag $0x2  }
0x1c9: {  	s0 =	rddreg [dreg:$0x0];
	s2 =	stileid.u32  }
0x1ca: {  	s1 =	rddreg [dreg:$0x1];
	p0 =	sne.s32 s2, $0x0  }
0x1cb: {  	s3 =	rddreg [dreg:$0x2];
	[bflag:$0x3] =	sbarrier.arrive $0xFFFF;
	s2 =	simm.s32 @!p0 $0x1C05  }
0x1cc: {  	[timem:s3], [sflag:s2] =	dma.local @!p0 [hbm:s0], s1  }
0x1cd: {  	s0 =	simm.s32 @!p0 $0x5  }
0x1ce: {  	_ =	swait.ge @!p0 [sflag:s0], s1  }
0x1cf: {  	s1 =	ssub.s32 @!p0 $0x0, s1;
	[sflag:s0] =	ssyncset.done @!p0 $0x0  }
0x1d0: {  	[sflag:s0] =	ssyncadd.s32 @!p0 s1  }
0x1d1: {  	[bflag:$0x3] =	sbarrier.arrive $0xFFFF  }
0x1d2: {  	_ =	shalt  }

// kernel: kernel.13.cloned.1.call-start
scs
__scs_entry_jumppad:
0x0: {  	(pc) =	sbr.rel $0x88, $3  }
0x1: {  	(tag) =	ssettag $0x0;
	lr =	simm.s32 $0x1  }
0x2: {  	[smem:$0x3F98] =	sst lr;
	_ =	strace $0xD0000000  }
0x3: {  	_ = 	snop  }
0x4: {  	_ = 	snop  }
0x5: {  	_ = 	snop  }
0x6: {  	_ = 	snop  }
0x7: {  	_ = 	snop  }
__scs_overlays_trampoline_lowered:
0x8: {  	[smem:$0x3FA7] =	sst s0  }
0x9: {  	[smem:$0x3FA8] =	sst s1  }
0xa: {  	[smem:$0x3FA9] =	sst s2  }
0xb: {  	[smem:$0x3FAA] =	sst s3  }
0xc: {  	[smem:$0x3FAB] =	sst s4  }
0xd: {  	[smem:$0x3FAC] =	sst s5  }
0xe: {  	[smem:$0x3FAD] =	sst s6  }
0xf: {  	[smem:$0x3FAE] =	sst s7  }
0x10: {  	[smem:$0x3FAF] =	sst s8  }
0x11: {  	[smem:$0x3FB0] =	sst s9;
	s0 =	simm.s32 @!p0 $0x0  }
0x12: {  	s1 =	sld [smem:$0x3F96];
	s0 =	simm.s32 @p0 $0x1  }
0x13: {  	[smem:$0x3FB1] =	sst s0;
	s0 =	simm.s32 @!p1 $0x0  }
0x14: {  	s2 =	sld [smem:$0x3F95];
	s0 =	simm.s32 @p1 $0x1  }
0x15: {  	[smem:$0x3FB2] =	sst s0;
	s0 =	simm.s32 @!p2 $0x0  }
0x16: {  	s3 =	sld [smem:$0x3FDB];
	s0 =	simm.s32 @p2 $0x1  }
0x17: {  	s4 =	simm.s32 $0x1BF5;
	[smem:$0x3FB4] =	sst s0  }
0x18: {  	s0 =	sld [smem:$0x3F97];
	_ =	swait.ge [sflag:s4], $0x0  }
0x19: {  	s7 =	sld [smem:$0x3F98]  }
0x1a: {  	s8 =	sadd.s32 $0xFFFFE003, lr  }
0x1b: {  	s9 =	sadd.s32 $0xFFFFFEF7, lr;
	s5 =	simm.s32 $0xFFFFFFFF;
	p2 =	slt.u32 s8, $0xFFFFF086  }
0x1c: {  	p1 =	slt.u32 s9, $0xF7A;
	s5 =	simm.s32 @!p2 $0x0  }
0x1d: {  	s5 =	simm.s32 @p1 $0x1;
	p0 =	seq.s32 s7, s2  }
0x1e: {  	s7 =	smul.u32 @!p0 $0xF7A, s2;
	p2 =	seq.s32 @!p0 s5, $0x0  }
0x1f: {  	s9 =	smul.u32 $0xF7A, s1;
	s8 =	simm.s32 @!p0 $0x1BF5;
	p2 =	por !p2, p0  }
0x20: {  	[sflag:s8] =	ssyncset.s32 @!p0 $0xFFFFF086;
	s6 =	sadd.s32 @!p0 s3, s7;
	s7 =	simm.s32 @!p0 $0x108  }
0x21: {  	s3 =	sadd.s32 s3, s9;
	s6 =	sadd.s32 @!p0 $0x88, s6;
	s7 =	simm.s32 @p2 $0x1082  }
0x22: {  	[simem:s7], [sflag:s8] =	dma.local @!p0 [hbm:s6], $0xF7A  }
0x23: {  	s9 =	sor.u32 $0xD0000000, s2;
	s6 =	simm.s32 $0x108;
	_ =	swait.ge @!p0 [sflag:s8], $0x0  }
0x24: {  	s3 =	sadd.s32 $0x88, s3;
	s6 =	simm.s32 @!p1 $0x1082;
	[sflag:s4] =	ssyncset.s32 $0xFFFFF086  }
0x25: {  	[simem:s6], [sflag:s4] =	dma.local [hbm:s3], $0xF7A  }
0x26: {  	[smem:$0x3F98] =	sst s1;
	(tag) =	ssettag s2;
	_ =	strace s9  }
0x27: {  	s1 =	sld [smem:$0x3FA8]  }
0x28: {  	s2 =	sld [smem:$0x3FA9]  }
0x29: {  	s4 =	sld [smem:$0x3FAB]  }
0x2a: {  	p0 =	seq.s32 s5, $0x0;
	s5 =	sld [smem:$0x3FAC]  }
0x2b: {  	s6 =	sld [smem:$0x3FAD]  }
0x2c: {  	s7 =	sld [smem:$0x3FAE]  }
0x2d: {  	s3 =	simm.s32 $0x108;
	s8 =	sld [smem:$0x3FAF]  }
0x2e: {  	s3 =	simm.s32 @!p0 $0x1082;
	s9 =	sld [smem:$0x3FB0]  }
0x2f: {  	lr =	sadd.s32 s0, s3;
	s0 =	sld [smem:$0x3FA7]  }
0x30: {  	s3 =	sld [smem:$0x3FAA]  }
0x31: {  	[smem:$0x3FB3] =	sst s10  }
0x32: {  	s10 =	sld [smem:$0x3FB1];
	_ =	sdelay $0x3  }
0x33: {  	p0 =	seq.s32 s10, $0x1;
	s10 =	sld [smem:$0x3FB3];
	_ =	sdelay $0x3  }
0x34: {  	[smem:$0x3FB3] =	sst s10  }
0x35: {  	s10 =	sld [smem:$0x3FB2];
	_ =	sdelay $0x3  }
0x36: {  	p1 =	seq.s32 s10, $0x1;
	s10 =	sld [smem:$0x3FB3];
	_ =	sdelay $0x3  }
0x37: {  	[smem:$0x3FB3] =	sst s10  }
0x38: {  	s10 =	sld [smem:$0x3FB4]  }
0x39: {  	_ = 	snop;
	(pc) =	sbr.ind lr, $3  }
0x3a: {  	_ = 	snop  }
0x3b: {  	_ = 	snop  }
0x3c: {  	p2 =	seq.s32 s10, $0x1;
	s10 =	sld [smem:$0x3FB3]  }
0x3d: {  	_ =	shalt  }
0x3e: {  	_ =	shalt  }
0x3f: {  	_ =	shalt  }
0x40: {  	_ =	shalt  }
0x41: {  	_ =	shalt  }
0x42: {  	_ =	shalt  }
0x43: {  	_ =	shalt  }
0x44: {  	_ =	shalt  }
0x45: {  	_ =	shalt  }
0x46: {  	_ =	shalt  }
0x47: {  	_ =	shalt  }
0x48: {  	_ =	shalt  }
0x49: {  	_ =	shalt  }
0x4a: {  	_ =	shalt  }
0x4b: {  	_ =	shalt  }
0x4c: {  	_ =	shalt  }
0x4d: {  	_ =	shalt  }
0x4e: {  	_ =	shalt  }
0x4f: {  	_ =	shalt  }
0x50: {  	_ =	shalt  }
0x51: {  	_ =	shalt  }
0x52: {  	_ =	shalt  }
0x53: {  	_ =	shalt  }
0x54: {  	_ =	shalt  }
0x55: {  	_ =	shalt  }
0x56: {  	_ =	shalt  }
0x57: {  	_ =	shalt  }
0x58: {  	_ =	shalt  }
0x59: {  	_ =	shalt  }
0x5a: {  	_ =	shalt  }
0x5b: {  	_ =	shalt  }
0x5c: {  	_ =	shalt  }
0x5d: {  	_ =	shalt  }
0x5e: {  	_ =	shalt  }
0x5f: {  	_ =	shalt  }
0x60: {  	_ =	shalt  }
0x61: {  	_ =	shalt  }
0x62: {  	_ =	shalt  }
0x63: {  	_ =	shalt  }
0x64: {  	_ =	shalt  }
0x65: {  	_ =	shalt  }
0x66: {  	_ =	shalt  }
0x67: {  	_ =	shalt  }
0x68: {  	_ =	shalt  }
0x69: {  	_ =	shalt  }
0x6a: {  	_ =	shalt  }
0x6b: {  	_ =	shalt  }
0x6c: {  	_ =	shalt  }
0x6d: {  	_ =	shalt  }
0x6e: {  	_ =	shalt  }
0x6f: {  	_ =	shalt  }
0x70: {  	_ =	shalt  }
0x71: {  	_ =	shalt  }
0x72: {  	_ =	shalt  }
0x73: {  	_ =	shalt  }
0x74: {  	_ =	shalt  }
0x75: {  	_ =	shalt  }
0x76: {  	_ =	shalt  }
0x77: {  	_ =	shalt  }
0x78: {  	_ =	shalt  }
0x79: {  	_ =	shalt  }
0x7a: {  	_ =	shalt  }
0x7b: {  	_ =	shalt  }
0x7c: {  	_ =	shalt  }
0x7d: {  	_ =	shalt  }
0x7e: {  	_ =	shalt  }
0x7f: {  	_ =	shalt  }
0x80: {  	_ =	shalt  }
0x81: {  	_ =	shalt  }
0x82: {  	_ =	shalt  }
0x83: {  	_ =	shalt  }
0x84: {  	_ =	shalt  }
0x85: {  	_ =	shalt  }
0x86: {  	_ =	shalt  }
0x87: {  	_ =	shalt  }
.Lfunc_end0:
.L_simem_size_0:
called_computation.1_lowered:
.L_overlay_start_0:
0x88: {  	s2 =	sld [smem:$0x3FD9]  }
0x89: {  	s3 =	sld [smem:$0x3FFE];
	_ =	sdelay $0x1  }
0x8a: {  	s1 =	srdreg.scid  }
0x8b: {  	s0 =	sand.u32 $0x1, s1  }
0x8c: {  	s17 =	sshll.u32 s0, $0xA;
	s2 =	sadd.s32 s3, s2  }
0x8d: {  	s2 =	sadd.s32 s2, s17  }
0x8e: {  	[smem:$0x3FBF] =	sst s2  }
0x8f: {  	_ = 	snop  }
0x90: {  	(tm) =	ssettm $0x1  }
0x91: {  	s18 =	sld [smem:$0x3FFB];
	_ =	sdelay $0x3  }
0x92: {  	_ =	strace s18  }
0x93: {  	s2 =	sld [smem:$0x3FFC];
	_ =	sdelay $0x3  }
0x94: {  	_ =	strace s2  }
0x95: {  	s2 =	sld [smem:$0x3FFD];
	_ =	sdelay $0x3  }
0x96: {  	_ =	strace s2  }
0x97: {  	_ =	strace $0x8FFFFFFF  }
0x98: {  	s19 =	sld [smem:$0x3FDB];
	_ =	sdelay $0x1  }
0x99: {  	s20 =	simm.s32 $_scs_section_size  }
0x9a: {  	s4 =	simm.s32 $_size__tile_overlayer_lowered;
	s5 =	simm.s32 $_tile_overlayer_lowered  }
0x9b: {  	s6 =	simm.s32 $0x1BFF;
	s21 =	sshll.u32 s5, $0x1;
	s3 =	sadd.s32 s20, s19  }
0x9c: {  	s22 =	simm.s32 $0x0;
	s4 =	sshll.u32 s4, $0x1;
	s5 =	sadd.s32 s21, s3  }
0x9d: {  	[timem:s22], [sflag:s6] =	dma.local [hbm:s5], s4  }
0x9e: {  	_ =	swait.ge [sflag:s6], s4  }
0x9f: {  	s4 =	ssub.s32 $0x0, s4;
	[sflag:s6] =	ssyncset.done $0x0  }
0xa0: {  	[sflag:s6] =	ssyncadd.s32 s4;
	_ =	sdelay $0x1  }
0xa1: {  	s23 =	simm.s32 $0x1B8B  }
0xa2: {  	_ =	swait.ge [sflag:s23], $0x1  }
0xa3: {  	[sflag:s23] =	ssyncset.done $0x0  }
0xa4: {  	[sflag:s23] =	ssyncadd.s32 $0xFFFFFFFF  }
0xa5: {  	s4 =	sld [smem:$0x0]  }
0xa6: {  	s5 =	sand.u32 $0xFFFFFFFE, s1  }
0xa7: {  	p0 =	sne.s32 s1, s5  }
0xa8: {  	s5 =	sshll.u32 @p0 s5, $0xE  }
0xa9: {  	s5 =	sadd.s32 @p0 $0x11B8D, s5;
	s6 =	sshll.u32 @p0 s4, $0x11  }
0xaa: {  	s5 =	sor.u32 @p0 s6, s5  }
0xab: {  	[sflag:s5] =	ssyncadd.remote.s32 @p0 $0x1;
	_ =	sdelay $0x1  }
0xac: {  	s5 =	simm.s32 @p0 $0x1B8D  }
0xad: {  	_ =	swait.eq @p0 [sflag:s5], $0x1  }
0xae: {  	[sflag:s5] =	ssyncadd.s32 @p0 $0xFFFFFFFF  }
0xaf: {  	s6 =	sshll.u32 @!p0 s1, $0xE  }
0xb0: {  	s6 =	sor.u32 @!p0 $0x4000, s6;
	s5 =	simm.s32 @!p0 $0x1B8D  }
0xb1: {  	s4 =	sshll.u32 @!p0 s4, $0x11;
	s6 =	sadd.s32 @!p0 $0x11B8D, s6;
	_ =	swait.eq @!p0 [sflag:s5], $0x1  }
0xb2: {  	s4 =	sor.u32 @!p0 s4, s6;
	[sflag:s5] =	ssyncadd.s32 @!p0 $0xFFFFFFFF  }
0xb3: {  	s25 =	simm.s32 $0x1B8E;
	s24 =	sld [smem:$0x3FFE];
	[sflag:s4] =	ssyncadd.remote.s32 @!p0 $0x1  }
0xb4: {  	s26 =	simm.s32 $execute0_lowered;
	[smem:$0x3FD2] =	sst s25  }
0xb5: {  	s5 =	sshll.u32 s26, $0x1;
	_ =	strace $0x80000049;
	[dreg:$0x1] =	wrdreg $0xFFFFFFFF  }
0xb6: {  	s28 =	simm.s32 $_size_execute0_lowered;
	s3 =	sadd.s32 s3, s5;
	[dreg:$0x0] =	wrdreg $0x0  }
0xb7: {  	s5 =	sshll.u32 s28, $0x1;
	[dreg:$0x2] =	wrdreg s3  }
0xb8: {  	[dreg:$0x3] =	wrdreg s5  }
0xb9: {  	[dreg:$0x4] =	wrdreg $0xC0  }
0xba: {  	_ =	task [dreg:s22], $0x5FFFF  }
0xbb: {  	[dreg:$0x1] =	wrdreg $0xFFFFFFFF  }
0xbc: {  	[dreg:$0x0] =	wrdreg $0x60  }
0xbd: {  	[dreg:$0x2] =	wrdreg s24  }
0xbe: {  	[dreg:$0x3] =	wrdreg $0xA  }
0xbf: {  	_ =	task.clear_ibuf [dreg:s22], $0x4FFFF;
	_ =	strace $0x90000049  }
0xc0: {  	s29 =	simm.s32 $0xA;
	_ =	strace $0x8000004B  }
0xc1: {  	_ =	swait.ge [sflag:s29], $0x1  }
0xc2: {  	[sflag:s29] =	ssyncadd.s32 $0xFFFFFFFF  }
0xc3: {  	_ =	strace $0x9000004B  }
0xc4: {  	_ =	sfence  }
0xc5: {  	s30 =	sld [smem:$0x0];
	_ =	sdelay $0x2  }
0xc6: {  	s31 =	sshll.u32 s1, $0xD;
	s1 =	sshrl.u32 s1, $0x2  }
0xc7: {  	s4 =	sand.u32 $0x4000, s31;
	s1 =	sadd.s32 s1, s30  }
0xc8: {  	s0 =	sor.u32 s4, s0;
	s1 =	sshll.u32 s1, $0x11  }
0xc9: {  	s0 =	sor.u32 s1, s0  }
0xca: {  	s0 =	sadd.s32 $0x8F2B, s0  }
0xcb: {  	[sflag:s0] =	ssyncadd.remote.s32 $0x1  }
0xcc: {  	_ =	sfence.sel $0xFFFF  }
0xcd: {  	[dreg:$0x0] =	wrdreg $0xFFFFFFFF;
	(pc) =	sbr.abs _section_cstart, $3  }
0xce: {  	[dreg:$0x1] =	wrdreg $0xFFFFFFFF  }
0xcf: {  	_ =	task.clear_ibuf [dreg:s22], $0x2FFFF;
	_ =	strace $0x9FFFFFFF  }
0xd0: {  	(tm) =	ssettm $0x7FFFFFFF  }
0xd1: {  	_ =	shalt  }
tec
execute0_lowered:
.L_overlay_start_1:
0x0: {  	(tag) =	ssettag $0x1  }
0x1: {  	s0 =	rddreg [dreg:$0x0]  }
0x2: {  	s17 =	rddreg [dreg:$0x1]  }
0x3: {  	s1 =	srdreg.scid;
	s3 =	stileid.u32;
	s2 =	simm.s32 $0x0  }
0x4: {  	s29 =	simm.s32 $0x5;
	s28 =	simm.s32 $0x400;
	s31 =	simm.s32 $0x480  }
0x5: {  	s30 =	simm.s32 $0x500;
	s24 =	simm.s32 $0x180;
	s25 =	simm.s32 $0x580  }
0x6: {  	s1 =	sand.u32 $0x1, s1;
	s3 =	sshll.u32 s3, $0x1;
	[smem:$0x7FF] =	sst s2  }
0x7: {  	s5 =	sadd.s32 $0x1ED200, s0;
	s9 =	sadd.s32 $0x24F200, s0;
	s3 =	sor.u32 s1, s3  }
0x8: {  	_ =	strace $0x8000004A;
	s1 =	ssub.s32 $0x2, s1;
	s6 =	smul.u32 $0x3100, s3  }
0x9: {  	s4 =	sshll.u32 s3, $0x7;
	s3 =	smul.u32 $0x18800, s3;
	s19 =	sshrl.u32 s1, $0x1  }
0xa: {  	s4 =	sadd.s32 s4, s0;
	s1 =	ssub.s32 s1, s19;
	s19 =	simm.s32 $0x700  }
0xb: {  	p0 =	por $0x0, $0x0;
	s7 =	sadd.s32 $0x1EC200, s4;
	s4 =	sadd.s32 $0x1EB200, s4  }
0xc: {  	s26 =	sadd.s32 s5, s6;
	s10 =	sshrl.u32 s3, $0x3;
	[dreg:$0x2] =	wrdreg s7  }
0xd: {  	s3 =	sadd.s32 $0x2800, s0;
	s23 =	smax.u32 s1, $0x1;
	[dreg:$0x3] =	wrdreg s4  }
0xe: {  	[dreg:$0x4] =	wrdreg s26;
	s4 =	sadd.s32 s9, s6;
	s6 =	sadd.s32 $0x700, s10  }
0xf: {  	s11 =	sadd.s32 $0xE00, s10;
	s13 =	sadd.s32 $0x1500, s10;
	s16 =	sadd.s32 $0x1C00, s10  }
0x10: {  	s21 =	sadd.s32 $0x2300, s10;
	s22 =	sadd.s32 $0x2A00, s10;
	[dreg:$0x5] =	wrdreg s4  }
0x11: {  	s10 =	simm.s32 $0x4000;
	s7 =	sadd.s32 s5, s6;
	s1 =	rddreg [dreg:$0x2]  }
0x12: {  	s26 =	simm.s32 $0x100;
	s8 =	sadd.s32 s9, s6;
	[dreg:$0x6] =	wrdreg s7  }
0x13: {  	p1 =	sne.s32 s23, $0x1;
	s12 =	sadd.s32 s5, s11;
	[dreg:$0x7] =	wrdreg s8  }
0x14: {  	s0 =	sadd.s32 $0xFFFFFFFF, s23;
	s4 =	sadd.s32 s9, s11;
	[dreg:$0x8] =	wrdreg s12  }
0x15: {  	s23 =	simm.s32 $0x600;
	s14 =	sadd.s32 s5, s13;
	[dreg:$0x9] =	wrdreg s4  }
0x16: {  	s15 =	sadd.s32 s9, s13;
	s18 =	sadd.s32 s5, s16;
	[dreg:$0xa] =	wrdreg s14  }
0x17: {  	s20 =	sadd.s32 s9, s16;
	s13 =	simm.s32 $0x7800;
	[dreg:$0xb] =	wrdreg s15  }
0x18: {  	s6 =	simm.s32 $0x3;
	s16 =	simm.s32 $0x2;
	[dreg:$0xc] =	wrdreg s18  }
.Ltmp0:
0x19: {  	s11 =	simm.s32 $0x4;
	[dreg:$0xd] =	wrdreg s20;
	(pc) =	sbr.rel @!p1 .LBB2_1-.Ltmp0, $4  }
0x1a: {  	s7 =	sadd.s32 s5, s21;
	s8 =	sadd.s32 s9, s21;
	s4 =	sadd.s32 s5, s22  }
0x1b: {  	s5 =	sadd.s32 s9, s22;
	s15 =	simm.s32 $0x70;
	s9 =	simm.s32 $0x800  }
0x1c: {  	s14 =	simm.s32 $0xB000;
	s12 =	simm.s32 $0x1;
	s22 =	simm.s32 $0x200  }
0x1d: {  	s20 =	simm.s32 $0x280;
	s21 =	simm.s32 $0x680;
	s18 =	simm.s32 $0x300  }
0x1e: {  	[tilespmem:s2], [sflag:$0x5] =	stream.linear.gather [hbm4b:s1+s2], $0x380, $0x38;
	[tilespmem:$0xE800] =	vst v63  }
0x1f: {  	_ =	swait.ge [sflag:s29], $0x380  }
0x20: {  	[sflag:s29] =	ssyncset.done $0x0  }
0x21: {  	s17 =	rddreg [dreg:$0x3];
	[sflag:s29] =	ssyncadd.s32 $0xFFFFFC80  }
0x22: {  	[tilespmem:s28], [sflag:$0x5] =	stream.linear.gather [hbm4b:s17+s2], $0x380, $0x38;
	[tilespmem:$0xE800] =	vst v63  }
0x23: {  	_ =	swait.ge [sflag:s29], $0x380  }
0x24: {  	[sflag:s29] =	ssyncset.done $0x0  }
0x25: {  	[sflag:s29] =	ssyncadd.s32 $0xFFFFFC80  }
0x26: {  	[tilespmem:s9], [sflag:$0x1] =	stream.indirect.gather [hbm4b:s3+s15], $0x80, s2, s15, $0xb8;
	[tilespmem:$0xE800] =	vst v63  }
0x27: {  	_ = 	snop  }
0x28: {  	[tilespmem:s10], [sflag:$0x1] =	stream.indirect.gather [hbm4b:s3+s15], $0x80, s28, s15, $0xb8;
	[tilespmem:$0xE800] =	vst v63  }
0x29: {  	s1 =	simm.s32 $0x80  }
0x2a: {  	[tilespmem:s13], [sflag:$0x2] =	stream.indirect.gather [hbm4b:s3+s15], $0x80, s1, s15, $0xb8;
	[tilespmem:$0xE800] =	vst v63  }
0x2b: {  	_ = 	snop  }
0x2c: {  	[tilespmem:s14], [sflag:$0x2] =	stream.indirect.gather [hbm4b:s3+s15], $0x80, s31, s15, $0xb8;
	[tilespmem:$0xE800] =	vst v63  }
0x2d: {  	_ =	swait.ge [sflag:s12], $0x3800  }
0x2e: {  	[sflag:s12] =	ssyncset.done $0x0  }
0x2f: {  	[sflag:s12] =	ssyncadd.s32 $0xFFFFC800  }
0x30: {  	_ =	swait.ge [sflag:s12], $0x3800  }
0x31: {  	[sflag:s12] =	ssyncset.done $0x0  }
0x32: {  	s1 =	rddreg [dreg:$0x4];
	[sflag:s12] =	ssyncadd.s32 $0xFFFFC800  }
0x33: {  	[hbm4b:s1+s2] =	stream.linear.scatter [tilespmem:s9], [sflag:$0x3], $0x3800, $0x38;
	[tilespmem:$0xE800] =	vst v63  }
0x34: {  	s17 =	smov.u32 s0;
	s0 =	rddreg [dreg:$0x5]  }
0x35: {  	[hbm4b:s0+s2] =	stream.linear.scatter [tilespmem:s10], [sflag:$0x3], $0x3800, $0x38;
	[tilespmem:$0xE800] =	vst v63  }
0x36: {  	_ =	swait.ge [sflag:s6], $0x3800  }
0x37: {  	[sflag:s6] =	ssyncset.done $0x0  }
0x38: {  	[sflag:s6] =	ssyncadd.s32 $0xFFFFC800  }
0x39: {  	_ =	swait.ge [sflag:s6], $0x3800  }
0x3a: {  	[sflag:s6] =	ssyncset.done $0x0  }
0x3b: {  	[sflag:s6] =	ssyncadd.s32 $0xFFFFC800  }
0x3c: {  	[tilespmem:s9], [sflag:$0x1] =	stream.indirect.gather [hbm4b:s3+s15], $0x80, s26, s15, $0xb8;
	[tilespmem:$0xE800] =	vst v63  }
0x3d: {  	_ = 	snop  }
0x3e: {  	[tilespmem:s10], [sflag:$0x1] =	stream.indirect.gather [hbm4b:s3+s15], $0x80, s30, s15, $0xb8;
	[tilespmem:$0xE800] =	vst v63  }
0x3f: {  	_ =	swait.ge [sflag:s16], $0x3800  }
0x40: {  	[sflag:s16] =	ssyncset.done $0x0  }
0x41: {  	[sflag:s16] =	ssyncadd.s32 $0xFFFFC800  }
0x42: {  	_ =	swait.ge [sflag:s16], $0x3800  }
0x43: {  	[sflag:s16] =	ssyncset.done $0x0  }
0x44: {  	s0 =	rddreg [dreg:$0x6];
	[sflag:s16] =	ssyncadd.s32 $0xFFFFC800  }
0x45: {  	[hbm4b:s0+s2] =	stream.linear.scatter [tilespmem:s13], [sflag:$0x4], $0x3800, $0x38;
	[tilespmem:$0xE800] =	vst v63  }
0x46: {  	s1 =	rddreg [dreg:$0x7]  }
0x47: {  	[hbm4b:s1+s2] =	stream.linear.scatter [tilespmem:s14], [sflag:$0x4], $0x3800, $0x38;
	[tilespmem:$0xE800] =	vst v63  }
0x48: {  	_ =	swait.ge [sflag:s11], $0x3800  }
0x49: {  	[sflag:s11] =	ssyncset.done $0x0  }
0x4a: {  	[sflag:s11] =	ssyncadd.s32 $0xFFFFC800  }
0x4b: {  	_ =	swait.ge [sflag:s11], $0x3800  }
0x4c: {  	[sflag:s11] =	ssyncset.done $0x0  }
0x4d: {  	[sflag:s11] =	ssyncadd.s32 $0xFFFFC800  }
0x4e: {  	[tilespmem:s13], [sflag:$0x2] =	stream.indirect.gather [hbm4b:s3+s15], $0x80, s24, s15, $0xb8;
	[tilespmem:$0xE800] =	vst v63  }
0x4f: {  	_ = 	snop  }
0x50: {  	[tilespmem:s14], [sflag:$0x2] =	stream.indirect.gather [hbm4b:s3+s15], $0x80, s25, s15, $0xb8;
	[tilespmem:$0xE800] =	vst v63  }
0x51: {  	_ =	swait.ge [sflag:s12], $0x3800  }
0x52: {  	[sflag:s12] =	ssyncset.done $0x0  }
0x53: {  	[sflag:s12] =	ssyncadd.s32 $0xFFFFC800  }
0x54: {  	_ =	swait.ge [sflag:s12], $0x3800  }
0x55: {  	[sflag:s12] =	ssyncset.done $0x0  }
0x56: {  	s0 =	rddreg [dreg:$0x8];
	[sflag:s12] =	ssyncadd.s32 $0xFFFFC800  }
0x57: {  	[hbm4b:s0+s2] =	stream.linear.scatter [tilespmem:s9], [sflag:$0x3], $0x3800, $0x38;
	[tilespmem:$0xE800] =	vst v63  }
0x58: {  	s1 =	rddreg [dreg:$0x9]  }
0x59: {  	[hbm4b:s1+s2] =	stream.linear.scatter [tilespmem:s10], [sflag:$0x3], $0x3800, $0x38;
	[tilespmem:$0xE800] =	vst v63  }
0x5a: {  	_ =	swait.ge [sflag:s6], $0x3800  }
0x5b: {  	[sflag:s6] =	ssyncset.done $0x0  }
0x5c: {  	[sflag:s6] =	ssyncadd.s32 $0xFFFFC800  }
0x5d: {  	_ =	swait.ge [sflag:s6], $0x3800  }
0x5e: {  	[sflag:s6] =	ssyncset.done $0x0  }
0x5f: {  	[sflag:s6] =	ssyncadd.s32 $0xFFFFC800  }
0x60: {  	[tilespmem:s9], [sflag:$0x1] =	stream.indirect.gather [hbm4b:s3+s15], $0x80, s22, s15, $0xb8;
	[tilespmem:$0xE800] =	vst v63  }
0x61: {  	_ = 	snop  }
0x62: {  	[tilespmem:s10], [sflag:$0x1] =	stream.indirect.gather [hbm4b:s3+s15], $0x80, s23, s15, $0xb8;
	[tilespmem:$0xE800] =	vst v63  }
0x63: {  	_ =	swait.ge [sflag:s16], $0x3800  }
0x64: {  	[sflag:s16] =	ssyncset.done $0x0  }
0x65: {  	[sflag:s16] =	ssyncadd.s32 $0xFFFFC800  }
0x66: {  	_ =	swait.ge [sflag:s16], $0x3800  }
0x67: {  	[sflag:s16] =	ssyncset.done $0x0  }
0x68: {  	s0 =	rddreg [dreg:$0xa];
	[sflag:s16] =	ssyncadd.s32 $0xFFFFC800  }
0x69: {  	[hbm4b:s0+s2] =	stream.linear.scatter [tilespmem:s13], [sflag:$0x4], $0x3800, $0x38;
	[tilespmem:$0xE800] =	vst v63  }
0x6a: {  	s1 =	rddreg [dreg:$0xb]  }
0x6b: {  	[hbm4b:s1+s2] =	stream.linear.scatter [tilespmem:s14], [sflag:$0x4], $0x3800, $0x38;
	[tilespmem:$0xE800] =	vst v63  }
0x6c: {  	_ =	swait.ge [sflag:s11], $0x3800  }
0x6d: {  	[sflag:s11] =	ssyncset.done $0x0  }
0x6e: {  	[sflag:s11] =	ssyncadd.s32 $0xFFFFC800  }
0x6f: {  	_ =	swait.ge [sflag:s11], $0x3800  }
0x70: {  	[sflag:s11] =	ssyncset.done $0x0  }
0x71: {  	[sflag:s11] =	ssyncadd.s32 $0xFFFFC800  }
0x72: {  	[tilespmem:s13], [sflag:$0x2] =	stream.indirect.gather [hbm4b:s3+s15], $0x80, s20, s15, $0xb8;
	[tilespmem:$0xE800] =	vst v63  }
0x73: {  	_ = 	snop  }
0x74: {  	[tilespmem:s14], [sflag:$0x2] =	stream.indirect.gather [hbm4b:s3+s15], $0x80, s21, s15, $0xb8;
	[tilespmem:$0xE800] =	vst v63  }
0x75: {  	_ =	swait.ge [sflag:s12], $0x3800  }
0x76: {  	[sflag:s12] =	ssyncset.done $0x0  }
0x77: {  	[sflag:s12] =	ssyncadd.s32 $0xFFFFC800  }
0x78: {  	_ =	swait.ge [sflag:s12], $0x3800  }
0x79: {  	[sflag:s12] =	ssyncset.done $0x0  }
0x7a: {  	s0 =	rddreg [dreg:$0xc];
	[sflag:s12] =	ssyncadd.s32 $0xFFFFC800  }
0x7b: {  	[hbm4b:s0+s2] =	stream.linear.scatter [tilespmem:s9], [sflag:$0x3], $0x3800, $0x38;
	[tilespmem:$0xE800] =	vst v63  }
0x7c: {  	s1 =	rddreg [dreg:$0xd]  }
0x7d: {  	[hbm4b:s1+s2] =	stream.linear.scatter [tilespmem:s10], [sflag:$0x3], $0x3800, $0x38;
	[tilespmem:$0xE800] =	vst v63  }
0x7e: {  	_ =	swait.ge [sflag:s6], $0x3800  }
0x7f: {  	[sflag:s6] =	ssyncset.done $0x0  }
0x80: {  	[sflag:s6] =	ssyncadd.s32 $0xFFFFC800  }
0x81: {  	_ =	swait.ge [sflag:s6], $0x3800  }
0x82: {  	[sflag:s6] =	ssyncset.done $0x0  }
0x83: {  	[sflag:s6] =	ssyncadd.s32 $0xFFFFC800  }
0x84: {  	[tilespmem:s9], [sflag:$0x1] =	stream.indirect.gather [hbm4b:s3+s15], $0x80, s18, s15, $0xb8;
	[tilespmem:$0xE800] =	vst v63  }
0x85: {  	_ = 	snop  }
0x86: {  	[tilespmem:s10], [sflag:$0x1] =	stream.indirect.gather [hbm4b:s3+s15], $0x80, s19, s15, $0xb8;
	[tilespmem:$0xE800] =	vst v63  }
0x87: {  	_ =	swait.ge [sflag:s16], $0x3800  }
0x88: {  	[sflag:s16] =	ssyncset.done $0x0  }
0x89: {  	[sflag:s16] =	ssyncadd.s32 $0xFFFFC800  }
0x8a: {  	_ =	swait.ge [sflag:s16], $0x3800  }
0x8b: {  	[sflag:s16] =	ssyncset.done $0x0  }
0x8c: {  	[sflag:s16] =	ssyncadd.s32 $0xFFFFC800  }
0x8d: {  	[hbm4b:s7+s2] =	stream.linear.scatter [tilespmem:s13], [sflag:$0x4], $0x3800, $0x38;
	[tilespmem:$0xE800] =	vst v63  }
0x8e: {  	_ = 	snop  }
0x8f: {  	[hbm4b:s8+s2] =	stream.linear.scatter [tilespmem:s14], [sflag:$0x4], $0x3800, $0x38;
	[tilespmem:$0xE800] =	vst v63  }
0x90: {  	_ =	swait.ge [sflag:s12], $0x3800  }
0x91: {  	[sflag:s12] =	ssyncset.done $0x0  }
0x92: {  	[sflag:s12] =	ssyncadd.s32 $0xFFFFC800  }
0x93: {  	_ =	swait.ge [sflag:s12], $0x3800  }
0x94: {  	[sflag:s12] =	ssyncset.done $0x0  }
0x95: {  	[sflag:s12] =	ssyncadd.s32 $0xFFFFC800  }
0x96: {  	[hbm4b:s4+s2] =	stream.linear.scatter [tilespmem:s9], [sflag:$0x3], $0x3800, $0x38;
	[tilespmem:$0xE800] =	vst v63  }
0x97: {  	_ = 	snop  }
0x98: {  	[hbm4b:s5+s2] =	stream.linear.scatter [tilespmem:s10], [sflag:$0x3], $0x3800, $0x38;
	[tilespmem:$0xE800] =	vst v63  }
0x99: {  	_ =	swait.ge [sflag:s11], $0x3800  }
0x9a: {  	[sflag:s11] =	ssyncset.done $0x0  }
0x9b: {  	[sflag:s11] =	ssyncadd.s32 $0xFFFFC800  }
0x9c: {  	_ =	swait.ge [sflag:s11], $0x3800  }
0x9d: {  	[sflag:s11] =	ssyncset.done $0x0  }
0x9e: {  	p1 =	sne.s32 s17, $0x1;
	[sflag:s11] =	ssyncadd.s32 $0xFFFFC800  }
.Ltmp1:
0x9f: {  	_ =	swait.ge [sflag:s6], $0x3800;
	(pc) =	sbr.rel @!p1 .LBB2_3-.Ltmp1, $4  }
0xa0: {  	[sflag:s6] =	ssyncset.done $0x0  }
0xa1: {  	[sflag:s6] =	ssyncadd.s32 $0xFFFFC800  }
0xa2: {  	p0 =	por $0x1, $0x1;
	_ =	swait.ge [sflag:s6], $0x3800  }
0xa3: {  	s0 =	sadd.s32 $0xFFFFFFFF, s17;
	s1 =	rddreg [dreg:$0x2];
	[sflag:s6] =	ssyncset.done $0x0  }
.LBB2_4:
0xa4: {  	[sflag:s6] =	ssyncadd.s32 $0xFFFFC800  }
0xa5: {  	[tilespmem:s2], [sflag:$0x5] =	stream.linear.gather [hbm4b:s1+s2], $0x380, $0x38;
	[tilespmem:$0xE800] =	vst v63  }
0xa6: {  	_ =	swait.ge [sflag:s29], $0x380  }
0xa7: {  	[sflag:s29] =	ssyncset.done $0x0  }
0xa8: {  	s17 =	rddreg [dreg:$0x3];
	[sflag:s29] =	ssyncadd.s32 $0xFFFFFC80  }
0xa9: {  	[tilespmem:s28], [sflag:$0x5] =	stream.linear.gather [hbm4b:s17+s2], $0x380, $0x38;
	[tilespmem:$0xE800] =	vst v63  }
0xaa: {  	_ =	swait.ge [sflag:s29], $0x380  }
0xab: {  	[sflag:s29] =	ssyncset.done $0x0  }
0xac: {  	[sflag:s29] =	ssyncadd.s32 $0xFFFFFC80  }
0xad: {  	[tilespmem:s9], [sflag:$0x1] =	stream.indirect.gather [hbm4b:s3+s15], $0x80, s2, s15, $0xb8;
	[tilespmem:$0xE800] =	vst v63  }
0xae: {  	_ = 	snop  }
0xaf: {  	[tilespmem:s10], [sflag:$0x1] =	stream.indirect.gather [hbm4b:s3+s15], $0x80, s28, s15, $0xb8;
	[tilespmem:$0xE800] =	vst v63  }
0xb0: {  	s17 =	simm.s32 $0x80  }
0xb1: {  	[tilespmem:s13], [sflag:$0x2] =	stream.indirect.gather [hbm4b:s3+s15], $0x80, s17, s15, $0xb8;
	[tilespmem:$0xE800] =	vst v63  }
0xb2: {  	_ = 	snop  }
0xb3: {  	[tilespmem:s14], [sflag:$0x2] =	stream.indirect.gather [hbm4b:s3+s15], $0x80, s31, s15, $0xb8;
	[tilespmem:$0xE800] =	vst v63  }
0xb4: {  	_ =	swait.ge [sflag:s12], $0x3800  }
0xb5: {  	[sflag:s12] =	ssyncset.done $0x0  }
0xb6: {  	[sflag:s12] =	ssyncadd.s32 $0xFFFFC800  }
0xb7: {  	_ =	swait.ge [sflag:s12], $0x3800  }
0xb8: {  	[sflag:s12] =	ssyncset.done $0x0  }
0xb9: {  	s1 =	rddreg [dreg:$0x4];
	[sflag:s12] =	ssyncadd.s32 $0xFFFFC800  }
0xba: {  	[hbm4b:s1+s2] =	stream.linear.scatter [tilespmem:s9], [sflag:$0x3], $0x3800, $0x38;
	[tilespmem:$0xE800] =	vst v63  }
0xbb: {  	s17 =	rddreg [dreg:$0x5]  }
0xbc: {  	[hbm4b:s17+s2] =	stream.linear.scatter [tilespmem:s10], [sflag:$0x3], $0x3800, $0x38;
	[tilespmem:$0xE800] =	vst v63  }
0xbd: {  	_ =	swait.ge [sflag:s6], $0x3800  }
0xbe: {  	[sflag:s6] =	ssyncset.done $0x0  }
0xbf: {  	[sflag:s6] =	ssyncadd.s32 $0xFFFFC800  }
0xc0: {  	_ =	swait.ge [sflag:s6], $0x3800  }
0xc1: {  	[sflag:s6] =	ssyncset.done $0x0  }
0xc2: {  	[sflag:s6] =	ssyncadd.s32 $0xFFFFC800  }
0xc3: {  	[tilespmem:s9], [sflag:$0x1] =	stream.indirect.gather [hbm4b:s3+s15], $0x80, s26, s15, $0xb8;
	[tilespmem:$0xE800] =	vst v63  }
0xc4: {  	_ = 	snop  }
0xc5: {  	[tilespmem:s10], [sflag:$0x1] =	stream.indirect.gather [hbm4b:s3+s15], $0x80, s30, s15, $0xb8;
	[tilespmem:$0xE800] =	vst v63  }
0xc6: {  	_ =	swait.ge [sflag:s16], $0x3800  }
0xc7: {  	[sflag:s16] =	ssyncset.done $0x0  }
0xc8: {  	[sflag:s16] =	ssyncadd.s32 $0xFFFFC800  }
0xc9: {  	_ =	swait.ge [sflag:s16], $0x3800  }
0xca: {  	[sflag:s16] =	ssyncset.done $0x0  }
0xcb: {  	s1 =	rddreg [dreg:$0x6];
	[sflag:s16] =	ssyncadd.s32 $0xFFFFC800  }
0xcc: {  	[hbm4b:s1+s2] =	stream.linear.scatter [tilespmem:s13], [sflag:$0x4], $0x3800, $0x38;
	[tilespmem:$0xE800] =	vst v63  }
0xcd: {  	s17 =	rddreg [dreg:$0x7]  }
0xce: {  	[hbm4b:s17+s2] =	stream.linear.scatter [tilespmem:s14], [sflag:$0x4], $0x3800, $0x38;
	[tilespmem:$0xE800] =	vst v63  }
0xcf: {  	_ =	swait.ge [sflag:s11], $0x3800  }
0xd0: {  	[sflag:s11] =	ssyncset.done $0x0  }
0xd1: {  	[sflag:s11] =	ssyncadd.s32 $0xFFFFC800  }
0xd2: {  	_ =	swait.ge [sflag:s11], $0x3800  }
0xd3: {  	[sflag:s11] =	ssyncset.done $0x0  }
0xd4: {  	[sflag:s11] =	ssyncadd.s32 $0xFFFFC800  }
0xd5: {  	[tilespmem:s13], [sflag:$0x2] =	stream.indirect.gather [hbm4b:s3+s15], $0x80, s24, s15, $0xb8;
	[tilespmem:$0xE800] =	vst v63  }
0xd6: {  	_ = 	snop  }
0xd7: {  	[tilespmem:s14], [sflag:$0x2] =	stream.indirect.gather [hbm4b:s3+s15], $0x80, s25, s15, $0xb8;
	[tilespmem:$0xE800] =	vst v63  }
0xd8: {  	_ =	swait.ge [sflag:s12], $0x3800  }
0xd9: {  	[sflag:s12] =	ssyncset.done $0x0  }
0xda: {  	[sflag:s12] =	ssyncadd.s32 $0xFFFFC800  }
0xdb: {  	_ =	swait.ge [sflag:s12], $0x3800  }
0xdc: {  	[sflag:s12] =	ssyncset.done $0x0  }
0xdd: {  	s1 =	rddreg [dreg:$0x8];
	[sflag:s12] =	ssyncadd.s32 $0xFFFFC800  }
0xde: {  	[hbm4b:s1+s2] =	stream.linear.scatter [tilespmem:s9], [sflag:$0x3], $0x3800, $0x38;
	[tilespmem:$0xE800] =	vst v63  }
0xdf: {  	s17 =	rddreg [dreg:$0x9]  }
0xe0: {  	[hbm4b:s17+s2] =	stream.linear.scatter [tilespmem:s10], [sflag:$0x3], $0x3800, $0x38;
	[tilespmem:$0xE800] =	vst v63  }
0xe1: {  	_ =	swait.ge [sflag:s6], $0x3800  }
0xe2: {  	[sflag:s6] =	ssyncset.done $0x0  }
0xe3: {  	[sflag:s6] =	ssyncadd.s32 $0xFFFFC800  }
0xe4: {  	_ =	swait.ge [sflag:s6], $0x3800  }
0xe5: {  	[sflag:s6] =	ssyncset.done $0x0  }
0xe6: {  	[sflag:s6] =	ssyncadd.s32 $0xFFFFC800  }
0xe7: {  	[tilespmem:s9], [sflag:$0x1] =	stream.indirect.gather [hbm4b:s3+s15], $0x80, s22, s15, $0xb8;
	[tilespmem:$0xE800] =	vst v63  }
0xe8: {  	_ = 	snop  }
0xe9: {  	[tilespmem:s10], [sflag:$0x1] =	stream.indirect.gather [hbm4b:s3+s15], $0x80, s23, s15, $0xb8;
	[tilespmem:$0xE800] =	vst v63  }
0xea: {  	_ =	swait.ge [sflag:s16], $0x3800  }
0xeb: {  	[sflag:s16] =	ssyncset.done $0x0  }
0xec: {  	[sflag:s16] =	ssyncadd.s32 $0xFFFFC800  }
0xed: {  	_ =	swait.ge [sflag:s16], $0x3800  }
0xee: {  	[sflag:s16] =	ssyncset.done $0x0  }
0xef: {  	s1 =	rddreg [dreg:$0xa];
	[sflag:s16] =	ssyncadd.s32 $0xFFFFC800  }
0xf0: {  	[hbm4b:s1+s2] =	stream.linear.scatter [tilespmem:s13], [sflag:$0x4], $0x3800, $0x38;
	[tilespmem:$0xE800] =	vst v63  }
0xf1: {  	s17 =	rddreg [dreg:$0xb]  }
0xf2: {  	[hbm4b:s17+s2] =	stream.linear.scatter [tilespmem:s14], [sflag:$0x4], $0x3800, $0x38;
	[tilespmem:$0xE800] =	vst v63  }
0xf3: {  	_ =	swait.ge [sflag:s11], $0x3800  }
0xf4: {  	[sflag:s11] =	ssyncset.done $0x0  }
0xf5: {  	[sflag:s11] =	ssyncadd.s32 $0xFFFFC800  }
0xf6: {  	_ =	swait.ge [sflag:s11], $0x3800  }
0xf7: {  	[sflag:s11] =	ssyncset.done $0x0  }
0xf8: {  	[sflag:s11] =	ssyncadd.s32 $0xFFFFC800  }
0xf9: {  	[tilespmem:s13], [sflag:$0x2] =	stream.indirect.gather [hbm4b:s3+s15], $0x80, s20, s15, $0xb8;
	[tilespmem:$0xE800] =	vst v63  }
0xfa: {  	_ = 	snop  }
0xfb: {  	[tilespmem:s14], [sflag:$0x2] =	stream.indirect.gather [hbm4b:s3+s15], $0x80, s21, s15, $0xb8;
	[tilespmem:$0xE800] =	vst v63  }
0xfc: {  	_ =	swait.ge [sflag:s12], $0x3800  }
0xfd: {  	[sflag:s12] =	ssyncset.done $0x0  }
0xfe: {  	[sflag:s12] =	ssyncadd.s32 $0xFFFFC800  }
0xff: {  	_ =	swait.ge [sflag:s12], $0x3800  }
0x100: {  	[sflag:s12] =	ssyncset.done $0x0  }
0x101: {  	s1 =	rddreg [dreg:$0xc];
	[sflag:s12] =	ssyncadd.s32 $0xFFFFC800  }
0x102: {  	[hbm4b:s1+s2] =	stream.linear.scatter [tilespmem:s9], [sflag:$0x3], $0x3800, $0x38;
	[tilespmem:$0xE800] =	vst v63  }
0x103: {  	s17 =	rddreg [dreg:$0xd]  }
0x104: {  	[hbm4b:s17+s2] =	stream.linear.scatter [tilespmem:s10], [sflag:$0x3], $0x3800, $0x38;
	[tilespmem:$0xE800] =	vst v63  }
0x105: {  	_ =	swait.ge [sflag:s6], $0x3800  }
0x106: {  	[sflag:s6] =	ssyncset.done $0x0  }
0x107: {  	[sflag:s6] =	ssyncadd.s32 $0xFFFFC800  }
0x108: {  	_ =	swait.ge [sflag:s6], $0x3800  }
0x109: {  	[sflag:s6] =	ssyncset.done $0x0  }
0x10a: {  	[sflag:s6] =	ssyncadd.s32 $0xFFFFC800  }
0x10b: {  	[tilespmem:s9], [sflag:$0x1] =	stream.indirect.gather [hbm4b:s3+s15], $0x80, s18, s15, $0xb8;
	[tilespmem:$0xE800] =	vst v63  }
0x10c: {  	_ = 	snop  }
0x10d: {  	[tilespmem:s10], [sflag:$0x1] =	stream.indirect.gather [hbm4b:s3+s15], $0x80, s19, s15, $0xb8;
	[tilespmem:$0xE800] =	vst v63  }
0x10e: {  	_ =	swait.ge [sflag:s16], $0x3800  }
0x10f: {  	[sflag:s16] =	ssyncset.done $0x0  }
0x110: {  	[sflag:s16] =	ssyncadd.s32 $0xFFFFC800  }
0x111: {  	_ =	swait.ge [sflag:s16], $0x3800  }
0x112: {  	[sflag:s16] =	ssyncset.done $0x0  }
0x113: {  	[sflag:s16] =	ssyncadd.s32 $0xFFFFC800  }
0x114: {  	[hbm4b:s7+s2] =	stream.linear.scatter [tilespmem:s13], [sflag:$0x4], $0x3800, $0x38;
	[tilespmem:$0xE800] =	vst v63  }
0x115: {  	_ = 	snop  }
0x116: {  	[hbm4b:s8+s2] =	stream.linear.scatter [tilespmem:s14], [sflag:$0x4], $0x3800, $0x38;
	[tilespmem:$0xE800] =	vst v63  }
0x117: {  	_ =	swait.ge [sflag:s12], $0x3800  }
0x118: {  	[sflag:s12] =	ssyncset.done $0x0  }
0x119: {  	[sflag:s12] =	ssyncadd.s32 $0xFFFFC800  }
0x11a: {  	_ =	swait.ge [sflag:s12], $0x3800  }
0x11b: {  	[sflag:s12] =	ssyncset.done $0x0  }
0x11c: {  	[sflag:s12] =	ssyncadd.s32 $0xFFFFC800  }
0x11d: {  	[hbm4b:s4+s2] =	stream.linear.scatter [tilespmem:s9], [sflag:$0x3], $0x3800, $0x38;
	[tilespmem:$0xE800] =	vst v63  }
0x11e: {  	_ = 	snop  }
0x11f: {  	[hbm4b:s5+s2] =	stream.linear.scatter [tilespmem:s10], [sflag:$0x3], $0x3800, $0x38;
	[tilespmem:$0xE800] =	vst v63  }
0x120: {  	_ =	swait.ge [sflag:s11], $0x3800  }
0x121: {  	[sflag:s11] =	ssyncset.done $0x0  }
0x122: {  	[sflag:s11] =	ssyncadd.s32 $0xFFFFC800  }
0x123: {  	_ =	swait.ge [sflag:s11], $0x3800  }
0x124: {  	[sflag:s11] =	ssyncset.done $0x0  }
0x125: {  	p1 =	sne.s32 s0, $0x1;
	[sflag:s11] =	ssyncadd.s32 $0xFFFFC800  }
.Ltmp2:
0x126: {  	_ =	swait.ge [sflag:s6], $0x3800;
	(pc) =	sbr.rel @p1 .LBB2_4-.Ltmp2, $4  }
0x127: {  	[sflag:s6] =	ssyncset.done $0x0  }
0x128: {  	[sflag:s6] =	ssyncadd.s32 $0xFFFFC800  }
0x129: {  	_ =	swait.ge [sflag:s6], $0x3800  }
0x12a: {  	s0 =	sadd.s32 $0xFFFFFFFF, s0;
	s1 =	rddreg [dreg:$0x2];
	[sflag:s6] =	ssyncset.done $0x0  }
0x12b: {  	s19 =	simm.s32 $0x480;
	s31 =	simm.s32 $0x80;
	s30 =	simm.s32 $0x500  }
0x12c: {  	s26 =	simm.s32 $0x100;
	s25 =	simm.s32 $0x580;
	s24 =	simm.s32 $0x180  }
0x12d: {  	s23 =	simm.s32 $0x600;
	s22 =	simm.s32 $0x200;
	s21 =	simm.s32 $0x680  }
0x12e: {  	s20 =	simm.s32 $0x280;
	s18 =	simm.s32 $0x300;
	s17 =	rddreg [dreg:$0x1]  }
.LBB2_6:
0x12f: {  	[sflag:s6] =	ssyncadd.s32 @p0 $0xFFFFC800  }
0x130: {  	[tilespmem:s2], [sflag:$0x5] =	stream.linear.gather [hbm4b:s1+s2], $0x380, $0x38;
	[tilespmem:$0xE800] =	vst v63  }
0x131: {  	_ =	swait.ge [sflag:s29], $0x380  }
0x132: {  	[sflag:s29] =	ssyncset.done $0x0  }
0x133: {  	s0 =	rddreg [dreg:$0x3];
	[sflag:s29] =	ssyncadd.s32 $0xFFFFFC80  }
0x134: {  	[tilespmem:s28], [sflag:$0x5] =	stream.linear.gather [hbm4b:s0+s2], $0x380, $0x38;
	[tilespmem:$0xE800] =	vst v63  }
0x135: {  	_ =	swait.ge [sflag:s29], $0x380  }
0x136: {  	[sflag:s29] =	ssyncset.done $0x0  }
0x137: {  	[sflag:s29] =	ssyncadd.s32 $0xFFFFFC80  }
0x138: {  	[tilespmem:s9], [sflag:$0x1] =	stream.indirect.gather [hbm4b:s3+s15], $0x80, s2, s15, $0xb8;
	[tilespmem:$0xE800] =	vst v63  }
0x139: {  	_ = 	snop  }
0x13a: {  	[tilespmem:s10], [sflag:$0x1] =	stream.indirect.gather [hbm4b:s3+s15], $0x80, s28, s15, $0xb8;
	[tilespmem:$0xE800] =	vst v63  }
0x13b: {  	_ = 	snop  }
0x13c: {  	[tilespmem:s13], [sflag:$0x2] =	stream.indirect.gather [hbm4b:s3+s15], $0x80, s31, s15, $0xb8;
	[tilespmem:$0xE800] =	vst v63  }
0x13d: {  	_ = 	snop  }
0x13e: {  	[tilespmem:s14], [sflag:$0x2] =	stream.indirect.gather [hbm4b:s3+s15], $0x80, s19, s15, $0xb8;
	[tilespmem:$0xE800] =	vst v63  }
0x13f: {  	_ =	swait.ge [sflag:s12], $0x3800  }
0x140: {  	[sflag:s12] =	ssyncset.done $0x0  }
0x141: {  	[sflag:s12] =	ssyncadd.s32 $0xFFFFC800  }
0x142: {  	_ =	swait.ge [sflag:s12], $0x3800  }
0x143: {  	[sflag:s12] =	ssyncset.done $0x0  }
0x144: {  	s28 =	rddreg [dreg:$0x4];
	[sflag:s12] =	ssyncadd.s32 $0xFFFFC800  }
0x145: {  	[hbm4b:s28+s2] =	stream.linear.scatter [tilespmem:s9], [sflag:$0x3], $0x3800, $0x38;
	[tilespmem:$0xE800] =	vst v63  }
0x146: {  	s29 =	rddreg [dreg:$0x5]  }
0x147: {  	[hbm4b:s29+s2] =	stream.linear.scatter [tilespmem:s10], [sflag:$0x3], $0x3800, $0x38;
	[tilespmem:$0xE800] =	vst v63  }
0x148: {  	_ =	swait.ge [sflag:s6], $0x3800  }
0x149: {  	[sflag:s6] =	ssyncset.done $0x0  }
0x14a: {  	[sflag:s6] =	ssyncadd.s32 $0xFFFFC800  }
0x14b: {  	_ =	swait.ge [sflag:s6], $0x3800  }
0x14c: {  	[sflag:s6] =	ssyncset.done $0x0  }
0x14d: {  	[sflag:s6] =	ssyncadd.s32 $0xFFFFC800  }
0x14e: {  	[tilespmem:s9], [sflag:$0x1] =	stream.indirect.gather [hbm4b:s3+s15], $0x80, s26, s15, $0xb8;
	[tilespmem:$0xE800] =	vst v63  }
0x14f: {  	_ = 	snop  }
0x150: {  	[tilespmem:s10], [sflag:$0x1] =	stream.indirect.gather [hbm4b:s3+s15], $0x80, s30, s15, $0xb8;
	[tilespmem:$0xE800] =	vst v63  }
0x151: {  	_ =	swait.ge [sflag:s16], $0x3800  }
0x152: {  	[sflag:s16] =	ssyncset.done $0x0  }
0x153: {  	[sflag:s16] =	ssyncadd.s32 $0xFFFFC800  }
0x154: {  	_ =	swait.ge [sflag:s16], $0x3800  }
0x155: {  	[sflag:s16] =	ssyncset.done $0x0  }
0x156: {  	s30 =	rddreg [dreg:$0x6];
	[sflag:s16] =	ssyncadd.s32 $0xFFFFC800  }
0x157: {  	[hbm4b:s30+s2] =	stream.linear.scatter [tilespmem:s13], [sflag:$0x4], $0x3800, $0x38;
	[tilespmem:$0xE800] =	vst v63  }
0x158: {  	s31 =	rddreg [dreg:$0x7]  }
0x159: {  	[hbm4b:s31+s2] =	stream.linear.scatter [tilespmem:s14], [sflag:$0x4], $0x3800, $0x38;
	[tilespmem:$0xE800] =	vst v63  }
0x15a: {  	_ =	swait.ge [sflag:s11], $0x3800  }
0x15b: {  	[sflag:s11] =	ssyncset.done $0x0  }
0x15c: {  	[sflag:s11] =	ssyncadd.s32 $0xFFFFC800  }
0x15d: {  	_ =	swait.ge [sflag:s11], $0x3800  }
0x15e: {  	[sflag:s11] =	ssyncset.done $0x0  }
0x15f: {  	[sflag:s11] =	ssyncadd.s32 $0xFFFFC800  }
0x160: {  	[tilespmem:s13], [sflag:$0x2] =	stream.indirect.gather [hbm4b:s3+s15], $0x80, s24, s15, $0xb8;
	[tilespmem:$0xE800] =	vst v63  }
0x161: {  	_ = 	snop  }
0x162: {  	[tilespmem:s14], [sflag:$0x2] =	stream.indirect.gather [hbm4b:s3+s15], $0x80, s25, s15, $0xb8;
	[tilespmem:$0xE800] =	vst v63  }
0x163: {  	_ =	swait.ge [sflag:s12], $0x3800  }
0x164: {  	[sflag:s12] =	ssyncset.done $0x0  }
0x165: {  	[sflag:s12] =	ssyncadd.s32 $0xFFFFC800  }
0x166: {  	_ =	swait.ge [sflag:s12], $0x3800  }
0x167: {  	[sflag:s12] =	ssyncset.done $0x0  }
0x168: {  	s19 =	rddreg [dreg:$0x8];
	[sflag:s12] =	ssyncadd.s32 $0xFFFFC800  }
0x169: {  	[hbm4b:s19+s2] =	stream.linear.scatter [tilespmem:s9], [sflag:$0x3], $0x3800, $0x38;
	[tilespmem:$0xE800] =	vst v63  }
0x16a: {  	s24 =	rddreg [dreg:$0x9]  }
0x16b: {  	[hbm4b:s24+s2] =	stream.linear.scatter [tilespmem:s10], [sflag:$0x3], $0x3800, $0x38;
	[tilespmem:$0xE800] =	vst v63  }
0x16c: {  	_ =	swait.ge [sflag:s6], $0x3800  }
0x16d: {  	[sflag:s6] =	ssyncset.done $0x0  }
0x16e: {  	[sflag:s6] =	ssyncadd.s32 $0xFFFFC800  }
0x16f: {  	_ =	swait.ge [sflag:s6], $0x3800  }
0x170: {  	[sflag:s6] =	ssyncset.done $0x0  }
0x171: {  	[sflag:s6] =	ssyncadd.s32 $0xFFFFC800  }
0x172: {  	[tilespmem:s9], [sflag:$0x1] =	stream.indirect.gather [hbm4b:s3+s15], $0x80, s22, s15, $0xb8;
	[tilespmem:$0xE800] =	vst v63  }
0x173: {  	_ = 	snop  }
0x174: {  	[tilespmem:s10], [sflag:$0x1] =	stream.indirect.gather [hbm4b:s3+s15], $0x80, s23, s15, $0xb8;
	[tilespmem:$0xE800] =	vst v63  }
0x175: {  	_ =	swait.ge [sflag:s16], $0x3800  }
0x176: {  	[sflag:s16] =	ssyncset.done $0x0  }
0x177: {  	[sflag:s16] =	ssyncadd.s32 $0xFFFFC800  }
0x178: {  	_ =	swait.ge [sflag:s16], $0x3800  }
0x179: {  	[sflag:s16] =	ssyncset.done $0x0  }
0x17a: {  	s25 =	rddreg [dreg:$0xa];
	[sflag:s16] =	ssyncadd.s32 $0xFFFFC800  }
0x17b: {  	[hbm4b:s25+s2] =	stream.linear.scatter [tilespmem:s13], [sflag:$0x4], $0x3800, $0x38;
	[tilespmem:$0xE800] =	vst v63  }
0x17c: {  	s26 =	rddreg [dreg:$0xb]  }
0x17d: {  	[hbm4b:s26+s2] =	stream.linear.scatter [tilespmem:s14], [sflag:$0x4], $0x3800, $0x38;
	[tilespmem:$0xE800] =	vst v63  }
0x17e: {  	_ =	swait.ge [sflag:s11], $0x3800  }
0x17f: {  	[sflag:s11] =	ssyncset.done $0x0  }
0x180: {  	[sflag:s11] =	ssyncadd.s32 $0xFFFFC800  }
0x181: {  	_ =	swait.ge [sflag:s11], $0x3800  }
0x182: {  	[sflag:s11] =	ssyncset.done $0x0  }
0x183: {  	[sflag:s11] =	ssyncadd.s32 $0xFFFFC800  }
0x184: {  	[tilespmem:s13], [sflag:$0x2] =	stream.indirect.gather [hbm4b:s3+s15], $0x80, s20, s15, $0xb8;
	[tilespmem:$0xE800] =	vst v63  }
0x185: {  	_ = 	snop  }
0x186: {  	[tilespmem:s14], [sflag:$0x2] =	stream.indirect.gather [hbm4b:s3+s15], $0x80, s21, s15, $0xb8;
	[tilespmem:$0xE800] =	vst v63  }
0x187: {  	_ =	swait.ge [sflag:s12], $0x3800  }
0x188: {  	[sflag:s12] =	ssyncset.done $0x0  }
0x189: {  	[sflag:s12] =	ssyncadd.s32 $0xFFFFC800  }
0x18a: {  	_ =	swait.ge [sflag:s12], $0x3800  }
0x18b: {  	[sflag:s12] =	ssyncset.done $0x0  }
0x18c: {  	s28 =	rddreg [dreg:$0xc];
	[sflag:s12] =	ssyncadd.s32 $0xFFFFC800  }
0x18d: {  	[hbm4b:s28+s2] =	stream.linear.scatter [tilespmem:s9], [sflag:$0x3], $0x3800, $0x38;
	[tilespmem:$0xE800] =	vst v63  }
0x18e: {  	s29 =	rddreg [dreg:$0xd]  }
0x18f: {  	[hbm4b:s29+s2] =	stream.linear.scatter [tilespmem:s10], [sflag:$0x3], $0x3800, $0x38;
	[tilespmem:$0xE800] =	vst v63  }
0x190: {  	_ =	swait.ge [sflag:s6], $0x3800  }
0x191: {  	[sflag:s6] =	ssyncset.done $0x0  }
0x192: {  	[sflag:s6] =	ssyncadd.s32 $0xFFFFC800  }
0x193: {  	_ =	swait.ge [sflag:s6], $0x3800  }
0x194: {  	[sflag:s6] =	ssyncset.done $0x0  }
0x195: {  	[sflag:s6] =	ssyncadd.s32 $0xFFFFC800  }
0x196: {  	[tilespmem:s9], [sflag:$0x1] =	stream.indirect.gather [hbm4b:s3+s15], $0x80, s18, s15, $0xb8;
	[tilespmem:$0xE800] =	vst v63  }
0x197: {  	s30 =	simm.s32 $0x700  }
0x198: {  	[tilespmem:s10], [sflag:$0x1] =	stream.indirect.gather [hbm4b:s3+s15], $0x80, s30, s15, $0xb8;
	[tilespmem:$0xE800] =	vst v63  }
0x199: {  	_ =	swait.ge [sflag:s16], $0x3800  }
0x19a: {  	[sflag:s16] =	ssyncset.done $0x0  }
0x19b: {  	[sflag:s16] =	ssyncadd.s32 $0xFFFFC800  }
0x19c: {  	_ =	swait.ge [sflag:s16], $0x3800  }
0x19d: {  	[sflag:s16] =	ssyncset.done $0x0  }
0x19e: {  	[sflag:s16] =	ssyncadd.s32 $0xFFFFC800  }
0x19f: {  	[hbm4b:s7+s2] =	stream.linear.scatter [tilespmem:s13], [sflag:$0x4], $0x3800, $0x38;
	[tilespmem:$0xE800] =	vst v63  }
0x1a0: {  	_ = 	snop  }
0x1a1: {  	[hbm4b:s8+s2] =	stream.linear.scatter [tilespmem:s14], [sflag:$0x4], $0x3800, $0x38;
	[tilespmem:$0xE800] =	vst v63  }
0x1a2: {  	_ =	swait.ge [sflag:s12], $0x3800  }
0x1a3: {  	[sflag:s12] =	ssyncset.done $0x0  }
0x1a4: {  	[sflag:s12] =	ssyncadd.s32 $0xFFFFC800  }
0x1a5: {  	_ =	swait.ge [sflag:s12], $0x3800  }
0x1a6: {  	[sflag:s12] =	ssyncset.done $0x0  }
0x1a7: {  	[sflag:s12] =	ssyncadd.s32 $0xFFFFC800  }
0x1a8: {  	[hbm4b:s4+s2] =	stream.linear.scatter [tilespmem:s9], [sflag:$0x3], $0x3800, $0x38;
	[tilespmem:$0xE800] =	vst v63  }
0x1a9: {  	_ = 	snop  }
0x1aa: {  	[hbm4b:s5+s2] =	stream.linear.scatter [tilespmem:s10], [sflag:$0x3], $0x3800, $0x38;
	[tilespmem:$0xE800] =	vst v63  }
0x1ab: {  	_ =	swait.ge [sflag:s11], $0x3800  }
0x1ac: {  	[sflag:s11] =	ssyncset.done $0x0  }
0x1ad: {  	[sflag:s11] =	ssyncadd.s32 $0xFFFFC800  }
0x1ae: {  	_ =	swait.ge [sflag:s11], $0x3800  }
0x1af: {  	[sflag:s11] =	ssyncset.done $0x0  }
0x1b0: {  	[sflag:s11] =	ssyncadd.s32 $0xFFFFC800  }
0x1b1: {  	_ =	swait.ge [sflag:s6], $0x3800  }
0x1b2: {  	[sflag:s6] =	ssyncset.done $0x0  }
0x1b3: {  	[sflag:s6] =	ssyncadd.s32 $0xFFFFC800  }
0x1b4: {  	_ =	swait.ge [sflag:s6], $0x3800  }
0x1b5: {  	[sflag:s6] =	ssyncset.done $0x0  }
0x1b6: {  	[sflag:s6] =	ssyncadd.s32 $0xFFFFC800  }
0x1b7: {  	_ =	sfence.sel $0x180000  }
0x1b8: {  	s31 =	stileid.u32;
	[bflag:$0x0] =	sbarrier.arrive $0xFFFF  }
0x1b9: {  	p0 =	sne.s32 s31, $0x0;
	_ =	strace $0x9000004A  }
0x1ba: {  	s0 =	sadd.s32 @!p0 $0x100000, s17;
	[bflag:$0x2] =	sbarrier.arrive $0xFFFF  }
0x1bb: {  	[sflag:s0] =	ssyncadd.tile.s32 @!p0 $0x1;
	_ =	shalt  }
.LBB2_1:
.Ltmp3:
0x1bc: {  	(pc) =	sbr.rel .LBB2_6-.Ltmp3, $4  }
0x1bd: {  	s19 =	simm.s32 $0x480;
	s31 =	simm.s32 $0x80  }
0x1be: {  	s30 =	simm.s32 $0x500;
	s26 =	simm.s32 $0x100;
	s25 =	simm.s32 $0x580  }
0x1bf: {  	s24 =	simm.s32 $0x180;
	s23 =	simm.s32 $0x600;
	s22 =	simm.s32 $0x200  }
0x1c0: {  	s21 =	simm.s32 $0x680;
	s20 =	simm.s32 $0x280;
	s18 =	simm.s32 $0x300  }
.LBB2_3:
.Ltmp4:
0x1c1: {  	(pc) =	sbr.rel .LBB2_6-.Ltmp4, $4  }
0x1c2: {  	s19 =	simm.s32 $0x480;
	s31 =	simm.s32 $0x80;
	s30 =	simm.s32 $0x500  }
0x1c3: {  	s26 =	simm.s32 $0x100;
	s25 =	simm.s32 $0x580;
	s24 =	simm.s32 $0x180  }
0x1c4: {  	s23 =	simm.s32 $0x600;
	s22 =	simm.s32 $0x200;
	s21 =	simm.s32 $0x680  }
0x1c5: {  	s20 =	simm.s32 $0x280;
	s18 =	simm.s32 $0x300;
	s17 =	rddreg [dreg:$0x1]  }
.Lfunc_end2:
_tile_overlayer_lowered:
.L_overlay_start_2:
0x1c6: {  	(tag) =	ssettag $0x2  }
0x1c7: {  	s0 =	rddreg [dreg:$0x0];
	s2 =	stileid.u32  }
0x1c8: {  	s1 =	rddreg [dreg:$0x1];
	p0 =	sne.s32 s2, $0x0  }
0x1c9: {  	s3 =	rddreg [dreg:$0x2];
	[bflag:$0x3] =	sbarrier.arrive $0xFFFF;
	s2 =	simm.s32 @!p0 $0x1C05  }
0x1ca: {  	[timem:s3], [sflag:s2] =	dma.local @!p0 [hbm:s0], s1  }
0x1cb: {  	s0 =	simm.s32 @!p0 $0x5  }
0x1cc: {  	_ =	swait.ge @!p0 [sflag:s0], s1  }
0x1cd: {  	s1 =	ssub.s32 @!p0 $0x0, s1;
	[sflag:s0] =	ssyncset.done @!p0 $0x0  }
0x1ce: {  	[sflag:s0] =	ssyncadd.s32 @!p0 s1  }
0x1cf: {  	[bflag:$0x3] =	sbarrier.arrive $0xFFFF  }
0x1d0: {  	_ =	shalt  }

// kernel: kernel.16.cloned.1.call-start
scs
__scs_entry_jumppad:
0x0: {  	(pc) =	sbr.rel $0x88, $3  }
0x1: {  	(tag) =	ssettag $0x0;
	lr =	simm.s32 $0x1  }
0x2: {  	[smem:$0x3F98] =	sst lr;
	_ =	strace $0xD0000000  }
0x3: {  	_ = 	snop  }
0x4: {  	_ = 	snop  }
0x5: {  	_ = 	snop  }
0x6: {  	_ = 	snop  }
0x7: {  	_ = 	snop  }
__scs_overlays_trampoline_lowered:
0x8: {  	[smem:$0x3FA7] =	sst s0  }
0x9: {  	[smem:$0x3FA8] =	sst s1  }
0xa: {  	[smem:$0x3FA9] =	sst s2  }
0xb: {  	[smem:$0x3FAA] =	sst s3  }
0xc: {  	[smem:$0x3FAB] =	sst s4  }
0xd: {  	[smem:$0x3FAC] =	sst s5  }
0xe: {  	[smem:$0x3FAD] =	sst s6  }
0xf: {  	[smem:$0x3FAE] =	sst s7  }
0x10: {  	[smem:$0x3FAF] =	sst s8  }
0x11: {  	[smem:$0x3FB0] =	sst s9;
	s0 =	simm.s32 @!p0 $0x0  }
0x12: {  	s1 =	sld [smem:$0x3F96];
	s0 =	simm.s32 @p0 $0x1  }
0x13: {  	[smem:$0x3FB1] =	sst s0;
	s0 =	simm.s32 @!p1 $0x0  }
0x14: {  	s2 =	sld [smem:$0x3F95];
	s0 =	simm.s32 @p1 $0x1  }
0x15: {  	[smem:$0x3FB2] =	sst s0;
	s0 =	simm.s32 @!p2 $0x0  }
0x16: {  	s3 =	sld [smem:$0x3FDB];
	s0 =	simm.s32 @p2 $0x1  }
0x17: {  	s4 =	simm.s32 $0x1BF5;
	[smem:$0x3FB4] =	sst s0  }
0x18: {  	s0 =	sld [smem:$0x3F97];
	_ =	swait.ge [sflag:s4], $0x0  }
0x19: {  	s7 =	sld [smem:$0x3F98]  }
0x1a: {  	s8 =	sadd.s32 $0xFFFFE003, lr  }
0x1b: {  	s9 =	sadd.s32 $0xFFFFFEF7, lr;
	s5 =	simm.s32 $0xFFFFFFFF;
	p2 =	slt.u32 s8, $0xFFFFF086  }
0x1c: {  	p1 =	slt.u32 s9, $0xF7A;
	s5 =	simm.s32 @!p2 $0x0  }
0x1d: {  	s5 =	simm.s32 @p1 $0x1;
	p0 =	seq.s32 s7, s2  }
0x1e: {  	s7 =	smul.u32 @!p0 $0xF7A, s2;
	p2 =	seq.s32 @!p0 s5, $0x0  }
0x1f: {  	s9 =	smul.u32 $0xF7A, s1;
	s8 =	simm.s32 @!p0 $0x1BF5;
	p2 =	por !p2, p0  }
0x20: {  	[sflag:s8] =	ssyncset.s32 @!p0 $0xFFFFF086;
	s6 =	sadd.s32 @!p0 s3, s7;
	s7 =	simm.s32 @!p0 $0x108  }
0x21: {  	s3 =	sadd.s32 s3, s9;
	s6 =	sadd.s32 @!p0 $0x88, s6;
	s7 =	simm.s32 @p2 $0x1082  }
0x22: {  	[simem:s7], [sflag:s8] =	dma.local @!p0 [hbm:s6], $0xF7A  }
0x23: {  	s9 =	sor.u32 $0xD0000000, s2;
	s6 =	simm.s32 $0x108;
	_ =	swait.ge @!p0 [sflag:s8], $0x0  }
0x24: {  	s3 =	sadd.s32 $0x88, s3;
	s6 =	simm.s32 @!p1 $0x1082;
	[sflag:s4] =	ssyncset.s32 $0xFFFFF086  }
0x25: {  	[simem:s6], [sflag:s4] =	dma.local [hbm:s3], $0xF7A  }
0x26: {  	[smem:$0x3F98] =	sst s1;
	(tag) =	ssettag s2;
	_ =	strace s9  }
0x27: {  	s1 =	sld [smem:$0x3FA8]  }
0x28: {  	s2 =	sld [smem:$0x3FA9]  }
0x29: {  	s4 =	sld [smem:$0x3FAB]  }
0x2a: {  	p0 =	seq.s32 s5, $0x0;
	s5 =	sld [smem:$0x3FAC]  }
0x2b: {  	s6 =	sld [smem:$0x3FAD]  }
0x2c: {  	s7 =	sld [smem:$0x3FAE]  }
0x2d: {  	s3 =	simm.s32 $0x108;
	s8 =	sld [smem:$0x3FAF]  }
0x2e: {  	s3 =	simm.s32 @!p0 $0x1082;
	s9 =	sld [smem:$0x3FB0]  }
0x2f: {  	lr =	sadd.s32 s0, s3;
	s0 =	sld [smem:$0x3FA7]  }
0x30: {  	s3 =	sld [smem:$0x3FAA]  }
0x31: {  	[smem:$0x3FB3] =	sst s10  }
0x32: {  	s10 =	sld [smem:$0x3FB1];
	_ =	sdelay $0x3  }
0x33: {  	p0 =	seq.s32 s10, $0x1;
	s10 =	sld [smem:$0x3FB3];
	_ =	sdelay $0x3  }
0x34: {  	[smem:$0x3FB3] =	sst s10  }
0x35: {  	s10 =	sld [smem:$0x3FB2];
	_ =	sdelay $0x3  }
0x36: {  	p1 =	seq.s32 s10, $0x1;
	s10 =	sld [smem:$0x3FB3];
	_ =	sdelay $0x3  }
0x37: {  	[smem:$0x3FB3] =	sst s10  }
0x38: {  	s10 =	sld [smem:$0x3FB4]  }
0x39: {  	_ = 	snop;
	(pc) =	sbr.ind lr, $3  }
0x3a: {  	_ = 	snop  }
0x3b: {  	_ = 	snop  }
0x3c: {  	p2 =	seq.s32 s10, $0x1;
	s10 =	sld [smem:$0x3FB3]  }
0x3d: {  	_ =	shalt  }
0x3e: {  	_ =	shalt  }
0x3f: {  	_ =	shalt  }
0x40: {  	_ =	shalt  }
0x41: {  	_ =	shalt  }
0x42: {  	_ =	shalt  }
0x43: {  	_ =	shalt  }
0x44: {  	_ =	shalt  }
0x45: {  	_ =	shalt  }
0x46: {  	_ =	shalt  }
0x47: {  	_ =	shalt  }
0x48: {  	_ =	shalt  }
0x49: {  	_ =	shalt  }
0x4a: {  	_ =	shalt  }
0x4b: {  	_ =	shalt  }
0x4c: {  	_ =	shalt  }
0x4d: {  	_ =	shalt  }
0x4e: {  	_ =	shalt  }
0x4f: {  	_ =	shalt  }
0x50: {  	_ =	shalt  }
0x51: {  	_ =	shalt  }
0x52: {  	_ =	shalt  }
0x53: {  	_ =	shalt  }
0x54: {  	_ =	shalt  }
0x55: {  	_ =	shalt  }
0x56: {  	_ =	shalt  }
0x57: {  	_ =	shalt  }
0x58: {  	_ =	shalt  }
0x59: {  	_ =	shalt  }
0x5a: {  	_ =	shalt  }
0x5b: {  	_ =	shalt  }
0x5c: {  	_ =	shalt  }
0x5d: {  	_ =	shalt  }
0x5e: {  	_ =	shalt  }
0x5f: {  	_ =	shalt  }
0x60: {  	_ =	shalt  }
0x61: {  	_ =	shalt  }
0x62: {  	_ =	shalt  }
0x63: {  	_ =	shalt  }
0x64: {  	_ =	shalt  }
0x65: {  	_ =	shalt  }
0x66: {  	_ =	shalt  }
0x67: {  	_ =	shalt  }
0x68: {  	_ =	shalt  }
0x69: {  	_ =	shalt  }
0x6a: {  	_ =	shalt  }
0x6b: {  	_ =	shalt  }
0x6c: {  	_ =	shalt  }
0x6d: {  	_ =	shalt  }
0x6e: {  	_ =	shalt  }
0x6f: {  	_ =	shalt  }
0x70: {  	_ =	shalt  }
0x71: {  	_ =	shalt  }
0x72: {  	_ =	shalt  }
0x73: {  	_ =	shalt  }
0x74: {  	_ =	shalt  }
0x75: {  	_ =	shalt  }
0x76: {  	_ =	shalt  }
0x77: {  	_ =	shalt  }
0x78: {  	_ =	shalt  }
0x79: {  	_ =	shalt  }
0x7a: {  	_ =	shalt  }
0x7b: {  	_ =	shalt  }
0x7c: {  	_ =	shalt  }
0x7d: {  	_ =	shalt  }
0x7e: {  	_ =	shalt  }
0x7f: {  	_ =	shalt  }
0x80: {  	_ =	shalt  }
0x81: {  	_ =	shalt  }
0x82: {  	_ =	shalt  }
0x83: {  	_ =	shalt  }
0x84: {  	_ =	shalt  }
0x85: {  	_ =	shalt  }
0x86: {  	_ =	shalt  }
0x87: {  	_ =	shalt  }
.Lfunc_end0:
.L_simem_size_0:
called_computation.2_lowered:
.L_overlay_start_0:
0x88: {  	s2 =	sld [smem:$0x3FD9]  }
0x89: {  	s3 =	sld [smem:$0x3FFE];
	_ =	sdelay $0x1  }
0x8a: {  	s1 =	srdreg.scid  }
0x8b: {  	s0 =	sand.u32 $0x1, s1  }
0x8c: {  	s17 =	sshll.u32 s0, $0xA;
	s2 =	sadd.s32 s3, s2  }
0x8d: {  	s2 =	sadd.s32 s2, s17  }
0x8e: {  	[smem:$0x3FBF] =	sst s2  }
0x8f: {  	_ = 	snop  }
0x90: {  	(tm) =	ssettm $0x1  }
0x91: {  	s18 =	sld [smem:$0x3FFB];
	_ =	sdelay $0x3  }
0x92: {  	_ =	strace s18  }
0x93: {  	s2 =	sld [smem:$0x3FFC];
	_ =	sdelay $0x3  }
0x94: {  	_ =	strace s2  }
0x95: {  	s2 =	sld [smem:$0x3FFD];
	_ =	sdelay $0x3  }
0x96: {  	_ =	strace s2  }
0x97: {  	_ =	strace $0x8FFFFFFF  }
0x98: {  	s19 =	sld [smem:$0x3FDB];
	_ =	sdelay $0x1  }
0x99: {  	s20 =	simm.s32 $_scs_section_size  }
0x9a: {  	s4 =	simm.s32 $_size__tile_overlayer_lowered;
	s5 =	simm.s32 $_tile_overlayer_lowered  }
0x9b: {  	s6 =	simm.s32 $0x1BFF;
	s21 =	sshll.u32 s5, $0x1;
	s3 =	sadd.s32 s20, s19  }
0x9c: {  	s22 =	simm.s32 $0x0;
	s4 =	sshll.u32 s4, $0x1;
	s5 =	sadd.s32 s21, s3  }
0x9d: {  	[timem:s22], [sflag:s6] =	dma.local [hbm:s5], s4  }
0x9e: {  	_ =	swait.ge [sflag:s6], s4  }
0x9f: {  	s4 =	ssub.s32 $0x0, s4;
	[sflag:s6] =	ssyncset.done $0x0  }
0xa0: {  	[sflag:s6] =	ssyncadd.s32 s4;
	_ =	sdelay $0x1  }
0xa1: {  	s23 =	simm.s32 $0x1B8B  }
0xa2: {  	_ =	swait.ge [sflag:s23], $0x1  }
0xa3: {  	[sflag:s23] =	ssyncset.done $0x0  }
0xa4: {  	[sflag:s23] =	ssyncadd.s32 $0xFFFFFFFF  }
0xa5: {  	s4 =	sld [smem:$0x0]  }
0xa6: {  	s5 =	sand.u32 $0xFFFFFFFE, s1  }
0xa7: {  	p0 =	sne.s32 s1, s5  }
0xa8: {  	s5 =	sshll.u32 @p0 s5, $0xE  }
0xa9: {  	s5 =	sadd.s32 @p0 $0x11B8D, s5;
	s6 =	sshll.u32 @p0 s4, $0x11  }
0xaa: {  	s5 =	sor.u32 @p0 s6, s5  }
0xab: {  	[sflag:s5] =	ssyncadd.remote.s32 @p0 $0x1;
	_ =	sdelay $0x1  }
0xac: {  	s5 =	simm.s32 @p0 $0x1B8D  }
0xad: {  	_ =	swait.eq @p0 [sflag:s5], $0x1  }
0xae: {  	[sflag:s5] =	ssyncadd.s32 @p0 $0xFFFFFFFF  }
0xaf: {  	s6 =	sshll.u32 @!p0 s1, $0xE  }
0xb0: {  	s6 =	sor.u32 @!p0 $0x4000, s6;
	s5 =	simm.s32 @!p0 $0x1B8D  }
0xb1: {  	s4 =	sshll.u32 @!p0 s4, $0x11;
	s6 =	sadd.s32 @!p0 $0x11B8D, s6;
	_ =	swait.eq @!p0 [sflag:s5], $0x1  }
0xb2: {  	s4 =	sor.u32 @!p0 s4, s6;
	[sflag:s5] =	ssyncadd.s32 @!p0 $0xFFFFFFFF  }
0xb3: {  	s25 =	simm.s32 $0x1B8E;
	s24 =	sld [smem:$0x3FFE];
	[sflag:s4] =	ssyncadd.remote.s32 @!p0 $0x1  }
0xb4: {  	s26 =	simm.s32 $execute0_lowered;
	[smem:$0x3FD2] =	sst s25  }
0xb5: {  	s5 =	sshll.u32 s26, $0x1;
	_ =	strace $0x8000004C;
	[dreg:$0x1] =	wrdreg $0xFFFFFFFF  }
0xb6: {  	s28 =	simm.s32 $_size_execute0_lowered;
	s3 =	sadd.s32 s3, s5;
	[dreg:$0x0] =	wrdreg $0x0  }
0xb7: {  	s5 =	sshll.u32 s28, $0x1;
	[dreg:$0x2] =	wrdreg s3  }
0xb8: {  	[dreg:$0x3] =	wrdreg s5  }
0xb9: {  	[dreg:$0x4] =	wrdreg $0xC0  }
0xba: {  	_ =	task [dreg:s22], $0x5FFFF  }
0xbb: {  	[dreg:$0x1] =	wrdreg $0xFFFFFFFF  }
0xbc: {  	[dreg:$0x0] =	wrdreg $0x60  }
0xbd: {  	[dreg:$0x2] =	wrdreg s24  }
0xbe: {  	[dreg:$0x3] =	wrdreg $0xB  }
0xbf: {  	_ =	task.clear_ibuf [dreg:s22], $0x4FFFF;
	_ =	strace $0x9000004C  }
0xc0: {  	s29 =	simm.s32 $0xB;
	_ =	strace $0x8000004E  }
0xc1: {  	_ =	swait.ge [sflag:s29], $0x1  }
0xc2: {  	[sflag:s29] =	ssyncadd.s32 $0xFFFFFFFF  }
0xc3: {  	_ =	strace $0x9000004E  }
0xc4: {  	_ =	sfence  }
0xc5: {  	s30 =	sld [smem:$0x0];
	_ =	sdelay $0x2  }
0xc6: {  	s31 =	sshll.u32 s1, $0xD;
	s1 =	sshrl.u32 s1, $0x2  }
0xc7: {  	s4 =	sand.u32 $0x4000, s31;
	s1 =	sadd.s32 s1, s30  }
0xc8: {  	s0 =	sor.u32 s4, s0;
	s1 =	sshll.u32 s1, $0x11  }
0xc9: {  	s0 =	sor.u32 s1, s0  }
0xca: {  	s0 =	sadd.s32 $0x8F2B, s0  }
0xcb: {  	[sflag:s0] =	ssyncadd.remote.s32 $0x1  }
0xcc: {  	_ =	sfence.sel $0xFFFF  }
0xcd: {  	[dreg:$0x0] =	wrdreg $0xFFFFFFFF;
	(pc) =	sbr.abs _section_cstart, $3  }
0xce: {  	[dreg:$0x1] =	wrdreg $0xFFFFFFFF  }
0xcf: {  	_ =	task.clear_ibuf [dreg:s22], $0x2FFFF;
	_ =	strace $0x9FFFFFFF  }
0xd0: {  	(tm) =	ssettm $0x7FFFFFFF  }
0xd1: {  	_ =	shalt  }
tec
execute0_lowered:
.L_overlay_start_1:
0x0: {  	(tag) =	ssettag $0x1  }
0x1: {  	s0 =	rddreg [dreg:$0x0]  }
0x2: {  	s17 =	rddreg [dreg:$0x1]  }
0x3: {  	s1 =	srdreg.scid;
	s3 =	stileid.u32;
	s2 =	simm.s32 $0x0  }
0x4: {  	s29 =	simm.s32 $0x5;
	s28 =	simm.s32 $0x400;
	s31 =	simm.s32 $0x480  }
0x5: {  	s30 =	simm.s32 $0x500;
	s24 =	simm.s32 $0x180;
	s25 =	simm.s32 $0x580  }
0x6: {  	s1 =	sand.u32 $0x1, s1;
	s3 =	sshll.u32 s3, $0x1;
	[smem:$0x7FF] =	sst s2  }
0x7: {  	s5 =	sadd.s32 $0x2B3200, s0;
	s9 =	sadd.s32 $0x315200, s0;
	s3 =	sor.u32 s1, s3  }
0x8: {  	_ =	strace $0x8000004D;
	s1 =	ssub.s32 $0x2, s1;
	s6 =	smul.u32 $0x3100, s3  }
0x9: {  	s4 =	sshll.u32 s3, $0x7;
	s3 =	smul.u32 $0x18800, s3;
	s19 =	sshrl.u32 s1, $0x1  }
0xa: {  	s4 =	sadd.s32 s4, s0;
	s1 =	ssub.s32 s1, s19;
	s19 =	simm.s32 $0x700  }
0xb: {  	p0 =	por $0x0, $0x0;
	s7 =	sadd.s32 $0x2B1200, s4;
	s4 =	sadd.s32 $0x2B2200, s4  }
0xc: {  	s26 =	sadd.s32 s5, s6;
	s10 =	sshrl.u32 s3, $0x3;
	[dreg:$0x2] =	wrdreg s7  }
0xd: {  	s3 =	sadd.s32 $0x2800, s0;
	s23 =	smax.u32 s1, $0x1;
	[dreg:$0x3] =	wrdreg s4  }
0xe: {  	[dreg:$0x4] =	wrdreg s26;
	s4 =	sadd.s32 s9, s6;
	s6 =	sadd.s32 $0x700, s10  }
0xf: {  	s11 =	sadd.s32 $0xE00, s10;
	s13 =	sadd.s32 $0x1500, s10;
	s16 =	sadd.s32 $0x1C00, s10  }
0x10: {  	s21 =	sadd.s32 $0x2300, s10;
	s22 =	sadd.s32 $0x2A00, s10;
	[dreg:$0x5] =	wrdreg s4  }
0x11: {  	s10 =	simm.s32 $0x4000;
	s7 =	sadd.s32 s5, s6;
	s1 =	rddreg [dreg:$0x2]  }
0x12: {  	s26 =	simm.s32 $0x100;
	s8 =	sadd.s32 s9, s6;
	[dreg:$0x6] =	wrdreg s7  }
0x13: {  	p1 =	sne.s32 s23, $0x1;
	s12 =	sadd.s32 s5, s11;
	[dreg:$0x7] =	wrdreg s8  }
0x14: {  	s0 =	sadd.s32 $0xFFFFFFFF, s23;
	s4 =	sadd.s32 s9, s11;
	[dreg:$0x8] =	wrdreg s12  }
0x15: {  	s23 =	simm.s32 $0x600;
	s14 =	sadd.s32 s5, s13;
	[dreg:$0x9] =	wrdreg s4  }
0x16: {  	s15 =	sadd.s32 s9, s13;
	s18 =	sadd.s32 s5, s16;
	[dreg:$0xa] =	wrdreg s14  }
0x17: {  	s20 =	sadd.s32 s9, s16;
	s13 =	simm.s32 $0x7800;
	[dreg:$0xb] =	wrdreg s15  }
0x18: {  	s6 =	simm.s32 $0x3;
	s16 =	simm.s32 $0x2;
	[dreg:$0xc] =	wrdreg s18  }
.Ltmp0:
0x19: {  	s11 =	simm.s32 $0x4;
	[dreg:$0xd] =	wrdreg s20;
	(pc) =	sbr.rel @!p1 .LBB2_1-.Ltmp0, $4  }
0x1a: {  	s7 =	sadd.s32 s5, s21;
	s8 =	sadd.s32 s9, s21;
	s4 =	sadd.s32 s5, s22  }
0x1b: {  	s5 =	sadd.s32 s9, s22;
	s15 =	simm.s32 $0x70;
	s9 =	simm.s32 $0x800  }
0x1c: {  	s14 =	simm.s32 $0xB000;
	s12 =	simm.s32 $0x1;
	s22 =	simm.s32 $0x200  }
0x1d: {  	s20 =	simm.s32 $0x280;
	s21 =	simm.s32 $0x680;
	s18 =	simm.s32 $0x300  }
0x1e: {  	[tilespmem:s2], [sflag:$0x5] =	stream.linear.gather [hbm4b:s1+s2], $0x380, $0x38;
	[tilespmem:$0xE800] =	vst v63  }
0x1f: {  	_ =	swait.ge [sflag:s29], $0x380  }
0x20: {  	[sflag:s29] =	ssyncset.done $0x0  }
0x21: {  	s17 =	rddreg [dreg:$0x3];
	[sflag:s29] =	ssyncadd.s32 $0xFFFFFC80  }
0x22: {  	[tilespmem:s28], [sflag:$0x5] =	stream.linear.gather [hbm4b:s17+s2], $0x380, $0x38;
	[tilespmem:$0xE800] =	vst v63  }
0x23: {  	_ =	swait.ge [sflag:s29], $0x380  }
0x24: {  	[sflag:s29] =	ssyncset.done $0x0  }
0x25: {  	[sflag:s29] =	ssyncadd.s32 $0xFFFFFC80  }
0x26: {  	[tilespmem:s9], [sflag:$0x1] =	stream.indirect.gather [hbm4b:s3+s15], $0x80, s2, s15, $0xb8;
	[tilespmem:$0xE800] =	vst v63  }
0x27: {  	_ = 	snop  }
0x28: {  	[tilespmem:s10], [sflag:$0x1] =	stream.indirect.gather [hbm4b:s3+s15], $0x80, s28, s15, $0xb8;
	[tilespmem:$0xE800] =	vst v63  }
0x29: {  	s1 =	simm.s32 $0x80  }
0x2a: {  	[tilespmem:s13], [sflag:$0x2] =	stream.indirect.gather [hbm4b:s3+s15], $0x80, s1, s15, $0xb8;
	[tilespmem:$0xE800] =	vst v63  }
0x2b: {  	_ = 	snop  }
0x2c: {  	[tilespmem:s14], [sflag:$0x2] =	stream.indirect.gather [hbm4b:s3+s15], $0x80, s31, s15, $0xb8;
	[tilespmem:$0xE800] =	vst v63  }
0x2d: {  	_ =	swait.ge [sflag:s12], $0x3800  }
0x2e: {  	[sflag:s12] =	ssyncset.done $0x0  }
0x2f: {  	[sflag:s12] =	ssyncadd.s32 $0xFFFFC800  }
0x30: {  	_ =	swait.ge [sflag:s12], $0x3800  }
0x31: {  	[sflag:s12] =	ssyncset.done $0x0  }
0x32: {  	s1 =	rddreg [dreg:$0x4];
	[sflag:s12] =	ssyncadd.s32 $0xFFFFC800  }
0x33: {  	[hbm4b:s1+s2] =	stream.linear.scatter [tilespmem:s9], [sflag:$0x3], $0x3800, $0x38;
	[tilespmem:$0xE800] =	vst v63  }
0x34: {  	s17 =	smov.u32 s0;
	s0 =	rddreg [dreg:$0x5]  }
0x35: {  	[hbm4b:s0+s2] =	stream.linear.scatter [tilespmem:s10], [sflag:$0x3], $0x3800, $0x38;
	[tilespmem:$0xE800] =	vst v63  }
0x36: {  	_ =	swait.ge [sflag:s6], $0x3800  }
0x37: {  	[sflag:s6] =	ssyncset.done $0x0  }
0x38: {  	[sflag:s6] =	ssyncadd.s32 $0xFFFFC800  }
0x39: {  	_ =	swait.ge [sflag:s6], $0x3800  }
0x3a: {  	[sflag:s6] =	ssyncset.done $0x0  }
0x3b: {  	[sflag:s6] =	ssyncadd.s32 $0xFFFFC800  }
0x3c: {  	[tilespmem:s9], [sflag:$0x1] =	stream.indirect.gather [hbm4b:s3+s15], $0x80, s26, s15, $0xb8;
	[tilespmem:$0xE800] =	vst v63  }
0x3d: {  	_ = 	snop  }
0x3e: {  	[tilespmem:s10], [sflag:$0x1] =	stream.indirect.gather [hbm4b:s3+s15], $0x80, s30, s15, $0xb8;
	[tilespmem:$0xE800] =	vst v63  }
0x3f: {  	_ =	swait.ge [sflag:s16], $0x3800  }
0x40: {  	[sflag:s16] =	ssyncset.done $0x0  }
0x41: {  	[sflag:s16] =	ssyncadd.s32 $0xFFFFC800  }
0x42: {  	_ =	swait.ge [sflag:s16], $0x3800  }
0x43: {  	[sflag:s16] =	ssyncset.done $0x0  }
0x44: {  	s0 =	rddreg [dreg:$0x6];
	[sflag:s16] =	ssyncadd.s32 $0xFFFFC800  }
0x45: {  	[hbm4b:s0+s2] =	stream.linear.scatter [tilespmem:s13], [sflag:$0x4], $0x3800, $0x38;
	[tilespmem:$0xE800] =	vst v63  }
0x46: {  	s1 =	rddreg [dreg:$0x7]  }
0x47: {  	[hbm4b:s1+s2] =	stream.linear.scatter [tilespmem:s14], [sflag:$0x4], $0x3800, $0x38;
	[tilespmem:$0xE800] =	vst v63  }
0x48: {  	_ =	swait.ge [sflag:s11], $0x3800  }
0x49: {  	[sflag:s11] =	ssyncset.done $0x0  }
0x4a: {  	[sflag:s11] =	ssyncadd.s32 $0xFFFFC800  }
0x4b: {  	_ =	swait.ge [sflag:s11], $0x3800  }
0x4c: {  	[sflag:s11] =	ssyncset.done $0x0  }
0x4d: {  	[sflag:s11] =	ssyncadd.s32 $0xFFFFC800  }
0x4e: {  	[tilespmem:s13], [sflag:$0x2] =	stream.indirect.gather [hbm4b:s3+s15], $0x80, s24, s15, $0xb8;
	[tilespmem:$0xE800] =	vst v63  }
0x4f: {  	_ = 	snop  }
0x50: {  	[tilespmem:s14], [sflag:$0x2] =	stream.indirect.gather [hbm4b:s3+s15], $0x80, s25, s15, $0xb8;
	[tilespmem:$0xE800] =	vst v63  }
0x51: {  	_ =	swait.ge [sflag:s12], $0x3800  }
0x52: {  	[sflag:s12] =	ssyncset.done $0x0  }
0x53: {  	[sflag:s12] =	ssyncadd.s32 $0xFFFFC800  }
0x54: {  	_ =	swait.ge [sflag:s12], $0x3800  }
0x55: {  	[sflag:s12] =	ssyncset.done $0x0  }
0x56: {  	s0 =	rddreg [dreg:$0x8];
	[sflag:s12] =	ssyncadd.s32 $0xFFFFC800  }
0x57: {  	[hbm4b:s0+s2] =	stream.linear.scatter [tilespmem:s9], [sflag:$0x3], $0x3800, $0x38;
	[tilespmem:$0xE800] =	vst v63  }
0x58: {  	s1 =	rddreg [dreg:$0x9]  }
0x59: {  	[hbm4b:s1+s2] =	stream.linear.scatter [tilespmem:s10], [sflag:$0x3], $0x3800, $0x38;
	[tilespmem:$0xE800] =	vst v63  }
0x5a: {  	_ =	swait.ge [sflag:s6], $0x3800  }
0x5b: {  	[sflag:s6] =	ssyncset.done $0x0  }
0x5c: {  	[sflag:s6] =	ssyncadd.s32 $0xFFFFC800  }
0x5d: {  	_ =	swait.ge [sflag:s6], $0x3800  }
0x5e: {  	[sflag:s6] =	ssyncset.done $0x0  }
0x5f: {  	[sflag:s6] =	ssyncadd.s32 $0xFFFFC800  }
0x60: {  	[tilespmem:s9], [sflag:$0x1] =	stream.indirect.gather [hbm4b:s3+s15], $0x80, s22, s15, $0xb8;
	[tilespmem:$0xE800] =	vst v63  }
0x61: {  	_ = 	snop  }
0x62: {  	[tilespmem:s10], [sflag:$0x1] =	stream.indirect.gather [hbm4b:s3+s15], $0x80, s23, s15, $0xb8;
	[tilespmem:$0xE800] =	vst v63  }
0x63: {  	_ =	swait.ge [sflag:s16], $0x3800  }
0x64: {  	[sflag:s16] =	ssyncset.done $0x0  }
0x65: {  	[sflag:s16] =	ssyncadd.s32 $0xFFFFC800  }
0x66: {  	_ =	swait.ge [sflag:s16], $0x3800  }
0x67: {  	[sflag:s16] =	ssyncset.done $0x0  }
0x68: {  	s0 =	rddreg [dreg:$0xa];
	[sflag:s16] =	ssyncadd.s32 $0xFFFFC800  }
0x69: {  	[hbm4b:s0+s2] =	stream.linear.scatter [tilespmem:s13], [sflag:$0x4], $0x3800, $0x38;
	[tilespmem:$0xE800] =	vst v63  }
0x6a: {  	s1 =	rddreg [dreg:$0xb]  }
0x6b: {  	[hbm4b:s1+s2] =	stream.linear.scatter [tilespmem:s14], [sflag:$0x4], $0x3800, $0x38;
	[tilespmem:$0xE800] =	vst v63  }
0x6c: {  	_ =	swait.ge [sflag:s11], $0x3800  }
0x6d: {  	[sflag:s11] =	ssyncset.done $0x0  }
0x6e: {  	[sflag:s11] =	ssyncadd.s32 $0xFFFFC800  }
0x6f: {  	_ =	swait.ge [sflag:s11], $0x3800  }
0x70: {  	[sflag:s11] =	ssyncset.done $0x0  }
0x71: {  	[sflag:s11] =	ssyncadd.s32 $0xFFFFC800  }
0x72: {  	[tilespmem:s13], [sflag:$0x2] =	stream.indirect.gather [hbm4b:s3+s15], $0x80, s20, s15, $0xb8;
	[tilespmem:$0xE800] =	vst v63  }
0x73: {  	_ = 	snop  }
0x74: {  	[tilespmem:s14], [sflag:$0x2] =	stream.indirect.gather [hbm4b:s3+s15], $0x80, s21, s15, $0xb8;
	[tilespmem:$0xE800] =	vst v63  }
0x75: {  	_ =	swait.ge [sflag:s12], $0x3800  }
0x76: {  	[sflag:s12] =	ssyncset.done $0x0  }
0x77: {  	[sflag:s12] =	ssyncadd.s32 $0xFFFFC800  }
0x78: {  	_ =	swait.ge [sflag:s12], $0x3800  }
0x79: {  	[sflag:s12] =	ssyncset.done $0x0  }
0x7a: {  	s0 =	rddreg [dreg:$0xc];
	[sflag:s12] =	ssyncadd.s32 $0xFFFFC800  }
0x7b: {  	[hbm4b:s0+s2] =	stream.linear.scatter [tilespmem:s9], [sflag:$0x3], $0x3800, $0x38;
	[tilespmem:$0xE800] =	vst v63  }
0x7c: {  	s1 =	rddreg [dreg:$0xd]  }
0x7d: {  	[hbm4b:s1+s2] =	stream.linear.scatter [tilespmem:s10], [sflag:$0x3], $0x3800, $0x38;
	[tilespmem:$0xE800] =	vst v63  }
0x7e: {  	_ =	swait.ge [sflag:s6], $0x3800  }
0x7f: {  	[sflag:s6] =	ssyncset.done $0x0  }
0x80: {  	[sflag:s6] =	ssyncadd.s32 $0xFFFFC800  }
0x81: {  	_ =	swait.ge [sflag:s6], $0x3800  }
0x82: {  	[sflag:s6] =	ssyncset.done $0x0  }
0x83: {  	[sflag:s6] =	ssyncadd.s32 $0xFFFFC800  }
0x84: {  	[tilespmem:s9], [sflag:$0x1] =	stream.indirect.gather [hbm4b:s3+s15], $0x80, s18, s15, $0xb8;
	[tilespmem:$0xE800] =	vst v63  }
0x85: {  	_ = 	snop  }
0x86: {  	[tilespmem:s10], [sflag:$0x1] =	stream.indirect.gather [hbm4b:s3+s15], $0x80, s19, s15, $0xb8;
	[tilespmem:$0xE800] =	vst v63  }
0x87: {  	_ =	swait.ge [sflag:s16], $0x3800  }
0x88: {  	[sflag:s16] =	ssyncset.done $0x0  }
0x89: {  	[sflag:s16] =	ssyncadd.s32 $0xFFFFC800  }
0x8a: {  	_ =	swait.ge [sflag:s16], $0x3800  }
0x8b: {  	[sflag:s16] =	ssyncset.done $0x0  }
0x8c: {  	[sflag:s16] =	ssyncadd.s32 $0xFFFFC800  }
0x8d: {  	[hbm4b:s7+s2] =	stream.linear.scatter [tilespmem:s13], [sflag:$0x4], $0x3800, $0x38;
	[tilespmem:$0xE800] =	vst v63  }
0x8e: {  	_ = 	snop  }
0x8f: {  	[hbm4b:s8+s2] =	stream.linear.scatter [tilespmem:s14], [sflag:$0x4], $0x3800, $0x38;
	[tilespmem:$0xE800] =	vst v63  }
0x90: {  	_ =	swait.ge [sflag:s12], $0x3800  }
0x91: {  	[sflag:s12] =	ssyncset.done $0x0  }
0x92: {  	[sflag:s12] =	ssyncadd.s32 $0xFFFFC800  }
0x93: {  	_ =	swait.ge [sflag:s12], $0x3800  }
0x94: {  	[sflag:s12] =	ssyncset.done $0x0  }
0x95: {  	[sflag:s12] =	ssyncadd.s32 $0xFFFFC800  }
0x96: {  	[hbm4b:s4+s2] =	stream.linear.scatter [tilespmem:s9], [sflag:$0x3], $0x3800, $0x38;
	[tilespmem:$0xE800] =	vst v63  }
0x97: {  	_ = 	snop  }
0x98: {  	[hbm4b:s5+s2] =	stream.linear.scatter [tilespmem:s10], [sflag:$0x3], $0x3800, $0x38;
	[tilespmem:$0xE800] =	vst v63  }
0x99: {  	_ =	swait.ge [sflag:s11], $0x3800  }
0x9a: {  	[sflag:s11] =	ssyncset.done $0x0  }
0x9b: {  	[sflag:s11] =	ssyncadd.s32 $0xFFFFC800  }
0x9c: {  	_ =	swait.ge [sflag:s11], $0x3800  }
0x9d: {  	[sflag:s11] =	ssyncset.done $0x0  }
0x9e: {  	p1 =	sne.s32 s17, $0x1;
	[sflag:s11] =	ssyncadd.s32 $0xFFFFC800  }
.Ltmp1:
0x9f: {  	_ =	swait.ge [sflag:s6], $0x3800;
	(pc) =	sbr.rel @!p1 .LBB2_3-.Ltmp1, $4  }
0xa0: {  	[sflag:s6] =	ssyncset.done $0x0  }
0xa1: {  	[sflag:s6] =	ssyncadd.s32 $0xFFFFC800  }
0xa2: {  	p0 =	por $0x1, $0x1;
	_ =	swait.ge [sflag:s6], $0x3800  }
0xa3: {  	s0 =	sadd.s32 $0xFFFFFFFF, s17;
	s1 =	rddreg [dreg:$0x2];
	[sflag:s6] =	ssyncset.done $0x0  }
.LBB2_4:
0xa4: {  	[sflag:s6] =	ssyncadd.s32 $0xFFFFC800  }
0xa5: {  	[tilespmem:s2], [sflag:$0x5] =	stream.linear.gather [hbm4b:s1+s2], $0x380, $0x38;
	[tilespmem:$0xE800] =	vst v63  }
0xa6: {  	_ =	swait.ge [sflag:s29], $0x380  }
0xa7: {  	[sflag:s29] =	ssyncset.done $0x0  }
0xa8: {  	s17 =	rddreg [dreg:$0x3];
	[sflag:s29] =	ssyncadd.s32 $0xFFFFFC80  }
0xa9: {  	[tilespmem:s28], [sflag:$0x5] =	stream.linear.gather [hbm4b:s17+s2], $0x380, $0x38;
	[tilespmem:$0xE800] =	vst v63  }
0xaa: {  	_ =	swait.ge [sflag:s29], $0x380  }
0xab: {  	[sflag:s29] =	ssyncset.done $0x0  }
0xac: {  	[sflag:s29] =	ssyncadd.s32 $0xFFFFFC80  }
0xad: {  	[tilespmem:s9], [sflag:$0x1] =	stream.indirect.gather [hbm4b:s3+s15], $0x80, s2, s15, $0xb8;
	[tilespmem:$0xE800] =	vst v63  }
0xae: {  	_ = 	snop  }
0xaf: {  	[tilespmem:s10], [sflag:$0x1] =	stream.indirect.gather [hbm4b:s3+s15], $0x80, s28, s15, $0xb8;
	[tilespmem:$0xE800] =	vst v63  }
0xb0: {  	s17 =	simm.s32 $0x80  }
0xb1: {  	[tilespmem:s13], [sflag:$0x2] =	stream.indirect.gather [hbm4b:s3+s15], $0x80, s17, s15, $0xb8;
	[tilespmem:$0xE800] =	vst v63  }
0xb2: {  	_ = 	snop  }
0xb3: {  	[tilespmem:s14], [sflag:$0x2] =	stream.indirect.gather [hbm4b:s3+s15], $0x80, s31, s15, $0xb8;
	[tilespmem:$0xE800] =	vst v63  }
0xb4: {  	_ =	swait.ge [sflag:s12], $0x3800  }
0xb5: {  	[sflag:s12] =	ssyncset.done $0x0  }
0xb6: {  	[sflag:s12] =	ssyncadd.s32 $0xFFFFC800  }
0xb7: {  	_ =	swait.ge [sflag:s12], $0x3800  }
0xb8: {  	[sflag:s12] =	ssyncset.done $0x0  }
0xb9: {  	s1 =	rddreg [dreg:$0x4];
	[sflag:s12] =	ssyncadd.s32 $0xFFFFC800  }
0xba: {  	[hbm4b:s1+s2] =	stream.linear.scatter [tilespmem:s9], [sflag:$0x3], $0x3800, $0x38;
	[tilespmem:$0xE800] =	vst v63  }
0xbb: {  	s17 =	rddreg [dreg:$0x5]  }
0xbc: {  	[hbm4b:s17+s2] =	stream.linear.scatter [tilespmem:s10], [sflag:$0x3], $0x3800, $0x38;
	[tilespmem:$0xE800] =	vst v63  }
0xbd: {  	_ =	swait.ge [sflag:s6], $0x3800  }
0xbe: {  	[sflag:s6] =	ssyncset.done $0x0  }
0xbf: {  	[sflag:s6] =	ssyncadd.s32 $0xFFFFC800  }
0xc0: {  	_ =	swait.ge [sflag:s6], $0x3800  }
0xc1: {  	[sflag:s6] =	ssyncset.done $0x0  }
0xc2: {  	[sflag:s6] =	ssyncadd.s32 $0xFFFFC800  }
0xc3: {  	[tilespmem:s9], [sflag:$0x1] =	stream.indirect.gather [hbm4b:s3+s15], $0x80, s26, s15, $0xb8;
	[tilespmem:$0xE800] =	vst v63  }
0xc4: {  	_ = 	snop  }
0xc5: {  	[tilespmem:s10], [sflag:$0x1] =	stream.indirect.gather [hbm4b:s3+s15], $0x80, s30, s15, $0xb8;
	[tilespmem:$0xE800] =	vst v63  }
0xc6: {  	_ =	swait.ge [sflag:s16], $0x3800  }
0xc7: {  	[sflag:s16] =	ssyncset.done $0x0  }
0xc8: {  	[sflag:s16] =	ssyncadd.s32 $0xFFFFC800  }
0xc9: {  	_ =	swait.ge [sflag:s16], $0x3800  }
0xca: {  	[sflag:s16] =	ssyncset.done $0x0  }
0xcb: {  	s1 =	rddreg [dreg:$0x6];
	[sflag:s16] =	ssyncadd.s32 $0xFFFFC800  }
0xcc: {  	[hbm4b:s1+s2] =	stream.linear.scatter [tilespmem:s13], [sflag:$0x4], $0x3800, $0x38;
	[tilespmem:$0xE800] =	vst v63  }
0xcd: {  	s17 =	rddreg [dreg:$0x7]  }
0xce: {  	[hbm4b:s17+s2] =	stream.linear.scatter [tilespmem:s14], [sflag:$0x4], $0x3800, $0x38;
	[tilespmem:$0xE800] =	vst v63  }
0xcf: {  	_ =	swait.ge [sflag:s11], $0x3800  }
0xd0: {  	[sflag:s11] =	ssyncset.done $0x0  }
0xd1: {  	[sflag:s11] =	ssyncadd.s32 $0xFFFFC800  }
0xd2: {  	_ =	swait.ge [sflag:s11], $0x3800  }
0xd3: {  	[sflag:s11] =	ssyncset.done $0x0  }
0xd4: {  	[sflag:s11] =	ssyncadd.s32 $0xFFFFC800  }
0xd5: {  	[tilespmem:s13], [sflag:$0x2] =	stream.indirect.gather [hbm4b:s3+s15], $0x80, s24, s15, $0xb8;
	[tilespmem:$0xE800] =	vst v63  }
0xd6: {  	_ = 	snop  }
0xd7: {  	[tilespmem:s14], [sflag:$0x2] =	stream.indirect.gather [hbm4b:s3+s15], $0x80, s25, s15, $0xb8;
	[tilespmem:$0xE800] =	vst v63  }
0xd8: {  	_ =	swait.ge [sflag:s12], $0x3800  }
0xd9: {  	[sflag:s12] =	ssyncset.done $0x0  }
0xda: {  	[sflag:s12] =	ssyncadd.s32 $0xFFFFC800  }
0xdb: {  	_ =	swait.ge [sflag:s12], $0x3800  }
0xdc: {  	[sflag:s12] =	ssyncset.done $0x0  }
0xdd: {  	s1 =	rddreg [dreg:$0x8];
	[sflag:s12] =	ssyncadd.s32 $0xFFFFC800  }
0xde: {  	[hbm4b:s1+s2] =	stream.linear.scatter [tilespmem:s9], [sflag:$0x3], $0x3800, $0x38;
	[tilespmem:$0xE800] =	vst v63  }
0xdf: {  	s17 =	rddreg [dreg:$0x9]  }
0xe0: {  	[hbm4b:s17+s2] =	stream.linear.scatter [tilespmem:s10], [sflag:$0x3], $0x3800, $0x38;
	[tilespmem:$0xE800] =	vst v63  }
0xe1: {  	_ =	swait.ge [sflag:s6], $0x3800  }
0xe2: {  	[sflag:s6] =	ssyncset.done $0x0  }
0xe3: {  	[sflag:s6] =	ssyncadd.s32 $0xFFFFC800  }
0xe4: {  	_ =	swait.ge [sflag:s6], $0x3800  }
0xe5: {  	[sflag:s6] =	ssyncset.done $0x0  }
0xe6: {  	[sflag:s6] =	ssyncadd.s32 $0xFFFFC800  }
0xe7: {  	[tilespmem:s9], [sflag:$0x1] =	stream.indirect.gather [hbm4b:s3+s15], $0x80, s22, s15, $0xb8;
	[tilespmem:$0xE800] =	vst v63  }
0xe8: {  	_ = 	snop  }
0xe9: {  	[tilespmem:s10], [sflag:$0x1] =	stream.indirect.gather [hbm4b:s3+s15], $0x80, s23, s15, $0xb8;
	[tilespmem:$0xE800] =	vst v63  }
0xea: {  	_ =	swait.ge [sflag:s16], $0x3800  }
0xeb: {  	[sflag:s16] =	ssyncset.done $0x0  }
0xec: {  	[sflag:s16] =	ssyncadd.s32 $0xFFFFC800  }
0xed: {  	_ =	swait.ge [sflag:s16], $0x3800  }
0xee: {  	[sflag:s16] =	ssyncset.done $0x0  }
0xef: {  	s1 =	rddreg [dreg:$0xa];
	[sflag:s16] =	ssyncadd.s32 $0xFFFFC800  }
0xf0: {  	[hbm4b:s1+s2] =	stream.linear.scatter [tilespmem:s13], [sflag:$0x4], $0x3800, $0x38;
	[tilespmem:$0xE800] =	vst v63  }
0xf1: {  	s17 =	rddreg [dreg:$0xb]  }
0xf2: {  	[hbm4b:s17+s2] =	stream.linear.scatter [tilespmem:s14], [sflag:$0x4], $0x3800, $0x38;
	[tilespmem:$0xE800] =	vst v63  }
0xf3: {  	_ =	swait.ge [sflag:s11], $0x3800  }
0xf4: {  	[sflag:s11] =	ssyncset.done $0x0  }
0xf5: {  	[sflag:s11] =	ssyncadd.s32 $0xFFFFC800  }
0xf6: {  	_ =	swait.ge [sflag:s11], $0x3800  }
0xf7: {  	[sflag:s11] =	ssyncset.done $0x0  }
0xf8: {  	[sflag:s11] =	ssyncadd.s32 $0xFFFFC800  }
0xf9: {  	[tilespmem:s13], [sflag:$0x2] =	stream.indirect.gather [hbm4b:s3+s15], $0x80, s20, s15, $0xb8;
	[tilespmem:$0xE800] =	vst v63  }
0xfa: {  	_ = 	snop  }
0xfb: {  	[tilespmem:s14], [sflag:$0x2] =	stream.indirect.gather [hbm4b:s3+s15], $0x80, s21, s15, $0xb8;
	[tilespmem:$0xE800] =	vst v63  }
0xfc: {  	_ =	swait.ge [sflag:s12], $0x3800  }
0xfd: {  	[sflag:s12] =	ssyncset.done $0x0  }
0xfe: {  	[sflag:s12] =	ssyncadd.s32 $0xFFFFC800  }
0xff: {  	_ =	swait.ge [sflag:s12], $0x3800  }
0x100: {  	[sflag:s12] =	ssyncset.done $0x0  }
0x101: {  	s1 =	rddreg [dreg:$0xc];
	[sflag:s12] =	ssyncadd.s32 $0xFFFFC800  }
0x102: {  	[hbm4b:s1+s2] =	stream.linear.scatter [tilespmem:s9], [sflag:$0x3], $0x3800, $0x38;
	[tilespmem:$0xE800] =	vst v63  }
0x103: {  	s17 =	rddreg [dreg:$0xd]  }
0x104: {  	[hbm4b:s17+s2] =	stream.linear.scatter [tilespmem:s10], [sflag:$0x3], $0x3800, $0x38;
	[tilespmem:$0xE800] =	vst v63  }
0x105: {  	_ =	swait.ge [sflag:s6], $0x3800  }
0x106: {  	[sflag:s6] =	ssyncset.done $0x0  }
0x107: {  	[sflag:s6] =	ssyncadd.s32 $0xFFFFC800  }
0x108: {  	_ =	swait.ge [sflag:s6], $0x3800  }
0x109: {  	[sflag:s6] =	ssyncset.done $0x0  }
0x10a: {  	[sflag:s6] =	ssyncadd.s32 $0xFFFFC800  }
0x10b: {  	[tilespmem:s9], [sflag:$0x1] =	stream.indirect.gather [hbm4b:s3+s15], $0x80, s18, s15, $0xb8;
	[tilespmem:$0xE800] =	vst v63  }
0x10c: {  	_ = 	snop  }
0x10d: {  	[tilespmem:s10], [sflag:$0x1] =	stream.indirect.gather [hbm4b:s3+s15], $0x80, s19, s15, $0xb8;
	[tilespmem:$0xE800] =	vst v63  }
0x10e: {  	_ =	swait.ge [sflag:s16], $0x3800  }
0x10f: {  	[sflag:s16] =	ssyncset.done $0x0  }
0x110: {  	[sflag:s16] =	ssyncadd.s32 $0xFFFFC800  }
0x111: {  	_ =	swait.ge [sflag:s16], $0x3800  }
0x112: {  	[sflag:s16] =	ssyncset.done $0x0  }
0x113: {  	[sflag:s16] =	ssyncadd.s32 $0xFFFFC800  }
0x114: {  	[hbm4b:s7+s2] =	stream.linear.scatter [tilespmem:s13], [sflag:$0x4], $0x3800, $0x38;
	[tilespmem:$0xE800] =	vst v63  }
0x115: {  	_ = 	snop  }
0x116: {  	[hbm4b:s8+s2] =	stream.linear.scatter [tilespmem:s14], [sflag:$0x4], $0x3800, $0x38;
	[tilespmem:$0xE800] =	vst v63  }
0x117: {  	_ =	swait.ge [sflag:s12], $0x3800  }
0x118: {  	[sflag:s12] =	ssyncset.done $0x0  }
0x119: {  	[sflag:s12] =	ssyncadd.s32 $0xFFFFC800  }
0x11a: {  	_ =	swait.ge [sflag:s12], $0x3800  }
0x11b: {  	[sflag:s12] =	ssyncset.done $0x0  }
0x11c: {  	[sflag:s12] =	ssyncadd.s32 $0xFFFFC800  }
0x11d: {  	[hbm4b:s4+s2] =	stream.linear.scatter [tilespmem:s9], [sflag:$0x3], $0x3800, $0x38;
	[tilespmem:$0xE800] =	vst v63  }
0x11e: {  	_ = 	snop  }
0x11f: {  	[hbm4b:s5+s2] =	stream.linear.scatter [tilespmem:s10], [sflag:$0x3], $0x3800, $0x38;
	[tilespmem:$0xE800] =	vst v63  }
0x120: {  	_ =	swait.ge [sflag:s11], $0x3800  }
0x121: {  	[sflag:s11] =	ssyncset.done $0x0  }
0x122: {  	[sflag:s11] =	ssyncadd.s32 $0xFFFFC800  }
0x123: {  	_ =	swait.ge [sflag:s11], $0x3800  }
0x124: {  	[sflag:s11] =	ssyncset.done $0x0  }
0x125: {  	p1 =	sne.s32 s0, $0x1;
	[sflag:s11] =	ssyncadd.s32 $0xFFFFC800  }
.Ltmp2:
0x126: {  	_ =	swait.ge [sflag:s6], $0x3800;
	(pc) =	sbr.rel @p1 .LBB2_4-.Ltmp2, $4  }
0x127: {  	[sflag:s6] =	ssyncset.done $0x0  }
0x128: {  	[sflag:s6] =	ssyncadd.s32 $0xFFFFC800  }
0x129: {  	_ =	swait.ge [sflag:s6], $0x3800  }
0x12a: {  	s0 =	sadd.s32 $0xFFFFFFFF, s0;
	s1 =	rddreg [dreg:$0x2];
	[sflag:s6] =	ssyncset.done $0x0  }
0x12b: {  	s19 =	simm.s32 $0x480;
	s31 =	simm.s32 $0x80;
	s30 =	simm.s32 $0x500  }
0x12c: {  	s26 =	simm.s32 $0x100;
	s25 =	simm.s32 $0x580;
	s24 =	simm.s32 $0x180  }
0x12d: {  	s23 =	simm.s32 $0x600;
	s22 =	simm.s32 $0x200;
	s21 =	simm.s32 $0x680  }
0x12e: {  	s20 =	simm.s32 $0x280;
	s18 =	simm.s32 $0x300;
	s17 =	rddreg [dreg:$0x1]  }
.LBB2_6:
0x12f: {  	[sflag:s6] =	ssyncadd.s32 @p0 $0xFFFFC800  }
0x130: {  	[tilespmem:s2], [sflag:$0x5] =	stream.linear.gather [hbm4b:s1+s2], $0x380, $0x38;
	[tilespmem:$0xE800] =	vst v63  }
0x131: {  	_ =	swait.ge [sflag:s29], $0x380  }
0x132: {  	[sflag:s29] =	ssyncset.done $0x0  }
0x133: {  	s0 =	rddreg [dreg:$0x3];
	[sflag:s29] =	ssyncadd.s32 $0xFFFFFC80  }
0x134: {  	[tilespmem:s28], [sflag:$0x5] =	stream.linear.gather [hbm4b:s0+s2], $0x380, $0x38;
	[tilespmem:$0xE800] =	vst v63  }
0x135: {  	_ =	swait.ge [sflag:s29], $0x380  }
0x136: {  	[sflag:s29] =	ssyncset.done $0x0  }
0x137: {  	[sflag:s29] =	ssyncadd.s32 $0xFFFFFC80  }
0x138: {  	[tilespmem:s9], [sflag:$0x1] =	stream.indirect.gather [hbm4b:s3+s15], $0x80, s2, s15, $0xb8;
	[tilespmem:$0xE800] =	vst v63  }
0x139: {  	_ = 	snop  }
0x13a: {  	[tilespmem:s10], [sflag:$0x1] =	stream.indirect.gather [hbm4b:s3+s15], $0x80, s28, s15, $0xb8;
	[tilespmem:$0xE800] =	vst v63  }
0x13b: {  	_ = 	snop  }
0x13c: {  	[tilespmem:s13], [sflag:$0x2] =	stream.indirect.gather [hbm4b:s3+s15], $0x80, s31, s15, $0xb8;
	[tilespmem:$0xE800] =	vst v63  }
0x13d: {  	_ = 	snop  }
0x13e: {  	[tilespmem:s14], [sflag:$0x2] =	stream.indirect.gather [hbm4b:s3+s15], $0x80, s19, s15, $0xb8;
	[tilespmem:$0xE800] =	vst v63  }
0x13f: {  	_ =	swait.ge [sflag:s12], $0x3800  }
0x140: {  	[sflag:s12] =	ssyncset.done $0x0  }
0x141: {  	[sflag:s12] =	ssyncadd.s32 $0xFFFFC800  }
0x142: {  	_ =	swait.ge [sflag:s12], $0x3800  }
0x143: {  	[sflag:s12] =	ssyncset.done $0x0  }
0x144: {  	s28 =	rddreg [dreg:$0x4];
	[sflag:s12] =	ssyncadd.s32 $0xFFFFC800  }
0x145: {  	[hbm4b:s28+s2] =	stream.linear.scatter [tilespmem:s9], [sflag:$0x3], $0x3800, $0x38;
	[tilespmem:$0xE800] =	vst v63  }
0x146: {  	s29 =	rddreg [dreg:$0x5]  }
0x147: {  	[hbm4b:s29+s2] =	stream.linear.scatter [tilespmem:s10], [sflag:$0x3], $0x3800, $0x38;
	[tilespmem:$0xE800] =	vst v63  }
0x148: {  	_ =	swait.ge [sflag:s6], $0x3800  }
0x149: {  	[sflag:s6] =	ssyncset.done $0x0  }
0x14a: {  	[sflag:s6] =	ssyncadd.s32 $0xFFFFC800  }
0x14b: {  	_ =	swait.ge [sflag:s6], $0x3800  }
0x14c: {  	[sflag:s6] =	ssyncset.done $0x0  }
0x14d: {  	[sflag:s6] =	ssyncadd.s32 $0xFFFFC800  }
0x14e: {  	[tilespmem:s9], [sflag:$0x1] =	stream.indirect.gather [hbm4b:s3+s15], $0x80, s26, s15, $0xb8;
	[tilespmem:$0xE800] =	vst v63  }
0x14f: {  	_ = 	snop  }
0x150: {  	[tilespmem:s10], [sflag:$0x1] =	stream.indirect.gather [hbm4b:s3+s15], $0x80, s30, s15, $0xb8;
	[tilespmem:$0xE800] =	vst v63  }
0x151: {  	_ =	swait.ge [sflag:s16], $0x3800  }
0x152: {  	[sflag:s16] =	ssyncset.done $0x0  }
0x153: {  	[sflag:s16] =	ssyncadd.s32 $0xFFFFC800  }
0x154: {  	_ =	swait.ge [sflag:s16], $0x3800  }
0x155: {  	[sflag:s16] =	ssyncset.done $0x0  }
0x156: {  	s30 =	rddreg [dreg:$0x6];
	[sflag:s16] =	ssyncadd.s32 $0xFFFFC800  }
0x157: {  	[hbm4b:s30+s2] =	stream.linear.scatter [tilespmem:s13], [sflag:$0x4], $0x3800, $0x38;
	[tilespmem:$0xE800] =	vst v63  }
0x158: {  	s31 =	rddreg [dreg:$0x7]  }
0x159: {  	[hbm4b:s31+s2] =	stream.linear.scatter [tilespmem:s14], [sflag:$0x4], $0x3800, $0x38;
	[tilespmem:$0xE800] =	vst v63  }
0x15a: {  	_ =	swait.ge [sflag:s11], $0x3800  }
0x15b: {  	[sflag:s11] =	ssyncset.done $0x0  }
0x15c: {  	[sflag:s11] =	ssyncadd.s32 $0xFFFFC800  }
0x15d: {  	_ =	swait.ge [sflag:s11], $0x3800  }
0x15e: {  	[sflag:s11] =	ssyncset.done $0x0  }
0x15f: {  	[sflag:s11] =	ssyncadd.s32 $0xFFFFC800  }
0x160: {  	[tilespmem:s13], [sflag:$0x2] =	stream.indirect.gather [hbm4b:s3+s15], $0x80, s24, s15, $0xb8;
	[tilespmem:$0xE800] =	vst v63  }
0x161: {  	_ = 	snop  }
0x162: {  	[tilespmem:s14], [sflag:$0x2] =	stream.indirect.gather [hbm4b:s3+s15], $0x80, s25, s15, $0xb8;
	[tilespmem:$0xE800] =	vst v63  }
0x163: {  	_ =	swait.ge [sflag:s12], $0x3800  }
0x164: {  	[sflag:s12] =	ssyncset.done $0x0  }
0x165: {  	[sflag:s12] =	ssyncadd.s32 $0xFFFFC800  }
0x166: {  	_ =	swait.ge [sflag:s12], $0x3800  }
0x167: {  	[sflag:s12] =	ssyncset.done $0x0  }
0x168: {  	s19 =	rddreg [dreg:$0x8];
	[sflag:s12] =	ssyncadd.s32 $0xFFFFC800  }
0x169: {  	[hbm4b:s19+s2] =	stream.linear.scatter [tilespmem:s9], [sflag:$0x3], $0x3800, $0x38;
	[tilespmem:$0xE800] =	vst v63  }
0x16a: {  	s24 =	rddreg [dreg:$0x9]  }
0x16b: {  	[hbm4b:s24+s2] =	stream.linear.scatter [tilespmem:s10], [sflag:$0x3], $0x3800, $0x38;
	[tilespmem:$0xE800] =	vst v63  }
0x16c: {  	_ =	swait.ge [sflag:s6], $0x3800  }
0x16d: {  	[sflag:s6] =	ssyncset.done $0x0  }
0x16e: {  	[sflag:s6] =	ssyncadd.s32 $0xFFFFC800  }
0x16f: {  	_ =	swait.ge [sflag:s6], $0x3800  }
0x170: {  	[sflag:s6] =	ssyncset.done $0x0  }
0x171: {  	[sflag:s6] =	ssyncadd.s32 $0xFFFFC800  }
0x172: {  	[tilespmem:s9], [sflag:$0x1] =	stream.indirect.gather [hbm4b:s3+s15], $0x80, s22, s15, $0xb8;
	[tilespmem:$0xE800] =	vst v63  }
0x173: {  	_ = 	snop  }
0x174: {  	[tilespmem:s10], [sflag:$0x1] =	stream.indirect.gather [hbm4b:s3+s15], $0x80, s23, s15, $0xb8;
	[tilespmem:$0xE800] =	vst v63  }
0x175: {  	_ =	swait.ge [sflag:s16], $0x3800  }
0x176: {  	[sflag:s16] =	ssyncset.done $0x0  }
0x177: {  	[sflag:s16] =	ssyncadd.s32 $0xFFFFC800  }
0x178: {  	_ =	swait.ge [sflag:s16], $0x3800  }
0x179: {  	[sflag:s16] =	ssyncset.done $0x0  }
0x17a: {  	s25 =	rddreg [dreg:$0xa];
	[sflag:s16] =	ssyncadd.s32 $0xFFFFC800  }
0x17b: {  	[hbm4b:s25+s2] =	stream.linear.scatter [tilespmem:s13], [sflag:$0x4], $0x3800, $0x38;
	[tilespmem:$0xE800] =	vst v63  }
0x17c: {  	s26 =	rddreg [dreg:$0xb]  }
0x17d: {  	[hbm4b:s26+s2] =	stream.linear.scatter [tilespmem:s14], [sflag:$0x4], $0x3800, $0x38;
	[tilespmem:$0xE800] =	vst v63  }
0x17e: {  	_ =	swait.ge [sflag:s11], $0x3800  }
0x17f: {  	[sflag:s11] =	ssyncset.done $0x0  }
0x180: {  	[sflag:s11] =	ssyncadd.s32 $0xFFFFC800  }
0x181: {  	_ =	swait.ge [sflag:s11], $0x3800  }
0x182: {  	[sflag:s11] =	ssyncset.done $0x0  }
0x183: {  	[sflag:s11] =	ssyncadd.s32 $0xFFFFC800  }
0x184: {  	[tilespmem:s13], [sflag:$0x2] =	stream.indirect.gather [hbm4b:s3+s15], $0x80, s20, s15, $0xb8;
	[tilespmem:$0xE800] =	vst v63  }
0x185: {  	_ = 	snop  }
0x186: {  	[tilespmem:s14], [sflag:$0x2] =	stream.indirect.gather [hbm4b:s3+s15], $0x80, s21, s15, $0xb8;
	[tilespmem:$0xE800] =	vst v63  }
0x187: {  	_ =	swait.ge [sflag:s12], $0x3800  }
0x188: {  	[sflag:s12] =	ssyncset.done $0x0  }
0x189: {  	[sflag:s12] =	ssyncadd.s32 $0xFFFFC800  }
0x18a: {  	_ =	swait.ge [sflag:s12], $0x3800  }
0x18b: {  	[sflag:s12] =	ssyncset.done $0x0  }
0x18c: {  	s28 =	rddreg [dreg:$0xc];
	[sflag:s12] =	ssyncadd.s32 $0xFFFFC800  }
0x18d: {  	[hbm4b:s28+s2] =	stream.linear.scatter [tilespmem:s9], [sflag:$0x3], $0x3800, $0x38;
	[tilespmem:$0xE800] =	vst v63  }
0x18e: {  	s29 =	rddreg [dreg:$0xd]  }
0x18f: {  	[hbm4b:s29+s2] =	stream.linear.scatter [tilespmem:s10], [sflag:$0x3], $0x3800, $0x38;
	[tilespmem:$0xE800] =	vst v63  }
0x190: {  	_ =	swait.ge [sflag:s6], $0x3800  }
0x191: {  	[sflag:s6] =	ssyncset.done $0x0  }
0x192: {  	[sflag:s6] =	ssyncadd.s32 $0xFFFFC800  }
0x193: {  	_ =	swait.ge [sflag:s6], $0x3800  }
0x194: {  	[sflag:s6] =	ssyncset.done $0x0  }
0x195: {  	[sflag:s6] =	ssyncadd.s32 $0xFFFFC800  }
0x196: {  	[tilespmem:s9], [sflag:$0x1] =	stream.indirect.gather [hbm4b:s3+s15], $0x80, s18, s15, $0xb8;
	[tilespmem:$0xE800] =	vst v63  }
0x197: {  	s30 =	simm.s32 $0x700  }
0x198: {  	[tilespmem:s10], [sflag:$0x1] =	stream.indirect.gather [hbm4b:s3+s15], $0x80, s30, s15, $0xb8;
	[tilespmem:$0xE800] =	vst v63  }
0x199: {  	_ =	swait.ge [sflag:s16], $0x3800  }
0x19a: {  	[sflag:s16] =	ssyncset.done $0x0  }
0x19b: {  	[sflag:s16] =	ssyncadd.s32 $0xFFFFC800  }
0x19c: {  	_ =	swait.ge [sflag:s16], $0x3800  }
0x19d: {  	[sflag:s16] =	ssyncset.done $0x0  }
0x19e: {  	[sflag:s16] =	ssyncadd.s32 $0xFFFFC800  }
0x19f: {  	[hbm4b:s7+s2] =	stream.linear.scatter [tilespmem:s13], [sflag:$0x4], $0x3800, $0x38;
	[tilespmem:$0xE800] =	vst v63  }
0x1a0: {  	_ = 	snop  }
0x1a1: {  	[hbm4b:s8+s2] =	stream.linear.scatter [tilespmem:s14], [sflag:$0x4], $0x3800, $0x38;
	[tilespmem:$0xE800] =	vst v63  }
0x1a2: {  	_ =	swait.ge [sflag:s12], $0x3800  }
0x1a3: {  	[sflag:s12] =	ssyncset.done $0x0  }
0x1a4: {  	[sflag:s12] =	ssyncadd.s32 $0xFFFFC800  }
0x1a5: {  	_ =	swait.ge [sflag:s12], $0x3800  }
0x1a6: {  	[sflag:s12] =	ssyncset.done $0x0  }
0x1a7: {  	[sflag:s12] =	ssyncadd.s32 $0xFFFFC800  }
0x1a8: {  	[hbm4b:s4+s2] =	stream.linear.scatter [tilespmem:s9], [sflag:$0x3], $0x3800, $0x38;
	[tilespmem:$0xE800] =	vst v63  }
0x1a9: {  	_ = 	snop  }
0x1aa: {  	[hbm4b:s5+s2] =	stream.linear.scatter [tilespmem:s10], [sflag:$0x3], $0x3800, $0x38;
	[tilespmem:$0xE800] =	vst v63  }
0x1ab: {  	_ =	swait.ge [sflag:s11], $0x3800  }
0x1ac: {  	[sflag:s11] =	ssyncset.done $0x0  }
0x1ad: {  	[sflag:s11] =	ssyncadd.s32 $0xFFFFC800  }
0x1ae: {  	_ =	swait.ge [sflag:s11], $0x3800  }
0x1af: {  	[sflag:s11] =	ssyncset.done $0x0  }
0x1b0: {  	[sflag:s11] =	ssyncadd.s32 $0xFFFFC800  }
0x1b1: {  	_ =	swait.ge [sflag:s6], $0x3800  }
0x1b2: {  	[sflag:s6] =	ssyncset.done $0x0  }
0x1b3: {  	[sflag:s6] =	ssyncadd.s32 $0xFFFFC800  }
0x1b4: {  	_ =	swait.ge [sflag:s6], $0x3800  }
0x1b5: {  	[sflag:s6] =	ssyncset.done $0x0  }
0x1b6: {  	[sflag:s6] =	ssyncadd.s32 $0xFFFFC800  }
0x1b7: {  	_ =	sfence.sel $0x180000  }
0x1b8: {  	s31 =	stileid.u32;
	[bflag:$0x0] =	sbarrier.arrive $0xFFFF  }
0x1b9: {  	p0 =	sne.s32 s31, $0x0;
	_ =	strace $0x9000004D  }
0x1ba: {  	s0 =	sadd.s32 @!p0 $0x100000, s17;
	[bflag:$0x2] =	sbarrier.arrive $0xFFFF  }
0x1bb: {  	[sflag:s0] =	ssyncadd.tile.s32 @!p0 $0x1;
	_ =	shalt  }
.LBB2_1:
.Ltmp3:
0x1bc: {  	(pc) =	sbr.rel .LBB2_6-.Ltmp3, $4  }
0x1bd: {  	s19 =	simm.s32 $0x480;
	s31 =	simm.s32 $0x80  }
0x1be: {  	s30 =	simm.s32 $0x500;
	s26 =	simm.s32 $0x100;
	s25 =	simm.s32 $0x580  }
0x1bf: {  	s24 =	simm.s32 $0x180;
	s23 =	simm.s32 $0x600;
	s22 =	simm.s32 $0x200  }
0x1c0: {  	s21 =	simm.s32 $0x680;
	s20 =	simm.s32 $0x280;
	s18 =	simm.s32 $0x300  }
.LBB2_3:
.Ltmp4:
0x1c1: {  	(pc) =	sbr.rel .LBB2_6-.Ltmp4, $4  }
0x1c2: {  	s19 =	simm.s32 $0x480;
	s31 =	simm.s32 $0x80;
	s30 =	simm.s32 $0x500  }
0x1c3: {  	s26 =	simm.s32 $0x100;
	s25 =	simm.s32 $0x580;
	s24 =	simm.s32 $0x180  }
0x1c4: {  	s23 =	simm.s32 $0x600;
	s22 =	simm.s32 $0x200;
	s21 =	simm.s32 $0x680  }
0x1c5: {  	s20 =	simm.s32 $0x280;
	s18 =	simm.s32 $0x300;
	s17 =	rddreg [dreg:$0x1]  }
.Lfunc_end2:
_tile_overlayer_lowered:
.L_overlay_start_2:
0x1c6: {  	(tag) =	ssettag $0x2  }
0x1c7: {  	s0 =	rddreg [dreg:$0x0];
	s2 =	stileid.u32  }
0x1c8: {  	s1 =	rddreg [dreg:$0x1];
	p0 =	sne.s32 s2, $0x0  }
0x1c9: {  	s3 =	rddreg [dreg:$0x2];
	[bflag:$0x3] =	sbarrier.arrive $0xFFFF;
	s2 =	simm.s32 @!p0 $0x1C05  }
0x1ca: {  	[timem:s3], [sflag:s2] =	dma.local @!p0 [hbm:s0], s1  }
0x1cb: {  	s0 =	simm.s32 @!p0 $0x5  }
0x1cc: {  	_ =	swait.ge @!p0 [sflag:s0], s1  }
0x1cd: {  	s1 =	ssub.s32 @!p0 $0x0, s1;
	[sflag:s0] =	ssyncset.done @!p0 $0x0  }
0x1ce: {  	[sflag:s0] =	ssyncadd.s32 @!p0 s1  }
0x1cf: {  	[bflag:$0x3] =	sbarrier.arrive $0xFFFF  }
0x1d0: {  	_ =	shalt  }

// kernel: kernel.19.cloned.1.call-start
scs
__scs_entry_jumppad:
0x0: {  	(pc) =	sbr.rel $0x88, $3  }
0x1: {  	(tag) =	ssettag $0x0;
	lr =	simm.s32 $0x1  }
0x2: {  	[smem:$0x3F98] =	sst lr;
	_ =	strace $0xD0000000  }
0x3: {  	_ = 	snop  }
0x4: {  	_ = 	snop  }
0x5: {  	_ = 	snop  }
0x6: {  	_ = 	snop  }
0x7: {  	_ = 	snop  }
__scs_overlays_trampoline_lowered:
0x8: {  	[smem:$0x3FA7] =	sst s0  }
0x9: {  	[smem:$0x3FA8] =	sst s1  }
0xa: {  	[smem:$0x3FA9] =	sst s2  }
0xb: {  	[smem:$0x3FAA] =	sst s3  }
0xc: {  	[smem:$0x3FAB] =	sst s4  }
0xd: {  	[smem:$0x3FAC] =	sst s5  }
0xe: {  	[smem:$0x3FAD] =	sst s6  }
0xf: {  	[smem:$0x3FAE] =	sst s7  }
0x10: {  	[smem:$0x3FAF] =	sst s8  }
0x11: {  	[smem:$0x3FB0] =	sst s9;
	s0 =	simm.s32 @!p0 $0x0  }
0x12: {  	s1 =	sld [smem:$0x3F96];
	s0 =	simm.s32 @p0 $0x1  }
0x13: {  	[smem:$0x3FB1] =	sst s0;
	s0 =	simm.s32 @!p1 $0x0  }
0x14: {  	s2 =	sld [smem:$0x3F95];
	s0 =	simm.s32 @p1 $0x1  }
0x15: {  	[smem:$0x3FB2] =	sst s0;
	s0 =	simm.s32 @!p2 $0x0  }
0x16: {  	s3 =	sld [smem:$0x3FDB];
	s0 =	simm.s32 @p2 $0x1  }
0x17: {  	s4 =	simm.s32 $0x1BF5;
	[smem:$0x3FB4] =	sst s0  }
0x18: {  	s0 =	sld [smem:$0x3F97];
	_ =	swait.ge [sflag:s4], $0x0  }
0x19: {  	s7 =	sld [smem:$0x3F98]  }
0x1a: {  	s8 =	sadd.s32 $0xFFFFE003, lr  }
0x1b: {  	s9 =	sadd.s32 $0xFFFFFEF7, lr;
	s5 =	simm.s32 $0xFFFFFFFF;
	p2 =	slt.u32 s8, $0xFFFFF086  }
0x1c: {  	p1 =	slt.u32 s9, $0xF7A;
	s5 =	simm.s32 @!p2 $0x0  }
0x1d: {  	s5 =	simm.s32 @p1 $0x1;
	p0 =	seq.s32 s7, s2  }
0x1e: {  	s7 =	smul.u32 @!p0 $0xF7A, s2;
	p2 =	seq.s32 @!p0 s5, $0x0  }
0x1f: {  	s9 =	smul.u32 $0xF7A, s1;
	s8 =	simm.s32 @!p0 $0x1BF5;
	p2 =	por !p2, p0  }
0x20: {  	[sflag:s8] =	ssyncset.s32 @!p0 $0xFFFFF086;
	s6 =	sadd.s32 @!p0 s3, s7;
	s7 =	simm.s32 @!p0 $0x108  }
0x21: {  	s3 =	sadd.s32 s3, s9;
	s6 =	sadd.s32 @!p0 $0x88, s6;
	s7 =	simm.s32 @p2 $0x1082  }
0x22: {  	[simem:s7], [sflag:s8] =	dma.local @!p0 [hbm:s6], $0xF7A  }
0x23: {  	s9 =	sor.u32 $0xD0000000, s2;
	s6 =	simm.s32 $0x108;
	_ =	swait.ge @!p0 [sflag:s8], $0x0  }
0x24: {  	s3 =	sadd.s32 $0x88, s3;
	s6 =	simm.s32 @!p1 $0x1082;
	[sflag:s4] =	ssyncset.s32 $0xFFFFF086  }
0x25: {  	[simem:s6], [sflag:s4] =	dma.local [hbm:s3], $0xF7A  }
0x26: {  	[smem:$0x3F98] =	sst s1;
	(tag) =	ssettag s2;
	_ =	strace s9  }
0x27: {  	s1 =	sld [smem:$0x3FA8]  }
0x28: {  	s2 =	sld [smem:$0x3FA9]  }
0x29: {  	s4 =	sld [smem:$0x3FAB]  }
0x2a: {  	p0 =	seq.s32 s5, $0x0;
	s5 =	sld [smem:$0x3FAC]  }
0x2b: {  	s6 =	sld [smem:$0x3FAD]  }
0x2c: {  	s7 =	sld [smem:$0x3FAE]  }
0x2d: {  	s3 =	simm.s32 $0x108;
	s8 =	sld [smem:$0x3FAF]  }
0x2e: {  	s3 =	simm.s32 @!p0 $0x1082;
	s9 =	sld [smem:$0x3FB0]  }
0x2f: {  	lr =	sadd.s32 s0, s3;
	s0 =	sld [smem:$0x3FA7]  }
0x30: {  	s3 =	sld [smem:$0x3FAA]  }
0x31: {  	[smem:$0x3FB3] =	sst s10  }
0x32: {  	s10 =	sld [smem:$0x3FB1];
	_ =	sdelay $0x3  }
0x33: {  	p0 =	seq.s32 s10, $0x1;
	s10 =	sld [smem:$0x3FB3];
	_ =	sdelay $0x3  }
0x34: {  	[smem:$0x3FB3] =	sst s10  }
0x35: {  	s10 =	sld [smem:$0x3FB2];
	_ =	sdelay $0x3  }
0x36: {  	p1 =	seq.s32 s10, $0x1;
	s10 =	sld [smem:$0x3FB3];
	_ =	sdelay $0x3  }
0x37: {  	[smem:$0x3FB3] =	sst s10  }
0x38: {  	s10 =	sld [smem:$0x3FB4]  }
0x39: {  	_ = 	snop;
	(pc) =	sbr.ind lr, $3  }
0x3a: {  	_ = 	snop  }
0x3b: {  	_ = 	snop  }
0x3c: {  	p2 =	seq.s32 s10, $0x1;
	s10 =	sld [smem:$0x3FB3]  }
0x3d: {  	_ =	shalt  }
0x3e: {  	_ =	shalt  }
0x3f: {  	_ =	shalt  }
0x40: {  	_ =	shalt  }
0x41: {  	_ =	shalt  }
0x42: {  	_ =	shalt  }
0x43: {  	_ =	shalt  }
0x44: {  	_ =	shalt  }
0x45: {  	_ =	shalt  }
0x46: {  	_ =	shalt  }
0x47: {  	_ =	shalt  }
0x48: {  	_ =	shalt  }
0x49: {  	_ =	shalt  }
0x4a: {  	_ =	shalt  }
0x4b: {  	_ =	shalt  }
0x4c: {  	_ =	shalt  }
0x4d: {  	_ =	shalt  }
0x4e: {  	_ =	shalt  }
0x4f: {  	_ =	shalt  }
0x50: {  	_ =	shalt  }
0x51: {  	_ =	shalt  }
0x52: {  	_ =	shalt  }
0x53: {  	_ =	shalt  }
0x54: {  	_ =	shalt  }
0x55: {  	_ =	shalt  }
0x56: {  	_ =	shalt  }
0x57: {  	_ =	shalt  }
0x58: {  	_ =	shalt  }
0x59: {  	_ =	shalt  }
0x5a: {  	_ =	shalt  }
0x5b: {  	_ =	shalt  }
0x5c: {  	_ =	shalt  }
0x5d: {  	_ =	shalt  }
0x5e: {  	_ =	shalt  }
0x5f: {  	_ =	shalt  }
0x60: {  	_ =	shalt  }
0x61: {  	_ =	shalt  }
0x62: {  	_ =	shalt  }
0x63: {  	_ =	shalt  }
0x64: {  	_ =	shalt  }
0x65: {  	_ =	shalt  }
0x66: {  	_ =	shalt  }
0x67: {  	_ =	shalt  }
0x68: {  	_ =	shalt  }
0x69: {  	_ =	shalt  }
0x6a: {  	_ =	shalt  }
0x6b: {  	_ =	shalt  }
0x6c: {  	_ =	shalt  }
0x6d: {  	_ =	shalt  }
0x6e: {  	_ =	shalt  }
0x6f: {  	_ =	shalt  }
0x70: {  	_ =	shalt  }
0x71: {  	_ =	shalt  }
0x72: {  	_ =	shalt  }
0x73: {  	_ =	shalt  }
0x74: {  	_ =	shalt  }
0x75: {  	_ =	shalt  }
0x76: {  	_ =	shalt  }
0x77: {  	_ =	shalt  }
0x78: {  	_ =	shalt  }
0x79: {  	_ =	shalt  }
0x7a: {  	_ =	shalt  }
0x7b: {  	_ =	shalt  }
0x7c: {  	_ =	shalt  }
0x7d: {  	_ =	shalt  }
0x7e: {  	_ =	shalt  }
0x7f: {  	_ =	shalt  }
0x80: {  	_ =	shalt  }
0x81: {  	_ =	shalt  }
0x82: {  	_ =	shalt  }
0x83: {  	_ =	shalt  }
0x84: {  	_ =	shalt  }
0x85: {  	_ =	shalt  }
0x86: {  	_ =	shalt  }
0x87: {  	_ =	shalt  }
.Lfunc_end0:
.L_simem_size_0:
called_computation.3_lowered:
.L_overlay_start_0:
0x88: {  	s2 =	sld [smem:$0x3FD9]  }
0x89: {  	s3 =	sld [smem:$0x3FFE];
	_ =	sdelay $0x1  }
0x8a: {  	s1 =	srdreg.scid  }
0x8b: {  	s0 =	sand.u32 $0x1, s1  }
0x8c: {  	s17 =	sshll.u32 s0, $0xA;
	s2 =	sadd.s32 s3, s2  }
0x8d: {  	s2 =	sadd.s32 s2, s17  }
0x8e: {  	[smem:$0x3FBF] =	sst s2  }
0x8f: {  	_ = 	snop  }
0x90: {  	(tm) =	ssettm $0x1  }
0x91: {  	s18 =	sld [smem:$0x3FFB];
	_ =	sdelay $0x3  }
0x92: {  	_ =	strace s18  }
0x93: {  	s2 =	sld [smem:$0x3FFC];
	_ =	sdelay $0x3  }
0x94: {  	_ =	strace s2  }
0x95: {  	s2 =	sld [smem:$0x3FFD];
	_ =	sdelay $0x3  }
0x96: {  	_ =	strace s2  }
0x97: {  	_ =	strace $0x8FFFFFFF  }
0x98: {  	s19 =	sld [smem:$0x3FDB];
	_ =	sdelay $0x1  }
0x99: {  	s20 =	simm.s32 $_scs_section_size  }
0x9a: {  	s4 =	simm.s32 $_size__tile_overlayer_lowered;
	s5 =	simm.s32 $_tile_overlayer_lowered  }
0x9b: {  	s6 =	simm.s32 $0x1BFF;
	s21 =	sshll.u32 s5, $0x1;
	s3 =	sadd.s32 s20, s19  }
0x9c: {  	s22 =	simm.s32 $0x0;
	s4 =	sshll.u32 s4, $0x1;
	s5 =	sadd.s32 s21, s3  }
0x9d: {  	[timem:s22], [sflag:s6] =	dma.local [hbm:s5], s4  }
0x9e: {  	_ =	swait.ge [sflag:s6], s4  }
0x9f: {  	s4 =	ssub.s32 $0x0, s4;
	[sflag:s6] =	ssyncset.done $0x0  }
0xa0: {  	[sflag:s6] =	ssyncadd.s32 s4;
	_ =	sdelay $0x1  }
0xa1: {  	s23 =	simm.s32 $0x1B8B  }
0xa2: {  	_ =	swait.ge [sflag:s23], $0x1  }
0xa3: {  	[sflag:s23] =	ssyncset.done $0x0  }
0xa4: {  	[sflag:s23] =	ssyncadd.s32 $0xFFFFFFFF  }
0xa5: {  	s4 =	sld [smem:$0x0]  }
0xa6: {  	s5 =	sand.u32 $0xFFFFFFFE, s1  }
0xa7: {  	p0 =	sne.s32 s1, s5  }
0xa8: {  	s5 =	sshll.u32 @p0 s5, $0xE  }
0xa9: {  	s5 =	sadd.s32 @p0 $0x11B8D, s5;
	s6 =	sshll.u32 @p0 s4, $0x11  }
0xaa: {  	s5 =	sor.u32 @p0 s6, s5  }
0xab: {  	[sflag:s5] =	ssyncadd.remote.s32 @p0 $0x1;
	_ =	sdelay $0x1  }
0xac: {  	s5 =	simm.s32 @p0 $0x1B8D  }
0xad: {  	_ =	swait.eq @p0 [sflag:s5], $0x1  }
0xae: {  	[sflag:s5] =	ssyncadd.s32 @p0 $0xFFFFFFFF  }
0xaf: {  	s6 =	sshll.u32 @!p0 s1, $0xE  }
0xb0: {  	s6 =	sor.u32 @!p0 $0x4000, s6;
	s5 =	simm.s32 @!p0 $0x1B8D  }
0xb1: {  	s4 =	sshll.u32 @!p0 s4, $0x11;
	s6 =	sadd.s32 @!p0 $0x11B8D, s6;
	_ =	swait.eq @!p0 [sflag:s5], $0x1  }
0xb2: {  	s4 =	sor.u32 @!p0 s4, s6;
	[sflag:s5] =	ssyncadd.s32 @!p0 $0xFFFFFFFF  }
0xb3: {  	s25 =	simm.s32 $0x1B8E;
	s24 =	sld [smem:$0x3FFE];
	[sflag:s4] =	ssyncadd.remote.s32 @!p0 $0x1  }
0xb4: {  	s26 =	simm.s32 $execute0_lowered;
	[smem:$0x3FD2] =	sst s25  }
0xb5: {  	s5 =	sshll.u32 s26, $0x1;
	_ =	strace $0x8000004F;
	[dreg:$0x1] =	wrdreg $0xFFFFFFFF  }
0xb6: {  	s28 =	simm.s32 $_size_execute0_lowered;
	s3 =	sadd.s32 s3, s5;
	[dreg:$0x0] =	wrdreg $0x0  }
0xb7: {  	s5 =	sshll.u32 s28, $0x1;
	[dreg:$0x2] =	wrdreg s3  }
0xb8: {  	[dreg:$0x3] =	wrdreg s5  }
0xb9: {  	[dreg:$0x4] =	wrdreg $0xC0  }
0xba: {  	_ =	task [dreg:s22], $0x5FFFF  }
0xbb: {  	[dreg:$0x1] =	wrdreg $0xFFFFFFFF  }
0xbc: {  	[dreg:$0x0] =	wrdreg $0x60  }
0xbd: {  	[dreg:$0x2] =	wrdreg s24  }
0xbe: {  	[dreg:$0x3] =	wrdreg $0xC  }
0xbf: {  	_ =	task.clear_ibuf [dreg:s22], $0x4FFFF;
	_ =	strace $0x9000004F  }
0xc0: {  	s29 =	simm.s32 $0xC;
	_ =	strace $0x80000051  }
0xc1: {  	_ =	swait.ge [sflag:s29], $0x1  }
0xc2: {  	[sflag:s29] =	ssyncadd.s32 $0xFFFFFFFF  }
0xc3: {  	_ =	strace $0x90000051  }
0xc4: {  	_ =	sfence  }
0xc5: {  	s30 =	sld [smem:$0x0];
	_ =	sdelay $0x2  }
0xc6: {  	s31 =	sshll.u32 s1, $0xD;
	s1 =	sshrl.u32 s1, $0x2  }
0xc7: {  	s4 =	sand.u32 $0x4000, s31;
	s1 =	sadd.s32 s1, s30  }
0xc8: {  	s0 =	sor.u32 s4, s0;
	s1 =	sshll.u32 s1, $0x11  }
0xc9: {  	s0 =	sor.u32 s1, s0  }
0xca: {  	s0 =	sadd.s32 $0x8F2B, s0  }
0xcb: {  	[sflag:s0] =	ssyncadd.remote.s32 $0x1  }
0xcc: {  	_ =	sfence.sel $0xFFFF  }
0xcd: {  	[dreg:$0x0] =	wrdreg $0xFFFFFFFF;
	(pc) =	sbr.abs _section_cstart, $3  }
0xce: {  	[dreg:$0x1] =	wrdreg $0xFFFFFFFF  }
0xcf: {  	_ =	task.clear_ibuf [dreg:s22], $0x2FFFF;
	_ =	strace $0x9FFFFFFF  }
0xd0: {  	(tm) =	ssettm $0x7FFFFFFF  }
0xd1: {  	_ =	shalt  }
tec
execute0_lowered:
.L_overlay_start_1:
0x0: {  	(tag) =	ssettag $0x1  }
0x1: {  	s0 =	rddreg [dreg:$0x0]  }
0x2: {  	s17 =	rddreg [dreg:$0x1]  }
0x3: {  	s1 =	srdreg.scid;
	s3 =	stileid.u32;
	s2 =	simm.s32 $0x0  }
0x4: {  	s29 =	simm.s32 $0x5;
	s28 =	simm.s32 $0x400;
	s31 =	simm.s32 $0x480  }
0x5: {  	s30 =	simm.s32 $0x500;
	s24 =	simm.s32 $0x180;
	s25 =	simm.s32 $0x580  }
0x6: {  	s1 =	sand.u32 $0x1, s1;
	s3 =	sshll.u32 s3, $0x1;
	[smem:$0x7FF] =	sst s2  }
0x7: {  	s5 =	sadd.s32 $0x379200, s0;
	s9 =	sadd.s32 $0x3DB200, s0;
	s3 =	sor.u32 s1, s3  }
0x8: {  	_ =	strace $0x80000050;
	s1 =	ssub.s32 $0x2, s1;
	s6 =	smul.u32 $0x3100, s3  }
0x9: {  	s4 =	sshll.u32 s3, $0x7;
	s3 =	smul.u32 $0x18800, s3;
	s19 =	sshrl.u32 s1, $0x1  }
0xa: {  	s4 =	sadd.s32 s4, s0;
	s1 =	ssub.s32 s1, s19;
	s19 =	simm.s32 $0x700  }
0xb: {  	p0 =	por $0x0, $0x0;
	s7 =	sadd.s32 $0x378200, s4;
	s4 =	sadd.s32 $0x377200, s4  }
0xc: {  	s26 =	sadd.s32 s5, s6;
	s10 =	sshrl.u32 s3, $0x3;
	[dreg:$0x2] =	wrdreg s7  }
0xd: {  	s3 =	sadd.s32 $0x2800, s0;
	s23 =	smax.u32 s1, $0x1;
	[dreg:$0x3] =	wrdreg s4  }
0xe: {  	[dreg:$0x4] =	wrdreg s26;
	s4 =	sadd.s32 s9, s6;
	s6 =	sadd.s32 $0x700, s10  }
0xf: {  	s11 =	sadd.s32 $0xE00, s10;
	s13 =	sadd.s32 $0x1500, s10;
	s16 =	sadd.s32 $0x1C00, s10  }
0x10: {  	s21 =	sadd.s32 $0x2300, s10;
	s22 =	sadd.s32 $0x2A00, s10;
	[dreg:$0x5] =	wrdreg s4  }
0x11: {  	s10 =	simm.s32 $0x4000;
	s7 =	sadd.s32 s5, s6;
	s1 =	rddreg [dreg:$0x2]  }
0x12: {  	s26 =	simm.s32 $0x100;
	s8 =	sadd.s32 s9, s6;
	[dreg:$0x6] =	wrdreg s7  }
0x13: {  	p1 =	sne.s32 s23, $0x1;
	s12 =	sadd.s32 s5, s11;
	[dreg:$0x7] =	wrdreg s8  }
0x14: {  	s0 =	sadd.s32 $0xFFFFFFFF, s23;
	s4 =	sadd.s32 s9, s11;
	[dreg:$0x8] =	wrdreg s12  }
0x15: {  	s23 =	simm.s32 $0x600;
	s14 =	sadd.s32 s5, s13;
	[dreg:$0x9] =	wrdreg s4  }
0x16: {  	s15 =	sadd.s32 s9, s13;
	s18 =	sadd.s32 s5, s16;
	[dreg:$0xa] =	wrdreg s14  }
0x17: {  	s20 =	sadd.s32 s9, s16;
	s13 =	simm.s32 $0x7800;
	[dreg:$0xb] =	wrdreg s15  }
0x18: {  	s6 =	simm.s32 $0x3;
	s16 =	simm.s32 $0x2;
	[dreg:$0xc] =	wrdreg s18  }
.Ltmp0:
0x19: {  	s11 =	simm.s32 $0x4;
	[dreg:$0xd] =	wrdreg s20;
	(pc) =	sbr.rel @!p1 .LBB2_1-.Ltmp0, $4  }
0x1a: {  	s7 =	sadd.s32 s5, s21;
	s8 =	sadd.s32 s9, s21;
	s4 =	sadd.s32 s5, s22  }
0x1b: {  	s5 =	sadd.s32 s9, s22;
	s15 =	simm.s32 $0x70;
	s9 =	simm.s32 $0x800  }
0x1c: {  	s14 =	simm.s32 $0xB000;
	s12 =	simm.s32 $0x1;
	s22 =	simm.s32 $0x200  }
0x1d: {  	s20 =	simm.s32 $0x280;
	s21 =	simm.s32 $0x680;
	s18 =	simm.s32 $0x300  }
0x1e: {  	[tilespmem:s2], [sflag:$0x5] =	stream.linear.gather [hbm4b:s1+s2], $0x380, $0x38;
	[tilespmem:$0xE800] =	vst v63  }
0x1f: {  	_ =	swait.ge [sflag:s29], $0x380  }
0x20: {  	[sflag:s29] =	ssyncset.done $0x0  }
0x21: {  	s17 =	rddreg [dreg:$0x3];
	[sflag:s29] =	ssyncadd.s32 $0xFFFFFC80  }
0x22: {  	[tilespmem:s28], [sflag:$0x5] =	stream.linear.gather [hbm4b:s17+s2], $0x380, $0x38;
	[tilespmem:$0xE800] =	vst v63  }
0x23: {  	_ =	swait.ge [sflag:s29], $0x380  }
0x24: {  	[sflag:s29] =	ssyncset.done $0x0  }
0x25: {  	[sflag:s29] =	ssyncadd.s32 $0xFFFFFC80  }
0x26: {  	[tilespmem:s9], [sflag:$0x1] =	stream.indirect.gather [hbm4b:s3+s15], $0x80, s2, s15, $0xb8;
	[tilespmem:$0xE800] =	vst v63  }
0x27: {  	_ = 	snop  }
0x28: {  	[tilespmem:s10], [sflag:$0x1] =	stream.indirect.gather [hbm4b:s3+s15], $0x80, s28, s15, $0xb8;
	[tilespmem:$0xE800] =	vst v63  }
0x29: {  	s1 =	simm.s32 $0x80  }
0x2a: {  	[tilespmem:s13], [sflag:$0x2] =	stream.indirect.gather [hbm4b:s3+s15], $0x80, s1, s15, $0xb8;
	[tilespmem:$0xE800] =	vst v63  }
0x2b: {  	_ = 	snop  }
0x2c: {  	[tilespmem:s14], [sflag:$0x2] =	stream.indirect.gather [hbm4b:s3+s15], $0x80, s31, s15, $0xb8;
	[tilespmem:$0xE800] =	vst v63  }
0x2d: {  	_ =	swait.ge [sflag:s12], $0x3800  }
0x2e: {  	[sflag:s12] =	ssyncset.done $0x0  }
0x2f: {  	[sflag:s12] =	ssyncadd.s32 $0xFFFFC800  }
0x30: {  	_ =	swait.ge [sflag:s12], $0x3800  }
0x31: {  	[sflag:s12] =	ssyncset.done $0x0  }
0x32: {  	s1 =	rddreg [dreg:$0x4];
	[sflag:s12] =	ssyncadd.s32 $0xFFFFC800  }
0x33: {  	[hbm4b:s1+s2] =	stream.linear.scatter [tilespmem:s9], [sflag:$0x3], $0x3800, $0x38;
	[tilespmem:$0xE800] =	vst v63  }
0x34: {  	s17 =	smov.u32 s0;
	s0 =	rddreg [dreg:$0x5]  }
0x35: {  	[hbm4b:s0+s2] =	stream.linear.scatter [tilespmem:s10], [sflag:$0x3], $0x3800, $0x38;
	[tilespmem:$0xE800] =	vst v63  }
0x36: {  	_ =	swait.ge [sflag:s6], $0x3800  }
0x37: {  	[sflag:s6] =	ssyncset.done $0x0  }
0x38: {  	[sflag:s6] =	ssyncadd.s32 $0xFFFFC800  }
0x39: {  	_ =	swait.ge [sflag:s6], $0x3800  }
0x3a: {  	[sflag:s6] =	ssyncset.done $0x0  }
0x3b: {  	[sflag:s6] =	ssyncadd.s32 $0xFFFFC800  }
0x3c: {  	[tilespmem:s9], [sflag:$0x1] =	stream.indirect.gather [hbm4b:s3+s15], $0x80, s26, s15, $0xb8;
	[tilespmem:$0xE800] =	vst v63  }
0x3d: {  	_ = 	snop  }
0x3e: {  	[tilespmem:s10], [sflag:$0x1] =	stream.indirect.gather [hbm4b:s3+s15], $0x80, s30, s15, $0xb8;
	[tilespmem:$0xE800] =	vst v63  }
0x3f: {  	_ =	swait.ge [sflag:s16], $0x3800  }
0x40: {  	[sflag:s16] =	ssyncset.done $0x0  }
0x41: {  	[sflag:s16] =	ssyncadd.s32 $0xFFFFC800  }
0x42: {  	_ =	swait.ge [sflag:s16], $0x3800  }
0x43: {  	[sflag:s16] =	ssyncset.done $0x0  }
0x44: {  	s0 =	rddreg [dreg:$0x6];
	[sflag:s16] =	ssyncadd.s32 $0xFFFFC800  }
0x45: {  	[hbm4b:s0+s2] =	stream.linear.scatter [tilespmem:s13], [sflag:$0x4], $0x3800, $0x38;
	[tilespmem:$0xE800] =	vst v63  }
0x46: {  	s1 =	rddreg [dreg:$0x7]  }
0x47: {  	[hbm4b:s1+s2] =	stream.linear.scatter [tilespmem:s14], [sflag:$0x4], $0x3800, $0x38;
	[tilespmem:$0xE800] =	vst v63  }
0x48: {  	_ =	swait.ge [sflag:s11], $0x3800  }
0x49: {  	[sflag:s11] =	ssyncset.done $0x0  }
0x4a: {  	[sflag:s11] =	ssyncadd.s32 $0xFFFFC800  }
0x4b: {  	_ =	swait.ge [sflag:s11], $0x3800  }
0x4c: {  	[sflag:s11] =	ssyncset.done $0x0  }
0x4d: {  	[sflag:s11] =	ssyncadd.s32 $0xFFFFC800  }
0x4e: {  	[tilespmem:s13], [sflag:$0x2] =	stream.indirect.gather [hbm4b:s3+s15], $0x80, s24, s15, $0xb8;
	[tilespmem:$0xE800] =	vst v63  }
0x4f: {  	_ = 	snop  }
0x50: {  	[tilespmem:s14], [sflag:$0x2] =	stream.indirect.gather [hbm4b:s3+s15], $0x80, s25, s15, $0xb8;
	[tilespmem:$0xE800] =	vst v63  }
0x51: {  	_ =	swait.ge [sflag:s12], $0x3800  }
0x52: {  	[sflag:s12] =	ssyncset.done $0x0  }
0x53: {  	[sflag:s12] =	ssyncadd.s32 $0xFFFFC800  }
0x54: {  	_ =	swait.ge [sflag:s12], $0x3800  }
0x55: {  	[sflag:s12] =	ssyncset.done $0x0  }
0x56: {  	s0 =	rddreg [dreg:$0x8];
	[sflag:s12] =	ssyncadd.s32 $0xFFFFC800  }
0x57: {  	[hbm4b:s0+s2] =	stream.linear.scatter [tilespmem:s9], [sflag:$0x3], $0x3800, $0x38;
	[tilespmem:$0xE800] =	vst v63  }
0x58: {  	s1 =	rddreg [dreg:$0x9]  }
0x59: {  	[hbm4b:s1+s2] =	stream.linear.scatter [tilespmem:s10], [sflag:$0x3], $0x3800, $0x38;
	[tilespmem:$0xE800] =	vst v63  }
0x5a: {  	_ =	swait.ge [sflag:s6], $0x3800  }
0x5b: {  	[sflag:s6] =	ssyncset.done $0x0  }
0x5c: {  	[sflag:s6] =	ssyncadd.s32 $0xFFFFC800  }
0x5d: {  	_ =	swait.ge [sflag:s6], $0x3800  }
0x5e: {  	[sflag:s6] =	ssyncset.done $0x0  }
0x5f: {  	[sflag:s6] =	ssyncadd.s32 $0xFFFFC800  }
0x60: {  	[tilespmem:s9], [sflag:$0x1] =	stream.indirect.gather [hbm4b:s3+s15], $0x80, s22, s15, $0xb8;
	[tilespmem:$0xE800] =	vst v63  }
0x61: {  	_ = 	snop  }
0x62: {  	[tilespmem:s10], [sflag:$0x1] =	stream.indirect.gather [hbm4b:s3+s15], $0x80, s23, s15, $0xb8;
	[tilespmem:$0xE800] =	vst v63  }
0x63: {  	_ =	swait.ge [sflag:s16], $0x3800  }
0x64: {  	[sflag:s16] =	ssyncset.done $0x0  }
0x65: {  	[sflag:s16] =	ssyncadd.s32 $0xFFFFC800  }
0x66: {  	_ =	swait.ge [sflag:s16], $0x3800  }
0x67: {  	[sflag:s16] =	ssyncset.done $0x0  }
0x68: {  	s0 =	rddreg [dreg:$0xa];
	[sflag:s16] =	ssyncadd.s32 $0xFFFFC800  }
0x69: {  	[hbm4b:s0+s2] =	stream.linear.scatter [tilespmem:s13], [sflag:$0x4], $0x3800, $0x38;
	[tilespmem:$0xE800] =	vst v63  }
0x6a: {  	s1 =	rddreg [dreg:$0xb]  }
0x6b: {  	[hbm4b:s1+s2] =	stream.linear.scatter [tilespmem:s14], [sflag:$0x4], $0x3800, $0x38;
	[tilespmem:$0xE800] =	vst v63  }
0x6c: {  	_ =	swait.ge [sflag:s11], $0x3800  }
0x6d: {  	[sflag:s11] =	ssyncset.done $0x0  }
0x6e: {  	[sflag:s11] =	ssyncadd.s32 $0xFFFFC800  }
0x6f: {  	_ =	swait.ge [sflag:s11], $0x3800  }
0x70: {  	[sflag:s11] =	ssyncset.done $0x0  }
0x71: {  	[sflag:s11] =	ssyncadd.s32 $0xFFFFC800  }
0x72: {  	[tilespmem:s13], [sflag:$0x2] =	stream.indirect.gather [hbm4b:s3+s15], $0x80, s20, s15, $0xb8;
	[tilespmem:$0xE800] =	vst v63  }
0x73: {  	_ = 	snop  }
0x74: {  	[tilespmem:s14], [sflag:$0x2] =	stream.indirect.gather [hbm4b:s3+s15], $0x80, s21, s15, $0xb8;
	[tilespmem:$0xE800] =	vst v63  }
0x75: {  	_ =	swait.ge [sflag:s12], $0x3800  }
0x76: {  	[sflag:s12] =	ssyncset.done $0x0  }
0x77: {  	[sflag:s12] =	ssyncadd.s32 $0xFFFFC800  }
0x78: {  	_ =	swait.ge [sflag:s12], $0x3800  }
0x79: {  	[sflag:s12] =	ssyncset.done $0x0  }
0x7a: {  	s0 =	rddreg [dreg:$0xc];
	[sflag:s12] =	ssyncadd.s32 $0xFFFFC800  }
0x7b: {  	[hbm4b:s0+s2] =	stream.linear.scatter [tilespmem:s9], [sflag:$0x3], $0x3800, $0x38;
	[tilespmem:$0xE800] =	vst v63  }
0x7c: {  	s1 =	rddreg [dreg:$0xd]  }
0x7d: {  	[hbm4b:s1+s2] =	stream.linear.scatter [tilespmem:s10], [sflag:$0x3], $0x3800, $0x38;
	[tilespmem:$0xE800] =	vst v63  }
0x7e: {  	_ =	swait.ge [sflag:s6], $0x3800  }
0x7f: {  	[sflag:s6] =	ssyncset.done $0x0  }
0x80: {  	[sflag:s6] =	ssyncadd.s32 $0xFFFFC800  }
0x81: {  	_ =	swait.ge [sflag:s6], $0x3800  }
0x82: {  	[sflag:s6] =	ssyncset.done $0x0  }
0x83: {  	[sflag:s6] =	ssyncadd.s32 $0xFFFFC800  }
0x84: {  	[tilespmem:s9], [sflag:$0x1] =	stream.indirect.gather [hbm4b:s3+s15], $0x80, s18, s15, $0xb8;
	[tilespmem:$0xE800] =	vst v63  }
0x85: {  	_ = 	snop  }
0x86: {  	[tilespmem:s10], [sflag:$0x1] =	stream.indirect.gather [hbm4b:s3+s15], $0x80, s19, s15, $0xb8;
	[tilespmem:$0xE800] =	vst v63  }
0x87: {  	_ =	swait.ge [sflag:s16], $0x3800  }
0x88: {  	[sflag:s16] =	ssyncset.done $0x0  }
0x89: {  	[sflag:s16] =	ssyncadd.s32 $0xFFFFC800  }
0x8a: {  	_ =	swait.ge [sflag:s16], $0x3800  }
0x8b: {  	[sflag:s16] =	ssyncset.done $0x0  }
0x8c: {  	[sflag:s16] =	ssyncadd.s32 $0xFFFFC800  }
0x8d: {  	[hbm4b:s7+s2] =	stream.linear.scatter [tilespmem:s13], [sflag:$0x4], $0x3800, $0x38;
	[tilespmem:$0xE800] =	vst v63  }
0x8e: {  	_ = 	snop  }
0x8f: {  	[hbm4b:s8+s2] =	stream.linear.scatter [tilespmem:s14], [sflag:$0x4], $0x3800, $0x38;
	[tilespmem:$0xE800] =	vst v63  }
0x90: {  	_ =	swait.ge [sflag:s12], $0x3800  }
0x91: {  	[sflag:s12] =	ssyncset.done $0x0  }
0x92: {  	[sflag:s12] =	ssyncadd.s32 $0xFFFFC800  }
0x93: {  	_ =	swait.ge [sflag:s12], $0x3800  }
0x94: {  	[sflag:s12] =	ssyncset.done $0x0  }
0x95: {  	[sflag:s12] =	ssyncadd.s32 $0xFFFFC800  }
0x96: {  	[hbm4b:s4+s2] =	stream.linear.scatter [tilespmem:s9], [sflag:$0x3], $0x3800, $0x38;
	[tilespmem:$0xE800] =	vst v63  }
0x97: {  	_ = 	snop  }
0x98: {  	[hbm4b:s5+s2] =	stream.linear.scatter [tilespmem:s10], [sflag:$0x3], $0x3800, $0x38;
	[tilespmem:$0xE800] =	vst v63  }
0x99: {  	_ =	swait.ge [sflag:s11], $0x3800  }
0x9a: {  	[sflag:s11] =	ssyncset.done $0x0  }
0x9b: {  	[sflag:s11] =	ssyncadd.s32 $0xFFFFC800  }
0x9c: {  	_ =	swait.ge [sflag:s11], $0x3800  }
0x9d: {  	[sflag:s11] =	ssyncset.done $0x0  }
0x9e: {  	p1 =	sne.s32 s17, $0x1;
	[sflag:s11] =	ssyncadd.s32 $0xFFFFC800  }
.Ltmp1:
0x9f: {  	_ =	swait.ge [sflag:s6], $0x3800;
	(pc) =	sbr.rel @!p1 .LBB2_3-.Ltmp1, $4  }
0xa0: {  	[sflag:s6] =	ssyncset.done $0x0  }
0xa1: {  	[sflag:s6] =	ssyncadd.s32 $0xFFFFC800  }
0xa2: {  	p0 =	por $0x1, $0x1;
	_ =	swait.ge [sflag:s6], $0x3800  }
0xa3: {  	s0 =	sadd.s32 $0xFFFFFFFF, s17;
	s1 =	rddreg [dreg:$0x2];
	[sflag:s6] =	ssyncset.done $0x0  }
.LBB2_4:
0xa4: {  	[sflag:s6] =	ssyncadd.s32 $0xFFFFC800  }
0xa5: {  	[tilespmem:s2], [sflag:$0x5] =	stream.linear.gather [hbm4b:s1+s2], $0x380, $0x38;
	[tilespmem:$0xE800] =	vst v63  }
0xa6: {  	_ =	swait.ge [sflag:s29], $0x380  }
0xa7: {  	[sflag:s29] =	ssyncset.done $0x0  }
0xa8: {  	s17 =	rddreg [dreg:$0x3];
	[sflag:s29] =	ssyncadd.s32 $0xFFFFFC80  }
0xa9: {  	[tilespmem:s28], [sflag:$0x5] =	stream.linear.gather [hbm4b:s17+s2], $0x380, $0x38;
	[tilespmem:$0xE800] =	vst v63  }
0xaa: {  	_ =	swait.ge [sflag:s29], $0x380  }
0xab: {  	[sflag:s29] =	ssyncset.done $0x0  }
0xac: {  	[sflag:s29] =	ssyncadd.s32 $0xFFFFFC80  }
0xad: {  	[tilespmem:s9], [sflag:$0x1] =	stream.indirect.gather [hbm4b:s3+s15], $0x80, s2, s15, $0xb8;
	[tilespmem:$0xE800] =	vst v63  }
0xae: {  	_ = 	snop  }
0xaf: {  	[tilespmem:s10], [sflag:$0x1] =	stream.indirect.gather [hbm4b:s3+s15], $0x80, s28, s15, $0xb8;
	[tilespmem:$0xE800] =	vst v63  }
0xb0: {  	s17 =	simm.s32 $0x80  }
0xb1: {  	[tilespmem:s13], [sflag:$0x2] =	stream.indirect.gather [hbm4b:s3+s15], $0x80, s17, s15, $0xb8;
	[tilespmem:$0xE800] =	vst v63  }
0xb2: {  	_ = 	snop  }
0xb3: {  	[tilespmem:s14], [sflag:$0x2] =	stream.indirect.gather [hbm4b:s3+s15], $0x80, s31, s15, $0xb8;
	[tilespmem:$0xE800] =	vst v63  }
0xb4: {  	_ =	swait.ge [sflag:s12], $0x3800  }
0xb5: {  	[sflag:s12] =	ssyncset.done $0x0  }
0xb6: {  	[sflag:s12] =	ssyncadd.s32 $0xFFFFC800  }
0xb7: {  	_ =	swait.ge [sflag:s12], $0x3800  }
0xb8: {  	[sflag:s12] =	ssyncset.done $0x0  }
0xb9: {  	s1 =	rddreg [dreg:$0x4];
	[sflag:s12] =	ssyncadd.s32 $0xFFFFC800  }
0xba: {  	[hbm4b:s1+s2] =	stream.linear.scatter [tilespmem:s9], [sflag:$0x3], $0x3800, $0x38;
	[tilespmem:$0xE800] =	vst v63  }
0xbb: {  	s17 =	rddreg [dreg:$0x5]  }
0xbc: {  	[hbm4b:s17+s2] =	stream.linear.scatter [tilespmem:s10], [sflag:$0x3], $0x3800, $0x38;
	[tilespmem:$0xE800] =	vst v63  }
0xbd: {  	_ =	swait.ge [sflag:s6], $0x3800  }
0xbe: {  	[sflag:s6] =	ssyncset.done $0x0  }
0xbf: {  	[sflag:s6] =	ssyncadd.s32 $0xFFFFC800  }
0xc0: {  	_ =	swait.ge [sflag:s6], $0x3800  }
0xc1: {  	[sflag:s6] =	ssyncset.done $0x0  }
0xc2: {  	[sflag:s6] =	ssyncadd.s32 $0xFFFFC800  }
0xc3: {  	[tilespmem:s9], [sflag:$0x1] =	stream.indirect.gather [hbm4b:s3+s15], $0x80, s26, s15, $0xb8;
	[tilespmem:$0xE800] =	vst v63  }
0xc4: {  	_ = 	snop  }
0xc5: {  	[tilespmem:s10], [sflag:$0x1] =	stream.indirect.gather [hbm4b:s3+s15], $0x80, s30, s15, $0xb8;
	[tilespmem:$0xE800] =	vst v63  }
0xc6: {  	_ =	swait.ge [sflag:s16], $0x3800  }
0xc7: {  	[sflag:s16] =	ssyncset.done $0x0  }
0xc8: {  	[sflag:s16] =	ssyncadd.s32 $0xFFFFC800  }
0xc9: {  	_ =	swait.ge [sflag:s16], $0x3800  }
0xca: {  	[sflag:s16] =	ssyncset.done $0x0  }
0xcb: {  	s1 =	rddreg [dreg:$0x6];
	[sflag:s16] =	ssyncadd.s32 $0xFFFFC800  }
0xcc: {  	[hbm4b:s1+s2] =	stream.linear.scatter [tilespmem:s13], [sflag:$0x4], $0x3800, $0x38;
	[tilespmem:$0xE800] =	vst v63  }
0xcd: {  	s17 =	rddreg [dreg:$0x7]  }
0xce: {  	[hbm4b:s17+s2] =	stream.linear.scatter [tilespmem:s14], [sflag:$0x4], $0x3800, $0x38;
	[tilespmem:$0xE800] =	vst v63  }
0xcf: {  	_ =	swait.ge [sflag:s11], $0x3800  }
0xd0: {  	[sflag:s11] =	ssyncset.done $0x0  }
0xd1: {  	[sflag:s11] =	ssyncadd.s32 $0xFFFFC800  }
0xd2: {  	_ =	swait.ge [sflag:s11], $0x3800  }
0xd3: {  	[sflag:s11] =	ssyncset.done $0x0  }
0xd4: {  	[sflag:s11] =	ssyncadd.s32 $0xFFFFC800  }
0xd5: {  	[tilespmem:s13], [sflag:$0x2] =	stream.indirect.gather [hbm4b:s3+s15], $0x80, s24, s15, $0xb8;
	[tilespmem:$0xE800] =	vst v63  }
0xd6: {  	_ = 	snop  }
0xd7: {  	[tilespmem:s14], [sflag:$0x2] =	stream.indirect.gather [hbm4b:s3+s15], $0x80, s25, s15, $0xb8;
	[tilespmem:$0xE800] =	vst v63  }
0xd8: {  	_ =	swait.ge [sflag:s12], $0x3800  }
0xd9: {  	[sflag:s12] =	ssyncset.done $0x0  }
0xda: {  	[sflag:s12] =	ssyncadd.s32 $0xFFFFC800  }
0xdb: {  	_ =	swait.ge [sflag:s12], $0x3800  }
0xdc: {  	[sflag:s12] =	ssyncset.done $0x0  }
0xdd: {  	s1 =	rddreg [dreg:$0x8];
	[sflag:s12] =	ssyncadd.s32 $0xFFFFC800  }
0xde: {  	[hbm4b:s1+s2] =	stream.linear.scatter [tilespmem:s9], [sflag:$0x3], $0x3800, $0x38;
	[tilespmem:$0xE800] =	vst v63  }
0xdf: {  	s17 =	rddreg [dreg:$0x9]  }
0xe0: {  	[hbm4b:s17+s2] =	stream.linear.scatter [tilespmem:s10], [sflag:$0x3], $0x3800, $0x38;
	[tilespmem:$0xE800] =	vst v63  }
0xe1: {  	_ =	swait.ge [sflag:s6], $0x3800  }
0xe2: {  	[sflag:s6] =	ssyncset.done $0x0  }
0xe3: {  	[sflag:s6] =	ssyncadd.s32 $0xFFFFC800  }
0xe4: {  	_ =	swait.ge [sflag:s6], $0x3800  }
0xe5: {  	[sflag:s6] =	ssyncset.done $0x0  }
0xe6: {  	[sflag:s6] =	ssyncadd.s32 $0xFFFFC800  }
0xe7: {  	[tilespmem:s9], [sflag:$0x1] =	stream.indirect.gather [hbm4b:s3+s15], $0x80, s22, s15, $0xb8;
	[tilespmem:$0xE800] =	vst v63  }
0xe8: {  	_ = 	snop  }
0xe9: {  	[tilespmem:s10], [sflag:$0x1] =	stream.indirect.gather [hbm4b:s3+s15], $0x80, s23, s15, $0xb8;
	[tilespmem:$0xE800] =	vst v63  }
0xea: {  	_ =	swait.ge [sflag:s16], $0x3800  }
0xeb: {  	[sflag:s16] =	ssyncset.done $0x0  }
0xec: {  	[sflag:s16] =	ssyncadd.s32 $0xFFFFC800  }
0xed: {  	_ =	swait.ge [sflag:s16], $0x3800  }
0xee: {  	[sflag:s16] =	ssyncset.done $0x0  }
0xef: {  	s1 =	rddreg [dreg:$0xa];
	[sflag:s16] =	ssyncadd.s32 $0xFFFFC800  }
0xf0: {  	[hbm4b:s1+s2] =	stream.linear.scatter [tilespmem:s13], [sflag:$0x4], $0x3800, $0x38;
	[tilespmem:$0xE800] =	vst v63  }
0xf1: {  	s17 =	rddreg [dreg:$0xb]  }
0xf2: {  	[hbm4b:s17+s2] =	stream.linear.scatter [tilespmem:s14], [sflag:$0x4], $0x3800, $0x38;
	[tilespmem:$0xE800] =	vst v63  }
0xf3: {  	_ =	swait.ge [sflag:s11], $0x3800  }
0xf4: {  	[sflag:s11] =	ssyncset.done $0x0  }
0xf5: {  	[sflag:s11] =	ssyncadd.s32 $0xFFFFC800  }
0xf6: {  	_ =	swait.ge [sflag:s11], $0x3800  }
0xf7: {  	[sflag:s11] =	ssyncset.done $0x0  }
0xf8: {  	[sflag:s11] =	ssyncadd.s32 $0xFFFFC800  }
0xf9: {  	[tilespmem:s13], [sflag:$0x2] =	stream.indirect.gather [hbm4b:s3+s15], $0x80, s20, s15, $0xb8;
	[tilespmem:$0xE800] =	vst v63  }
0xfa: {  	_ = 	snop  }
0xfb: {  	[tilespmem:s14], [sflag:$0x2] =	stream.indirect.gather [hbm4b:s3+s15], $0x80, s21, s15, $0xb8;
	[tilespmem:$0xE800] =	vst v63  }
0xfc: {  	_ =	swait.ge [sflag:s12], $0x3800  }
0xfd: {  	[sflag:s12] =	ssyncset.done $0x0  }
0xfe: {  	[sflag:s12] =	ssyncadd.s32 $0xFFFFC800  }
0xff: {  	_ =	swait.ge [sflag:s12], $0x3800  }
0x100: {  	[sflag:s12] =	ssyncset.done $0x0  }
0x101: {  	s1 =	rddreg [dreg:$0xc];
	[sflag:s12] =	ssyncadd.s32 $0xFFFFC800  }
0x102: {  	[hbm4b:s1+s2] =	stream.linear.scatter [tilespmem:s9], [sflag:$0x3], $0x3800, $0x38;
	[tilespmem:$0xE800] =	vst v63  }
0x103: {  	s17 =	rddreg [dreg:$0xd]  }
0x104: {  	[hbm4b:s17+s2] =	stream.linear.scatter [tilespmem:s10], [sflag:$0x3], $0x3800, $0x38;
	[tilespmem:$0xE800] =	vst v63  }
0x105: {  	_ =	swait.ge [sflag:s6], $0x3800  }
0x106: {  	[sflag:s6] =	ssyncset.done $0x0  }
0x107: {  	[sflag:s6] =	ssyncadd.s32 $0xFFFFC800  }
0x108: {  	_ =	swait.ge [sflag:s6], $0x3800  }
0x109: {  	[sflag:s6] =	ssyncset.done $0x0  }
0x10a: {  	[sflag:s6] =	ssyncadd.s32 $0xFFFFC800  }
0x10b: {  	[tilespmem:s9], [sflag:$0x1] =	stream.indirect.gather [hbm4b:s3+s15], $0x80, s18, s15, $0xb8;
	[tilespmem:$0xE800] =	vst v63  }
0x10c: {  	_ = 	snop  }
0x10d: {  	[tilespmem:s10], [sflag:$0x1] =	stream.indirect.gather [hbm4b:s3+s15], $0x80, s19, s15, $0xb8;
	[tilespmem:$0xE800] =	vst v63  }
0x10e: {  	_ =	swait.ge [sflag:s16], $0x3800  }
0x10f: {  	[sflag:s16] =	ssyncset.done $0x0  }
0x110: {  	[sflag:s16] =	ssyncadd.s32 $0xFFFFC800  }
0x111: {  	_ =	swait.ge [sflag:s16], $0x3800  }
0x112: {  	[sflag:s16] =	ssyncset.done $0x0  }
0x113: {  	[sflag:s16] =	ssyncadd.s32 $0xFFFFC800  }
0x114: {  	[hbm4b:s7+s2] =	stream.linear.scatter [tilespmem:s13], [sflag:$0x4], $0x3800, $0x38;
	[tilespmem:$0xE800] =	vst v63  }
0x115: {  	_ = 	snop  }
0x116: {  	[hbm4b:s8+s2] =	stream.linear.scatter [tilespmem:s14], [sflag:$0x4], $0x3800, $0x38;
	[tilespmem:$0xE800] =	vst v63  }
0x117: {  	_ =	swait.ge [sflag:s12], $0x3800  }
0x118: {  	[sflag:s12] =	ssyncset.done $0x0  }
0x119: {  	[sflag:s12] =	ssyncadd.s32 $0xFFFFC800  }
0x11a: {  	_ =	swait.ge [sflag:s12], $0x3800  }
0x11b: {  	[sflag:s12] =	ssyncset.done $0x0  }
0x11c: {  	[sflag:s12] =	ssyncadd.s32 $0xFFFFC800  }
0x11d: {  	[hbm4b:s4+s2] =	stream.linear.scatter [tilespmem:s9], [sflag:$0x3], $0x3800, $0x38;
	[tilespmem:$0xE800] =	vst v63  }
0x11e: {  	_ = 	snop  }
0x11f: {  	[hbm4b:s5+s2] =	stream.linear.scatter [tilespmem:s10], [sflag:$0x3], $0x3800, $0x38;
	[tilespmem:$0xE800] =	vst v63  }
0x120: {  	_ =	swait.ge [sflag:s11], $0x3800  }
0x121: {  	[sflag:s11] =	ssyncset.done $0x0  }
0x122: {  	[sflag:s11] =	ssyncadd.s32 $0xFFFFC800  }
0x123: {  	_ =	swait.ge [sflag:s11], $0x3800  }
0x124: {  	[sflag:s11] =	ssyncset.done $0x0  }
0x125: {  	p1 =	sne.s32 s0, $0x1;
	[sflag:s11] =	ssyncadd.s32 $0xFFFFC800  }
.Ltmp2:
0x126: {  	_ =	swait.ge [sflag:s6], $0x3800;
	(pc) =	sbr.rel @p1 .LBB2_4-.Ltmp2, $4  }
0x127: {  	[sflag:s6] =	ssyncset.done $0x0  }
0x128: {  	[sflag:s6] =	ssyncadd.s32 $0xFFFFC800  }
0x129: {  	_ =	swait.ge [sflag:s6], $0x3800  }
0x12a: {  	s0 =	sadd.s32 $0xFFFFFFFF, s0;
	s1 =	rddreg [dreg:$0x2];
	[sflag:s6] =	ssyncset.done $0x0  }
0x12b: {  	s19 =	simm.s32 $0x480;
	s31 =	simm.s32 $0x80;
	s30 =	simm.s32 $0x500  }
0x12c: {  	s26 =	simm.s32 $0x100;
	s25 =	simm.s32 $0x580;
	s24 =	simm.s32 $0x180  }
0x12d: {  	s23 =	simm.s32 $0x600;
	s22 =	simm.s32 $0x200;
	s21 =	simm.s32 $0x680  }
0x12e: {  	s20 =	simm.s32 $0x280;
	s18 =	simm.s32 $0x300;
	s17 =	rddreg [dreg:$0x1]  }
.LBB2_6:
0x12f: {  	[sflag:s6] =	ssyncadd.s32 @p0 $0xFFFFC800  }
0x130: {  	[tilespmem:s2], [sflag:$0x5] =	stream.linear.gather [hbm4b:s1+s2], $0x380, $0x38;
	[tilespmem:$0xE800] =	vst v63  }
0x131: {  	_ =	swait.ge [sflag:s29], $0x380  }
0x132: {  	[sflag:s29] =	ssyncset.done $0x0  }
0x133: {  	s0 =	rddreg [dreg:$0x3];
	[sflag:s29] =	ssyncadd.s32 $0xFFFFFC80  }
0x134: {  	[tilespmem:s28], [sflag:$0x5] =	stream.linear.gather [hbm4b:s0+s2], $0x380, $0x38;
	[tilespmem:$0xE800] =	vst v63  }
0x135: {  	_ =	swait.ge [sflag:s29], $0x380  }
0x136: {  	[sflag:s29] =	ssyncset.done $0x0  }
0x137: {  	[sflag:s29] =	ssyncadd.s32 $0xFFFFFC80  }
0x138: {  	[tilespmem:s9], [sflag:$0x1] =	stream.indirect.gather [hbm4b:s3+s15], $0x80, s2, s15, $0xb8;
	[tilespmem:$0xE800] =	vst v63  }
0x139: {  	_ = 	snop  }
0x13a: {  	[tilespmem:s10], [sflag:$0x1] =	stream.indirect.gather [hbm4b:s3+s15], $0x80, s28, s15, $0xb8;
	[tilespmem:$0xE800] =	vst v63  }
0x13b: {  	_ = 	snop  }
0x13c: {  	[tilespmem:s13], [sflag:$0x2] =	stream.indirect.gather [hbm4b:s3+s15], $0x80, s31, s15, $0xb8;
	[tilespmem:$0xE800] =	vst v63  }
0x13d: {  	_ = 	snop  }
0x13e: {  	[tilespmem:s14], [sflag:$0x2] =	stream.indirect.gather [hbm4b:s3+s15], $0x80, s19, s15, $0xb8;
	[tilespmem:$0xE800] =	vst v63  }
0x13f: {  	_ =	swait.ge [sflag:s12], $0x3800  }
0x140: {  	[sflag:s12] =	ssyncset.done $0x0  }
0x141: {  	[sflag:s12] =	ssyncadd.s32 $0xFFFFC800  }
0x142: {  	_ =	swait.ge [sflag:s12], $0x3800  }
0x143: {  	[sflag:s12] =	ssyncset.done $0x0  }
0x144: {  	s28 =	rddreg [dreg:$0x4];
	[sflag:s12] =	ssyncadd.s32 $0xFFFFC800  }
0x145: {  	[hbm4b:s28+s2] =	stream.linear.scatter [tilespmem:s9], [sflag:$0x3], $0x3800, $0x38;
	[tilespmem:$0xE800] =	vst v63  }
0x146: {  	s29 =	rddreg [dreg:$0x5]  }
0x147: {  	[hbm4b:s29+s2] =	stream.linear.scatter [tilespmem:s10], [sflag:$0x3], $0x3800, $0x38;
	[tilespmem:$0xE800] =	vst v63  }
0x148: {  	_ =	swait.ge [sflag:s6], $0x3800  }
0x149: {  	[sflag:s6] =	ssyncset.done $0x0  }
0x14a: {  	[sflag:s6] =	ssyncadd.s32 $0xFFFFC800  }
0x14b: {  	_ =	swait.ge [sflag:s6], $0x3800  }
0x14c: {  	[sflag:s6] =	ssyncset.done $0x0  }
0x14d: {  	[sflag:s6] =	ssyncadd.s32 $0xFFFFC800  }
0x14e: {  	[tilespmem:s9], [sflag:$0x1] =	stream.indirect.gather [hbm4b:s3+s15], $0x80, s26, s15, $0xb8;
	[tilespmem:$0xE800] =	vst v63  }
0x14f: {  	_ = 	snop  }
0x150: {  	[tilespmem:s10], [sflag:$0x1] =	stream.indirect.gather [hbm4b:s3+s15], $0x80, s30, s15, $0xb8;
	[tilespmem:$0xE800] =	vst v63  }
0x151: {  	_ =	swait.ge [sflag:s16], $0x3800  }
0x152: {  	[sflag:s16] =	ssyncset.done $0x0  }
0x153: {  	[sflag:s16] =	ssyncadd.s32 $0xFFFFC800  }
0x154: {  	_ =	swait.ge [sflag:s16], $0x3800  }
0x155: {  	[sflag:s16] =	ssyncset.done $0x0  }
0x156: {  	s30 =	rddreg [dreg:$0x6];
	[sflag:s16] =	ssyncadd.s32 $0xFFFFC800  }
0x157: {  	[hbm4b:s30+s2] =	stream.linear.scatter [tilespmem:s13], [sflag:$0x4], $0x3800, $0x38;
	[tilespmem:$0xE800] =	vst v63  }
0x158: {  	s31 =	rddreg [dreg:$0x7]  }
0x159: {  	[hbm4b:s31+s2] =	stream.linear.scatter [tilespmem:s14], [sflag:$0x4], $0x3800, $0x38;
	[tilespmem:$0xE800] =	vst v63  }
0x15a: {  	_ =	swait.ge [sflag:s11], $0x3800  }
0x15b: {  	[sflag:s11] =	ssyncset.done $0x0  }
0x15c: {  	[sflag:s11] =	ssyncadd.s32 $0xFFFFC800  }
0x15d: {  	_ =	swait.ge [sflag:s11], $0x3800  }
0x15e: {  	[sflag:s11] =	ssyncset.done $0x0  }
0x15f: {  	[sflag:s11] =	ssyncadd.s32 $0xFFFFC800  }
0x160: {  	[tilespmem:s13], [sflag:$0x2] =	stream.indirect.gather [hbm4b:s3+s15], $0x80, s24, s15, $0xb8;
	[tilespmem:$0xE800] =	vst v63  }
0x161: {  	_ = 	snop  }
0x162: {  	[tilespmem:s14], [sflag:$0x2] =	stream.indirect.gather [hbm4b:s3+s15], $0x80, s25, s15, $0xb8;
	[tilespmem:$0xE800] =	vst v63  }
0x163: {  	_ =	swait.ge [sflag:s12], $0x3800  }
0x164: {  	[sflag:s12] =	ssyncset.done $0x0  }
0x165: {  	[sflag:s12] =	ssyncadd.s32 $0xFFFFC800  }
0x166: {  	_ =	swait.ge [sflag:s12], $0x3800  }
0x167: {  	[sflag:s12] =	ssyncset.done $0x0  }
0x168: {  	s19 =	rddreg [dreg:$0x8];
	[sflag:s12] =	ssyncadd.s32 $0xFFFFC800  }
0x169: {  	[hbm4b:s19+s2] =	stream.linear.scatter [tilespmem:s9], [sflag:$0x3], $0x3800, $0x38;
	[tilespmem:$0xE800] =	vst v63  }
0x16a: {  	s24 =	rddreg [dreg:$0x9]  }
0x16b: {  	[hbm4b:s24+s2] =	stream.linear.scatter [tilespmem:s10], [sflag:$0x3], $0x3800, $0x38;
	[tilespmem:$0xE800] =	vst v63  }
0x16c: {  	_ =	swait.ge [sflag:s6], $0x3800  }
0x16d: {  	[sflag:s6] =	ssyncset.done $0x0  }
0x16e: {  	[sflag:s6] =	ssyncadd.s32 $0xFFFFC800  }
0x16f: {  	_ =	swait.ge [sflag:s6], $0x3800  }
0x170: {  	[sflag:s6] =	ssyncset.done $0x0  }
0x171: {  	[sflag:s6] =	ssyncadd.s32 $0xFFFFC800  }
0x172: {  	[tilespmem:s9], [sflag:$0x1] =	stream.indirect.gather [hbm4b:s3+s15], $0x80, s22, s15, $0xb8;
	[tilespmem:$0xE800] =	vst v63  }
0x173: {  	_ = 	snop  }
0x174: {  	[tilespmem:s10], [sflag:$0x1] =	stream.indirect.gather [hbm4b:s3+s15], $0x80, s23, s15, $0xb8;
	[tilespmem:$0xE800] =	vst v63  }
0x175: {  	_ =	swait.ge [sflag:s16], $0x3800  }
0x176: {  	[sflag:s16] =	ssyncset.done $0x0  }
0x177: {  	[sflag:s16] =	ssyncadd.s32 $0xFFFFC800  }
0x178: {  	_ =	swait.ge [sflag:s16], $0x3800  }
0x179: {  	[sflag:s16] =	ssyncset.done $0x0  }
0x17a: {  	s25 =	rddreg [dreg:$0xa];
	[sflag:s16] =	ssyncadd.s32 $0xFFFFC800  }
0x17b: {  	[hbm4b:s25+s2] =	stream.linear.scatter [tilespmem:s13], [sflag:$0x4], $0x3800, $0x38;
	[tilespmem:$0xE800] =	vst v63  }
0x17c: {  	s26 =	rddreg [dreg:$0xb]  }
0x17d: {  	[hbm4b:s26+s2] =	stream.linear.scatter [tilespmem:s14], [sflag:$0x4], $0x3800, $0x38;
	[tilespmem:$0xE800] =	vst v63  }
0x17e: {  	_ =	swait.ge [sflag:s11], $0x3800  }
0x17f: {  	[sflag:s11] =	ssyncset.done $0x0  }
0x180: {  	[sflag:s11] =	ssyncadd.s32 $0xFFFFC800  }
0x181: {  	_ =	swait.ge [sflag:s11], $0x3800  }
0x182: {  	[sflag:s11] =	ssyncset.done $0x0  }
0x183: {  	[sflag:s11] =	ssyncadd.s32 $0xFFFFC800  }
0x184: {  	[tilespmem:s13], [sflag:$0x2] =	stream.indirect.gather [hbm4b:s3+s15], $0x80, s20, s15, $0xb8;
	[tilespmem:$0xE800] =	vst v63  }
0x185: {  	_ = 	snop  }
0x186: {  	[tilespmem:s14], [sflag:$0x2] =	stream.indirect.gather [hbm4b:s3+s15], $0x80, s21, s15, $0xb8;
	[tilespmem:$0xE800] =	vst v63  }
0x187: {  	_ =	swait.ge [sflag:s12], $0x3800  }
0x188: {  	[sflag:s12] =	ssyncset.done $0x0  }
0x189: {  	[sflag:s12] =	ssyncadd.s32 $0xFFFFC800  }
0x18a: {  	_ =	swait.ge [sflag:s12], $0x3800  }
0x18b: {  	[sflag:s12] =	ssyncset.done $0x0  }
0x18c: {  	s28 =	rddreg [dreg:$0xc];
	[sflag:s12] =	ssyncadd.s32 $0xFFFFC800  }
0x18d: {  	[hbm4b:s28+s2] =	stream.linear.scatter [tilespmem:s9], [sflag:$0x3], $0x3800, $0x38;
	[tilespmem:$0xE800] =	vst v63  }
0x18e: {  	s29 =	rddreg [dreg:$0xd]  }
0x18f: {  	[hbm4b:s29+s2] =	stream.linear.scatter [tilespmem:s10], [sflag:$0x3], $0x3800, $0x38;
	[tilespmem:$0xE800] =	vst v63  }
0x190: {  	_ =	swait.ge [sflag:s6], $0x3800  }
0x191: {  	[sflag:s6] =	ssyncset.done $0x0  }
0x192: {  	[sflag:s6] =	ssyncadd.s32 $0xFFFFC800  }
0x193: {  	_ =	swait.ge [sflag:s6], $0x3800  }
0x194: {  	[sflag:s6] =	ssyncset.done $0x0  }
0x195: {  	[sflag:s6] =	ssyncadd.s32 $0xFFFFC800  }
0x196: {  	[tilespmem:s9], [sflag:$0x1] =	stream.indirect.gather [hbm4b:s3+s15], $0x80, s18, s15, $0xb8;
	[tilespmem:$0xE800] =	vst v63  }
0x197: {  	s30 =	simm.s32 $0x700  }
0x198: {  	[tilespmem:s10], [sflag:$0x1] =	stream.indirect.gather [hbm4b:s3+s15], $0x80, s30, s15, $0xb8;
	[tilespmem:$0xE800] =	vst v63  }
0x199: {  	_ =	swait.ge [sflag:s16], $0x3800  }
0x19a: {  	[sflag:s16] =	ssyncset.done $0x0  }
0x19b: {  	[sflag:s16] =	ssyncadd.s32 $0xFFFFC800  }
0x19c: {  	_ =	swait.ge [sflag:s16], $0x3800  }
0x19d: {  	[sflag:s16] =	ssyncset.done $0x0  }
0x19e: {  	[sflag:s16] =	ssyncadd.s32 $0xFFFFC800  }
0x19f: {  	[hbm4b:s7+s2] =	stream.linear.scatter [tilespmem:s13], [sflag:$0x4], $0x3800, $0x38;
	[tilespmem:$0xE800] =	vst v63  }
0x1a0: {  	_ = 	snop  }
0x1a1: {  	[hbm4b:s8+s2] =	stream.linear.scatter [tilespmem:s14], [sflag:$0x4], $0x3800, $0x38;
	[tilespmem:$0xE800] =	vst v63  }
0x1a2: {  	_ =	swait.ge [sflag:s12], $0x3800  }
0x1a3: {  	[sflag:s12] =	ssyncset.done $0x0  }
0x1a4: {  	[sflag:s12] =	ssyncadd.s32 $0xFFFFC800  }
0x1a5: {  	_ =	swait.ge [sflag:s12], $0x3800  }
0x1a6: {  	[sflag:s12] =	ssyncset.done $0x0  }
0x1a7: {  	[sflag:s12] =	ssyncadd.s32 $0xFFFFC800  }
0x1a8: {  	[hbm4b:s4+s2] =	stream.linear.scatter [tilespmem:s9], [sflag:$0x3], $0x3800, $0x38;
	[tilespmem:$0xE800] =	vst v63  }
0x1a9: {  	_ = 	snop  }
0x1aa: {  	[hbm4b:s5+s2] =	stream.linear.scatter [tilespmem:s10], [sflag:$0x3], $0x3800, $0x38;
	[tilespmem:$0xE800] =	vst v63  }
0x1ab: {  	_ =	swait.ge [sflag:s11], $0x3800  }
0x1ac: {  	[sflag:s11] =	ssyncset.done $0x0  }
0x1ad: {  	[sflag:s11] =	ssyncadd.s32 $0xFFFFC800  }
0x1ae: {  	_ =	swait.ge [sflag:s11], $0x3800  }
0x1af: {  	[sflag:s11] =	ssyncset.done $0x0  }
0x1b0: {  	[sflag:s11] =	ssyncadd.s32 $0xFFFFC800  }
0x1b1: {  	_ =	swait.ge [sflag:s6], $0x3800  }
0x1b2: {  	[sflag:s6] =	ssyncset.done $0x0  }
0x1b3: {  	[sflag:s6] =	ssyncadd.s32 $0xFFFFC800  }
0x1b4: {  	_ =	swait.ge [sflag:s6], $0x3800  }
0x1b5: {  	[sflag:s6] =	ssyncset.done $0x0  }
0x1b6: {  	[sflag:s6] =	ssyncadd.s32 $0xFFFFC800  }
0x1b7: {  	_ =	sfence.sel $0x180000  }
0x1b8: {  	s31 =	stileid.u32;
	[bflag:$0x0] =	sbarrier.arrive $0xFFFF  }
0x1b9: {  	p0 =	sne.s32 s31, $0x0;
	_ =	strace $0x90000050  }
0x1ba: {  	s0 =	sadd.s32 @!p0 $0x100000, s17;
	[bflag:$0x2] =	sbarrier.arrive $0xFFFF  }
0x1bb: {  	[sflag:s0] =	ssyncadd.tile.s32 @!p0 $0x1;
	_ =	shalt  }
.LBB2_1:
.Ltmp3:
0x1bc: {  	(pc) =	sbr.rel .LBB2_6-.Ltmp3, $4  }
0x1bd: {  	s19 =	simm.s32 $0x480;
	s31 =	simm.s32 $0x80  }
0x1be: {  	s30 =	simm.s32 $0x500;
	s26 =	simm.s32 $0x100;
	s25 =	simm.s32 $0x580  }
0x1bf: {  	s24 =	simm.s32 $0x180;
	s23 =	simm.s32 $0x600;
	s22 =	simm.s32 $0x200  }
0x1c0: {  	s21 =	simm.s32 $0x680;
	s20 =	simm.s32 $0x280;
	s18 =	simm.s32 $0x300  }
.LBB2_3:
.Ltmp4:
0x1c1: {  	(pc) =	sbr.rel .LBB2_6-.Ltmp4, $4  }
0x1c2: {  	s19 =	simm.s32 $0x480;
	s31 =	simm.s32 $0x80;
	s30 =	simm.s32 $0x500  }
0x1c3: {  	s26 =	simm.s32 $0x100;
	s25 =	simm.s32 $0x580;
	s24 =	simm.s32 $0x180  }
0x1c4: {  	s23 =	simm.s32 $0x600;
	s22 =	simm.s32 $0x200;
	s21 =	simm.s32 $0x680  }
0x1c5: {  	s20 =	simm.s32 $0x280;
	s18 =	simm.s32 $0x300;
	s17 =	rddreg [dreg:$0x1]  }
.Lfunc_end2:
_tile_overlayer_lowered:
.L_overlay_start_2:
0x1c6: {  	(tag) =	ssettag $0x2  }
0x1c7: {  	s0 =	rddreg [dreg:$0x0];
	s2 =	stileid.u32  }
0x1c8: {  	s1 =	rddreg [dreg:$0x1];
	p0 =	sne.s32 s2, $0x0  }
0x1c9: {  	s3 =	rddreg [dreg:$0x2];
	[bflag:$0x3] =	sbarrier.arrive $0xFFFF;
	s2 =	simm.s32 @!p0 $0x1C05  }
0x1ca: {  	[timem:s3], [sflag:s2] =	dma.local @!p0 [hbm:s0], s1  }
0x1cb: {  	s0 =	simm.s32 @!p0 $0x5  }
0x1cc: {  	_ =	swait.ge @!p0 [sflag:s0], s1  }
0x1cd: {  	s1 =	ssub.s32 @!p0 $0x0, s1;
	[sflag:s0] =	ssyncset.done @!p0 $0x0  }
0x1ce: {  	[sflag:s0] =	ssyncadd.s32 @!p0 s1  }
0x1cf: {  	[bflag:$0x3] =	sbarrier.arrive $0xFFFF  }
0x1d0: {  	_ =	shalt  }

</sc_bundles>
